<compile_context>
chip_gen: v7x
topology: tpu7x:2x2x1
jax: 0.10.2.dev20260603
libtpu: 0.0.44.dev20260713+nightly
codegen_flags: <defaults>
</compile_context>

<pallas_src>
import functools

import jax
import jax.numpy as jnp
from jax import lax
from jax.experimental import pallas as pl
from jax.experimental.pallas import tpu as pltpu
from jax.experimental.pallas import tpu_sc as plsc

N_NODES = 10000
D_IN = 500
N_PAD = 10240
BLK_N = 640
GRID_N = N_PAD // BLK_N
E_REAL = 160000 + N_NODES
E_PAD = 172032
CE = 2688
GPC = CE // 16
PAD_IDX = N_NODES

f32 = jnp.float32



def _tc1_body(xT_ref, w1T_ref, asT_ref, adT_ref, hT_ref, aso_ref, ado_ref):
    hT = jnp.dot(w1T_ref[...], xT_ref[...], preferred_element_type=f32)
    hT_ref[...] = hT
    aso_ref[...] = jnp.dot(asT_ref[...], hT, preferred_element_type=f32)
    ado_ref[...] = jnp.dot(adT_ref[...], hT, preferred_element_type=f32)


def _tc1(xT, W1T, A_sT, A_dT):
    return pl.pallas_call(
        _tc1_body,
        grid=(GRID_N,),
        in_specs=[
            pl.BlockSpec((D_IN, BLK_N), lambda i: (0, i)),
            pl.BlockSpec((64, D_IN), lambda i: (0, 0)),
            pl.BlockSpec((8, 64), lambda i: (0, 0)),
            pl.BlockSpec((8, 64), lambda i: (0, 0)),
        ],
        out_specs=[
            pl.BlockSpec((64, BLK_N), lambda i: (0, i)),
            pl.BlockSpec((8, BLK_N), lambda i: (0, i)),
            pl.BlockSpec((8, BLK_N), lambda i: (0, i)),
        ],
        out_shape=[
            jax.ShapeDtypeStruct((64, N_PAD), f32),
            jax.ShapeDtypeStruct((8, N_PAD), f32),
            jax.ShapeDtypeStruct((8, N_PAD), f32),
        ],
    )(xT, W1T, A_sT, A_dT)


def _tc2_body(dp_ref, numa_ref, numb_ref, q_ref, r8_ref, b1_ref, w2T_ref,
              vs_ref, vd_ref, p78_ref, h2p_ref, as2_ref, ad2_ref):
    den8 = jnp.dot(q_ref[...], dp_ref[...], preferred_element_type=f32)
    denr = jnp.dot(r8_ref[...], den8, preferred_element_type=f32)
    out1T = (numa_ref[...] + numb_ref[...]) / (denr + 1e-16) + b1_ref[...]
    h2T = jnp.dot(w2T_ref[...], out1T, preferred_element_type=f32)
    h2p_ref[...] = jnp.dot(p78_ref[...], h2T, preferred_element_type=f32)
    as2_ref[...] = jnp.dot(vs_ref[...], h2T, preferred_element_type=f32)
    ad2_ref[...] = jnp.dot(vd_ref[...], h2T, preferred_element_type=f32)


def _tc2(denp1, numa, numb, Q, R8, b1c, W2T, vs2, vd2, P78):
    return pl.pallas_call(
        _tc2_body,
        grid=(GRID_N,),
        in_specs=[
            pl.BlockSpec((32, BLK_N), lambda i: (0, i)),
            pl.BlockSpec((64, BLK_N), lambda i: (0, i)),
            pl.BlockSpec((64, BLK_N), lambda i: (0, i)),
            pl.BlockSpec((8, 32), lambda i: (0, 0)),
            pl.BlockSpec((64, 8), lambda i: (0, 0)),
            pl.BlockSpec((64, 1), lambda i: (0, 0)),
            pl.BlockSpec((7, 64), lambda i: (0, 0)),
            pl.BlockSpec((1, 7), lambda i: (0, 0)),
            pl.BlockSpec((1, 7), lambda i: (0, 0)),
            pl.BlockSpec((8, 7), lambda i: (0, 0)),
        ],
        out_specs=[
            pl.BlockSpec((8, BLK_N), lambda i: (0, i)),
            pl.BlockSpec((1, BLK_N), lambda i: (0, i)),
            pl.BlockSpec((1, BLK_N), lambda i: (0, i)),
        ],
        out_shape=[
            jax.ShapeDtypeStruct((8, N_PAD), f32),
            jax.ShapeDtypeStruct((1, N_PAD), f32),
            jax.ShapeDtypeStruct((1, N_PAD), f32),
        ],
    )(denp1, numa, numb, Q, R8, b1c, W2T, vs2, vd2, P78)


def _tc3_body(dp_ref, np_ref, ones_ref, b2_ref, out_ref):
    den = jnp.dot(ones_ref[...], dp_ref[...], preferred_element_type=f32)
    nb = np_ref[0]
    for _qq in range(1, 16):
        nb = nb + np_ref[_qq]
    o = nb[0:7, :] / (den + 1e-16) + b2_ref[...]
    m = jnp.max(o, axis=0, keepdims=True)
    e = jnp.exp(o - m)
    out_ref[...] = (o - m) - jnp.log(jnp.sum(e, axis=0, keepdims=True))


def _tc3(denp2, nump2, ones32, b2c):
    return pl.pallas_call(
        _tc3_body,
        grid=(GRID_N,),
        in_specs=[
            pl.BlockSpec((32, BLK_N), lambda i: (0, i)),
            pl.BlockSpec((16, 8, BLK_N), lambda i: (0, 0, i)),
            pl.BlockSpec((1, 32), lambda i: (0, 0)),
            pl.BlockSpec((7, 1), lambda i: (0, 0)),
        ],
        out_specs=pl.BlockSpec((7, BLK_N), lambda i: (0, i)),
        out_shape=jax.ShapeDtypeStruct((7, N_PAD), f32),
    )(denp2, nump2, ones32, b2c)



def _sc_weights(nh):
    nq = 32 // nh
    eq = E_PAD // nq
    nchunk = eq // CE
    mesh = plsc.VectorSubcoreMesh(core_axis_name="c", subcore_axis_name="s",
                                  num_cores=2)

    @functools.partial(
        pl.kernel, mesh=mesh,
        compiler_params=pltpu.CompilerParams(needs_layout_passes=False),
        out_type=[
            jax.ShapeDtypeStruct((nh, E_PAD), f32),
            jax.ShapeDtypeStruct((32, N_PAD), f32),
        ],
        scratch_types=[
            pltpu.VMEM((CE,), jnp.int32),
            pltpu.VMEM((CE,), jnp.int32),
            pltpu.VMEM((CE,), f32),
            pltpu.VMEM((N_PAD,), f32),
            pltpu.VMEM((N_PAD,), f32),
            pltpu.VMEM((N_PAD,), f32),
        ],
    )
    def k(srci, dsti, asT, adT, exo, denp, sidx, didx, exb, asb, adb, den):
        t = lax.axis_index("c") * 16 + lax.axis_index("s")
        hd = t % nh
        q = t // nh

        pltpu.sync_copy(asT.at[hd], asb)
        pltpu.sync_copy(adT.at[hd], adb)

        z16 = jnp.zeros((16,), f32)
        lane = lax.iota(jnp.int32, 16)
        def zrow(i, cc):
            plsc.store_scatter(den, [lane + i * 16], z16)
            return cc
        lax.fori_loop(0, N_PAD // 16, zrow, 0)

        def chunk(ch, cc):
            base = q * eq + ch * CE
            pltpu.sync_copy(srci.at[pl.ds(base, CE)], sidx)
            pltpu.sync_copy(dsti.at[pl.ds(base, CE)], didx)

            def grp(g, gg):
                o = g * 16
                s16 = sidx[pl.ds(o, 16)]
                d16 = didx[pl.ds(o, 16)]
                av = plsc.load_gather(asb, [s16])
                bv = plsc.load_gather(adb, [d16])
                al = av + bv
                lr = jnp.where(al > 0, al, al * 0.2)
                ex = jnp.exp(lr)
                exb[pl.ds(o, 16)] = ex
                plsc.addupdate_scatter(den, [d16], ex)
                return gg
            lax.fori_loop(0, GPC, grp, 0, unroll=16)
            pltpu.sync_copy(exb, exo.at[hd].at[pl.ds(base, CE)])
            return cc
        lax.fori_loop(0, nchunk, chunk, 0)

        pltpu.sync_copy(den, denp.at[t])

    return k


def _sc_numerator(n_rows, rpt):
    ntc = n_rows // rpt
    nq = 32 // ntc
    eq = E_PAD // nq
    nchunk = eq // CE
    mesh = plsc.VectorSubcoreMesh(core_axis_name="c", subcore_axis_name="s",
                                  num_cores=2)

    def make(nh_ex):
        rows_per_head = n_rows // nh_ex

        @functools.partial(
            pl.kernel, mesh=mesh,
            compiler_params=pltpu.CompilerParams(needs_layout_passes=False),
            out_type=jax.ShapeDtypeStruct((nq, n_rows, N_PAD), f32),
            scratch_types=[
                pltpu.VMEM((CE,), jnp.int32),
                pltpu.VMEM((CE,), jnp.int32),
                pltpu.VMEM((CE,), f32),
                pltpu.VMEM((rpt, N_PAD), f32),
                pltpu.VMEM((rpt, N_PAD), f32),
            ],
        )
        def k(srci, dsti, htab, exo, numo, sidx, didx, exb, hbuf, acc):
            t = lax.axis_index("c") * 16 + lax.axis_index("s")
            c0 = (t % ntc) * rpt
            q = t // ntc
            hd = c0 // rows_per_head

            pltpu.sync_copy(htab.at[pl.ds(c0, rpt)], hbuf)

            z16 = jnp.zeros((16,), f32)
            lane = lax.iota(jnp.int32, 16)
            jfs = [jnp.full((16,), j, jnp.int32) for j in range(rpt)]
            def zrow(i, cc):
                for j in range(rpt):
                    plsc.store_scatter(acc, [jfs[j], lane + i * 16], z16)
                return cc
            lax.fori_loop(0, N_PAD // 16, zrow, 0)

            def chunk(ch, cc):
                base = q * eq + ch * CE
                pltpu.sync_copy(srci.at[pl.ds(base, CE)], sidx)
                pltpu.sync_copy(dsti.at[pl.ds(base, CE)], didx)
                pltpu.sync_copy(exo.at[hd].at[pl.ds(base, CE)], exb)

                def grp(g, gg):
                    o = g * 16
                    s16 = sidx[pl.ds(o, 16)]
                    d16 = didx[pl.ds(o, 16)]
                    ex = exb[pl.ds(o, 16)]
                    for j in range(rpt):
                        hv = plsc.load_gather(hbuf, [jfs[j], s16])
                        plsc.addupdate_scatter(acc, [jfs[j], d16], hv * ex)
                    return gg
                lax.fori_loop(0, GPC, grp, 0, unroll=8)
                return cc
            lax.fori_loop(0, nchunk, chunk, 0)

            pltpu.sync_copy(acc, numo.at[q].at[pl.ds(c0, rpt)])

        return k
    return make


_sc_w1 = _sc_weights(8)
_sc_w2 = _sc_weights(1)
_sc_n1 = _sc_numerator(64, 4)(8)
_sc_n2 = _sc_numerator(8, 4)(1)



def kernel(x, edge_index, W1, att_src1, att_dst1, bias1, W2, att_src2,
           att_dst2, bias2):
    loop = jnp.arange(N_NODES, dtype=jnp.int32)
    pad = jnp.full((E_PAD - E_REAL,), PAD_IDX, jnp.int32)
    src = jnp.concatenate([edge_index[0].astype(jnp.int32), loop, pad])
    dst = jnp.concatenate([edge_index[1].astype(jnp.int32), loop, pad])
    xT = jnp.zeros((D_IN, N_PAD), f32).at[:, :N_NODES].set(x.astype(f32).T)

    eye8 = jnp.eye(8, dtype=f32)
    A_sT = (eye8[:, :, None] * att_src1[0].astype(f32)[:, None, :]).reshape(8, 64)
    A_dT = (eye8[:, :, None] * att_dst1[0].astype(f32)[:, None, :]).reshape(8, 64)
    Q = jnp.concatenate([eye8, eye8, eye8, eye8], axis=1)
    R8 = jnp.repeat(eye8, 8, axis=0)
    P78 = jnp.eye(8, 7, dtype=f32)
    ones32 = jnp.ones((1, 32), f32)
    vs2 = att_src2[0].astype(f32)
    vd2 = att_dst2[0].astype(f32)
    b1c = bias1.astype(f32).reshape(64, 1)
    b2c = bias2.astype(f32).reshape(7, 1)

    hT, asT, adT = _tc1(xT, W1.astype(f32).T, A_sT, A_dT)
    ex1, denp1 = _sc_w1(src, dst, asT, adT)
    num1p = _sc_n1(src, dst, hT, ex1)
    h2pT, as2T, ad2T = _tc2(denp1, num1p[0], num1p[1], Q, R8, b1c, W2.astype(f32).T,
                            vs2, vd2, P78)
    ex2, denp2 = _sc_w2(src, dst, as2T, ad2T)
    nump2 = _sc_n2(src, dst, h2pT, ex2)
    outT = _tc3(denp2, nump2, ones32, b2c)
    return outT.T[:N_NODES]

# --- scband reference (transcript-rebuilt; emitter-appended) ---
"""Pipeline reference for scband-gatnet-7885559955705 (READ-ONLY COPY).

The authoritative reference and input builder live on the scoring server;
editing this copy changes nothing except your own understanding.
"""

import jax, jax.numpy as jnp
import numpy as np

N_NODES = 10000
N_EDGES = 160000
D_IN = 500


def gat_conv(x, src, dst, W, att_src, att_dst, bias, H, C):
    N = x.shape[0]
    h = (x @ W).reshape(N, H, C)
    a_s = (h * att_src).sum(-1)  # [N, H]
    a_d = (h * att_dst).sum(-1)  # [N, H]
    alpha = a_s[src] + a_d[dst]  # [E, H]
    alpha = jax.nn.leaky_relu(alpha, negative_slope=0.2)
    amax = jax.ops.segment_max(alpha, dst, num_segments=N)
    amax = jnp.where(jnp.isfinite(amax), amax, 0.0)
    ex = jnp.exp(alpha - amax[dst])
    denom = jax.ops.segment_sum(ex, dst, num_segments=N)
    attn = ex / (denom[dst] + 1e-16)  # [E, H]
    msg = h[src] * attn[:, :, None]  # [E, H, C]
    out = jax.ops.segment_sum(msg, dst, num_segments=N)  # [N, H, C]
    return out.reshape(N, H * C) + bias


def setup_inputs(seed: int = 0) -> dict:
    key = jax.random.key(seed)
    ks = jax.random.split(key, 12)
    x = jax.random.normal(ks[0], (N_NODES, D_IN), dtype=jnp.float32)
    edge_index = jax.random.randint(ks[1], (2, N_EDGES), 0, N_NODES, dtype=jnp.int64)
    s1 = 1.0 / np.sqrt(D_IN)
    W1 = jax.random.uniform(ks[2], (D_IN, 64), dtype=jnp.float32, minval=-s1, maxval=s1)
    att_src1 = jax.random.uniform(ks[3], (1, 8, 8), dtype=jnp.float32, minval=-0.35, maxval=0.35)
    att_dst1 = jax.random.uniform(ks[4], (1, 8, 8), dtype=jnp.float32, minval=-0.35, maxval=0.35)
    bias1 = jnp.zeros((64,), dtype=jnp.float32)
    s2 = 1.0 / np.sqrt(64)
    W2 = jax.random.uniform(ks[5], (64, 7), dtype=jnp.float32, minval=-s2, maxval=s2)
    att_src2 = jax.random.uniform(ks[6], (1, 1, 7), dtype=jnp.float32, minval=-0.37, maxval=0.37)
    att_dst2 = jax.random.uniform(ks[7], (1, 1, 7), dtype=jnp.float32, minval=-0.37, maxval=0.37)
    bias2 = jnp.zeros((7,), dtype=jnp.float32)
    return {"x": x, "edge_index": edge_index, "W1": W1, "att_src1": att_src1,
            "att_dst1": att_dst1, "bias1": bias1, "W2": W2, "att_src2": att_src2,
            "att_dst2": att_dst2, "bias2": bias2}


def reference(x, edge_index, W1, att_src1, att_dst1, bias1, W2, att_src2, att_dst2, bias2):
    N = x.shape[0]
    # GATConv default add_self_loops=True
    loop = jnp.arange(N, dtype=edge_index.dtype)
    src = jnp.concatenate([edge_index[0], loop])
    dst = jnp.concatenate([edge_index[1], loop])
    # dropout(p=0.6) is identity in eval mode
    h = gat_conv(x, src, dst, W1, att_src1, att_dst1, bias1, H=8, C=8)
    h = gat_conv(h, src, dst, W2, att_src2, att_dst2, bias2, H=1, C=7)
    return jax.nn.log_softmax(h, axis=1)

if __name__ == "__main__":
    import jax
    _d = setup_inputs()
    print(jax.jit(kernel)(*tuple(_d.values())))

</pallas_src>

<mosaic_0001>
#map = affine_map<(d0, d1) -> (0)>
#map1 = affine_map<(d0, d1) -> (0, 0)>
#map2 = affine_map<(d0, d1) -> (0, 0, 0)>
module attributes {stable_mosaic.version = 14 : i64} {
  func.func @k(%arg0: i32, %arg1: i32, %arg2: memref<172032xi32, #tpu.memory_space<hbm>>, %arg3: memref<172032xi32, #tpu.memory_space<hbm>>, %arg4: memref<64x10240xf32, #tpu.memory_space<hbm>>, %arg5: memref<8x172032xf32, #tpu.memory_space<hbm>>, %arg6: memref<2x64x10240xf32, #tpu.memory_space<hbm>>, %arg7: memref<2688xi32, #tpu.memory_space<vmem>>, %arg8: memref<2688xi32, #tpu.memory_space<vmem>>, %arg9: memref<2688xf32, #tpu.memory_space<vmem>>, %arg10: memref<4x10240xf32, #tpu.memory_space<vmem>>, %arg11: memref<4x10240xf32, #tpu.memory_space<vmem>>) attributes {dimension_semantics = [#tpu.dimension_semantics<core_parallel>, #tpu.dimension_semantics<subcore_parallel>], iteration_bounds = array<i64: 2, 16>, scalar_prefetch = 0 : i64, scratch_operands = 5 : i64, tpu.core_type = #tpu.core_type<sc_vector_subcore>, window_params = [{transform_indices = #map}, {transform_indices = #map}, {transform_indices = #map1}, {transform_indices = #map1}, {transform_indices = #map2}]} {
    %mul3A = arith.constant 16 : i32
    %mul3A_0 = arith.muli %arg0, %mul3A : i32
    %add3A = arith.addi %mul3A_0, %arg1 : i32
    %jit3A = arith.constant 16 : i32
    %eq3A = arith.constant 0 : i32
    %eq3A_1 = arith.cmpi eq, %jit3A, %eq3A : i32
    %jit3A_2 = arith.constant 1 : i32
    %select_n3A = arith.select %eq3A_1, %jit3A_2, %jit3A : i32
    %rem3A = arith.remsi %add3A, %select_n3A : i32
    %ne3A = arith.constant 0 : i32
    %ne3A_3 = arith.cmpi ne, %rem3A, %ne3A : i32
    %lt3A = arith.constant 0 : i32
    %lt3A_4 = arith.cmpi slt, %rem3A, %lt3A : i32
    %lt3A_5 = arith.constant 0 : i32
    %lt3A_6 = arith.cmpi slt, %select_n3A, %lt3A_5 : i32
    %ne3A_7 = arith.xori %lt3A_4, %lt3A_6 : i1
    %and3A = arith.andi %ne3A_7, %ne3A_3 : i1
    %add3A_8 = arith.addi %rem3A, %select_n3A : i32
    %select_n3A_9 = arith.select %and3A, %add3A_8, %rem3A : i32
    %mul3A_10 = arith.constant 4 : i32
    %mul3A_11 = arith.muli %select_n3A_9, %mul3A_10 : i32
    %jit3A_12 = arith.constant 16 : i32
    %div3A = arith.divsi %add3A, %jit3A_12 : i32
    %sign3A = arith.constant 0 : i32
    %sign3A_13 = arith.cmpi sgt, %add3A, %sign3A : i32
    %sign3A_14 = arith.extui %sign3A_13 : i1 to i32
    %sign3A_15 = arith.constant 0 : i32
    %sign3A_16 = arith.cmpi slt, %add3A, %sign3A_15 : i32
    %sign3A_17 = arith.extui %sign3A_16 : i1 to i32
    %sign3A_18 = arith.subi %sign3A_14, %sign3A_17 : i32
    %sign3A_19 = arith.constant 0 : i32
    %sign3A_20 = arith.cmpi sgt, %jit3A_12, %sign3A_19 : i32
    %sign3A_21 = arith.extui %sign3A_20 : i1 to i32
    %sign3A_22 = arith.constant 0 : i32
    %sign3A_23 = arith.cmpi slt, %jit3A_12, %sign3A_22 : i32
    %sign3A_24 = arith.extui %sign3A_23 : i1 to i32
    %sign3A_25 = arith.subi %sign3A_21, %sign3A_24 : i32
    %ne3A_26 = arith.cmpi ne, %sign3A_18, %sign3A_25 : i32
    %rem3A_27 = arith.remsi %add3A, %jit3A_12 : i32
    %ne3A_28 = arith.constant 0 : i32
    %ne3A_29 = arith.cmpi ne, %rem3A_27, %ne3A_28 : i32
    %and3A_30 = arith.andi %ne3A_26, %ne3A_29 : i1
    %sub3A = arith.constant 1 : i32
    %sub3A_31 = arith.subi %div3A, %sub3A : i32
    %select_n3A_32 = arith.select %and3A_30, %sub3A_31, %div3A : i32
    %jit3A_33 = arith.constant 8 : i32
    %div3A_34 = arith.divsi %mul3A_11, %jit3A_33 : i32
    %sign3A_35 = arith.constant 0 : i32
    %sign3A_36 = arith.cmpi sgt, %mul3A_11, %sign3A_35 : i32
    %sign3A_37 = arith.extui %sign3A_36 : i1 to i32
    %sign3A_38 = arith.constant 0 : i32
    %sign3A_39 = arith.cmpi slt, %mul3A_11, %sign3A_38 : i32
    %sign3A_40 = arith.extui %sign3A_39 : i1 to i32
    %sign3A_41 = arith.subi %sign3A_37, %sign3A_40 : i32
    %sign3A_42 = arith.constant 0 : i32
    %sign3A_43 = arith.cmpi sgt, %jit3A_33, %sign3A_42 : i32
    %sign3A_44 = arith.extui %sign3A_43 : i1 to i32
    %sign3A_45 = arith.constant 0 : i32
    %sign3A_46 = arith.cmpi slt, %jit3A_33, %sign3A_45 : i32
    %sign3A_47 = arith.extui %sign3A_46 : i1 to i32
    %sign3A_48 = arith.subi %sign3A_44, %sign3A_47 : i32
    %ne3A_49 = arith.cmpi ne, %sign3A_41, %sign3A_48 : i32
    %rem3A_50 = arith.remsi %mul3A_11, %jit3A_33 : i32
    %ne3A_51 = arith.constant 0 : i32
    %ne3A_52 = arith.cmpi ne, %rem3A_50, %ne3A_51 : i32
    %and3A_53 = arith.andi %ne3A_49, %ne3A_52 : i1
    %sub3A_54 = arith.constant 1 : i32
    %sub3A_55 = arith.subi %div3A_34, %sub3A_54 : i32
    %select_n3A_56 = arith.select %and3A_53, %sub3A_55, %div3A_34 : i32
    "tpu.region"() ({
      %run_scoped3A = tpu.sem_alloc : memref<!tpu.dma_semaphore, #tpu.memory_space<semaphore_mem>>
      %dma_start3A = arith.constant 0 : i32
      %dma_start3A_77 = tpu.memref_slice %arg4[%mul3A_11, %dma_start3A] : memref<64x10240xf32, #tpu.memory_space<hbm>> -> memref<4x10240xf32, #tpu.memory_space<hbm>>
      %dma_start3A_78 = arith.constant 0 : i32
      %dma_start3A_79 = tpu.memref_slice %arg4[%mul3A_11, %dma_start3A_78] : memref<64x10240xf32, #tpu.memory_space<hbm>> -> memref<4x10240xf32, #tpu.memory_space<hbm>>
      tpu.enqueue_dma source(%dma_start3A_79 : memref<4x10240xf32, #tpu.memory_space<hbm>>) target(%arg10 : memref<4x10240xf32, #tpu.memory_space<vmem>>) target_semaphore(%run_scoped3A : memref<!tpu.dma_semaphore, #tpu.memory_space<semaphore_mem>>)
      %dma_wait3A = arith.constant 0 : i32
      %dma_wait3A_80 = tpu.memref_slice %arg4[%mul3A_11, %dma_wait3A] : memref<64x10240xf32, #tpu.memory_space<hbm>> -> memref<4x10240xf32, #tpu.memory_space<hbm>>
      %dma_wait3A_81 = arith.constant 0 : i32
      %dma_wait3A_82 = tpu.memref_slice %arg4[%mul3A_11, %dma_wait3A_81] : memref<64x10240xf32, #tpu.memory_space<hbm>> -> memref<4x10240xf32, #tpu.memory_space<hbm>>
      tpu.wait_dma2 semaphore(%run_scoped3A : memref<!tpu.dma_semaphore, #tpu.memory_space<semaphore_mem>>) src(%dma_wait3A_82 : memref<4x10240xf32, #tpu.memory_space<hbm>>) dst(%arg10 : memref<4x10240xf32, #tpu.memory_space<vmem>>)
      tpu.yield
    }) : () -> ()
    %broadcast_in_dim3A = arith.constant 0.000000e+00 : f32
    %broadcast_in_dim3A_57 = vector.broadcast %broadcast_in_dim3A : f32 to vector<16xf32>
    %iota3A = tpu.iota {dimensions = array<i32: 0>} : vector<16xi32>
    %broadcast_in_dim3A_58 = arith.constant 0 : i32
    %broadcast_in_dim3A_59 = vector.broadcast %broadcast_in_dim3A_58 : i32 to vector<16xi32>
    %broadcast_in_dim3A_60 = arith.constant 1 : i32
    %broadcast_in_dim3A_61 = vector.broadcast %broadcast_in_dim3A_60 : i32 to vector<16xi32>
    %broadcast_in_dim3A_62 = arith.constant 2 : i32
    %broadcast_in_dim3A_63 = vector.broadcast %broadcast_in_dim3A_62 : i32 to vector<16xi32>
    %broadcast_in_dim3A_64 = arith.constant 3 : i32
    %broadcast_in_dim3A_65 = vector.broadcast %broadcast_in_dim3A_64 : i32 to vector<16xi32>
    %scan3A = arith.constant 0 : i32
    %scan3A_66 = arith.constant 0 : i32
    %scan3A_67 = arith.constant 640 : i32
    %scan3A_68 = arith.addi %scan3A_66, %scan3A_67 : i32
    %scan3A_69 = arith.constant 1 : i32
    scf.for %scan3A_77 = %scan3A_66 to %scan3A_68 step %scan3A_69  : i32 {
      %mul3A_78 = arith.constant 16 : i32
      %mul3A_79 = arith.muli %scan3A_77, %mul3A_78 : i32
      %add3A_80 = vector.broadcast %mul3A_79 : i32 to vector<16xi32>
      %add3A_81 = arith.addi %iota3A, %add3A_80 : vector<16xi32>
      tpu.vector_store_idx %arg11[%broadcast_in_dim3A_59, %add3A_81], %broadcast_in_dim3A_57 : memref<4x10240xf32, #tpu.memory_space<vmem>>[vector<16xi32>, vector<16xi32>], vector<16xf32>,
      %mul3A_82 = arith.constant 16 : i32
      %mul3A_83 = arith.muli %scan3A_77, %mul3A_82 : i32
      %add3A_84 = vector.broadcast %mul3A_83 : i32 to vector<16xi32>
      %add3A_85 = arith.addi %iota3A, %add3A_84 : vector<16xi32>
      tpu.vector_store_idx %arg11[%broadcast_in_dim3A_61, %add3A_85], %broadcast_in_dim3A_57 : memref<4x10240xf32, #tpu.memory_space<vmem>>[vector<16xi32>, vector<16xi32>], vector<16xf32>,
      %mul3A_86 = arith.constant 16 : i32
      %mul3A_87 = arith.muli %scan3A_77, %mul3A_86 : i32
      %add3A_88 = vector.broadcast %mul3A_87 : i32 to vector<16xi32>
      %add3A_89 = arith.addi %iota3A, %add3A_88 : vector<16xi32>
      tpu.vector_store_idx %arg11[%broadcast_in_dim3A_63, %add3A_89], %broadcast_in_dim3A_57 : memref<4x10240xf32, #tpu.memory_space<vmem>>[vector<16xi32>, vector<16xi32>], vector<16xf32>,
      %mul3A_90 = arith.constant 16 : i32
      %mul3A_91 = arith.muli %scan3A_77, %mul3A_90 : i32
      %add3A_92 = vector.broadcast %mul3A_91 : i32 to vector<16xi32>
      %add3A_93 = arith.addi %iota3A, %add3A_92 : vector<16xi32>
      tpu.vector_store_idx %arg11[%broadcast_in_dim3A_65, %add3A_93], %broadcast_in_dim3A_57 : memref<4x10240xf32, #tpu.memory_space<vmem>>[vector<16xi32>, vector<16xi32>], vector<16xf32>,
    }
    %scan3A_70 = arith.constant 640 : i32
    %scan3A_71 = arith.constant 0 : i32
    %scan3A_72 = arith.constant 0 : i32
    %scan3A_73 = arith.constant 32 : i32
    %scan3A_74 = arith.addi %scan3A_72, %scan3A_73 : i32
    %scan3A_75 = arith.constant 1 : i32
    scf.for %scan3A_77 = %scan3A_72 to %scan3A_74 step %scan3A_75  : i32 {
      %mul3A_78 = arith.constant 86016 : i32
      %mul3A_79 = arith.muli %select_n3A_32, %mul3A_78 : i32
      %mul3A_80 = arith.constant 2688 : i32
      %mul3A_81 = arith.muli %scan3A_77, %mul3A_80 : i32
      %add3A_82 = arith.addi %mul3A_79, %mul3A_81 : i32
      "tpu.region"() ({
        %run_scoped3A = tpu.sem_alloc : memref<!tpu.dma_semaphore, #tpu.memory_space<semaphore_mem>>
        %dma_start3A = tpu.memref_slice %arg2[%add3A_82] : memref<172032xi32, #tpu.memory_space<hbm>> -> memref<2688xi32, #tpu.memory_space<hbm>>
        %dma_start3A_89 = tpu.memref_slice %arg2[%add3A_82] : memref<172032xi32, #tpu.memory_space<hbm>> -> memref<2688xi32, #tpu.memory_space<hbm>>
        tpu.enqueue_dma source(%dma_start3A_89 : memref<2688xi32, #tpu.memory_space<hbm>>) target(%arg7 : memref<2688xi32, #tpu.memory_space<vmem>>) target_semaphore(%run_scoped3A : memref<!tpu.dma_semaphore, #tpu.memory_space<semaphore_mem>>)
        %dma_wait3A = tpu.memref_slice %arg2[%add3A_82] : memref<172032xi32, #tpu.memory_space<hbm>> -> memref<2688xi32, #tpu.memory_space<hbm>>
        %dma_wait3A_90 = tpu.memref_slice %arg2[%add3A_82] : memref<172032xi32, #tpu.memory_space<hbm>> -> memref<2688xi32, #tpu.memory_space<hbm>>
        tpu.wait_dma2 semaphore(%run_scoped3A : memref<!tpu.dma_semaphore, #tpu.memory_space<semaphore_mem>>) src(%dma_wait3A_90 : memref<2688xi32, #tpu.memory_space<hbm>>) dst(%arg7 : memref<2688xi32, #tpu.memory_space<vmem>>)
        tpu.yield
      }) : () -> ()
      "tpu.region"() ({
        %run_scoped3A = tpu.sem_alloc : memref<!tpu.dma_semaphore, #tpu.memory_space<semaphore_mem>>
        %dma_start3A = tpu.memref_slice %arg3[%add3A_82] : memref<172032xi32, #tpu.memory_space<hbm>> -> memref<2688xi32, #tpu.memory_space<hbm>>
        %dma_start3A_89 = tpu.memref_slice %arg3[%add3A_82] : memref<172032xi32, #tpu.memory_space<hbm>> -> memref<2688xi32, #tpu.memory_space<hbm>>
        tpu.enqueue_dma source(%dma_start3A_89 : memref<2688xi32, #tpu.memory_space<hbm>>) target(%arg8 : memref<2688xi32, #tpu.memory_space<vmem>>) target_semaphore(%run_scoped3A : memref<!tpu.dma_semaphore, #tpu.memory_space<semaphore_mem>>)
        %dma_wait3A = tpu.memref_slice %arg3[%add3A_82] : memref<172032xi32, #tpu.memory_space<hbm>> -> memref<2688xi32, #tpu.memory_space<hbm>>
        %dma_wait3A_90 = tpu.memref_slice %arg3[%add3A_82] : memref<172032xi32, #tpu.memory_space<hbm>> -> memref<2688xi32, #tpu.memory_space<hbm>>
        tpu.wait_dma2 semaphore(%run_scoped3A : memref<!tpu.dma_semaphore, #tpu.memory_space<semaphore_mem>>) src(%dma_wait3A_90 : memref<2688xi32, #tpu.memory_space<hbm>>) dst(%arg8 : memref<2688xi32, #tpu.memory_space<vmem>>)
        tpu.yield
      }) : () -> ()
      "tpu.region"() ({
        %run_scoped3A = tpu.sem_alloc : memref<!tpu.dma_semaphore, #tpu.memory_space<semaphore_mem>>
        %dma_start3A = arith.constant 0 : i32
        %dma_start3A_89 = tpu.memref_slice %arg5[%select_n3A_56, %dma_start3A] : memref<8x172032xf32, #tpu.memory_space<hbm>> -> memref<1x172032xf32, #tpu.memory_space<hbm>>
        %dma_start3A_90 = tpu.memref_squeeze %dma_start3A_89 : memref<1x172032xf32, #tpu.memory_space<hbm>> -> memref<172032xf32, #tpu.memory_space<hbm>>
        %dma_start3A_91 = tpu.memref_slice %dma_start3A_90[%add3A_82] : memref<172032xf32, #tpu.memory_space<hbm>> -> memref<2688xf32, #tpu.memory_space<hbm>>
        %dma_start3A_92 = arith.constant 0 : i32
        %dma_start3A_93 = tpu.memref_slice %arg5[%select_n3A_56, %dma_start3A_92] : memref<8x172032xf32, #tpu.memory_space<hbm>> -> memref<1x172032xf32, #tpu.memory_space<hbm>>
        %dma_start3A_94 = tpu.memref_squeeze %dma_start3A_93 : memref<1x172032xf32, #tpu.memory_space<hbm>> -> memref<172032xf32, #tpu.memory_space<hbm>>
        %dma_start3A_95 = tpu.memref_slice %dma_start3A_94[%add3A_82] : memref<172032xf32, #tpu.memory_space<hbm>> -> memref<2688xf32, #tpu.memory_space<hbm>>
        tpu.enqueue_dma source(%dma_start3A_95 : memref<2688xf32, #tpu.memory_space<hbm>>) target(%arg9 : memref<2688xf32, #tpu.memory_space<vmem>>) target_semaphore(%run_scoped3A : memref<!tpu.dma_semaphore, #tpu.memory_space<semaphore_mem>>)
        %dma_wait3A = arith.constant 0 : i32
        %dma_wait3A_96 = tpu.memref_slice %arg5[%select_n3A_56, %dma_wait3A] : memref<8x172032xf32, #tpu.memory_space<hbm>> -> memref<1x172032xf32, #tpu.memory_space<hbm>>
        %dma_wait3A_97 = tpu.memref_squeeze %dma_wait3A_96 : memref<1x172032xf32, #tpu.memory_space<hbm>> -> memref<172032xf32, #tpu.memory_space<hbm>>
        %dma_wait3A_98 = tpu.memref_slice %dma_wait3A_97[%add3A_82] : memref<172032xf32, #tpu.memory_space<hbm>> -> memref<2688xf32, #tpu.memory_space<hbm>>
        %dma_wait3A_99 = arith.constant 0 : i32
        %dma_wait3A_100 = tpu.memref_slice %arg5[%select_n3A_56, %dma_wait3A_99] : memref<8x172032xf32, #tpu.memory_space<hbm>> -> memref<1x172032xf32, #tpu.memory_space<hbm>>
        %dma_wait3A_101 = tpu.memref_squeeze %dma_wait3A_100 : memref<1x172032xf32, #tpu.memory_space<hbm>> -> memref<172032xf32, #tpu.memory_space<hbm>>
        %dma_wait3A_102 = tpu.memref_slice %dma_wait3A_101[%add3A_82] : memref<172032xf32, #tpu.memory_space<hbm>> -> memref<2688xf32, #tpu.memory_space<hbm>>
        tpu.wait_dma2 semaphore(%run_scoped3A : memref<!tpu.dma_semaphore, #tpu.memory_space<semaphore_mem>>) src(%dma_wait3A_102 : memref<2688xf32, #tpu.memory_space<hbm>>) dst(%arg9 : memref<2688xf32, #tpu.memory_space<vmem>>)
        tpu.yield
      }) : () -> ()
      %scan3A_83 = arith.constant 0 : i32
      %scan3A_84 = arith.constant 0 : i32
      %scan3A_85 = arith.constant 168 : i32
      %scan3A_86 = arith.addi %scan3A_84, %scan3A_85 : i32
      %scan3A_87 = arith.constant 8 : i32
      scf.for %scan3A_89 = %scan3A_84 to %scan3A_86 step %scan3A_87  : i32 {
        %mul3A_90 = arith.constant 16 : i32
        %mul3A_91 = arith.muli %scan3A_89, %mul3A_90 : i32
        %get3A = arith.index_cast %mul3A_91 : i32 to index
        %get3A_92 = tpu.vector_load %arg7[%get3A] {strides = array<i32>} : memref<2688xi32, #tpu.memory_space<vmem>>, vector<16xi32>,
        %get3A_93 = arith.index_cast %mul3A_91 : i32 to index
        %get3A_94 = tpu.vector_load %arg8[%get3A_93] {strides = array<i32>} : memref<2688xi32, #tpu.memory_space<vmem>>, vector<16xi32>,
        %get3A_95 = arith.index_cast %mul3A_91 : i32 to index
        %get3A_96 = tpu.vector_load %arg9[%get3A_95] {strides = array<i32>} : memref<2688xf32, #tpu.memory_space<vmem>>, vector<16xf32>,
        %gather3A = tpu.vector_load_idx %arg10[%broadcast_in_dim3A_59, %get3A_92] : memref<4x10240xf32, #tpu.memory_space<vmem>>[vector<16xi32>, vector<16xi32>], vector<16xf32>,
        %mul3A_97 = arith.mulf %gather3A, %get3A_96 : vector<16xf32>
        tpu.vector_store_idx %arg11[%broadcast_in_dim3A_59, %get3A_94], %mul3A_97 {add = true} : memref<4x10240xf32, #tpu.memory_space<vmem>>[vector<16xi32>, vector<16xi32>], vector<16xf32>,
        %gather3A_98 = tpu.vector_load_idx %arg10[%broadcast_in_dim3A_61, %get3A_92] : memref<4x10240xf32, #tpu.memory_space<vmem>>[vector<16xi32>, vector<16xi32>], vector<16xf32>,
        %mul3A_99 = arith.mulf %gather3A_98, %get3A_96 : vector<16xf32>
        tpu.vector_store_idx %arg11[%broadcast_in_dim3A_61, %get3A_94], %mul3A_99 {add = true} : memref<4x10240xf32, #tpu.memory_space<vmem>>[vector<16xi32>, vector<16xi32>], vector<16xf32>,
        %gather3A_100 = tpu.vector_load_idx %arg10[%broadcast_in_dim3A_63, %get3A_92] : memref<4x10240xf32, #tpu.memory_space<vmem>>[vector<16xi32>, vector<16xi32>], vector<16xf32>,
        %mul3A_101 = arith.mulf %gather3A_100, %get3A_96 : vector<16xf32>
        tpu.vector_store_idx %arg11[%broadcast_in_dim3A_63, %get3A_94], %mul3A_101 {add = true} : memref<4x10240xf32, #tpu.memory_space<vmem>>[vector<16xi32>, vector<16xi32>], vector<16xf32>,
        %gather3A_102 = tpu.vector_load_idx %arg10[%broadcast_in_dim3A_65, %get3A_92] : memref<4x10240xf32, #tpu.memory_space<vmem>>[vector<16xi32>, vector<16xi32>], vector<16xf32>,
        %mul3A_103 = arith.mulf %gather3A_102, %get3A_96 : vector<16xf32>
        tpu.vector_store_idx %arg11[%broadcast_in_dim3A_65, %get3A_94], %mul3A_103 {add = true} : memref<4x10240xf32, #tpu.memory_space<vmem>>[vector<16xi32>, vector<16xi32>], vector<16xf32>,
        %scan3A_104 = arith.constant 1 : i32
        %scan3A_105 = arith.addi %scan3A_89, %scan3A_104 : i32
        %mul3A_106 = arith.constant 16 : i32
        %mul3A_107 = arith.muli %scan3A_105, %mul3A_106 : i32
        %get3A_108 = arith.index_cast %mul3A_107 : i32 to index
        %get3A_109 = tpu.vector_load %arg7[%get3A_108] {strides = array<i32>} : memref<2688xi32, #tpu.memory_space<vmem>>, vector<16xi32>,
        %get3A_110 = arith.index_cast %mul3A_107 : i32 to index
        %get3A_111 = tpu.vector_load %arg8[%get3A_110] {strides = array<i32>} : memref<2688xi32, #tpu.memory_space<vmem>>, vector<16xi32>,
        %get3A_112 = arith.index_cast %mul3A_107 : i32 to index
        %get3A_113 = tpu.vector_load %arg9[%get3A_112] {strides = array<i32>} : memref<2688xf32, #tpu.memory_space<vmem>>, vector<16xf32>,
        %gather3A_114 = tpu.vector_load_idx %arg10[%broadcast_in_dim3A_59, %get3A_109] : memref<4x10240xf32, #tpu.memory_space<vmem>>[vector<16xi32>, vector<16xi32>], vector<16xf32>,
        %mul3A_115 = arith.mulf %gather3A_114, %get3A_113 : vector<16xf32>
        tpu.vector_store_idx %arg11[%broadcast_in_dim3A_59, %get3A_111], %mul3A_115 {add = true} : memref<4x10240xf32, #tpu.memory_space<vmem>>[vector<16xi32>, vector<16xi32>], vector<16xf32>,
        %gather3A_116 = tpu.vector_load_idx %arg10[%broadcast_in_dim3A_61, %get3A_109] : memref<4x10240xf32, #tpu.memory_space<vmem>>[vector<16xi32>, vector<16xi32>], vector<16xf32>,
        %mul3A_117 = arith.mulf %gather3A_116, %get3A_113 : vector<16xf32>
        tpu.vector_store_idx %arg11[%broadcast_in_dim3A_61, %get3A_111], %mul3A_117 {add = true} : memref<4x10240xf32, #tpu.memory_space<vmem>>[vector<16xi32>, vector<16xi32>], vector<16xf32>,
        %gather3A_118 = tpu.vector_load_idx %arg10[%broadcast_in_dim3A_63, %get3A_109] : memref<4x10240xf32, #tpu.memory_space<vmem>>[vector<16xi32>, vector<16xi32>], vector<16xf32>,
        %mul3A_119 = arith.mulf %gather3A_118, %get3A_113 : vector<16xf32>
        tpu.vector_store_idx %arg11[%broadcast_in_dim3A_63, %get3A_111], %mul3A_119 {add = true} : memref<4x10240xf32, #tpu.memory_space<vmem>>[vector<16xi32>, vector<16xi32>], vector<16xf32>,
        %gather3A_120 = tpu.vector_load_idx %arg10[%broadcast_in_dim3A_65, %get3A_109] : memref<4x10240xf32, #tpu.memory_space<vmem>>[vector<16xi32>, vector<16xi32>], vector<16xf32>,
        %mul3A_121 = arith.mulf %gather3A_120, %get3A_113 : vector<16xf32>
        tpu.vector_store_idx %arg11[%broadcast_in_dim3A_65, %get3A_111], %mul3A_121 {add = true} : memref<4x10240xf32, #tpu.memory_space<vmem>>[vector<16xi32>, vector<16xi32>], vector<16xf32>,
        %scan3A_122 = arith.constant 2 : i32
        %scan3A_123 = arith.addi %scan3A_89, %scan3A_122 : i32
        %mul3A_124 = arith.constant 16 : i32
        %mul3A_125 = arith.muli %scan3A_123, %mul3A_124 : i32
        %get3A_126 = arith.index_cast %mul3A_125 : i32 to index
        %get3A_127 = tpu.vector_load %arg7[%get3A_126] {strides = array<i32>} : memref<2688xi32, #tpu.memory_space<vmem>>, vector<16xi32>,
        %get3A_128 = arith.index_cast %mul3A_125 : i32 to index
        %get3A_129 = tpu.vector_load %arg8[%get3A_128] {strides = array<i32>} : memref<2688xi32, #tpu.memory_space<vmem>>, vector<16xi32>,
        %get3A_130 = arith.index_cast %mul3A_125 : i32 to index
        %get3A_131 = tpu.vector_load %arg9[%get3A_130] {strides = array<i32>} : memref<2688xf32, #tpu.memory_space<vmem>>, vector<16xf32>,
        %gather3A_132 = tpu.vector_load_idx %arg10[%broadcast_in_dim3A_59, %get3A_127] : memref<4x10240xf32, #tpu.memory_space<vmem>>[vector<16xi32>, vector<16xi32>], vector<16xf32>,
        %mul3A_133 = arith.mulf %gather3A_132, %get3A_131 : vector<16xf32>
        tpu.vector_store_idx %arg11[%broadcast_in_dim3A_59, %get3A_129], %mul3A_133 {add = true} : memref<4x10240xf32, #tpu.memory_space<vmem>>[vector<16xi32>, vector<16xi32>], vector<16xf32>,
        %gather3A_134 = tpu.vector_load_idx %arg10[%broadcast_in_dim3A_61, %get3A_127] : memref<4x10240xf32, #tpu.memory_space<vmem>>[vector<16xi32>, vector<16xi32>], vector<16xf32>,
        %mul3A_135 = arith.mulf %gather3A_134, %get3A_131 : vector<16xf32>
        tpu.vector_store_idx %arg11[%broadcast_in_dim3A_61, %get3A_129], %mul3A_135 {add = true} : memref<4x10240xf32, #tpu.memory_space<vmem>>[vector<16xi32>, vector<16xi32>], vector<16xf32>,
        %gather3A_136 = tpu.vector_load_idx %arg10[%broadcast_in_dim3A_63, %get3A_127] : memref<4x10240xf32, #tpu.memory_space<vmem>>[vector<16xi32>, vector<16xi32>], vector<16xf32>,
        %mul3A_137 = arith.mulf %gather3A_136, %get3A_131 : vector<16xf32>
        tpu.vector_store_idx %arg11[%broadcast_in_dim3A_63, %get3A_129], %mul3A_137 {add = true} : memref<4x10240xf32, #tpu.memory_space<vmem>>[vector<16xi32>, vector<16xi32>], vector<16xf32>,
        %gather3A_138 = tpu.vector_load_idx %arg10[%broadcast_in_dim3A_65, %get3A_127] : memref<4x10240xf32, #tpu.memory_space<vmem>>[vector<16xi32>, vector<16xi32>], vector<16xf32>,
        %mul3A_139 = arith.mulf %gather3A_138, %get3A_131 : vector<16xf32>
        tpu.vector_store_idx %arg11[%broadcast_in_dim3A_65, %get3A_129], %mul3A_139 {add = true} : memref<4x10240xf32, #tpu.memory_space<vmem>>[vector<16xi32>, vector<16xi32>], vector<16xf32>,
        %scan3A_140 = arith.constant 3 : i32
        %scan3A_141 = arith.addi %scan3A_89, %scan3A_140 : i32
        %mul3A_142 = arith.constant 16 : i32
        %mul3A_143 = arith.muli %scan3A_141, %mul3A_142 : i32
        %get3A_144 = arith.index_cast %mul3A_143 : i32 to index
        %get3A_145 = tpu.vector_load %arg7[%get3A_144] {strides = array<i32>} : memref<2688xi32, #tpu.memory_space<vmem>>, vector<16xi32>,
        %get3A_146 = arith.index_cast %mul3A_143 : i32 to index
        %get3A_147 = tpu.vector_load %arg8[%get3A_146] {strides = array<i32>} : memref<2688xi32, #tpu.memory_space<vmem>>, vector<16xi32>,
        %get3A_148 = arith.index_cast %mul3A_143 : i32 to index
        %get3A_149 = tpu.vector_load %arg9[%get3A_148] {strides = array<i32>} : memref<2688xf32, #tpu.memory_space<vmem>>, vector<16xf32>,
        %gather3A_150 = tpu.vector_load_idx %arg10[%broadcast_in_dim3A_59, %get3A_145] : memref<4x10240xf32, #tpu.memory_space<vmem>>[vector<16xi32>, vector<16xi32>], vector<16xf32>,
        %mul3A_151 = arith.mulf %gather3A_150, %get3A_149 : vector<16xf32>
        tpu.vector_store_idx %arg11[%broadcast_in_dim3A_59, %get3A_147], %mul3A_151 {add = true} : memref<4x10240xf32, #tpu.memory_space<vmem>>[vector<16xi32>, vector<16xi32>], vector<16xf32>,
        %gather3A_152 = tpu.vector_load_idx %arg10[%broadcast_in_dim3A_61, %get3A_145] : memref<4x10240xf32, #tpu.memory_space<vmem>>[vector<16xi32>, vector<16xi32>], vector<16xf32>,
        %mul3A_153 = arith.mulf %gather3A_152, %get3A_149 : vector<16xf32>
        tpu.vector_store_idx %arg11[%broadcast_in_dim3A_61, %get3A_147], %mul3A_153 {add = true} : memref<4x10240xf32, #tpu.memory_space<vmem>>[vector<16xi32>, vector<16xi32>], vector<16xf32>,
        %gather3A_154 = tpu.vector_load_idx %arg10[%broadcast_in_dim3A_63, %get3A_145] : memref<4x10240xf32, #tpu.memory_space<vmem>>[vector<16xi32>, vector<16xi32>], vector<16xf32>,
        %mul3A_155 = arith.mulf %gather3A_154, %get3A_149 : vector<16xf32>
        tpu.vector_store_idx %arg11[%broadcast_in_dim3A_63, %get3A_147], %mul3A_155 {add = true} : memref<4x10240xf32, #tpu.memory_space<vmem>>[vector<16xi32>, vector<16xi32>], vector<16xf32>,
        %gather3A_156 = tpu.vector_load_idx %arg10[%broadcast_in_dim3A_65, %get3A_145] : memref<4x10240xf32, #tpu.memory_space<vmem>>[vector<16xi32>, vector<16xi32>], vector<16xf32>,
        %mul3A_157 = arith.mulf %gather3A_156, %get3A_149 : vector<16xf32>
        tpu.vector_store_idx %arg11[%broadcast_in_dim3A_65, %get3A_147], %mul3A_157 {add = true} : memref<4x10240xf32, #tpu.memory_space<vmem>>[vector<16xi32>, vector<16xi32>], vector<16xf32>,
        %scan3A_158 = arith.constant 4 : i32
        %scan3A_159 = arith.addi %scan3A_89, %scan3A_158 : i32
        %mul3A_160 = arith.constant 16 : i32
        %mul3A_161 = arith.muli %scan3A_159, %mul3A_160 : i32
        %get3A_162 = arith.index_cast %mul3A_161 : i32 to index
        %get3A_163 = tpu.vector_load %arg7[%get3A_162] {strides = array<i32>} : memref<2688xi32, #tpu.memory_space<vmem>>, vector<16xi32>,
        %get3A_164 = arith.index_cast %mul3A_161 : i32 to index
        %get3A_165 = tpu.vector_load %arg8[%get3A_164] {strides = array<i32>} : memref<2688xi32, #tpu.memory_space<vmem>>, vector<16xi32>,
        %get3A_166 = arith.index_cast %mul3A_161 : i32 to index
        %get3A_167 = tpu.vector_load %arg9[%get3A_166] {strides = array<i32>} : memref<2688xf32, #tpu.memory_space<vmem>>, vector<16xf32>,
        %gather3A_168 = tpu.vector_load_idx %arg10[%broadcast_in_dim3A_59, %get3A_163] : memref<4x10240xf32, #tpu.memory_space<vmem>>[vector<16xi32>, vector<16xi32>], vector<16xf32>,
        %mul3A_169 = arith.mulf %gather3A_168, %get3A_167 : vector<16xf32>
        tpu.vector_store_idx %arg11[%broadcast_in_dim3A_59, %get3A_165], %mul3A_169 {add = true} : memref<4x10240xf32, #tpu.memory_space<vmem>>[vector<16xi32>, vector<16xi32>], vector<16xf32>,
        %gather3A_170 = tpu.vector_load_idx %arg10[%broadcast_in_dim3A_61, %get3A_163] : memref<4x10240xf32, #tpu.memory_space<vmem>>[vector<16xi32>, vector<16xi32>], vector<16xf32>,
        %mul3A_171 = arith.mulf %gather3A_170, %get3A_167 : vector<16xf32>
        tpu.vector_store_idx %arg11[%broadcast_in_dim3A_61, %get3A_165], %mul3A_171 {add = true} : memref<4x10240xf32, #tpu.memory_space<vmem>>[vector<16xi32>, vector<16xi32>], vector<16xf32>,
        %gather3A_172 = tpu.vector_load_idx %arg10[%broadcast_in_dim3A_63, %get3A_163] : memref<4x10240xf32, #tpu.memory_space<vmem>>[vector<16xi32>, vector<16xi32>], vector<16xf32>,
        %mul3A_173 = arith.mulf %gather3A_172, %get3A_167 : vector<16xf32>
        tpu.vector_store_idx %arg11[%broadcast_in_dim3A_63, %get3A_165], %mul3A_173 {add = true} : memref<4x10240xf32, #tpu.memory_space<vmem>>[vector<16xi32>, vector<16xi32>], vector<16xf32>,
        %gather3A_174 = tpu.vector_load_idx %arg10[%broadcast_in_dim3A_65, %get3A_163] : memref<4x10240xf32, #tpu.memory_space<vmem>>[vector<16xi32>, vector<16xi32>], vector<16xf32>,
        %mul3A_175 = arith.mulf %gather3A_174, %get3A_167 : vector<16xf32>
        tpu.vector_store_idx %arg11[%broadcast_in_dim3A_65, %get3A_165], %mul3A_175 {add = true} : memref<4x10240xf32, #tpu.memory_space<vmem>>[vector<16xi32>, vector<16xi32>], vector<16xf32>,
        %scan3A_176 = arith.constant 5 : i32
        %scan3A_177 = arith.addi %scan3A_89, %scan3A_176 : i32
        %mul3A_178 = arith.constant 16 : i32
        %mul3A_179 = arith.muli %scan3A_177, %mul3A_178 : i32
        %get3A_180 = arith.index_cast %mul3A_179 : i32 to index
        %get3A_181 = tpu.vector_load %arg7[%get3A_180] {strides = array<i32>} : memref<2688xi32, #tpu.memory_space<vmem>>, vector<16xi32>,
        %get3A_182 = arith.index_cast %mul3A_179 : i32 to index
        %get3A_183 = tpu.vector_load %arg8[%get3A_182] {strides = array<i32>} : memref<2688xi32, #tpu.memory_space<vmem>>, vector<16xi32>,
        %get3A_184 = arith.index_cast %mul3A_179 : i32 to index
        %get3A_185 = tpu.vector_load %arg9[%get3A_184] {strides = array<i32>} : memref<2688xf32, #tpu.memory_space<vmem>>, vector<16xf32>,
        %gather3A_186 = tpu.vector_load_idx %arg10[%broadcast_in_dim3A_59, %get3A_181] : memref<4x10240xf32, #tpu.memory_space<vmem>>[vector<16xi32>, vector<16xi32>], vector<16xf32>,
        %mul3A_187 = arith.mulf %gather3A_186, %get3A_185 : vector<16xf32>
        tpu.vector_store_idx %arg11[%broadcast_in_dim3A_59, %get3A_183], %mul3A_187 {add = true} : memref<4x10240xf32, #tpu.memory_space<vmem>>[vector<16xi32>, vector<16xi32>], vector<16xf32>,
        %gather3A_188 = tpu.vector_load_idx %arg10[%broadcast_in_dim3A_61, %get3A_181] : memref<4x10240xf32, #tpu.memory_space<vmem>>[vector<16xi32>, vector<16xi32>], vector<16xf32>,
        %mul3A_189 = arith.mulf %gather3A_188, %get3A_185 : vector<16xf32>
        tpu.vector_store_idx %arg11[%broadcast_in_dim3A_61, %get3A_183], %mul3A_189 {add = true} : memref<4x10240xf32, #tpu.memory_space<vmem>>[vector<16xi32>, vector<16xi32>], vector<16xf32>,
        %gather3A_190 = tpu.vector_load_idx %arg10[%broadcast_in_dim3A_63, %get3A_181] : memref<4x10240xf32, #tpu.memory_space<vmem>>[vector<16xi32>, vector<16xi32>], vector<16xf32>,
        %mul3A_191 = arith.mulf %gather3A_190, %get3A_185 : vector<16xf32>
        tpu.vector_store_idx %arg11[%broadcast_in_dim3A_63, %get3A_183], %mul3A_191 {add = true} : memref<4x10240xf32, #tpu.memory_space<vmem>>[vector<16xi32>, vector<16xi32>], vector<16xf32>,
        %gather3A_192 = tpu.vector_load_idx %arg10[%broadcast_in_dim3A_65, %get3A_181] : memref<4x10240xf32, #tpu.memory_space<vmem>>[vector<16xi32>, vector<16xi32>], vector<16xf32>,
        %mul3A_193 = arith.mulf %gather3A_192, %get3A_185 : vector<16xf32>
        tpu.vector_store_idx %arg11[%broadcast_in_dim3A_65, %get3A_183], %mul3A_193 {add = true} : memref<4x10240xf32, #tpu.memory_space<vmem>>[vector<16xi32>, vector<16xi32>], vector<16xf32>,
        %scan3A_194 = arith.constant 6 : i32
        %scan3A_195 = arith.addi %scan3A_89, %scan3A_194 : i32
        %mul3A_196 = arith.constant 16 : i32
        %mul3A_197 = arith.muli %scan3A_195, %mul3A_196 : i32
        %get3A_198 = arith.index_cast %mul3A_197 : i32 to index
        %get3A_199 = tpu.vector_load %arg7[%get3A_198] {strides = array<i32>} : memref<2688xi32, #tpu.memory_space<vmem>>, vector<16xi32>,
        %get3A_200 = arith.index_cast %mul3A_197 : i32 to index
        %get3A_201 = tpu.vector_load %arg8[%get3A_200] {strides = array<i32>} : memref<2688xi32, #tpu.memory_space<vmem>>, vector<16xi32>,
        %get3A_202 = arith.index_cast %mul3A_197 : i32 to index
        %get3A_203 = tpu.vector_load %arg9[%get3A_202] {strides = array<i32>} : memref<2688xf32, #tpu.memory_space<vmem>>, vector<16xf32>,
        %gather3A_204 = tpu.vector_load_idx %arg10[%broadcast_in_dim3A_59, %get3A_199] : memref<4x10240xf32, #tpu.memory_space<vmem>>[vector<16xi32>, vector<16xi32>], vector<16xf32>,
        %mul3A_205 = arith.mulf %gather3A_204, %get3A_203 : vector<16xf32>
        tpu.vector_store_idx %arg11[%broadcast_in_dim3A_59, %get3A_201], %mul3A_205 {add = true} : memref<4x10240xf32, #tpu.memory_space<vmem>>[vector<16xi32>, vector<16xi32>], vector<16xf32>,
        %gather3A_206 = tpu.vector_load_idx %arg10[%broadcast_in_dim3A_61, %get3A_199] : memref<4x10240xf32, #tpu.memory_space<vmem>>[vector<16xi32>, vector<16xi32>], vector<16xf32>,
        %mul3A_207 = arith.mulf %gather3A_206, %get3A_203 : vector<16xf32>
        tpu.vector_store_idx %arg11[%broadcast_in_dim3A_61, %get3A_201], %mul3A_207 {add = true} : memref<4x10240xf32, #tpu.memory_space<vmem>>[vector<16xi32>, vector<16xi32>], vector<16xf32>,
        %gather3A_208 = tpu.vector_load_idx %arg10[%broadcast_in_dim3A_63, %get3A_199] : memref<4x10240xf32, #tpu.memory_space<vmem>>[vector<16xi32>, vector<16xi32>], vector<16xf32>,
        %mul3A_209 = arith.mulf %gather3A_208, %get3A_203 : vector<16xf32>
        tpu.vector_store_idx %arg11[%broadcast_in_dim3A_63, %get3A_201], %mul3A_209 {add = true} : memref<4x10240xf32, #tpu.memory_space<vmem>>[vector<16xi32>, vector<16xi32>], vector<16xf32>,
        %gather3A_210 = tpu.vector_load_idx %arg10[%broadcast_in_dim3A_65, %get3A_199] : memref<4x10240xf32, #tpu.memory_space<vmem>>[vector<16xi32>, vector<16xi32>], vector<16xf32>,
        %mul3A_211 = arith.mulf %gather3A_210, %get3A_203 : vector<16xf32>
        tpu.vector_store_idx %arg11[%broadcast_in_dim3A_65, %get3A_201], %mul3A_211 {add = true} : memref<4x10240xf32, #tpu.memory_space<vmem>>[vector<16xi32>, vector<16xi32>], vector<16xf32>,
        %scan3A_212 = arith.constant 7 : i32
        %scan3A_213 = arith.addi %scan3A_89, %scan3A_212 : i32
        %mul3A_214 = arith.constant 16 : i32
        %mul3A_215 = arith.muli %scan3A_213, %mul3A_214 : i32
        %get3A_216 = arith.index_cast %mul3A_215 : i32 to index
        %get3A_217 = tpu.vector_load %arg7[%get3A_216] {strides = array<i32>} : memref<2688xi32, #tpu.memory_space<vmem>>, vector<16xi32>,
        %get3A_218 = arith.index_cast %mul3A_215 : i32 to index
        %get3A_219 = tpu.vector_load %arg8[%get3A_218] {strides = array<i32>} : memref<2688xi32, #tpu.memory_space<vmem>>, vector<16xi32>,
        %get3A_220 = arith.index_cast %mul3A_215 : i32 to index
        %get3A_221 = tpu.vector_load %arg9[%get3A_220] {strides = array<i32>} : memref<2688xf32, #tpu.memory_space<vmem>>, vector<16xf32>,
        %gather3A_222 = tpu.vector_load_idx %arg10[%broadcast_in_dim3A_59, %get3A_217] : memref<4x10240xf32, #tpu.memory_space<vmem>>[vector<16xi32>, vector<16xi32>], vector<16xf32>,
        %mul3A_223 = arith.mulf %gather3A_222, %get3A_221 : vector<16xf32>
        tpu.vector_store_idx %arg11[%broadcast_in_dim3A_59, %get3A_219], %mul3A_223 {add = true} : memref<4x10240xf32, #tpu.memory_space<vmem>>[vector<16xi32>, vector<16xi32>], vector<16xf32>,
        %gather3A_224 = tpu.vector_load_idx %arg10[%broadcast_in_dim3A_61, %get3A_217] : memref<4x10240xf32, #tpu.memory_space<vmem>>[vector<16xi32>, vector<16xi32>], vector<16xf32>,
        %mul3A_225 = arith.mulf %gather3A_224, %get3A_221 : vector<16xf32>
        tpu.vector_store_idx %arg11[%broadcast_in_dim3A_61, %get3A_219], %mul3A_225 {add = true} : memref<4x10240xf32, #tpu.memory_space<vmem>>[vector<16xi32>, vector<16xi32>], vector<16xf32>,
        %gather3A_226 = tpu.vector_load_idx %arg10[%broadcast_in_dim3A_63, %get3A_217] : memref<4x10240xf32, #tpu.memory_space<vmem>>[vector<16xi32>, vector<16xi32>], vector<16xf32>,
        %mul3A_227 = arith.mulf %gather3A_226, %get3A_221 : vector<16xf32>
        tpu.vector_store_idx %arg11[%broadcast_in_dim3A_63, %get3A_219], %mul3A_227 {add = true} : memref<4x10240xf32, #tpu.memory_space<vmem>>[vector<16xi32>, vector<16xi32>], vector<16xf32>,
        %gather3A_228 = tpu.vector_load_idx %arg10[%broadcast_in_dim3A_65, %get3A_217] : memref<4x10240xf32, #tpu.memory_space<vmem>>[vector<16xi32>, vector<16xi32>], vector<16xf32>,
        %mul3A_229 = arith.mulf %gather3A_228, %get3A_221 : vector<16xf32>
        tpu.vector_store_idx %arg11[%broadcast_in_dim3A_65, %get3A_219], %mul3A_229 {add = true} : memref<4x10240xf32, #tpu.memory_space<vmem>>[vector<16xi32>, vector<16xi32>], vector<16xf32>,
      }
      %scan3A_88 = arith.constant 168 : i32
    }
    %scan3A_76 = arith.constant 32 : i32
    "tpu.region"() ({
      %run_scoped3A = tpu.sem_alloc : memref<!tpu.dma_semaphore, #tpu.memory_space<semaphore_mem>>
      %dma_start3A = arith.constant 0 : i32
      %dma_start3A_77 = arith.constant 0 : i32
      %dma_start3A_78 = tpu.memref_slice %arg6[%select_n3A_32, %dma_start3A, %dma_start3A_77] : memref<2x64x10240xf32, #tpu.memory_space<hbm>> -> memref<1x64x10240xf32, #tpu.memory_space<hbm>>
      %dma_start3A_79 = tpu.memref_squeeze %dma_start3A_78 : memref<1x64x10240xf32, #tpu.memory_space<hbm>> -> memref<64x10240xf32, #tpu.memory_space<hbm>>
      %dma_start3A_80 = arith.constant 0 : i32
      %dma_start3A_81 = tpu.memref_slice %dma_start3A_79[%mul3A_11, %dma_start3A_80] : memref<64x10240xf32, #tpu.memory_space<hbm>> -> memref<4x10240xf32, #tpu.memory_space<hbm>>
      %dma_start3A_82 = arith.constant 0 : i32
      %dma_start3A_83 = arith.constant 0 : i32
      %dma_start3A_84 = tpu.memref_slice %arg6[%select_n3A_32, %dma_start3A_82, %dma_start3A_83] : memref<2x64x10240xf32, #tpu.memory_space<hbm>> -> memref<1x64x10240xf32, #tpu.memory_space<hbm>>
      %dma_start3A_85 = tpu.memref_squeeze %dma_start3A_84 : memref<1x64x10240xf32, #tpu.memory_space<hbm>> -> memref<64x10240xf32, #tpu.memory_space<hbm>>
      %dma_start3A_86 = arith.constant 0 : i32
      %dma_start3A_87 = tpu.memref_slice %dma_start3A_85[%mul3A_11, %dma_start3A_86] : memref<64x10240xf32, #tpu.memory_space<hbm>> -> memref<4x10240xf32, #tpu.memory_space<hbm>>
      tpu.enqueue_dma source(%arg11 : memref<4x10240xf32, #tpu.memory_space<vmem>>) target(%dma_start3A_87 : memref<4x10240xf32, #tpu.memory_space<hbm>>) target_semaphore(%run_scoped3A : memref<!tpu.dma_semaphore, #tpu.memory_space<semaphore_mem>>)
      %dma_wait3A = arith.constant 0 : i32
      %dma_wait3A_88 = arith.constant 0 : i32
      %dma_wait3A_89 = tpu.memref_slice %arg6[%select_n3A_32, %dma_wait3A, %dma_wait3A_88] : memref<2x64x10240xf32, #tpu.memory_space<hbm>> -> memref<1x64x10240xf32, #tpu.memory_space<hbm>>
      %dma_wait3A_90 = tpu.memref_squeeze %dma_wait3A_89 : memref<1x64x10240xf32, #tpu.memory_space<hbm>> -> memref<64x10240xf32, #tpu.memory_space<hbm>>
      %dma_wait3A_91 = arith.constant 0 : i32
      %dma_wait3A_92 = tpu.memref_slice %dma_wait3A_90[%mul3A_11, %dma_wait3A_91] : memref<64x10240xf32, #tpu.memory_space<hbm>> -> memref<4x10240xf32, #tpu.memory_space<hbm>>
      %dma_wait3A_93 = arith.constant 0 : i32
      %dma_wait3A_94 = arith.constant 0 : i32
      %dma_wait3A_95 = tpu.memref_slice %arg6[%select_n3A_32, %dma_wait3A_93, %dma_wait3A_94] : memref<2x64x10240xf32, #tpu.memory_space<hbm>> -> memref<1x64x10240xf32, #tpu.memory_space<hbm>>
      %dma_wait3A_96 = tpu.memref_squeeze %dma_wait3A_95 : memref<1x64x10240xf32, #tpu.memory_space<hbm>> -> memref<64x10240xf32, #tpu.memory_space<hbm>>
      %dma_wait3A_97 = arith.constant 0 : i32
      %dma_wait3A_98 = tpu.memref_slice %dma_wait3A_96[%mul3A_11, %dma_wait3A_97] : memref<64x10240xf32, #tpu.memory_space<hbm>> -> memref<4x10240xf32, #tpu.memory_space<hbm>>
      tpu.wait_dma2 semaphore(%run_scoped3A : memref<!tpu.dma_semaphore, #tpu.memory_space<semaphore_mem>>) src(%arg11 : memref<4x10240xf32, #tpu.memory_space<vmem>>) dst(%dma_wait3A_98 : memref<4x10240xf32, #tpu.memory_space<hbm>>)
      tpu.yield
    }) : () -> ()
    return
  }
}

#map = affine_map<(d0, d1) -> (0)>
#map1 = affine_map<(d0, d1) -> (0, 0)>
module attributes {stable_mosaic.version = 14 : i64} {
  func.func @k(%arg0: i32, %arg1: i32, %arg2: memref<172032xi32, #tpu.memory_space<hbm>>, %arg3: memref<172032xi32, #tpu.memory_space<hbm>>, %arg4: memref<8x10240xf32, #tpu.memory_space<hbm>>, %arg5: memref<8x10240xf32, #tpu.memory_space<hbm>>, %arg6: memref<8x172032xf32, #tpu.memory_space<hbm>>, %arg7: memref<32x10240xf32, #tpu.memory_space<hbm>>, %arg8: memref<2688xi32, #tpu.memory_space<vmem>>, %arg9: memref<2688xi32, #tpu.memory_space<vmem>>, %arg10: memref<2688xf32, #tpu.memory_space<vmem>>, %arg11: memref<10240xf32, #tpu.memory_space<vmem>>, %arg12: memref<10240xf32, #tpu.memory_space<vmem>>, %arg13: memref<10240xf32, #tpu.memory_space<vmem>>) attributes {dimension_semantics = [#tpu.dimension_semantics<core_parallel>, #tpu.dimension_semantics<subcore_parallel>], iteration_bounds = array<i64: 2, 16>, scalar_prefetch = 0 : i64, scratch_operands = 6 : i64, tpu.core_type = #tpu.core_type<sc_vector_subcore>, window_params = [{transform_indices = #map}, {transform_indices = #map}, {transform_indices = #map1}, {transform_indices = #map1}, {transform_indices = #map1}, {transform_indices = #map1}]} {
    %mul3A = arith.constant 16 : i32
    %mul3A_0 = arith.muli %arg0, %mul3A : i32
    %add3A = arith.addi %mul3A_0, %arg1 : i32
    %jit3A = arith.constant 8 : i32
    %eq3A = arith.constant 0 : i32
    %eq3A_1 = arith.cmpi eq, %jit3A, %eq3A : i32
    %jit3A_2 = arith.constant 1 : i32
    %select_n3A = arith.select %eq3A_1, %jit3A_2, %jit3A : i32
    %rem3A = arith.remsi %add3A, %select_n3A : i32
    %ne3A = arith.constant 0 : i32
    %ne3A_3 = arith.cmpi ne, %rem3A, %ne3A : i32
    %lt3A = arith.constant 0 : i32
    %lt3A_4 = arith.cmpi slt, %rem3A, %lt3A : i32
    %lt3A_5 = arith.constant 0 : i32
    %lt3A_6 = arith.cmpi slt, %select_n3A, %lt3A_5 : i32
    %ne3A_7 = arith.xori %lt3A_4, %lt3A_6 : i1
    %and3A = arith.andi %ne3A_7, %ne3A_3 : i1
    %add3A_8 = arith.addi %rem3A, %select_n3A : i32
    %select_n3A_9 = arith.select %and3A, %add3A_8, %rem3A : i32
    %jit3A_10 = arith.constant 8 : i32
    %div3A = arith.divsi %add3A, %jit3A_10 : i32
    %sign3A = arith.constant 0 : i32
    %sign3A_11 = arith.cmpi sgt, %add3A, %sign3A : i32
    %sign3A_12 = arith.extui %sign3A_11 : i1 to i32
    %sign3A_13 = arith.constant 0 : i32
    %sign3A_14 = arith.cmpi slt, %add3A, %sign3A_13 : i32
    %sign3A_15 = arith.extui %sign3A_14 : i1 to i32
    %sign3A_16 = arith.subi %sign3A_12, %sign3A_15 : i32
    %sign3A_17 = arith.constant 0 : i32
    %sign3A_18 = arith.cmpi sgt, %jit3A_10, %sign3A_17 : i32
    %sign3A_19 = arith.extui %sign3A_18 : i1 to i32
    %sign3A_20 = arith.constant 0 : i32
    %sign3A_21 = arith.cmpi slt, %jit3A_10, %sign3A_20 : i32
    %sign3A_22 = arith.extui %sign3A_21 : i1 to i32
    %sign3A_23 = arith.subi %sign3A_19, %sign3A_22 : i32
    %ne3A_24 = arith.cmpi ne, %sign3A_16, %sign3A_23 : i32
    %rem3A_25 = arith.remsi %add3A, %jit3A_10 : i32
    %ne3A_26 = arith.constant 0 : i32
    %ne3A_27 = arith.cmpi ne, %rem3A_25, %ne3A_26 : i32
    %and3A_28 = arith.andi %ne3A_24, %ne3A_27 : i1
    %sub3A = arith.constant 1 : i32
    %sub3A_29 = arith.subi %div3A, %sub3A : i32
    %select_n3A_30 = arith.select %and3A_28, %sub3A_29, %div3A : i32
    "tpu.region"() ({
      %run_scoped3A = tpu.sem_alloc : memref<!tpu.dma_semaphore, #tpu.memory_space<semaphore_mem>>
      %dma_start3A = arith.constant 0 : i32
      %dma_start3A_43 = tpu.memref_slice %arg4[%select_n3A_9, %dma_start3A] : memref<8x10240xf32, #tpu.memory_space<hbm>> -> memref<1x10240xf32, #tpu.memory_space<hbm>>
      %dma_start3A_44 = tpu.memref_squeeze %dma_start3A_43 : memref<1x10240xf32, #tpu.memory_space<hbm>> -> memref<10240xf32, #tpu.memory_space<hbm>>
      %dma_start3A_45 = arith.constant 0 : i32
      %dma_start3A_46 = tpu.memref_slice %arg4[%select_n3A_9, %dma_start3A_45] : memref<8x10240xf32, #tpu.memory_space<hbm>> -> memref<1x10240xf32, #tpu.memory_space<hbm>>
      %dma_start3A_47 = tpu.memref_squeeze %dma_start3A_46 : memref<1x10240xf32, #tpu.memory_space<hbm>> -> memref<10240xf32, #tpu.memory_space<hbm>>
      tpu.enqueue_dma source(%dma_start3A_47 : memref<10240xf32, #tpu.memory_space<hbm>>) target(%arg11 : memref<10240xf32, #tpu.memory_space<vmem>>) target_semaphore(%run_scoped3A : memref<!tpu.dma_semaphore, #tpu.memory_space<semaphore_mem>>)
      %dma_wait3A = arith.constant 0 : i32
      %dma_wait3A_48 = tpu.memref_slice %arg4[%select_n3A_9, %dma_wait3A] : memref<8x10240xf32, #tpu.memory_space<hbm>> -> memref<1x10240xf32, #tpu.memory_space<hbm>>
      %dma_wait3A_49 = tpu.memref_squeeze %dma_wait3A_48 : memref<1x10240xf32, #tpu.memory_space<hbm>> -> memref<10240xf32, #tpu.memory_space<hbm>>
      %dma_wait3A_50 = arith.constant 0 : i32
      %dma_wait3A_51 = tpu.memref_slice %arg4[%select_n3A_9, %dma_wait3A_50] : memref<8x10240xf32, #tpu.memory_space<hbm>> -> memref<1x10240xf32, #tpu.memory_space<hbm>>
      %dma_wait3A_52 = tpu.memref_squeeze %dma_wait3A_51 : memref<1x10240xf32, #tpu.memory_space<hbm>> -> memref<10240xf32, #tpu.memory_space<hbm>>
      tpu.wait_dma2 semaphore(%run_scoped3A : memref<!tpu.dma_semaphore, #tpu.memory_space<semaphore_mem>>) src(%dma_wait3A_52 : memref<10240xf32, #tpu.memory_space<hbm>>) dst(%arg11 : memref<10240xf32, #tpu.memory_space<vmem>>)
      tpu.yield
    }) : () -> ()
    "tpu.region"() ({
      %run_scoped3A = tpu.sem_alloc : memref<!tpu.dma_semaphore, #tpu.memory_space<semaphore_mem>>
      %dma_start3A = arith.constant 0 : i32
      %dma_start3A_43 = tpu.memref_slice %arg5[%select_n3A_9, %dma_start3A] : memref<8x10240xf32, #tpu.memory_space<hbm>> -> memref<1x10240xf32, #tpu.memory_space<hbm>>
      %dma_start3A_44 = tpu.memref_squeeze %dma_start3A_43 : memref<1x10240xf32, #tpu.memory_space<hbm>> -> memref<10240xf32, #tpu.memory_space<hbm>>
      %dma_start3A_45 = arith.constant 0 : i32
      %dma_start3A_46 = tpu.memref_slice %arg5[%select_n3A_9, %dma_start3A_45] : memref<8x10240xf32, #tpu.memory_space<hbm>> -> memref<1x10240xf32, #tpu.memory_space<hbm>>
      %dma_start3A_47 = tpu.memref_squeeze %dma_start3A_46 : memref<1x10240xf32, #tpu.memory_space<hbm>> -> memref<10240xf32, #tpu.memory_space<hbm>>
      tpu.enqueue_dma source(%dma_start3A_47 : memref<10240xf32, #tpu.memory_space<hbm>>) target(%arg12 : memref<10240xf32, #tpu.memory_space<vmem>>) target_semaphore(%run_scoped3A : memref<!tpu.dma_semaphore, #tpu.memory_space<semaphore_mem>>)
      %dma_wait3A = arith.constant 0 : i32
      %dma_wait3A_48 = tpu.memref_slice %arg5[%select_n3A_9, %dma_wait3A] : memref<8x10240xf32, #tpu.memory_space<hbm>> -> memref<1x10240xf32, #tpu.memory_space<hbm>>
      %dma_wait3A_49 = tpu.memref_squeeze %dma_wait3A_48 : memref<1x10240xf32, #tpu.memory_space<hbm>> -> memref<10240xf32, #tpu.memory_space<hbm>>
      %dma_wait3A_50 = arith.constant 0 : i32
      %dma_wait3A_51 = tpu.memref_slice %arg5[%select_n3A_9, %dma_wait3A_50] : memref<8x10240xf32, #tpu.memory_space<hbm>> -> memref<1x10240xf32, #tpu.memory_space<hbm>>
      %dma_wait3A_52 = tpu.memref_squeeze %dma_wait3A_51 : memref<1x10240xf32, #tpu.memory_space<hbm>> -> memref<10240xf32, #tpu.memory_space<hbm>>
      tpu.wait_dma2 semaphore(%run_scoped3A : memref<!tpu.dma_semaphore, #tpu.memory_space<semaphore_mem>>) src(%dma_wait3A_52 : memref<10240xf32, #tpu.memory_space<hbm>>) dst(%arg12 : memref<10240xf32, #tpu.memory_space<vmem>>)
      tpu.yield
    }) : () -> ()
    %broadcast_in_dim3A = arith.constant 0.000000e+00 : f32
    %broadcast_in_dim3A_31 = vector.broadcast %broadcast_in_dim3A : f32 to vector<16xf32>
    %iota3A = tpu.iota {dimensions = array<i32: 0>} : vector<16xi32>
    %scan3A = arith.constant 0 : i32
    %scan3A_32 = arith.constant 0 : i32
    %scan3A_33 = arith.constant 640 : i32
    %scan3A_34 = arith.addi %scan3A_32, %scan3A_33 : i32
    %scan3A_35 = arith.constant 1 : i32
    scf.for %scan3A_43 = %scan3A_32 to %scan3A_34 step %scan3A_35  : i32 {
      %mul3A_44 = arith.constant 16 : i32
      %mul3A_45 = arith.muli %scan3A_43, %mul3A_44 : i32
      %add3A_46 = vector.broadcast %mul3A_45 : i32 to vector<16xi32>
      %add3A_47 = arith.addi %iota3A, %add3A_46 : vector<16xi32>
      tpu.vector_store_idx %arg13[%add3A_47], %broadcast_in_dim3A_31 : memref<10240xf32, #tpu.memory_space<vmem>>[vector<16xi32>], vector<16xf32>,
    }
    %scan3A_36 = arith.constant 640 : i32
    %scan3A_37 = arith.constant 0 : i32
    %scan3A_38 = arith.constant 0 : i32
    %scan3A_39 = arith.constant 16 : i32
    %scan3A_40 = arith.addi %scan3A_38, %scan3A_39 : i32
    %scan3A_41 = arith.constant 1 : i32
    scf.for %scan3A_43 = %scan3A_38 to %scan3A_40 step %scan3A_41  : i32 {
      %mul3A_44 = arith.constant 43008 : i32
      %mul3A_45 = arith.muli %select_n3A_30, %mul3A_44 : i32
      %mul3A_46 = arith.constant 2688 : i32
      %mul3A_47 = arith.muli %scan3A_43, %mul3A_46 : i32
      %add3A_48 = arith.addi %mul3A_45, %mul3A_47 : i32
      "tpu.region"() ({
        %run_scoped3A = tpu.sem_alloc : memref<!tpu.dma_semaphore, #tpu.memory_space<semaphore_mem>>
        %dma_start3A = tpu.memref_slice %arg2[%add3A_48] : memref<172032xi32, #tpu.memory_space<hbm>> -> memref<2688xi32, #tpu.memory_space<hbm>>
        %dma_start3A_218 = tpu.memref_slice %arg2[%add3A_48] : memref<172032xi32, #tpu.memory_space<hbm>> -> memref<2688xi32, #tpu.memory_space<hbm>>
        tpu.enqueue_dma source(%dma_start3A_218 : memref<2688xi32, #tpu.memory_space<hbm>>) target(%arg8 : memref<2688xi32, #tpu.memory_space<vmem>>) target_semaphore(%run_scoped3A : memref<!tpu.dma_semaphore, #tpu.memory_space<semaphore_mem>>)
        %dma_wait3A = tpu.memref_slice %arg2[%add3A_48] : memref<172032xi32, #tpu.memory_space<hbm>> -> memref<2688xi32, #tpu.memory_space<hbm>>
        %dma_wait3A_219 = tpu.memref_slice %arg2[%add3A_48] : memref<172032xi32, #tpu.memory_space<hbm>> -> memref<2688xi32, #tpu.memory_space<hbm>>
        tpu.wait_dma2 semaphore(%run_scoped3A : memref<!tpu.dma_semaphore, #tpu.memory_space<semaphore_mem>>) src(%dma_wait3A_219 : memref<2688xi32, #tpu.memory_space<hbm>>) dst(%arg8 : memref<2688xi32, #tpu.memory_space<vmem>>)
        tpu.yield
      }) : () -> ()
      "tpu.region"() ({
        %run_scoped3A = tpu.sem_alloc : memref<!tpu.dma_semaphore, #tpu.memory_space<semaphore_mem>>
        %dma_start3A = tpu.memref_slice %arg3[%add3A_48] : memref<172032xi32, #tpu.memory_space<hbm>> -> memref<2688xi32, #tpu.memory_space<hbm>>
        %dma_start3A_218 = tpu.memref_slice %arg3[%add3A_48] : memref<172032xi32, #tpu.memory_space<hbm>> -> memref<2688xi32, #tpu.memory_space<hbm>>
        tpu.enqueue_dma source(%dma_start3A_218 : memref<2688xi32, #tpu.memory_space<hbm>>) target(%arg9 : memref<2688xi32, #tpu.memory_space<vmem>>) target_semaphore(%run_scoped3A : memref<!tpu.dma_semaphore, #tpu.memory_space<semaphore_mem>>)
        %dma_wait3A = tpu.memref_slice %arg3[%add3A_48] : memref<172032xi32, #tpu.memory_space<hbm>> -> memref<2688xi32, #tpu.memory_space<hbm>>
        %dma_wait3A_219 = tpu.memref_slice %arg3[%add3A_48] : memref<172032xi32, #tpu.memory_space<hbm>> -> memref<2688xi32, #tpu.memory_space<hbm>>
        tpu.wait_dma2 semaphore(%run_scoped3A : memref<!tpu.dma_semaphore, #tpu.memory_space<semaphore_mem>>) src(%dma_wait3A_219 : memref<2688xi32, #tpu.memory_space<hbm>>) dst(%arg9 : memref<2688xi32, #tpu.memory_space<vmem>>)
        tpu.yield
      }) : () -> ()
      %scan3A_49 = arith.constant 0 : i32
      %scan3A_50 = arith.constant 0 : i32
      %scan3A_51 = arith.constant 160 : i32
      %scan3A_52 = arith.addi %scan3A_50, %scan3A_51 : i32
      %scan3A_53 = arith.constant 16 : i32
      scf.for %scan3A_218 = %scan3A_50 to %scan3A_52 step %scan3A_53  : i32 {
        %mul3A_219 = arith.constant 16 : i32
        %mul3A_220 = arith.muli %scan3A_218, %mul3A_219 : i32
        %get3A_221 = arith.index_cast %mul3A_220 : i32 to index
        %get3A_222 = tpu.vector_load %arg8[%get3A_221] {strides = array<i32>} : memref<2688xi32, #tpu.memory_space<vmem>>, vector<16xi32>,
        %get3A_223 = arith.index_cast %mul3A_220 : i32 to index
        %get3A_224 = tpu.vector_load %arg9[%get3A_223] {strides = array<i32>} : memref<2688xi32, #tpu.memory_space<vmem>>, vector<16xi32>,
        %gather3A_225 = tpu.vector_load_idx %arg11[%get3A_222] : memref<10240xf32, #tpu.memory_space<vmem>>[vector<16xi32>], vector<16xf32>,
        %gather3A_226 = tpu.vector_load_idx %arg12[%get3A_224] : memref<10240xf32, #tpu.memory_space<vmem>>[vector<16xi32>], vector<16xf32>,
        %add3A_227 = arith.addf %gather3A_225, %gather3A_226 : vector<16xf32>
        %gt3A_228 = arith.constant 0.000000e+00 : f32
        %gt3A_229 = vector.broadcast %gt3A_228 : f32 to vector<16xf32>
        %gt3A_230 = arith.cmpf ogt, %add3A_227, %gt3A_229 : vector<16xf32>
        %mul3A_231 = arith.constant 2.000000e-01 : f32
        %mul3A_232 = vector.broadcast %mul3A_231 : f32 to vector<16xf32>
        %mul3A_233 = arith.mulf %add3A_227, %mul3A_232 : vector<16xf32>
        %select_n3A_234 = arith.select %gt3A_230, %add3A_227, %mul3A_233 : vector<16xi1>, vector<16xf32>
        %exp3A_235 = math.exp %select_n3A_234 : vector<16xf32>
        %swap3A_236 = arith.index_cast %mul3A_220 : i32 to index
        %swap3A_237 = tpu.vector_load %arg10[%swap3A_236] {strides = array<i32>} : memref<2688xf32, #tpu.memory_space<vmem>>, vector<16xf32>,
        tpu.vector_store %arg10[%swap3A_236], %exp3A_235 {strides = array<i32>} : memref<2688xf32, #tpu.memory_space<vmem>>, vector<16xf32>,
        tpu.vector_store_idx %arg13[%get3A_224], %exp3A_235 {add = true} : memref<10240xf32, #tpu.memory_space<vmem>>[vector<16xi32>], vector<16xf32>,
        %scan3A_238 = arith.constant 1 : i32
        %scan3A_239 = arith.addi %scan3A_218, %scan3A_238 : i32
        %mul3A_240 = arith.constant 16 : i32
        %mul3A_241 = arith.muli %scan3A_239, %mul3A_240 : i32
        %get3A_242 = arith.index_cast %mul3A_241 : i32 to index
        %get3A_243 = tpu.vector_load %arg8[%get3A_242] {strides = array<i32>} : memref<2688xi32, #tpu.memory_space<vmem>>, vector<16xi32>,
        %get3A_244 = arith.index_cast %mul3A_241 : i32 to index
        %get3A_245 = tpu.vector_load %arg9[%get3A_244] {strides = array<i32>} : memref<2688xi32, #tpu.memory_space<vmem>>, vector<16xi32>,
        %gather3A_246 = tpu.vector_load_idx %arg11[%get3A_243] : memref<10240xf32, #tpu.memory_space<vmem>>[vector<16xi32>], vector<16xf32>,
        %gather3A_247 = tpu.vector_load_idx %arg12[%get3A_245] : memref<10240xf32, #tpu.memory_space<vmem>>[vector<16xi32>], vector<16xf32>,
        %add3A_248 = arith.addf %gather3A_246, %gather3A_247 : vector<16xf32>
        %gt3A_249 = arith.constant 0.000000e+00 : f32
        %gt3A_250 = vector.broadcast %gt3A_249 : f32 to vector<16xf32>
        %gt3A_251 = arith.cmpf ogt, %add3A_248, %gt3A_250 : vector<16xf32>
        %mul3A_252 = arith.constant 2.000000e-01 : f32
        %mul3A_253 = vector.broadcast %mul3A_252 : f32 to vector<16xf32>
        %mul3A_254 = arith.mulf %add3A_248, %mul3A_253 : vector<16xf32>
        %select_n3A_255 = arith.select %gt3A_251, %add3A_248, %mul3A_254 : vector<16xi1>, vector<16xf32>
        %exp3A_256 = math.exp %select_n3A_255 : vector<16xf32>
        %swap3A_257 = arith.index_cast %mul3A_241 : i32 to index
        %swap3A_258 = tpu.vector_load %arg10[%swap3A_257] {strides = array<i32>} : memref<2688xf32, #tpu.memory_space<vmem>>, vector<16xf32>,
        tpu.vector_store %arg10[%swap3A_257], %exp3A_256 {strides = array<i32>} : memref<2688xf32, #tpu.memory_space<vmem>>, vector<16xf32>,
        tpu.vector_store_idx %arg13[%get3A_245], %exp3A_256 {add = true} : memref<10240xf32, #tpu.memory_space<vmem>>[vector<16xi32>], vector<16xf32>,
        %scan3A_259 = arith.constant 2 : i32
        %scan3A_260 = arith.addi %scan3A_218, %scan3A_259 : i32
        %mul3A_261 = arith.constant 16 : i32
        %mul3A_262 = arith.muli %scan3A_260, %mul3A_261 : i32
        %get3A_263 = arith.index_cast %mul3A_262 : i32 to index
        %get3A_264 = tpu.vector_load %arg8[%get3A_263] {strides = array<i32>} : memref<2688xi32, #tpu.memory_space<vmem>>, vector<16xi32>,
        %get3A_265 = arith.index_cast %mul3A_262 : i32 to index
        %get3A_266 = tpu.vector_load %arg9[%get3A_265] {strides = array<i32>} : memref<2688xi32, #tpu.memory_space<vmem>>, vector<16xi32>,
        %gather3A_267 = tpu.vector_load_idx %arg11[%get3A_264] : memref<10240xf32, #tpu.memory_space<vmem>>[vector<16xi32>], vector<16xf32>,
        %gather3A_268 = tpu.vector_load_idx %arg12[%get3A_266] : memref<10240xf32, #tpu.memory_space<vmem>>[vector<16xi32>], vector<16xf32>,
        %add3A_269 = arith.addf %gather3A_267, %gather3A_268 : vector<16xf32>
        %gt3A_270 = arith.constant 0.000000e+00 : f32
        %gt3A_271 = vector.broadcast %gt3A_270 : f32 to vector<16xf32>
        %gt3A_272 = arith.cmpf ogt, %add3A_269, %gt3A_271 : vector<16xf32>
        %mul3A_273 = arith.constant 2.000000e-01 : f32
        %mul3A_274 = vector.broadcast %mul3A_273 : f32 to vector<16xf32>
        %mul3A_275 = arith.mulf %add3A_269, %mul3A_274 : vector<16xf32>
        %select_n3A_276 = arith.select %gt3A_272, %add3A_269, %mul3A_275 : vector<16xi1>, vector<16xf32>
        %exp3A_277 = math.exp %select_n3A_276 : vector<16xf32>
        %swap3A_278 = arith.index_cast %mul3A_262 : i32 to index
        %swap3A_279 = tpu.vector_load %arg10[%swap3A_278] {strides = array<i32>} : memref<2688xf32, #tpu.memory_space<vmem>>, vector<16xf32>,
        tpu.vector_store %arg10[%swap3A_278], %exp3A_277 {strides = array<i32>} : memref<2688xf32, #tpu.memory_space<vmem>>, vector<16xf32>,
        tpu.vector_store_idx %arg13[%get3A_266], %exp3A_277 {add = true} : memref<10240xf32, #tpu.memory_space<vmem>>[vector<16xi32>], vector<16xf32>,
        %scan3A_280 = arith.constant 3 : i32
        %scan3A_281 = arith.addi %scan3A_218, %scan3A_280 : i32
        %mul3A_282 = arith.constant 16 : i32
        %mul3A_283 = arith.muli %scan3A_281, %mul3A_282 : i32
        %get3A_284 = arith.index_cast %mul3A_283 : i32 to index
        %get3A_285 = tpu.vector_load %arg8[%get3A_284] {strides = array<i32>} : memref<2688xi32, #tpu.memory_space<vmem>>, vector<16xi32>,
        %get3A_286 = arith.index_cast %mul3A_283 : i32 to index
        %get3A_287 = tpu.vector_load %arg9[%get3A_286] {strides = array<i32>} : memref<2688xi32, #tpu.memory_space<vmem>>, vector<16xi32>,
        %gather3A_288 = tpu.vector_load_idx %arg11[%get3A_285] : memref<10240xf32, #tpu.memory_space<vmem>>[vector<16xi32>], vector<16xf32>,
        %gather3A_289 = tpu.vector_load_idx %arg12[%get3A_287] : memref<10240xf32, #tpu.memory_space<vmem>>[vector<16xi32>], vector<16xf32>,
        %add3A_290 = arith.addf %gather3A_288, %gather3A_289 : vector<16xf32>
        %gt3A_291 = arith.constant 0.000000e+00 : f32
        %gt3A_292 = vector.broadcast %gt3A_291 : f32 to vector<16xf32>
        %gt3A_293 = arith.cmpf ogt, %add3A_290, %gt3A_292 : vector<16xf32>
        %mul3A_294 = arith.constant 2.000000e-01 : f32
        %mul3A_295 = vector.broadcast %mul3A_294 : f32 to vector<16xf32>
        %mul3A_296 = arith.mulf %add3A_290, %mul3A_295 : vector<16xf32>
        %select_n3A_297 = arith.select %gt3A_293, %add3A_290, %mul3A_296 : vector<16xi1>, vector<16xf32>
        %exp3A_298 = math.exp %select_n3A_297 : vector<16xf32>
        %swap3A_299 = arith.index_cast %mul3A_283 : i32 to index
        %swap3A_300 = tpu.vector_load %arg10[%swap3A_299] {strides = array<i32>} : memref<2688xf32, #tpu.memory_space<vmem>>, vector<16xf32>,
        tpu.vector_store %arg10[%swap3A_299], %exp3A_298 {strides = array<i32>} : memref<2688xf32, #tpu.memory_space<vmem>>, vector<16xf32>,
        tpu.vector_store_idx %arg13[%get3A_287], %exp3A_298 {add = true} : memref<10240xf32, #tpu.memory_space<vmem>>[vector<16xi32>], vector<16xf32>,
        %scan3A_301 = arith.constant 4 : i32
        %scan3A_302 = arith.addi %scan3A_218, %scan3A_301 : i32
        %mul3A_303 = arith.constant 16 : i32
        %mul3A_304 = arith.muli %scan3A_302, %mul3A_303 : i32
        %get3A_305 = arith.index_cast %mul3A_304 : i32 to index
        %get3A_306 = tpu.vector_load %arg8[%get3A_305] {strides = array<i32>} : memref<2688xi32, #tpu.memory_space<vmem>>, vector<16xi32>,
        %get3A_307 = arith.index_cast %mul3A_304 : i32 to index
        %get3A_308 = tpu.vector_load %arg9[%get3A_307] {strides = array<i32>} : memref<2688xi32, #tpu.memory_space<vmem>>, vector<16xi32>,
        %gather3A_309 = tpu.vector_load_idx %arg11[%get3A_306] : memref<10240xf32, #tpu.memory_space<vmem>>[vector<16xi32>], vector<16xf32>,
        %gather3A_310 = tpu.vector_load_idx %arg12[%get3A_308] : memref<10240xf32, #tpu.memory_space<vmem>>[vector<16xi32>], vector<16xf32>,
        %add3A_311 = arith.addf %gather3A_309, %gather3A_310 : vector<16xf32>
        %gt3A_312 = arith.constant 0.000000e+00 : f32
        %gt3A_313 = vector.broadcast %gt3A_312 : f32 to vector<16xf32>
        %gt3A_314 = arith.cmpf ogt, %add3A_311, %gt3A_313 : vector<16xf32>
        %mul3A_315 = arith.constant 2.000000e-01 : f32
        %mul3A_316 = vector.broadcast %mul3A_315 : f32 to vector<16xf32>
        %mul3A_317 = arith.mulf %add3A_311, %mul3A_316 : vector<16xf32>
        %select_n3A_318 = arith.select %gt3A_314, %add3A_311, %mul3A_317 : vector<16xi1>, vector<16xf32>
        %exp3A_319 = math.exp %select_n3A_318 : vector<16xf32>
        %swap3A_320 = arith.index_cast %mul3A_304 : i32 to index
        %swap3A_321 = tpu.vector_load %arg10[%swap3A_320] {strides = array<i32>} : memref<2688xf32, #tpu.memory_space<vmem>>, vector<16xf32>,
        tpu.vector_store %arg10[%swap3A_320], %exp3A_319 {strides = array<i32>} : memref<2688xf32, #tpu.memory_space<vmem>>, vector<16xf32>,
        tpu.vector_store_idx %arg13[%get3A_308], %exp3A_319 {add = true} : memref<10240xf32, #tpu.memory_space<vmem>>[vector<16xi32>], vector<16xf32>,
        %scan3A_322 = arith.constant 5 : i32
        %scan3A_323 = arith.addi %scan3A_218, %scan3A_322 : i32
        %mul3A_324 = arith.constant 16 : i32
        %mul3A_325 = arith.muli %scan3A_323, %mul3A_324 : i32
        %get3A_326 = arith.index_cast %mul3A_325 : i32 to index
        %get3A_327 = tpu.vector_load %arg8[%get3A_326] {strides = array<i32>} : memref<2688xi32, #tpu.memory_space<vmem>>, vector<16xi32>,
        %get3A_328 = arith.index_cast %mul3A_325 : i32 to index
        %get3A_329 = tpu.vector_load %arg9[%get3A_328] {strides = array<i32>} : memref<2688xi32, #tpu.memory_space<vmem>>, vector<16xi32>,
        %gather3A_330 = tpu.vector_load_idx %arg11[%get3A_327] : memref<10240xf32, #tpu.memory_space<vmem>>[vector<16xi32>], vector<16xf32>,
        %gather3A_331 = tpu.vector_load_idx %arg12[%get3A_329] : memref<10240xf32, #tpu.memory_space<vmem>>[vector<16xi32>], vector<16xf32>,
        %add3A_332 = arith.addf %gather3A_330, %gather3A_331 : vector<16xf32>
        %gt3A_333 = arith.constant 0.000000e+00 : f32
        %gt3A_334 = vector.broadcast %gt3A_333 : f32 to vector<16xf32>
        %gt3A_335 = arith.cmpf ogt, %add3A_332, %gt3A_334 : vector<16xf32>
        %mul3A_336 = arith.constant 2.000000e-01 : f32
        %mul3A_337 = vector.broadcast %mul3A_336 : f32 to vector<16xf32>
        %mul3A_338 = arith.mulf %add3A_332, %mul3A_337 : vector<16xf32>
        %select_n3A_339 = arith.select %gt3A_335, %add3A_332, %mul3A_338 : vector<16xi1>, vector<16xf32>
        %exp3A_340 = math.exp %select_n3A_339 : vector<16xf32>
        %swap3A_341 = arith.index_cast %mul3A_325 : i32 to index
        %swap3A_342 = tpu.vector_load %arg10[%swap3A_341] {strides = array<i32>} : memref<2688xf32, #tpu.memory_space<vmem>>, vector<16xf32>,
        tpu.vector_store %arg10[%swap3A_341], %exp3A_340 {strides = array<i32>} : memref<2688xf32, #tpu.memory_space<vmem>>, vector<16xf32>,
        tpu.vector_store_idx %arg13[%get3A_329], %exp3A_340 {add = true} : memref<10240xf32, #tpu.memory_space<vmem>>[vector<16xi32>], vector<16xf32>,
        %scan3A_343 = arith.constant 6 : i32
        %scan3A_344 = arith.addi %scan3A_218, %scan3A_343 : i32
        %mul3A_345 = arith.constant 16 : i32
        %mul3A_346 = arith.muli %scan3A_344, %mul3A_345 : i32
        %get3A_347 = arith.index_cast %mul3A_346 : i32 to index
        %get3A_348 = tpu.vector_load %arg8[%get3A_347] {strides = array<i32>} : memref<2688xi32, #tpu.memory_space<vmem>>, vector<16xi32>,
        %get3A_349 = arith.index_cast %mul3A_346 : i32 to index
        %get3A_350 = tpu.vector_load %arg9[%get3A_349] {strides = array<i32>} : memref<2688xi32, #tpu.memory_space<vmem>>, vector<16xi32>,
        %gather3A_351 = tpu.vector_load_idx %arg11[%get3A_348] : memref<10240xf32, #tpu.memory_space<vmem>>[vector<16xi32>], vector<16xf32>,
        %gather3A_352 = tpu.vector_load_idx %arg12[%get3A_350] : memref<10240xf32, #tpu.memory_space<vmem>>[vector<16xi32>], vector<16xf32>,
        %add3A_353 = arith.addf %gather3A_351, %gather3A_352 : vector<16xf32>
        %gt3A_354 = arith.constant 0.000000e+00 : f32
        %gt3A_355 = vector.broadcast %gt3A_354 : f32 to vector<16xf32>
        %gt3A_356 = arith.cmpf ogt, %add3A_353, %gt3A_355 : vector<16xf32>
        %mul3A_357 = arith.constant 2.000000e-01 : f32
        %mul3A_358 = vector.broadcast %mul3A_357 : f32 to vector<16xf32>
        %mul3A_359 = arith.mulf %add3A_353, %mul3A_358 : vector<16xf32>
        %select_n3A_360 = arith.select %gt3A_356, %add3A_353, %mul3A_359 : vector<16xi1>, vector<16xf32>
        %exp3A_361 = math.exp %select_n3A_360 : vector<16xf32>
        %swap3A_362 = arith.index_cast %mul3A_346 : i32 to index
        %swap3A_363 = tpu.vector_load %arg10[%swap3A_362] {strides = array<i32>} : memref<2688xf32, #tpu.memory_space<vmem>>, vector<16xf32>,
        tpu.vector_store %arg10[%swap3A_362], %exp3A_361 {strides = array<i32>} : memref<2688xf32, #tpu.memory_space<vmem>>, vector<16xf32>,
        tpu.vector_store_idx %arg13[%get3A_350], %exp3A_361 {add = true} : memref<10240xf32, #tpu.memory_space<vmem>>[vector<16xi32>], vector<16xf32>,
        %scan3A_364 = arith.constant 7 : i32
        %scan3A_365 = arith.addi %scan3A_218, %scan3A_364 : i32
        %mul3A_366 = arith.constant 16 : i32
        %mul3A_367 = arith.muli %scan3A_365, %mul3A_366 : i32
        %get3A_368 = arith.index_cast %mul3A_367 : i32 to index
        %get3A_369 = tpu.vector_load %arg8[%get3A_368] {strides = array<i32>} : memref<2688xi32, #tpu.memory_space<vmem>>, vector<16xi32>,
        %get3A_370 = arith.index_cast %mul3A_367 : i32 to index
        %get3A_371 = tpu.vector_load %arg9[%get3A_370] {strides = array<i32>} : memref<2688xi32, #tpu.memory_space<vmem>>, vector<16xi32>,
        %gather3A_372 = tpu.vector_load_idx %arg11[%get3A_369] : memref<10240xf32, #tpu.memory_space<vmem>>[vector<16xi32>], vector<16xf32>,
        %gather3A_373 = tpu.vector_load_idx %arg12[%get3A_371] : memref<10240xf32, #tpu.memory_space<vmem>>[vector<16xi32>], vector<16xf32>,
        %add3A_374 = arith.addf %gather3A_372, %gather3A_373 : vector<16xf32>
        %gt3A_375 = arith.constant 0.000000e+00 : f32
        %gt3A_376 = vector.broadcast %gt3A_375 : f32 to vector<16xf32>
        %gt3A_377 = arith.cmpf ogt, %add3A_374, %gt3A_376 : vector<16xf32>
        %mul3A_378 = arith.constant 2.000000e-01 : f32
        %mul3A_379 = vector.broadcast %mul3A_378 : f32 to vector<16xf32>
        %mul3A_380 = arith.mulf %add3A_374, %mul3A_379 : vector<16xf32>
        %select_n3A_381 = arith.select %gt3A_377, %add3A_374, %mul3A_380 : vector<16xi1>, vector<16xf32>
        %exp3A_382 = math.exp %select_n3A_381 : vector<16xf32>
        %swap3A_383 = arith.index_cast %mul3A_367 : i32 to index
        %swap3A_384 = tpu.vector_load %arg10[%swap3A_383] {strides = array<i32>} : memref<2688xf32, #tpu.memory_space<vmem>>, vector<16xf32>,
        tpu.vector_store %arg10[%swap3A_383], %exp3A_382 {strides = array<i32>} : memref<2688xf32, #tpu.memory_space<vmem>>, vector<16xf32>,
        tpu.vector_store_idx %arg13[%get3A_371], %exp3A_382 {add = true} : memref<10240xf32, #tpu.memory_space<vmem>>[vector<16xi32>], vector<16xf32>,
        %scan3A_385 = arith.constant 8 : i32
        %scan3A_386 = arith.addi %scan3A_218, %scan3A_385 : i32
        %mul3A_387 = arith.constant 16 : i32
        %mul3A_388 = arith.muli %scan3A_386, %mul3A_387 : i32
        %get3A_389 = arith.index_cast %mul3A_388 : i32 to index
        %get3A_390 = tpu.vector_load %arg8[%get3A_389] {strides = array<i32>} : memref<2688xi32, #tpu.memory_space<vmem>>, vector<16xi32>,
        %get3A_391 = arith.index_cast %mul3A_388 : i32 to index
        %get3A_392 = tpu.vector_load %arg9[%get3A_391] {strides = array<i32>} : memref<2688xi32, #tpu.memory_space<vmem>>, vector<16xi32>,
        %gather3A_393 = tpu.vector_load_idx %arg11[%get3A_390] : memref<10240xf32, #tpu.memory_space<vmem>>[vector<16xi32>], vector<16xf32>,
        %gather3A_394 = tpu.vector_load_idx %arg12[%get3A_392] : memref<10240xf32, #tpu.memory_space<vmem>>[vector<16xi32>], vector<16xf32>,
        %add3A_395 = arith.addf %gather3A_393, %gather3A_394 : vector<16xf32>
        %gt3A_396 = arith.constant 0.000000e+00 : f32
        %gt3A_397 = vector.broadcast %gt3A_396 : f32 to vector<16xf32>
        %gt3A_398 = arith.cmpf ogt, %add3A_395, %gt3A_397 : vector<16xf32>
        %mul3A_399 = arith.constant 2.000000e-01 : f32
        %mul3A_400 = vector.broadcast %mul3A_399 : f32 to vector<16xf32>
        %mul3A_401 = arith.mulf %add3A_395, %mul3A_400 : vector<16xf32>
        %select_n3A_402 = arith.select %gt3A_398, %add3A_395, %mul3A_401 : vector<16xi1>, vector<16xf32>
        %exp3A_403 = math.exp %select_n3A_402 : vector<16xf32>
        %swap3A_404 = arith.index_cast %mul3A_388 : i32 to index
        %swap3A_405 = tpu.vector_load %arg10[%swap3A_404] {strides = array<i32>} : memref<2688xf32, #tpu.memory_space<vmem>>, vector<16xf32>,
        tpu.vector_store %arg10[%swap3A_404], %exp3A_403 {strides = array<i32>} : memref<2688xf32, #tpu.memory_space<vmem>>, vector<16xf32>,
        tpu.vector_store_idx %arg13[%get3A_392], %exp3A_403 {add = true} : memref<10240xf32, #tpu.memory_space<vmem>>[vector<16xi32>], vector<16xf32>,
        %scan3A_406 = arith.constant 9 : i32
        %scan3A_407 = arith.addi %scan3A_218, %scan3A_406 : i32
        %mul3A_408 = arith.constant 16 : i32
        %mul3A_409 = arith.muli %scan3A_407, %mul3A_408 : i32
        %get3A_410 = arith.index_cast %mul3A_409 : i32 to index
        %get3A_411 = tpu.vector_load %arg8[%get3A_410] {strides = array<i32>} : memref<2688xi32, #tpu.memory_space<vmem>>, vector<16xi32>,
        %get3A_412 = arith.index_cast %mul3A_409 : i32 to index
        %get3A_413 = tpu.vector_load %arg9[%get3A_412] {strides = array<i32>} : memref<2688xi32, #tpu.memory_space<vmem>>, vector<16xi32>,
        %gather3A_414 = tpu.vector_load_idx %arg11[%get3A_411] : memref<10240xf32, #tpu.memory_space<vmem>>[vector<16xi32>], vector<16xf32>,
        %gather3A_415 = tpu.vector_load_idx %arg12[%get3A_413] : memref<10240xf32, #tpu.memory_space<vmem>>[vector<16xi32>], vector<16xf32>,
        %add3A_416 = arith.addf %gather3A_414, %gather3A_415 : vector<16xf32>
        %gt3A_417 = arith.constant 0.000000e+00 : f32
        %gt3A_418 = vector.broadcast %gt3A_417 : f32 to vector<16xf32>
        %gt3A_419 = arith.cmpf ogt, %add3A_416, %gt3A_418 : vector<16xf32>
        %mul3A_420 = arith.constant 2.000000e-01 : f32
        %mul3A_421 = vector.broadcast %mul3A_420 : f32 to vector<16xf32>
        %mul3A_422 = arith.mulf %add3A_416, %mul3A_421 : vector<16xf32>
        %select_n3A_423 = arith.select %gt3A_419, %add3A_416, %mul3A_422 : vector<16xi1>, vector<16xf32>
        %exp3A_424 = math.exp %select_n3A_423 : vector<16xf32>
        %swap3A_425 = arith.index_cast %mul3A_409 : i32 to index
        %swap3A_426 = tpu.vector_load %arg10[%swap3A_425] {strides = array<i32>} : memref<2688xf32, #tpu.memory_space<vmem>>, vector<16xf32>,
        tpu.vector_store %arg10[%swap3A_425], %exp3A_424 {strides = array<i32>} : memref<2688xf32, #tpu.memory_space<vmem>>, vector<16xf32>,
        tpu.vector_store_idx %arg13[%get3A_413], %exp3A_424 {add = true} : memref<10240xf32, #tpu.memory_space<vmem>>[vector<16xi32>], vector<16xf32>,
        %scan3A_427 = arith.constant 10 : i32
        %scan3A_428 = arith.addi %scan3A_218, %scan3A_427 : i32
        %mul3A_429 = arith.constant 16 : i32
        %mul3A_430 = arith.muli %scan3A_428, %mul3A_429 : i32
        %get3A_431 = arith.index_cast %mul3A_430 : i32 to index
        %get3A_432 = tpu.vector_load %arg8[%get3A_431] {strides = array<i32>} : memref<2688xi32, #tpu.memory_space<vmem>>, vector<16xi32>,
        %get3A_433 = arith.index_cast %mul3A_430 : i32 to index
        %get3A_434 = tpu.vector_load %arg9[%get3A_433] {strides = array<i32>} : memref<2688xi32, #tpu.memory_space<vmem>>, vector<16xi32>,
        %gather3A_435 = tpu.vector_load_idx %arg11[%get3A_432] : memref<10240xf32, #tpu.memory_space<vmem>>[vector<16xi32>], vector<16xf32>,
        %gather3A_436 = tpu.vector_load_idx %arg12[%get3A_434] : memref<10240xf32, #tpu.memory_space<vmem>>[vector<16xi32>], vector<16xf32>,
        %add3A_437 = arith.addf %gather3A_435, %gather3A_436 : vector<16xf32>
        %gt3A_438 = arith.constant 0.000000e+00 : f32
        %gt3A_439 = vector.broadcast %gt3A_438 : f32 to vector<16xf32>
        %gt3A_440 = arith.cmpf ogt, %add3A_437, %gt3A_439 : vector<16xf32>
        %mul3A_441 = arith.constant 2.000000e-01 : f32
        %mul3A_442 = vector.broadcast %mul3A_441 : f32 to vector<16xf32>
        %mul3A_443 = arith.mulf %add3A_437, %mul3A_442 : vector<16xf32>
        %select_n3A_444 = arith.select %gt3A_440, %add3A_437, %mul3A_443 : vector<16xi1>, vector<16xf32>
        %exp3A_445 = math.exp %select_n3A_444 : vector<16xf32>
        %swap3A_446 = arith.index_cast %mul3A_430 : i32 to index
        %swap3A_447 = tpu.vector_load %arg10[%swap3A_446] {strides = array<i32>} : memref<2688xf32, #tpu.memory_space<vmem>>, vector<16xf32>,
        tpu.vector_store %arg10[%swap3A_446], %exp3A_445 {strides = array<i32>} : memref<2688xf32, #tpu.memory_space<vmem>>, vector<16xf32>,
        tpu.vector_store_idx %arg13[%get3A_434], %exp3A_445 {add = true} : memref<10240xf32, #tpu.memory_space<vmem>>[vector<16xi32>], vector<16xf32>,
        %scan3A_448 = arith.constant 11 : i32
        %scan3A_449 = arith.addi %scan3A_218, %scan3A_448 : i32
        %mul3A_450 = arith.constant 16 : i32
        %mul3A_451 = arith.muli %scan3A_449, %mul3A_450 : i32
        %get3A_452 = arith.index_cast %mul3A_451 : i32 to index
        %get3A_453 = tpu.vector_load %arg8[%get3A_452] {strides = array<i32>} : memref<2688xi32, #tpu.memory_space<vmem>>, vector<16xi32>,
        %get3A_454 = arith.index_cast %mul3A_451 : i32 to index
        %get3A_455 = tpu.vector_load %arg9[%get3A_454] {strides = array<i32>} : memref<2688xi32, #tpu.memory_space<vmem>>, vector<16xi32>,
        %gather3A_456 = tpu.vector_load_idx %arg11[%get3A_453] : memref<10240xf32, #tpu.memory_space<vmem>>[vector<16xi32>], vector<16xf32>,
        %gather3A_457 = tpu.vector_load_idx %arg12[%get3A_455] : memref<10240xf32, #tpu.memory_space<vmem>>[vector<16xi32>], vector<16xf32>,
        %add3A_458 = arith.addf %gather3A_456, %gather3A_457 : vector<16xf32>
        %gt3A_459 = arith.constant 0.000000e+00 : f32
        %gt3A_460 = vector.broadcast %gt3A_459 : f32 to vector<16xf32>
        %gt3A_461 = arith.cmpf ogt, %add3A_458, %gt3A_460 : vector<16xf32>
        %mul3A_462 = arith.constant 2.000000e-01 : f32
        %mul3A_463 = vector.broadcast %mul3A_462 : f32 to vector<16xf32>
        %mul3A_464 = arith.mulf %add3A_458, %mul3A_463 : vector<16xf32>
        %select_n3A_465 = arith.select %gt3A_461, %add3A_458, %mul3A_464 : vector<16xi1>, vector<16xf32>
        %exp3A_466 = math.exp %select_n3A_465 : vector<16xf32>
        %swap3A_467 = arith.index_cast %mul3A_451 : i32 to index
        %swap3A_468 = tpu.vector_load %arg10[%swap3A_467] {strides = array<i32>} : memref<2688xf32, #tpu.memory_space<vmem>>, vector<16xf32>,
        tpu.vector_store %arg10[%swap3A_467], %exp3A_466 {strides = array<i32>} : memref<2688xf32, #tpu.memory_space<vmem>>, vector<16xf32>,
        tpu.vector_store_idx %arg13[%get3A_455], %exp3A_466 {add = true} : memref<10240xf32, #tpu.memory_space<vmem>>[vector<16xi32>], vector<16xf32>,
        %scan3A_469 = arith.constant 12 : i32
        %scan3A_470 = arith.addi %scan3A_218, %scan3A_469 : i32
        %mul3A_471 = arith.constant 16 : i32
        %mul3A_472 = arith.muli %scan3A_470, %mul3A_471 : i32
        %get3A_473 = arith.index_cast %mul3A_472 : i32 to index
        %get3A_474 = tpu.vector_load %arg8[%get3A_473] {strides = array<i32>} : memref<2688xi32, #tpu.memory_space<vmem>>, vector<16xi32>,
        %get3A_475 = arith.index_cast %mul3A_472 : i32 to index
        %get3A_476 = tpu.vector_load %arg9[%get3A_475] {strides = array<i32>} : memref<2688xi32, #tpu.memory_space<vmem>>, vector<16xi32>,
        %gather3A_477 = tpu.vector_load_idx %arg11[%get3A_474] : memref<10240xf32, #tpu.memory_space<vmem>>[vector<16xi32>], vector<16xf32>,
        %gather3A_478 = tpu.vector_load_idx %arg12[%get3A_476] : memref<10240xf32, #tpu.memory_space<vmem>>[vector<16xi32>], vector<16xf32>,
        %add3A_479 = arith.addf %gather3A_477, %gather3A_478 : vector<16xf32>
        %gt3A_480 = arith.constant 0.000000e+00 : f32
        %gt3A_481 = vector.broadcast %gt3A_480 : f32 to vector<16xf32>
        %gt3A_482 = arith.cmpf ogt, %add3A_479, %gt3A_481 : vector<16xf32>
        %mul3A_483 = arith.constant 2.000000e-01 : f32
        %mul3A_484 = vector.broadcast %mul3A_483 : f32 to vector<16xf32>
        %mul3A_485 = arith.mulf %add3A_479, %mul3A_484 : vector<16xf32>
        %select_n3A_486 = arith.select %gt3A_482, %add3A_479, %mul3A_485 : vector<16xi1>, vector<16xf32>
        %exp3A_487 = math.exp %select_n3A_486 : vector<16xf32>
        %swap3A_488 = arith.index_cast %mul3A_472 : i32 to index
        %swap3A_489 = tpu.vector_load %arg10[%swap3A_488] {strides = array<i32>} : memref<2688xf32, #tpu.memory_space<vmem>>, vector<16xf32>,
        tpu.vector_store %arg10[%swap3A_488], %exp3A_487 {strides = array<i32>} : memref<2688xf32, #tpu.memory_space<vmem>>, vector<16xf32>,
        tpu.vector_store_idx %arg13[%get3A_476], %exp3A_487 {add = true} : memref<10240xf32, #tpu.memory_space<vmem>>[vector<16xi32>], vector<16xf32>,
        %scan3A_490 = arith.constant 13 : i32
        %scan3A_491 = arith.addi %scan3A_218, %scan3A_490 : i32
        %mul3A_492 = arith.constant 16 : i32
        %mul3A_493 = arith.muli %scan3A_491, %mul3A_492 : i32
        %get3A_494 = arith.index_cast %mul3A_493 : i32 to index
        %get3A_495 = tpu.vector_load %arg8[%get3A_494] {strides = array<i32>} : memref<2688xi32, #tpu.memory_space<vmem>>, vector<16xi32>,
        %get3A_496 = arith.index_cast %mul3A_493 : i32 to index
        %get3A_497 = tpu.vector_load %arg9[%get3A_496] {strides = array<i32>} : memref<2688xi32, #tpu.memory_space<vmem>>, vector<16xi32>,
        %gather3A_498 = tpu.vector_load_idx %arg11[%get3A_495] : memref<10240xf32, #tpu.memory_space<vmem>>[vector<16xi32>], vector<16xf32>,
        %gather3A_499 = tpu.vector_load_idx %arg12[%get3A_497] : memref<10240xf32, #tpu.memory_space<vmem>>[vector<16xi32>], vector<16xf32>,
        %add3A_500 = arith.addf %gather3A_498, %gather3A_499 : vector<16xf32>
        %gt3A_501 = arith.constant 0.000000e+00 : f32
        %gt3A_502 = vector.broadcast %gt3A_501 : f32 to vector<16xf32>
        %gt3A_503 = arith.cmpf ogt, %add3A_500, %gt3A_502 : vector<16xf32>
        %mul3A_504 = arith.constant 2.000000e-01 : f32
        %mul3A_505 = vector.broadcast %mul3A_504 : f32 to vector<16xf32>
        %mul3A_506 = arith.mulf %add3A_500, %mul3A_505 : vector<16xf32>
        %select_n3A_507 = arith.select %gt3A_503, %add3A_500, %mul3A_506 : vector<16xi1>, vector<16xf32>
        %exp3A_508 = math.exp %select_n3A_507 : vector<16xf32>
        %swap3A_509 = arith.index_cast %mul3A_493 : i32 to index
        %swap3A_510 = tpu.vector_load %arg10[%swap3A_509] {strides = array<i32>} : memref<2688xf32, #tpu.memory_space<vmem>>, vector<16xf32>,
        tpu.vector_store %arg10[%swap3A_509], %exp3A_508 {strides = array<i32>} : memref<2688xf32, #tpu.memory_space<vmem>>, vector<16xf32>,
        tpu.vector_store_idx %arg13[%get3A_497], %exp3A_508 {add = true} : memref<10240xf32, #tpu.memory_space<vmem>>[vector<16xi32>], vector<16xf32>,
        %scan3A_511 = arith.constant 14 : i32
        %scan3A_512 = arith.addi %scan3A_218, %scan3A_511 : i32
        %mul3A_513 = arith.constant 16 : i32
        %mul3A_514 = arith.muli %scan3A_512, %mul3A_513 : i32
        %get3A_515 = arith.index_cast %mul3A_514 : i32 to index
        %get3A_516 = tpu.vector_load %arg8[%get3A_515] {strides = array<i32>} : memref<2688xi32, #tpu.memory_space<vmem>>, vector<16xi32>,
        %get3A_517 = arith.index_cast %mul3A_514 : i32 to index
        %get3A_518 = tpu.vector_load %arg9[%get3A_517] {strides = array<i32>} : memref<2688xi32, #tpu.memory_space<vmem>>, vector<16xi32>,
        %gather3A_519 = tpu.vector_load_idx %arg11[%get3A_516] : memref<10240xf32, #tpu.memory_space<vmem>>[vector<16xi32>], vector<16xf32>,
        %gather3A_520 = tpu.vector_load_idx %arg12[%get3A_518] : memref<10240xf32, #tpu.memory_space<vmem>>[vector<16xi32>], vector<16xf32>,
        %add3A_521 = arith.addf %gather3A_519, %gather3A_520 : vector<16xf32>
        %gt3A_522 = arith.constant 0.000000e+00 : f32
        %gt3A_523 = vector.broadcast %gt3A_522 : f32 to vector<16xf32>
        %gt3A_524 = arith.cmpf ogt, %add3A_521, %gt3A_523 : vector<16xf32>
        %mul3A_525 = arith.constant 2.000000e-01 : f32
        %mul3A_526 = vector.broadcast %mul3A_525 : f32 to vector<16xf32>
        %mul3A_527 = arith.mulf %add3A_521, %mul3A_526 : vector<16xf32>
        %select_n3A_528 = arith.select %gt3A_524, %add3A_521, %mul3A_527 : vector<16xi1>, vector<16xf32>
        %exp3A_529 = math.exp %select_n3A_528 : vector<16xf32>
        %swap3A_530 = arith.index_cast %mul3A_514 : i32 to index
        %swap3A_531 = tpu.vector_load %arg10[%swap3A_530] {strides = array<i32>} : memref<2688xf32, #tpu.memory_space<vmem>>, vector<16xf32>,
        tpu.vector_store %arg10[%swap3A_530], %exp3A_529 {strides = array<i32>} : memref<2688xf32, #tpu.memory_space<vmem>>, vector<16xf32>,
        tpu.vector_store_idx %arg13[%get3A_518], %exp3A_529 {add = true} : memref<10240xf32, #tpu.memory_space<vmem>>[vector<16xi32>], vector<16xf32>,
        %scan3A_532 = arith.constant 15 : i32
        %scan3A_533 = arith.addi %scan3A_218, %scan3A_532 : i32
        %mul3A_534 = arith.constant 16 : i32
        %mul3A_535 = arith.muli %scan3A_533, %mul3A_534 : i32
        %get3A_536 = arith.index_cast %mul3A_535 : i32 to index
        %get3A_537 = tpu.vector_load %arg8[%get3A_536] {strides = array<i32>} : memref<2688xi32, #tpu.memory_space<vmem>>, vector<16xi32>,
        %get3A_538 = arith.index_cast %mul3A_535 : i32 to index
        %get3A_539 = tpu.vector_load %arg9[%get3A_538] {strides = array<i32>} : memref<2688xi32, #tpu.memory_space<vmem>>, vector<16xi32>,
        %gather3A_540 = tpu.vector_load_idx %arg11[%get3A_537] : memref<10240xf32, #tpu.memory_space<vmem>>[vector<16xi32>], vector<16xf32>,
        %gather3A_541 = tpu.vector_load_idx %arg12[%get3A_539] : memref<10240xf32, #tpu.memory_space<vmem>>[vector<16xi32>], vector<16xf32>,
        %add3A_542 = arith.addf %gather3A_540, %gather3A_541 : vector<16xf32>
        %gt3A_543 = arith.constant 0.000000e+00 : f32
        %gt3A_544 = vector.broadcast %gt3A_543 : f32 to vector<16xf32>
        %gt3A_545 = arith.cmpf ogt, %add3A_542, %gt3A_544 : vector<16xf32>
        %mul3A_546 = arith.constant 2.000000e-01 : f32
        %mul3A_547 = vector.broadcast %mul3A_546 : f32 to vector<16xf32>
        %mul3A_548 = arith.mulf %add3A_542, %mul3A_547 : vector<16xf32>
        %select_n3A_549 = arith.select %gt3A_545, %add3A_542, %mul3A_548 : vector<16xi1>, vector<16xf32>
        %exp3A_550 = math.exp %select_n3A_549 : vector<16xf32>
        %swap3A_551 = arith.index_cast %mul3A_535 : i32 to index
        %swap3A_552 = tpu.vector_load %arg10[%swap3A_551] {strides = array<i32>} : memref<2688xf32, #tpu.memory_space<vmem>>, vector<16xf32>,
        tpu.vector_store %arg10[%swap3A_551], %exp3A_550 {strides = array<i32>} : memref<2688xf32, #tpu.memory_space<vmem>>, vector<16xf32>,
        tpu.vector_store_idx %arg13[%get3A_539], %exp3A_550 {add = true} : memref<10240xf32, #tpu.memory_space<vmem>>[vector<16xi32>], vector<16xf32>,
      }
      %scan3A_54 = arith.constant 160 : i32
      %scan3A_55 = arith.addi %scan3A_50, %scan3A_54 : i32
      %mul3A_56 = arith.constant 16 : i32
      %mul3A_57 = arith.muli %scan3A_55, %mul3A_56 : i32
      %get3A = arith.index_cast %mul3A_57 : i32 to index
      %get3A_58 = tpu.vector_load %arg8[%get3A] {strides = array<i32>} : memref<2688xi32, #tpu.memory_space<vmem>>, vector<16xi32>,
      %get3A_59 = arith.index_cast %mul3A_57 : i32 to index
      %get3A_60 = tpu.vector_load %arg9[%get3A_59] {strides = array<i32>} : memref<2688xi32, #tpu.memory_space<vmem>>, vector<16xi32>,
      %gather3A = tpu.vector_load_idx %arg11[%get3A_58] : memref<10240xf32, #tpu.memory_space<vmem>>[vector<16xi32>], vector<16xf32>,
      %gather3A_61 = tpu.vector_load_idx %arg12[%get3A_60] : memref<10240xf32, #tpu.memory_space<vmem>>[vector<16xi32>], vector<16xf32>,
      %add3A_62 = arith.addf %gather3A, %gather3A_61 : vector<16xf32>
      %gt3A = arith.constant 0.000000e+00 : f32
      %gt3A_63 = vector.broadcast %gt3A : f32 to vector<16xf32>
      %gt3A_64 = arith.cmpf ogt, %add3A_62, %gt3A_63 : vector<16xf32>
      %mul3A_65 = arith.constant 2.000000e-01 : f32
      %mul3A_66 = vector.broadcast %mul3A_65 : f32 to vector<16xf32>
      %mul3A_67 = arith.mulf %add3A_62, %mul3A_66 : vector<16xf32>
      %select_n3A_68 = arith.select %gt3A_64, %add3A_62, %mul3A_67 : vector<16xi1>, vector<16xf32>
      %exp3A = math.exp %select_n3A_68 : vector<16xf32>
      %swap3A = arith.index_cast %mul3A_57 : i32 to index
      %swap3A_69 = tpu.vector_load %arg10[%swap3A] {strides = array<i32>} : memref<2688xf32, #tpu.memory_space<vmem>>, vector<16xf32>,
      tpu.vector_store %arg10[%swap3A], %exp3A {strides = array<i32>} : memref<2688xf32, #tpu.memory_space<vmem>>, vector<16xf32>,
      tpu.vector_store_idx %arg13[%get3A_60], %exp3A {add = true} : memref<10240xf32, #tpu.memory_space<vmem>>[vector<16xi32>], vector<16xf32>,
      %scan3A_70 = arith.constant 161 : i32
      %scan3A_71 = arith.addi %scan3A_50, %scan3A_70 : i32
      %mul3A_72 = arith.constant 16 : i32
      %mul3A_73 = arith.muli %scan3A_71, %mul3A_72 : i32
      %get3A_74 = arith.index_cast %mul3A_73 : i32 to index
      %get3A_75 = tpu.vector_load %arg8[%get3A_74] {strides = array<i32>} : memref<2688xi32, #tpu.memory_space<vmem>>, vector<16xi32>,
      %get3A_76 = arith.index_cast %mul3A_73 : i32 to index
      %get3A_77 = tpu.vector_load %arg9[%get3A_76] {strides = array<i32>} : memref<2688xi32, #tpu.memory_space<vmem>>, vector<16xi32>,
      %gather3A_78 = tpu.vector_load_idx %arg11[%get3A_75] : memref<10240xf32, #tpu.memory_space<vmem>>[vector<16xi32>], vector<16xf32>,
      %gather3A_79 = tpu.vector_load_idx %arg12[%get3A_77] : memref<10240xf32, #tpu.memory_space<vmem>>[vector<16xi32>], vector<16xf32>,
      %add3A_80 = arith.addf %gather3A_78, %gather3A_79 : vector<16xf32>
      %gt3A_81 = arith.constant 0.000000e+00 : f32
      %gt3A_82 = vector.broadcast %gt3A_81 : f32 to vector<16xf32>
      %gt3A_83 = arith.cmpf ogt, %add3A_80, %gt3A_82 : vector<16xf32>
      %mul3A_84 = arith.constant 2.000000e-01 : f32
      %mul3A_85 = vector.broadcast %mul3A_84 : f32 to vector<16xf32>
      %mul3A_86 = arith.mulf %add3A_80, %mul3A_85 : vector<16xf32>
      %select_n3A_87 = arith.select %gt3A_83, %add3A_80, %mul3A_86 : vector<16xi1>, vector<16xf32>
      %exp3A_88 = math.exp %select_n3A_87 : vector<16xf32>
      %swap3A_89 = arith.index_cast %mul3A_73 : i32 to index
      %swap3A_90 = tpu.vector_load %arg10[%swap3A_89] {strides = array<i32>} : memref<2688xf32, #tpu.memory_space<vmem>>, vector<16xf32>,
      tpu.vector_store %arg10[%swap3A_89], %exp3A_88 {strides = array<i32>} : memref<2688xf32, #tpu.memory_space<vmem>>, vector<16xf32>,
      tpu.vector_store_idx %arg13[%get3A_77], %exp3A_88 {add = true} : memref<10240xf32, #tpu.memory_space<vmem>>[vector<16xi32>], vector<16xf32>,
      %scan3A_91 = arith.constant 162 : i32
      %scan3A_92 = arith.addi %scan3A_50, %scan3A_91 : i32
      %mul3A_93 = arith.constant 16 : i32
      %mul3A_94 = arith.muli %scan3A_92, %mul3A_93 : i32
      %get3A_95 = arith.index_cast %mul3A_94 : i32 to index
      %get3A_96 = tpu.vector_load %arg8[%get3A_95] {strides = array<i32>} : memref<2688xi32, #tpu.memory_space<vmem>>, vector<16xi32>,
      %get3A_97 = arith.index_cast %mul3A_94 : i32 to index
      %get3A_98 = tpu.vector_load %arg9[%get3A_97] {strides = array<i32>} : memref<2688xi32, #tpu.memory_space<vmem>>, vector<16xi32>,
      %gather3A_99 = tpu.vector_load_idx %arg11[%get3A_96] : memref<10240xf32, #tpu.memory_space<vmem>>[vector<16xi32>], vector<16xf32>,
      %gather3A_100 = tpu.vector_load_idx %arg12[%get3A_98] : memref<10240xf32, #tpu.memory_space<vmem>>[vector<16xi32>], vector<16xf32>,
      %add3A_101 = arith.addf %gather3A_99, %gather3A_100 : vector<16xf32>
      %gt3A_102 = arith.constant 0.000000e+00 : f32
      %gt3A_103 = vector.broadcast %gt3A_102 : f32 to vector<16xf32>
      %gt3A_104 = arith.cmpf ogt, %add3A_101, %gt3A_103 : vector<16xf32>
      %mul3A_105 = arith.constant 2.000000e-01 : f32
      %mul3A_106 = vector.broadcast %mul3A_105 : f32 to vector<16xf32>
      %mul3A_107 = arith.mulf %add3A_101, %mul3A_106 : vector<16xf32>
      %select_n3A_108 = arith.select %gt3A_104, %add3A_101, %mul3A_107 : vector<16xi1>, vector<16xf32>
      %exp3A_109 = math.exp %select_n3A_108 : vector<16xf32>
      %swap3A_110 = arith.index_cast %mul3A_94 : i32 to index
      %swap3A_111 = tpu.vector_load %arg10[%swap3A_110] {strides = array<i32>} : memref<2688xf32, #tpu.memory_space<vmem>>, vector<16xf32>,
      tpu.vector_store %arg10[%swap3A_110], %exp3A_109 {strides = array<i32>} : memref<2688xf32, #tpu.memory_space<vmem>>, vector<16xf32>,
      tpu.vector_store_idx %arg13[%get3A_98], %exp3A_109 {add = true} : memref<10240xf32, #tpu.memory_space<vmem>>[vector<16xi32>], vector<16xf32>,
      %scan3A_112 = arith.constant 163 : i32
      %scan3A_113 = arith.addi %scan3A_50, %scan3A_112 : i32
      %mul3A_114 = arith.constant 16 : i32
      %mul3A_115 = arith.muli %scan3A_113, %mul3A_114 : i32
      %get3A_116 = arith.index_cast %mul3A_115 : i32 to index
      %get3A_117 = tpu.vector_load %arg8[%get3A_116] {strides = array<i32>} : memref<2688xi32, #tpu.memory_space<vmem>>, vector<16xi32>,
      %get3A_118 = arith.index_cast %mul3A_115 : i32 to index
      %get3A_119 = tpu.vector_load %arg9[%get3A_118] {strides = array<i32>} : memref<2688xi32, #tpu.memory_space<vmem>>, vector<16xi32>,
      %gather3A_120 = tpu.vector_load_idx %arg11[%get3A_117] : memref<10240xf32, #tpu.memory_space<vmem>>[vector<16xi32>], vector<16xf32>,
      %gather3A_121 = tpu.vector_load_idx %arg12[%get3A_119] : memref<10240xf32, #tpu.memory_space<vmem>>[vector<16xi32>], vector<16xf32>,
      %add3A_122 = arith.addf %gather3A_120, %gather3A_121 : vector<16xf32>
      %gt3A_123 = arith.constant 0.000000e+00 : f32
      %gt3A_124 = vector.broadcast %gt3A_123 : f32 to vector<16xf32>
      %gt3A_125 = arith.cmpf ogt, %add3A_122, %gt3A_124 : vector<16xf32>
      %mul3A_126 = arith.constant 2.000000e-01 : f32
      %mul3A_127 = vector.broadcast %mul3A_126 : f32 to vector<16xf32>
      %mul3A_128 = arith.mulf %add3A_122, %mul3A_127 : vector<16xf32>
      %select_n3A_129 = arith.select %gt3A_125, %add3A_122, %mul3A_128 : vector<16xi1>, vector<16xf32>
      %exp3A_130 = math.exp %select_n3A_129 : vector<16xf32>
      %swap3A_131 = arith.index_cast %mul3A_115 : i32 to index
      %swap3A_132 = tpu.vector_load %arg10[%swap3A_131] {strides = array<i32>} : memref<2688xf32, #tpu.memory_space<vmem>>, vector<16xf32>,
      tpu.vector_store %arg10[%swap3A_131], %exp3A_130 {strides = array<i32>} : memref<2688xf32, #tpu.memory_space<vmem>>, vector<16xf32>,
      tpu.vector_store_idx %arg13[%get3A_119], %exp3A_130 {add = true} : memref<10240xf32, #tpu.memory_space<vmem>>[vector<16xi32>], vector<16xf32>,
      %scan3A_133 = arith.constant 164 : i32
      %scan3A_134 = arith.addi %scan3A_50, %scan3A_133 : i32
      %mul3A_135 = arith.constant 16 : i32
      %mul3A_136 = arith.muli %scan3A_134, %mul3A_135 : i32
      %get3A_137 = arith.index_cast %mul3A_136 : i32 to index
      %get3A_138 = tpu.vector_load %arg8[%get3A_137] {strides = array<i32>} : memref<2688xi32, #tpu.memory_space<vmem>>, vector<16xi32>,
      %get3A_139 = arith.index_cast %mul3A_136 : i32 to index
      %get3A_140 = tpu.vector_load %arg9[%get3A_139] {strides = array<i32>} : memref<2688xi32, #tpu.memory_space<vmem>>, vector<16xi32>,
      %gather3A_141 = tpu.vector_load_idx %arg11[%get3A_138] : memref<10240xf32, #tpu.memory_space<vmem>>[vector<16xi32>], vector<16xf32>,
      %gather3A_142 = tpu.vector_load_idx %arg12[%get3A_140] : memref<10240xf32, #tpu.memory_space<vmem>>[vector<16xi32>], vector<16xf32>,
      %add3A_143 = arith.addf %gather3A_141, %gather3A_142 : vector<16xf32>
      %gt3A_144 = arith.constant 0.000000e+00 : f32
      %gt3A_145 = vector.broadcast %gt3A_144 : f32 to vector<16xf32>
      %gt3A_146 = arith.cmpf ogt, %add3A_143, %gt3A_145 : vector<16xf32>
      %mul3A_147 = arith.constant 2.000000e-01 : f32
      %mul3A_148 = vector.broadcast %mul3A_147 : f32 to vector<16xf32>
      %mul3A_149 = arith.mulf %add3A_143, %mul3A_148 : vector<16xf32>
      %select_n3A_150 = arith.select %gt3A_146, %add3A_143, %mul3A_149 : vector<16xi1>, vector<16xf32>
      %exp3A_151 = math.exp %select_n3A_150 : vector<16xf32>
      %swap3A_152 = arith.index_cast %mul3A_136 : i32 to index
      %swap3A_153 = tpu.vector_load %arg10[%swap3A_152] {strides = array<i32>} : memref<2688xf32, #tpu.memory_space<vmem>>, vector<16xf32>,
      tpu.vector_store %arg10[%swap3A_152], %exp3A_151 {strides = array<i32>} : memref<2688xf32, #tpu.memory_space<vmem>>, vector<16xf32>,
      tpu.vector_store_idx %arg13[%get3A_140], %exp3A_151 {add = true} : memref<10240xf32, #tpu.memory_space<vmem>>[vector<16xi32>], vector<16xf32>,
      %scan3A_154 = arith.constant 165 : i32
      %scan3A_155 = arith.addi %scan3A_50, %scan3A_154 : i32
      %mul3A_156 = arith.constant 16 : i32
      %mul3A_157 = arith.muli %scan3A_155, %mul3A_156 : i32
      %get3A_158 = arith.index_cast %mul3A_157 : i32 to index
      %get3A_159 = tpu.vector_load %arg8[%get3A_158] {strides = array<i32>} : memref<2688xi32, #tpu.memory_space<vmem>>, vector<16xi32>,
      %get3A_160 = arith.index_cast %mul3A_157 : i32 to index
      %get3A_161 = tpu.vector_load %arg9[%get3A_160] {strides = array<i32>} : memref<2688xi32, #tpu.memory_space<vmem>>, vector<16xi32>,
      %gather3A_162 = tpu.vector_load_idx %arg11[%get3A_159] : memref<10240xf32, #tpu.memory_space<vmem>>[vector<16xi32>], vector<16xf32>,
      %gather3A_163 = tpu.vector_load_idx %arg12[%get3A_161] : memref<10240xf32, #tpu.memory_space<vmem>>[vector<16xi32>], vector<16xf32>,
      %add3A_164 = arith.addf %gather3A_162, %gather3A_163 : vector<16xf32>
      %gt3A_165 = arith.constant 0.000000e+00 : f32
      %gt3A_166 = vector.broadcast %gt3A_165 : f32 to vector<16xf32>
      %gt3A_167 = arith.cmpf ogt, %add3A_164, %gt3A_166 : vector<16xf32>
      %mul3A_168 = arith.constant 2.000000e-01 : f32
      %mul3A_169 = vector.broadcast %mul3A_168 : f32 to vector<16xf32>
      %mul3A_170 = arith.mulf %add3A_164, %mul3A_169 : vector<16xf32>
      %select_n3A_171 = arith.select %gt3A_167, %add3A_164, %mul3A_170 : vector<16xi1>, vector<16xf32>
      %exp3A_172 = math.exp %select_n3A_171 : vector<16xf32>
      %swap3A_173 = arith.index_cast %mul3A_157 : i32 to index
      %swap3A_174 = tpu.vector_load %arg10[%swap3A_173] {strides = array<i32>} : memref<2688xf32, #tpu.memory_space<vmem>>, vector<16xf32>,
      tpu.vector_store %arg10[%swap3A_173], %exp3A_172 {strides = array<i32>} : memref<2688xf32, #tpu.memory_space<vmem>>, vector<16xf32>,
      tpu.vector_store_idx %arg13[%get3A_161], %exp3A_172 {add = true} : memref<10240xf32, #tpu.memory_space<vmem>>[vector<16xi32>], vector<16xf32>,
      %scan3A_175 = arith.constant 166 : i32
      %scan3A_176 = arith.addi %scan3A_50, %scan3A_175 : i32
      %mul3A_177 = arith.constant 16 : i32
      %mul3A_178 = arith.muli %scan3A_176, %mul3A_177 : i32
      %get3A_179 = arith.index_cast %mul3A_178 : i32 to index
      %get3A_180 = tpu.vector_load %arg8[%get3A_179] {strides = array<i32>} : memref<2688xi32, #tpu.memory_space<vmem>>, vector<16xi32>,
      %get3A_181 = arith.index_cast %mul3A_178 : i32 to index
      %get3A_182 = tpu.vector_load %arg9[%get3A_181] {strides = array<i32>} : memref<2688xi32, #tpu.memory_space<vmem>>, vector<16xi32>,
      %gather3A_183 = tpu.vector_load_idx %arg11[%get3A_180] : memref<10240xf32, #tpu.memory_space<vmem>>[vector<16xi32>], vector<16xf32>,
      %gather3A_184 = tpu.vector_load_idx %arg12[%get3A_182] : memref<10240xf32, #tpu.memory_space<vmem>>[vector<16xi32>], vector<16xf32>,
      %add3A_185 = arith.addf %gather3A_183, %gather3A_184 : vector<16xf32>
      %gt3A_186 = arith.constant 0.000000e+00 : f32
      %gt3A_187 = vector.broadcast %gt3A_186 : f32 to vector<16xf32>
      %gt3A_188 = arith.cmpf ogt, %add3A_185, %gt3A_187 : vector<16xf32>
      %mul3A_189 = arith.constant 2.000000e-01 : f32
      %mul3A_190 = vector.broadcast %mul3A_189 : f32 to vector<16xf32>
      %mul3A_191 = arith.mulf %add3A_185, %mul3A_190 : vector<16xf32>
      %select_n3A_192 = arith.select %gt3A_188, %add3A_185, %mul3A_191 : vector<16xi1>, vector<16xf32>
      %exp3A_193 = math.exp %select_n3A_192 : vector<16xf32>
      %swap3A_194 = arith.index_cast %mul3A_178 : i32 to index
      %swap3A_195 = tpu.vector_load %arg10[%swap3A_194] {strides = array<i32>} : memref<2688xf32, #tpu.memory_space<vmem>>, vector<16xf32>,
      tpu.vector_store %arg10[%swap3A_194], %exp3A_193 {strides = array<i32>} : memref<2688xf32, #tpu.memory_space<vmem>>, vector<16xf32>,
      tpu.vector_store_idx %arg13[%get3A_182], %exp3A_193 {add = true} : memref<10240xf32, #tpu.memory_space<vmem>>[vector<16xi32>], vector<16xf32>,
      %scan3A_196 = arith.constant 167 : i32
      %scan3A_197 = arith.addi %scan3A_50, %scan3A_196 : i32
      %mul3A_198 = arith.constant 16 : i32
      %mul3A_199 = arith.muli %scan3A_197, %mul3A_198 : i32
      %get3A_200 = arith.index_cast %mul3A_199 : i32 to index
      %get3A_201 = tpu.vector_load %arg8[%get3A_200] {strides = array<i32>} : memref<2688xi32, #tpu.memory_space<vmem>>, vector<16xi32>,
      %get3A_202 = arith.index_cast %mul3A_199 : i32 to index
      %get3A_203 = tpu.vector_load %arg9[%get3A_202] {strides = array<i32>} : memref<2688xi32, #tpu.memory_space<vmem>>, vector<16xi32>,
      %gather3A_204 = tpu.vector_load_idx %arg11[%get3A_201] : memref<10240xf32, #tpu.memory_space<vmem>>[vector<16xi32>], vector<16xf32>,
      %gather3A_205 = tpu.vector_load_idx %arg12[%get3A_203] : memref<10240xf32, #tpu.memory_space<vmem>>[vector<16xi32>], vector<16xf32>,
      %add3A_206 = arith.addf %gather3A_204, %gather3A_205 : vector<16xf32>
      %gt3A_207 = arith.constant 0.000000e+00 : f32
      %gt3A_208 = vector.broadcast %gt3A_207 : f32 to vector<16xf32>
      %gt3A_209 = arith.cmpf ogt, %add3A_206, %gt3A_208 : vector<16xf32>
      %mul3A_210 = arith.constant 2.000000e-01 : f32
      %mul3A_211 = vector.broadcast %mul3A_210 : f32 to vector<16xf32>
      %mul3A_212 = arith.mulf %add3A_206, %mul3A_211 : vector<16xf32>
      %select_n3A_213 = arith.select %gt3A_209, %add3A_206, %mul3A_212 : vector<16xi1>, vector<16xf32>
      %exp3A_214 = math.exp %select_n3A_213 : vector<16xf32>
      %swap3A_215 = arith.index_cast %mul3A_199 : i32 to index
      %swap3A_216 = tpu.vector_load %arg10[%swap3A_215] {strides = array<i32>} : memref<2688xf32, #tpu.memory_space<vmem>>, vector<16xf32>,
      tpu.vector_store %arg10[%swap3A_215], %exp3A_214 {strides = array<i32>} : memref<2688xf32, #tpu.memory_space<vmem>>, vector<16xf32>,
      tpu.vector_store_idx %arg13[%get3A_203], %exp3A_214 {add = true} : memref<10240xf32, #tpu.memory_space<vmem>>[vector<16xi32>], vector<16xf32>,
      %scan3A_217 = arith.constant 168 : i32
      "tpu.region"() ({
        %run_scoped3A = tpu.sem_alloc : memref<!tpu.dma_semaphore, #tpu.memory_space<semaphore_mem>>
        %dma_start3A = arith.constant 0 : i32
        %dma_start3A_218 = tpu.memref_slice %arg6[%select_n3A_9, %dma_start3A] : memref<8x172032xf32, #tpu.memory_space<hbm>> -> memref<1x172032xf32, #tpu.memory_space<hbm>>
        %dma_start3A_219 = tpu.memref_squeeze %dma_start3A_218 : memref<1x172032xf32, #tpu.memory_space<hbm>> -> memref<172032xf32, #tpu.memory_space<hbm>>
        %dma_start3A_220 = tpu.memref_slice %dma_start3A_219[%add3A_48] : memref<172032xf32, #tpu.memory_space<hbm>> -> memref<2688xf32, #tpu.memory_space<hbm>>
        %dma_start3A_221 = arith.constant 0 : i32
        %dma_start3A_222 = tpu.memref_slice %arg6[%select_n3A_9, %dma_start3A_221] : memref<8x172032xf32, #tpu.memory_space<hbm>> -> memref<1x172032xf32, #tpu.memory_space<hbm>>
        %dma_start3A_223 = tpu.memref_squeeze %dma_start3A_222 : memref<1x172032xf32, #tpu.memory_space<hbm>> -> memref<172032xf32, #tpu.memory_space<hbm>>
        %dma_start3A_224 = tpu.memref_slice %dma_start3A_223[%add3A_48] : memref<172032xf32, #tpu.memory_space<hbm>> -> memref<2688xf32, #tpu.memory_space<hbm>>
        tpu.enqueue_dma source(%arg10 : memref<2688xf32, #tpu.memory_space<vmem>>) target(%dma_start3A_224 : memref<2688xf32, #tpu.memory_space<hbm>>) target_semaphore(%run_scoped3A : memref<!tpu.dma_semaphore, #tpu.memory_space<semaphore_mem>>)
        %dma_wait3A = arith.constant 0 : i32
        %dma_wait3A_225 = tpu.memref_slice %arg6[%select_n3A_9, %dma_wait3A] : memref<8x172032xf32, #tpu.memory_space<hbm>> -> memref<1x172032xf32, #tpu.memory_space<hbm>>
        %dma_wait3A_226 = tpu.memref_squeeze %dma_wait3A_225 : memref<1x172032xf32, #tpu.memory_space<hbm>> -> memref<172032xf32, #tpu.memory_space<hbm>>
        %dma_wait3A_227 = tpu.memref_slice %dma_wait3A_226[%add3A_48] : memref<172032xf32, #tpu.memory_space<hbm>> -> memref<2688xf32, #tpu.memory_space<hbm>>
        %dma_wait3A_228 = arith.constant 0 : i32
        %dma_wait3A_229 = tpu.memref_slice %arg6[%select_n3A_9, %dma_wait3A_228] : memref<8x172032xf32, #tpu.memory_space<hbm>> -> memref<1x172032xf32, #tpu.memory_space<hbm>>
        %dma_wait3A_230 = tpu.memref_squeeze %dma_wait3A_229 : memref<1x172032xf32, #tpu.memory_space<hbm>> -> memref<172032xf32, #tpu.memory_space<hbm>>
        %dma_wait3A_231 = tpu.memref_slice %dma_wait3A_230[%add3A_48] : memref<172032xf32, #tpu.memory_space<hbm>> -> memref<2688xf32, #tpu.memory_space<hbm>>
        tpu.wait_dma2 semaphore(%run_scoped3A : memref<!tpu.dma_semaphore, #tpu.memory_space<semaphore_mem>>) src(%arg10 : memref<2688xf32, #tpu.memory_space<vmem>>) dst(%dma_wait3A_231 : memref<2688xf32, #tpu.memory_space<hbm>>)
        tpu.yield
      }) : () -> ()
    }
    %scan3A_42 = arith.constant 16 : i32
    "tpu.region"() ({
      %run_scoped3A = tpu.sem_alloc : memref<!tpu.dma_semaphore, #tpu.memory_space<semaphore_mem>>
      %dma_start3A = arith.constant 0 : i32
      %dma_start3A_43 = tpu.memref_slice %arg7[%add3A, %dma_start3A] : memref<32x10240xf32, #tpu.memory_space<hbm>> -> memref<1x10240xf32, #tpu.memory_space<hbm>>
      %dma_start3A_44 = tpu.memref_squeeze %dma_start3A_43 : memref<1x10240xf32, #tpu.memory_space<hbm>> -> memref<10240xf32, #tpu.memory_space<hbm>>
      %dma_start3A_45 = arith.constant 0 : i32
      %dma_start3A_46 = tpu.memref_slice %arg7[%add3A, %dma_start3A_45] : memref<32x10240xf32, #tpu.memory_space<hbm>> -> memref<1x10240xf32, #tpu.memory_space<hbm>>
      %dma_start3A_47 = tpu.memref_squeeze %dma_start3A_46 : memref<1x10240xf32, #tpu.memory_space<hbm>> -> memref<10240xf32, #tpu.memory_space<hbm>>
      tpu.enqueue_dma source(%arg13 : memref<10240xf32, #tpu.memory_space<vmem>>) target(%dma_start3A_47 : memref<10240xf32, #tpu.memory_space<hbm>>) target_semaphore(%run_scoped3A : memref<!tpu.dma_semaphore, #tpu.memory_space<semaphore_mem>>)
      %dma_wait3A = arith.constant 0 : i32
      %dma_wait3A_48 = tpu.memref_slice %arg7[%add3A, %dma_wait3A] : memref<32x10240xf32, #tpu.memory_space<hbm>> -> memref<1x10240xf32, #tpu.memory_space<hbm>>
      %dma_wait3A_49 = tpu.memref_squeeze %dma_wait3A_48 : memref<1x10240xf32, #tpu.memory_space<hbm>> -> memref<10240xf32, #tpu.memory_space<hbm>>
      %dma_wait3A_50 = arith.constant 0 : i32
      %dma_wait3A_51 = tpu.memref_slice %arg7[%add3A, %dma_wait3A_50] : memref<32x10240xf32, #tpu.memory_space<hbm>> -> memref<1x10240xf32, #tpu.memory_space<hbm>>
      %dma_wait3A_52 = tpu.memref_squeeze %dma_wait3A_51 : memref<1x10240xf32, #tpu.memory_space<hbm>> -> memref<10240xf32, #tpu.memory_space<hbm>>
      tpu.wait_dma2 semaphore(%run_scoped3A : memref<!tpu.dma_semaphore, #tpu.memory_space<semaphore_mem>>) src(%arg13 : memref<10240xf32, #tpu.memory_space<vmem>>) dst(%dma_wait3A_52 : memref<10240xf32, #tpu.memory_space<hbm>>)
      tpu.yield
    }) : () -> ()
    return
  }
}

#map = affine_map<(d0, d1) -> (0)>
#map1 = affine_map<(d0, d1) -> (0, 0)>
#map2 = affine_map<(d0, d1) -> (0, 0, 0)>
module attributes {stable_mosaic.version = 14 : i64} {
  func.func @k(%arg0: i32, %arg1: i32, %arg2: memref<172032xi32, #tpu.memory_space<hbm>>, %arg3: memref<172032xi32, #tpu.memory_space<hbm>>, %arg4: memref<8x10240xf32, #tpu.memory_space<hbm>>, %arg5: memref<1x172032xf32, #tpu.memory_space<hbm>>, %arg6: memref<16x8x10240xf32, #tpu.memory_space<hbm>>, %arg7: memref<2688xi32, #tpu.memory_space<vmem>>, %arg8: memref<2688xi32, #tpu.memory_space<vmem>>, %arg9: memref<2688xf32, #tpu.memory_space<vmem>>, %arg10: memref<4x10240xf32, #tpu.memory_space<vmem>>, %arg11: memref<4x10240xf32, #tpu.memory_space<vmem>>) attributes {dimension_semantics = [#tpu.dimension_semantics<core_parallel>, #tpu.dimension_semantics<subcore_parallel>], iteration_bounds = array<i64: 2, 16>, scalar_prefetch = 0 : i64, scratch_operands = 5 : i64, tpu.core_type = #tpu.core_type<sc_vector_subcore>, window_params = [{transform_indices = #map}, {transform_indices = #map}, {transform_indices = #map1}, {transform_indices = #map1}, {transform_indices = #map2}]} {
    %mul3A = arith.constant 16 : i32
    %mul3A_0 = arith.muli %arg0, %mul3A : i32
    %add3A = arith.addi %mul3A_0, %arg1 : i32
    %jit3A = arith.constant 2 : i32
    %eq3A = arith.constant 0 : i32
    %eq3A_1 = arith.cmpi eq, %jit3A, %eq3A : i32
    %jit3A_2 = arith.constant 1 : i32
    %select_n3A = arith.select %eq3A_1, %jit3A_2, %jit3A : i32
    %rem3A = arith.remsi %add3A, %select_n3A : i32
    %ne3A = arith.constant 0 : i32
    %ne3A_3 = arith.cmpi ne, %rem3A, %ne3A : i32
    %lt3A = arith.constant 0 : i32
    %lt3A_4 = arith.cmpi slt, %rem3A, %lt3A : i32
    %lt3A_5 = arith.constant 0 : i32
    %lt3A_6 = arith.cmpi slt, %select_n3A, %lt3A_5 : i32
    %ne3A_7 = arith.xori %lt3A_4, %lt3A_6 : i1
    %and3A = arith.andi %ne3A_7, %ne3A_3 : i1
    %add3A_8 = arith.addi %rem3A, %select_n3A : i32
    %select_n3A_9 = arith.select %and3A, %add3A_8, %rem3A : i32
    %mul3A_10 = arith.constant 4 : i32
    %mul3A_11 = arith.muli %select_n3A_9, %mul3A_10 : i32
    %jit3A_12 = arith.constant 2 : i32
    %div3A = arith.divsi %add3A, %jit3A_12 : i32
    %sign3A = arith.constant 0 : i32
    %sign3A_13 = arith.cmpi sgt, %add3A, %sign3A : i32
    %sign3A_14 = arith.extui %sign3A_13 : i1 to i32
    %sign3A_15 = arith.constant 0 : i32
    %sign3A_16 = arith.cmpi slt, %add3A, %sign3A_15 : i32
    %sign3A_17 = arith.extui %sign3A_16 : i1 to i32
    %sign3A_18 = arith.subi %sign3A_14, %sign3A_17 : i32
    %sign3A_19 = arith.constant 0 : i32
    %sign3A_20 = arith.cmpi sgt, %jit3A_12, %sign3A_19 : i32
    %sign3A_21 = arith.extui %sign3A_20 : i1 to i32
    %sign3A_22 = arith.constant 0 : i32
    %sign3A_23 = arith.cmpi slt, %jit3A_12, %sign3A_22 : i32
    %sign3A_24 = arith.extui %sign3A_23 : i1 to i32
    %sign3A_25 = arith.subi %sign3A_21, %sign3A_24 : i32
    %ne3A_26 = arith.cmpi ne, %sign3A_18, %sign3A_25 : i32
    %rem3A_27 = arith.remsi %add3A, %jit3A_12 : i32
    %ne3A_28 = arith.constant 0 : i32
    %ne3A_29 = arith.cmpi ne, %rem3A_27, %ne3A_28 : i32
    %and3A_30 = arith.andi %ne3A_26, %ne3A_29 : i1
    %sub3A = arith.constant 1 : i32
    %sub3A_31 = arith.subi %div3A, %sub3A : i32
    %select_n3A_32 = arith.select %and3A_30, %sub3A_31, %div3A : i32
    %jit3A_33 = arith.constant 8 : i32
    %div3A_34 = arith.divsi %mul3A_11, %jit3A_33 : i32
    %sign3A_35 = arith.constant 0 : i32
    %sign3A_36 = arith.cmpi sgt, %mul3A_11, %sign3A_35 : i32
    %sign3A_37 = arith.extui %sign3A_36 : i1 to i32
    %sign3A_38 = arith.constant 0 : i32
    %sign3A_39 = arith.cmpi slt, %mul3A_11, %sign3A_38 : i32
    %sign3A_40 = arith.extui %sign3A_39 : i1 to i32
    %sign3A_41 = arith.subi %sign3A_37, %sign3A_40 : i32
    %sign3A_42 = arith.constant 0 : i32
    %sign3A_43 = arith.cmpi sgt, %jit3A_33, %sign3A_42 : i32
    %sign3A_44 = arith.extui %sign3A_43 : i1 to i32
    %sign3A_45 = arith.constant 0 : i32
    %sign3A_46 = arith.cmpi slt, %jit3A_33, %sign3A_45 : i32
    %sign3A_47 = arith.extui %sign3A_46 : i1 to i32
    %sign3A_48 = arith.subi %sign3A_44, %sign3A_47 : i32
    %ne3A_49 = arith.cmpi ne, %sign3A_41, %sign3A_48 : i32
    %rem3A_50 = arith.remsi %mul3A_11, %jit3A_33 : i32
    %ne3A_51 = arith.constant 0 : i32
    %ne3A_52 = arith.cmpi ne, %rem3A_50, %ne3A_51 : i32
    %and3A_53 = arith.andi %ne3A_49, %ne3A_52 : i1
    %sub3A_54 = arith.constant 1 : i32
    %sub3A_55 = arith.subi %div3A_34, %sub3A_54 : i32
    %select_n3A_56 = arith.select %and3A_53, %sub3A_55, %div3A_34 : i32
    "tpu.region"() ({
      %run_scoped3A = tpu.sem_alloc : memref<!tpu.dma_semaphore, #tpu.memory_space<semaphore_mem>>
      %dma_start3A = arith.constant 0 : i32
      %dma_start3A_77 = tpu.memref_slice %arg4[%mul3A_11, %dma_start3A] : memref<8x10240xf32, #tpu.memory_space<hbm>> -> memref<4x10240xf32, #tpu.memory_space<hbm>>
      %dma_start3A_78 = arith.constant 0 : i32
      %dma_start3A_79 = tpu.memref_slice %arg4[%mul3A_11, %dma_start3A_78] : memref<8x10240xf32, #tpu.memory_space<hbm>> -> memref<4x10240xf32, #tpu.memory_space<hbm>>
      tpu.enqueue_dma source(%dma_start3A_79 : memref<4x10240xf32, #tpu.memory_space<hbm>>) target(%arg10 : memref<4x10240xf32, #tpu.memory_space<vmem>>) target_semaphore(%run_scoped3A : memref<!tpu.dma_semaphore, #tpu.memory_space<semaphore_mem>>)
      %dma_wait3A = arith.constant 0 : i32
      %dma_wait3A_80 = tpu.memref_slice %arg4[%mul3A_11, %dma_wait3A] : memref<8x10240xf32, #tpu.memory_space<hbm>> -> memref<4x10240xf32, #tpu.memory_space<hbm>>
      %dma_wait3A_81 = arith.constant 0 : i32
      %dma_wait3A_82 = tpu.memref_slice %arg4[%mul3A_11, %dma_wait3A_81] : memref<8x10240xf32, #tpu.memory_space<hbm>> -> memref<4x10240xf32, #tpu.memory_space<hbm>>
      tpu.wait_dma2 semaphore(%run_scoped3A : memref<!tpu.dma_semaphore, #tpu.memory_space<semaphore_mem>>) src(%dma_wait3A_82 : memref<4x10240xf32, #tpu.memory_space<hbm>>) dst(%arg10 : memref<4x10240xf32, #tpu.memory_space<vmem>>)
      tpu.yield
    }) : () -> ()
    %broadcast_in_dim3A = arith.constant 0.000000e+00 : f32
    %broadcast_in_dim3A_57 = vector.broadcast %broadcast_in_dim3A : f32 to vector<16xf32>
    %iota3A = tpu.iota {dimensions = array<i32: 0>} : vector<16xi32>
    %broadcast_in_dim3A_58 = arith.constant 0 : i32
    %broadcast_in_dim3A_59 = vector.broadcast %broadcast_in_dim3A_58 : i32 to vector<16xi32>
    %broadcast_in_dim3A_60 = arith.constant 1 : i32
    %broadcast_in_dim3A_61 = vector.broadcast %broadcast_in_dim3A_60 : i32 to vector<16xi32>
    %broadcast_in_dim3A_62 = arith.constant 2 : i32
    %broadcast_in_dim3A_63 = vector.broadcast %broadcast_in_dim3A_62 : i32 to vector<16xi32>
    %broadcast_in_dim3A_64 = arith.constant 3 : i32
    %broadcast_in_dim3A_65 = vector.broadcast %broadcast_in_dim3A_64 : i32 to vector<16xi32>
    %scan3A = arith.constant 0 : i32
    %scan3A_66 = arith.constant 0 : i32
    %scan3A_67 = arith.constant 640 : i32
    %scan3A_68 = arith.addi %scan3A_66, %scan3A_67 : i32
    %scan3A_69 = arith.constant 1 : i32
    scf.for %scan3A_77 = %scan3A_66 to %scan3A_68 step %scan3A_69  : i32 {
      %mul3A_78 = arith.constant 16 : i32
      %mul3A_79 = arith.muli %scan3A_77, %mul3A_78 : i32
      %add3A_80 = vector.broadcast %mul3A_79 : i32 to vector<16xi32>
      %add3A_81 = arith.addi %iota3A, %add3A_80 : vector<16xi32>
      tpu.vector_store_idx %arg11[%broadcast_in_dim3A_59, %add3A_81], %broadcast_in_dim3A_57 : memref<4x10240xf32, #tpu.memory_space<vmem>>[vector<16xi32>, vector<16xi32>], vector<16xf32>,
      %mul3A_82 = arith.constant 16 : i32
      %mul3A_83 = arith.muli %scan3A_77, %mul3A_82 : i32
      %add3A_84 = vector.broadcast %mul3A_83 : i32 to vector<16xi32>
      %add3A_85 = arith.addi %iota3A, %add3A_84 : vector<16xi32>
      tpu.vector_store_idx %arg11[%broadcast_in_dim3A_61, %add3A_85], %broadcast_in_dim3A_57 : memref<4x10240xf32, #tpu.memory_space<vmem>>[vector<16xi32>, vector<16xi32>], vector<16xf32>,
      %mul3A_86 = arith.constant 16 : i32
      %mul3A_87 = arith.muli %scan3A_77, %mul3A_86 : i32
      %add3A_88 = vector.broadcast %mul3A_87 : i32 to vector<16xi32>
      %add3A_89 = arith.addi %iota3A, %add3A_88 : vector<16xi32>
      tpu.vector_store_idx %arg11[%broadcast_in_dim3A_63, %add3A_89], %broadcast_in_dim3A_57 : memref<4x10240xf32, #tpu.memory_space<vmem>>[vector<16xi32>, vector<16xi32>], vector<16xf32>,
      %mul3A_90 = arith.constant 16 : i32
      %mul3A_91 = arith.muli %scan3A_77, %mul3A_90 : i32
      %add3A_92 = vector.broadcast %mul3A_91 : i32 to vector<16xi32>
      %add3A_93 = arith.addi %iota3A, %add3A_92 : vector<16xi32>
      tpu.vector_store_idx %arg11[%broadcast_in_dim3A_65, %add3A_93], %broadcast_in_dim3A_57 : memref<4x10240xf32, #tpu.memory_space<vmem>>[vector<16xi32>, vector<16xi32>], vector<16xf32>,
    }
    %scan3A_70 = arith.constant 640 : i32
    %scan3A_71 = arith.constant 0 : i32
    %scan3A_72 = arith.constant 0 : i32
    %scan3A_73 = arith.constant 4 : i32
    %scan3A_74 = arith.addi %scan3A_72, %scan3A_73 : i32
    %scan3A_75 = arith.constant 1 : i32
    scf.for %scan3A_77 = %scan3A_72 to %scan3A_74 step %scan3A_75  : i32 {
      %mul3A_78 = arith.constant 10752 : i32
      %mul3A_79 = arith.muli %select_n3A_32, %mul3A_78 : i32
      %mul3A_80 = arith.constant 2688 : i32
      %mul3A_81 = arith.muli %scan3A_77, %mul3A_80 : i32
      %add3A_82 = arith.addi %mul3A_79, %mul3A_81 : i32
      "tpu.region"() ({
        %run_scoped3A = tpu.sem_alloc : memref<!tpu.dma_semaphore, #tpu.memory_space<semaphore_mem>>
        %dma_start3A = tpu.memref_slice %arg2[%add3A_82] : memref<172032xi32, #tpu.memory_space<hbm>> -> memref<2688xi32, #tpu.memory_space<hbm>>
        %dma_start3A_89 = tpu.memref_slice %arg2[%add3A_82] : memref<172032xi32, #tpu.memory_space<hbm>> -> memref<2688xi32, #tpu.memory_space<hbm>>
        tpu.enqueue_dma source(%dma_start3A_89 : memref<2688xi32, #tpu.memory_space<hbm>>) target(%arg7 : memref<2688xi32, #tpu.memory_space<vmem>>) target_semaphore(%run_scoped3A : memref<!tpu.dma_semaphore, #tpu.memory_space<semaphore_mem>>)
        %dma_wait3A = tpu.memref_slice %arg2[%add3A_82] : memref<172032xi32, #tpu.memory_space<hbm>> -> memref<2688xi32, #tpu.memory_space<hbm>>
        %dma_wait3A_90 = tpu.memref_slice %arg2[%add3A_82] : memref<172032xi32, #tpu.memory_space<hbm>> -> memref<2688xi32, #tpu.memory_space<hbm>>
        tpu.wait_dma2 semaphore(%run_scoped3A : memref<!tpu.dma_semaphore, #tpu.memory_space<semaphore_mem>>) src(%dma_wait3A_90 : memref<2688xi32, #tpu.memory_space<hbm>>) dst(%arg7 : memref<2688xi32, #tpu.memory_space<vmem>>)
        tpu.yield
      }) : () -> ()
      "tpu.region"() ({
        %run_scoped3A = tpu.sem_alloc : memref<!tpu.dma_semaphore, #tpu.memory_space<semaphore_mem>>
        %dma_start3A = tpu.memref_slice %arg3[%add3A_82] : memref<172032xi32, #tpu.memory_space<hbm>> -> memref<2688xi32, #tpu.memory_space<hbm>>
        %dma_start3A_89 = tpu.memref_slice %arg3[%add3A_82] : memref<172032xi32, #tpu.memory_space<hbm>> -> memref<2688xi32, #tpu.memory_space<hbm>>
        tpu.enqueue_dma source(%dma_start3A_89 : memref<2688xi32, #tpu.memory_space<hbm>>) target(%arg8 : memref<2688xi32, #tpu.memory_space<vmem>>) target_semaphore(%run_scoped3A : memref<!tpu.dma_semaphore, #tpu.memory_space<semaphore_mem>>)
        %dma_wait3A = tpu.memref_slice %arg3[%add3A_82] : memref<172032xi32, #tpu.memory_space<hbm>> -> memref<2688xi32, #tpu.memory_space<hbm>>
        %dma_wait3A_90 = tpu.memref_slice %arg3[%add3A_82] : memref<172032xi32, #tpu.memory_space<hbm>> -> memref<2688xi32, #tpu.memory_space<hbm>>
        tpu.wait_dma2 semaphore(%run_scoped3A : memref<!tpu.dma_semaphore, #tpu.memory_space<semaphore_mem>>) src(%dma_wait3A_90 : memref<2688xi32, #tpu.memory_space<hbm>>) dst(%arg8 : memref<2688xi32, #tpu.memory_space<vmem>>)
        tpu.yield
      }) : () -> ()
      "tpu.region"() ({
        %run_scoped3A = tpu.sem_alloc : memref<!tpu.dma_semaphore, #tpu.memory_space<semaphore_mem>>
        %dma_start3A = arith.constant 0 : i32
        %dma_start3A_89 = tpu.memref_slice %arg5[%select_n3A_56, %dma_start3A] : memref<1x172032xf32, #tpu.memory_space<hbm>> -> memref<1x172032xf32, #tpu.memory_space<hbm>>
        %dma_start3A_90 = tpu.memref_squeeze %dma_start3A_89 : memref<1x172032xf32, #tpu.memory_space<hbm>> -> memref<172032xf32, #tpu.memory_space<hbm>>
        %dma_start3A_91 = tpu.memref_slice %dma_start3A_90[%add3A_82] : memref<172032xf32, #tpu.memory_space<hbm>> -> memref<2688xf32, #tpu.memory_space<hbm>>
        %dma_start3A_92 = arith.constant 0 : i32
        %dma_start3A_93 = tpu.memref_slice %arg5[%select_n3A_56, %dma_start3A_92] : memref<1x172032xf32, #tpu.memory_space<hbm>> -> memref<1x172032xf32, #tpu.memory_space<hbm>>
        %dma_start3A_94 = tpu.memref_squeeze %dma_start3A_93 : memref<1x172032xf32, #tpu.memory_space<hbm>> -> memref<172032xf32, #tpu.memory_space<hbm>>
        %dma_start3A_95 = tpu.memref_slice %dma_start3A_94[%add3A_82] : memref<172032xf32, #tpu.memory_space<hbm>> -> memref<2688xf32, #tpu.memory_space<hbm>>
        tpu.enqueue_dma source(%dma_start3A_95 : memref<2688xf32, #tpu.memory_space<hbm>>) target(%arg9 : memref<2688xf32, #tpu.memory_space<vmem>>) target_semaphore(%run_scoped3A : memref<!tpu.dma_semaphore, #tpu.memory_space<semaphore_mem>>)
        %dma_wait3A = arith.constant 0 : i32
        %dma_wait3A_96 = tpu.memref_slice %arg5[%select_n3A_56, %dma_wait3A] : memref<1x172032xf32, #tpu.memory_space<hbm>> -> memref<1x172032xf32, #tpu.memory_space<hbm>>
        %dma_wait3A_97 = tpu.memref_squeeze %dma_wait3A_96 : memref<1x172032xf32, #tpu.memory_space<hbm>> -> memref<172032xf32, #tpu.memory_space<hbm>>
        %dma_wait3A_98 = tpu.memref_slice %dma_wait3A_97[%add3A_82] : memref<172032xf32, #tpu.memory_space<hbm>> -> memref<2688xf32, #tpu.memory_space<hbm>>
        %dma_wait3A_99 = arith.constant 0 : i32
        %dma_wait3A_100 = tpu.memref_slice %arg5[%select_n3A_56, %dma_wait3A_99] : memref<1x172032xf32, #tpu.memory_space<hbm>> -> memref<1x172032xf32, #tpu.memory_space<hbm>>
        %dma_wait3A_101 = tpu.memref_squeeze %dma_wait3A_100 : memref<1x172032xf32, #tpu.memory_space<hbm>> -> memref<172032xf32, #tpu.memory_space<hbm>>
        %dma_wait3A_102 = tpu.memref_slice %dma_wait3A_101[%add3A_82] : memref<172032xf32, #tpu.memory_space<hbm>> -> memref<2688xf32, #tpu.memory_space<hbm>>
        tpu.wait_dma2 semaphore(%run_scoped3A : memref<!tpu.dma_semaphore, #tpu.memory_space<semaphore_mem>>) src(%dma_wait3A_102 : memref<2688xf32, #tpu.memory_space<hbm>>) dst(%arg9 : memref<2688xf32, #tpu.memory_space<vmem>>)
        tpu.yield
      }) : () -> ()
      %scan3A_83 = arith.constant 0 : i32
      %scan3A_84 = arith.constant 0 : i32
      %scan3A_85 = arith.constant 168 : i32
      %scan3A_86 = arith.addi %scan3A_84, %scan3A_85 : i32
      %scan3A_87 = arith.constant 8 : i32
      scf.for %scan3A_89 = %scan3A_84 to %scan3A_86 step %scan3A_87  : i32 {
        %mul3A_90 = arith.constant 16 : i32
        %mul3A_91 = arith.muli %scan3A_89, %mul3A_90 : i32
        %get3A = arith.index_cast %mul3A_91 : i32 to index
        %get3A_92 = tpu.vector_load %arg7[%get3A] {strides = array<i32>} : memref<2688xi32, #tpu.memory_space<vmem>>, vector<16xi32>,
        %get3A_93 = arith.index_cast %mul3A_91 : i32 to index
        %get3A_94 = tpu.vector_load %arg8[%get3A_93] {strides = array<i32>} : memref<2688xi32, #tpu.memory_space<vmem>>, vector<16xi32>,
        %get3A_95 = arith.index_cast %mul3A_91 : i32 to index
        %get3A_96 = tpu.vector_load %arg9[%get3A_95] {strides = array<i32>} : memref<2688xf32, #tpu.memory_space<vmem>>, vector<16xf32>,
        %gather3A = tpu.vector_load_idx %arg10[%broadcast_in_dim3A_59, %get3A_92] : memref<4x10240xf32, #tpu.memory_space<vmem>>[vector<16xi32>, vector<16xi32>], vector<16xf32>,
        %mul3A_97 = arith.mulf %gather3A, %get3A_96 : vector<16xf32>
        tpu.vector_store_idx %arg11[%broadcast_in_dim3A_59, %get3A_94], %mul3A_97 {add = true} : memref<4x10240xf32, #tpu.memory_space<vmem>>[vector<16xi32>, vector<16xi32>], vector<16xf32>,
        %gather3A_98 = tpu.vector_load_idx %arg10[%broadcast_in_dim3A_61, %get3A_92] : memref<4x10240xf32, #tpu.memory_space<vmem>>[vector<16xi32>, vector<16xi32>], vector<16xf32>,
        %mul3A_99 = arith.mulf %gather3A_98, %get3A_96 : vector<16xf32>
        tpu.vector_store_idx %arg11[%broadcast_in_dim3A_61, %get3A_94], %mul3A_99 {add = true} : memref<4x10240xf32, #tpu.memory_space<vmem>>[vector<16xi32>, vector<16xi32>], vector<16xf32>,
        %gather3A_100 = tpu.vector_load_idx %arg10[%broadcast_in_dim3A_63, %get3A_92] : memref<4x10240xf32, #tpu.memory_space<vmem>>[vector<16xi32>, vector<16xi32>], vector<16xf32>,
        %mul3A_101 = arith.mulf %gather3A_100, %get3A_96 : vector<16xf32>
        tpu.vector_store_idx %arg11[%broadcast_in_dim3A_63, %get3A_94], %mul3A_101 {add = true} : memref<4x10240xf32, #tpu.memory_space<vmem>>[vector<16xi32>, vector<16xi32>], vector<16xf32>,
        %gather3A_102 = tpu.vector_load_idx %arg10[%broadcast_in_dim3A_65, %get3A_92] : memref<4x10240xf32, #tpu.memory_space<vmem>>[vector<16xi32>, vector<16xi32>], vector<16xf32>,
        %mul3A_103 = arith.mulf %gather3A_102, %get3A_96 : vector<16xf32>
        tpu.vector_store_idx %arg11[%broadcast_in_dim3A_65, %get3A_94], %mul3A_103 {add = true} : memref<4x10240xf32, #tpu.memory_space<vmem>>[vector<16xi32>, vector<16xi32>], vector<16xf32>,
        %scan3A_104 = arith.constant 1 : i32
        %scan3A_105 = arith.addi %scan3A_89, %scan3A_104 : i32
        %mul3A_106 = arith.constant 16 : i32
        %mul3A_107 = arith.muli %scan3A_105, %mul3A_106 : i32
        %get3A_108 = arith.index_cast %mul3A_107 : i32 to index
        %get3A_109 = tpu.vector_load %arg7[%get3A_108] {strides = array<i32>} : memref<2688xi32, #tpu.memory_space<vmem>>, vector<16xi32>,
        %get3A_110 = arith.index_cast %mul3A_107 : i32 to index
        %get3A_111 = tpu.vector_load %arg8[%get3A_110] {strides = array<i32>} : memref<2688xi32, #tpu.memory_space<vmem>>, vector<16xi32>,
        %get3A_112 = arith.index_cast %mul3A_107 : i32 to index
        %get3A_113 = tpu.vector_load %arg9[%get3A_112] {strides = array<i32>} : memref<2688xf32, #tpu.memory_space<vmem>>, vector<16xf32>,
        %gather3A_114 = tpu.vector_load_idx %arg10[%broadcast_in_dim3A_59, %get3A_109] : memref<4x10240xf32, #tpu.memory_space<vmem>>[vector<16xi32>, vector<16xi32>], vector<16xf32>,
        %mul3A_115 = arith.mulf %gather3A_114, %get3A_113 : vector<16xf32>
        tpu.vector_store_idx %arg11[%broadcast_in_dim3A_59, %get3A_111], %mul3A_115 {add = true} : memref<4x10240xf32, #tpu.memory_space<vmem>>[vector<16xi32>, vector<16xi32>], vector<16xf32>,
        %gather3A_116 = tpu.vector_load_idx %arg10[%broadcast_in_dim3A_61, %get3A_109] : memref<4x10240xf32, #tpu.memory_space<vmem>>[vector<16xi32>, vector<16xi32>], vector<16xf32>,
        %mul3A_117 = arith.mulf %gather3A_116, %get3A_113 : vector<16xf32>
        tpu.vector_store_idx %arg11[%broadcast_in_dim3A_61, %get3A_111], %mul3A_117 {add = true} : memref<4x10240xf32, #tpu.memory_space<vmem>>[vector<16xi32>, vector<16xi32>], vector<16xf32>,
        %gather3A_118 = tpu.vector_load_idx %arg10[%broadcast_in_dim3A_63, %get3A_109] : memref<4x10240xf32, #tpu.memory_space<vmem>>[vector<16xi32>, vector<16xi32>], vector<16xf32>,
        %mul3A_119 = arith.mulf %gather3A_118, %get3A_113 : vector<16xf32>
        tpu.vector_store_idx %arg11[%broadcast_in_dim3A_63, %get3A_111], %mul3A_119 {add = true} : memref<4x10240xf32, #tpu.memory_space<vmem>>[vector<16xi32>, vector<16xi32>], vector<16xf32>,
        %gather3A_120 = tpu.vector_load_idx %arg10[%broadcast_in_dim3A_65, %get3A_109] : memref<4x10240xf32, #tpu.memory_space<vmem>>[vector<16xi32>, vector<16xi32>], vector<16xf32>,
        %mul3A_121 = arith.mulf %gather3A_120, %get3A_113 : vector<16xf32>
        tpu.vector_store_idx %arg11[%broadcast_in_dim3A_65, %get3A_111], %mul3A_121 {add = true} : memref<4x10240xf32, #tpu.memory_space<vmem>>[vector<16xi32>, vector<16xi32>], vector<16xf32>,
        %scan3A_122 = arith.constant 2 : i32
        %scan3A_123 = arith.addi %scan3A_89, %scan3A_122 : i32
        %mul3A_124 = arith.constant 16 : i32
        %mul3A_125 = arith.muli %scan3A_123, %mul3A_124 : i32
        %get3A_126 = arith.index_cast %mul3A_125 : i32 to index
        %get3A_127 = tpu.vector_load %arg7[%get3A_126] {strides = array<i32>} : memref<2688xi32, #tpu.memory_space<vmem>>, vector<16xi32>,
        %get3A_128 = arith.index_cast %mul3A_125 : i32 to index
        %get3A_129 = tpu.vector_load %arg8[%get3A_128] {strides = array<i32>} : memref<2688xi32, #tpu.memory_space<vmem>>, vector<16xi32>,
        %get3A_130 = arith.index_cast %mul3A_125 : i32 to index
        %get3A_131 = tpu.vector_load %arg9[%get3A_130] {strides = array<i32>} : memref<2688xf32, #tpu.memory_space<vmem>>, vector<16xf32>,
        %gather3A_132 = tpu.vector_load_idx %arg10[%broadcast_in_dim3A_59, %get3A_127] : memref<4x10240xf32, #tpu.memory_space<vmem>>[vector<16xi32>, vector<16xi32>], vector<16xf32>,
        %mul3A_133 = arith.mulf %gather3A_132, %get3A_131 : vector<16xf32>
        tpu.vector_store_idx %arg11[%broadcast_in_dim3A_59, %get3A_129], %mul3A_133 {add = true} : memref<4x10240xf32, #tpu.memory_space<vmem>>[vector<16xi32>, vector<16xi32>], vector<16xf32>,
        %gather3A_134 = tpu.vector_load_idx %arg10[%broadcast_in_dim3A_61, %get3A_127] : memref<4x10240xf32, #tpu.memory_space<vmem>>[vector<16xi32>, vector<16xi32>], vector<16xf32>,
        %mul3A_135 = arith.mulf %gather3A_134, %get3A_131 : vector<16xf32>
        tpu.vector_store_idx %arg11[%broadcast_in_dim3A_61, %get3A_129], %mul3A_135 {add = true} : memref<4x10240xf32, #tpu.memory_space<vmem>>[vector<16xi32>, vector<16xi32>], vector<16xf32>,
        %gather3A_136 = tpu.vector_load_idx %arg10[%broadcast_in_dim3A_63, %get3A_127] : memref<4x10240xf32, #tpu.memory_space<vmem>>[vector<16xi32>, vector<16xi32>], vector<16xf32>,
        %mul3A_137 = arith.mulf %gather3A_136, %get3A_131 : vector<16xf32>
        tpu.vector_store_idx %arg11[%broadcast_in_dim3A_63, %get3A_129], %mul3A_137 {add = true} : memref<4x10240xf32, #tpu.memory_space<vmem>>[vector<16xi32>, vector<16xi32>], vector<16xf32>,
        %gather3A_138 = tpu.vector_load_idx %arg10[%broadcast_in_dim3A_65, %get3A_127] : memref<4x10240xf32, #tpu.memory_space<vmem>>[vector<16xi32>, vector<16xi32>], vector<16xf32>,
        %mul3A_139 = arith.mulf %gather3A_138, %get3A_131 : vector<16xf32>
        tpu.vector_store_idx %arg11[%broadcast_in_dim3A_65, %get3A_129], %mul3A_139 {add = true} : memref<4x10240xf32, #tpu.memory_space<vmem>>[vector<16xi32>, vector<16xi32>], vector<16xf32>,
        %scan3A_140 = arith.constant 3 : i32
        %scan3A_141 = arith.addi %scan3A_89, %scan3A_140 : i32
        %mul3A_142 = arith.constant 16 : i32
        %mul3A_143 = arith.muli %scan3A_141, %mul3A_142 : i32
        %get3A_144 = arith.index_cast %mul3A_143 : i32 to index
        %get3A_145 = tpu.vector_load %arg7[%get3A_144] {strides = array<i32>} : memref<2688xi32, #tpu.memory_space<vmem>>, vector<16xi32>,
        %get3A_146 = arith.index_cast %mul3A_143 : i32 to index
        %get3A_147 = tpu.vector_load %arg8[%get3A_146] {strides = array<i32>} : memref<2688xi32, #tpu.memory_space<vmem>>, vector<16xi32>,
        %get3A_148 = arith.index_cast %mul3A_143 : i32 to index
        %get3A_149 = tpu.vector_load %arg9[%get3A_148] {strides = array<i32>} : memref<2688xf32, #tpu.memory_space<vmem>>, vector<16xf32>,
        %gather3A_150 = tpu.vector_load_idx %arg10[%broadcast_in_dim3A_59, %get3A_145] : memref<4x10240xf32, #tpu.memory_space<vmem>>[vector<16xi32>, vector<16xi32>], vector<16xf32>,
        %mul3A_151 = arith.mulf %gather3A_150, %get3A_149 : vector<16xf32>
        tpu.vector_store_idx %arg11[%broadcast_in_dim3A_59, %get3A_147], %mul3A_151 {add = true} : memref<4x10240xf32, #tpu.memory_space<vmem>>[vector<16xi32>, vector<16xi32>], vector<16xf32>,
        %gather3A_152 = tpu.vector_load_idx %arg10[%broadcast_in_dim3A_61, %get3A_145] : memref<4x10240xf32, #tpu.memory_space<vmem>>[vector<16xi32>, vector<16xi32>], vector<16xf32>,
        %mul3A_153 = arith.mulf %gather3A_152, %get3A_149 : vector<16xf32>
        tpu.vector_store_idx %arg11[%broadcast_in_dim3A_61, %get3A_147], %mul3A_153 {add = true} : memref<4x10240xf32, #tpu.memory_space<vmem>>[vector<16xi32>, vector<16xi32>], vector<16xf32>,
        %gather3A_154 = tpu.vector_load_idx %arg10[%broadcast_in_dim3A_63, %get3A_145] : memref<4x10240xf32, #tpu.memory_space<vmem>>[vector<16xi32>, vector<16xi32>], vector<16xf32>,
        %mul3A_155 = arith.mulf %gather3A_154, %get3A_149 : vector<16xf32>
        tpu.vector_store_idx %arg11[%broadcast_in_dim3A_63, %get3A_147], %mul3A_155 {add = true} : memref<4x10240xf32, #tpu.memory_space<vmem>>[vector<16xi32>, vector<16xi32>], vector<16xf32>,
        %gather3A_156 = tpu.vector_load_idx %arg10[%broadcast_in_dim3A_65, %get3A_145] : memref<4x10240xf32, #tpu.memory_space<vmem>>[vector<16xi32>, vector<16xi32>], vector<16xf32>,
        %mul3A_157 = arith.mulf %gather3A_156, %get3A_149 : vector<16xf32>
        tpu.vector_store_idx %arg11[%broadcast_in_dim3A_65, %get3A_147], %mul3A_157 {add = true} : memref<4x10240xf32, #tpu.memory_space<vmem>>[vector<16xi32>, vector<16xi32>], vector<16xf32>,
        %scan3A_158 = arith.constant 4 : i32
        %scan3A_159 = arith.addi %scan3A_89, %scan3A_158 : i32
        %mul3A_160 = arith.constant 16 : i32
        %mul3A_161 = arith.muli %scan3A_159, %mul3A_160 : i32
        %get3A_162 = arith.index_cast %mul3A_161 : i32 to index
        %get3A_163 = tpu.vector_load %arg7[%get3A_162] {strides = array<i32>} : memref<2688xi32, #tpu.memory_space<vmem>>, vector<16xi32>,
        %get3A_164 = arith.index_cast %mul3A_161 : i32 to index
        %get3A_165 = tpu.vector_load %arg8[%get3A_164] {strides = array<i32>} : memref<2688xi32, #tpu.memory_space<vmem>>, vector<16xi32>,
        %get3A_166 = arith.index_cast %mul3A_161 : i32 to index
        %get3A_167 = tpu.vector_load %arg9[%get3A_166] {strides = array<i32>} : memref<2688xf32, #tpu.memory_space<vmem>>, vector<16xf32>,
        %gather3A_168 = tpu.vector_load_idx %arg10[%broadcast_in_dim3A_59, %get3A_163] : memref<4x10240xf32, #tpu.memory_space<vmem>>[vector<16xi32>, vector<16xi32>], vector<16xf32>,
        %mul3A_169 = arith.mulf %gather3A_168, %get3A_167 : vector<16xf32>
        tpu.vector_store_idx %arg11[%broadcast_in_dim3A_59, %get3A_165], %mul3A_169 {add = true} : memref<4x10240xf32, #tpu.memory_space<vmem>>[vector<16xi32>, vector<16xi32>], vector<16xf32>,
        %gather3A_170 = tpu.vector_load_idx %arg10[%broadcast_in_dim3A_61, %get3A_163] : memref<4x10240xf32, #tpu.memory_space<vmem>>[vector<16xi32>, vector<16xi32>], vector<16xf32>,
        %mul3A_171 = arith.mulf %gather3A_170, %get3A_167 : vector<16xf32>
        tpu.vector_store_idx %arg11[%broadcast_in_dim3A_61, %get3A_165], %mul3A_171 {add = true} : memref<4x10240xf32, #tpu.memory_space<vmem>>[vector<16xi32>, vector<16xi32>], vector<16xf32>,
        %gather3A_172 = tpu.vector_load_idx %arg10[%broadcast_in_dim3A_63, %get3A_163] : memref<4x10240xf32, #tpu.memory_space<vmem>>[vector<16xi32>, vector<16xi32>], vector<16xf32>,
        %mul3A_173 = arith.mulf %gather3A_172, %get3A_167 : vector<16xf32>
        tpu.vector_store_idx %arg11[%broadcast_in_dim3A_63, %get3A_165], %mul3A_173 {add = true} : memref<4x10240xf32, #tpu.memory_space<vmem>>[vector<16xi32>, vector<16xi32>], vector<16xf32>,
        %gather3A_174 = tpu.vector_load_idx %arg10[%broadcast_in_dim3A_65, %get3A_163] : memref<4x10240xf32, #tpu.memory_space<vmem>>[vector<16xi32>, vector<16xi32>], vector<16xf32>,
        %mul3A_175 = arith.mulf %gather3A_174, %get3A_167 : vector<16xf32>
        tpu.vector_store_idx %arg11[%broadcast_in_dim3A_65, %get3A_165], %mul3A_175 {add = true} : memref<4x10240xf32, #tpu.memory_space<vmem>>[vector<16xi32>, vector<16xi32>], vector<16xf32>,
        %scan3A_176 = arith.constant 5 : i32
        %scan3A_177 = arith.addi %scan3A_89, %scan3A_176 : i32
        %mul3A_178 = arith.constant 16 : i32
        %mul3A_179 = arith.muli %scan3A_177, %mul3A_178 : i32
        %get3A_180 = arith.index_cast %mul3A_179 : i32 to index
        %get3A_181 = tpu.vector_load %arg7[%get3A_180] {strides = array<i32>} : memref<2688xi32, #tpu.memory_space<vmem>>, vector<16xi32>,
        %get3A_182 = arith.index_cast %mul3A_179 : i32 to index
        %get3A_183 = tpu.vector_load %arg8[%get3A_182] {strides = array<i32>} : memref<2688xi32, #tpu.memory_space<vmem>>, vector<16xi32>,
        %get3A_184 = arith.index_cast %mul3A_179 : i32 to index
        %get3A_185 = tpu.vector_load %arg9[%get3A_184] {strides = array<i32>} : memref<2688xf32, #tpu.memory_space<vmem>>, vector<16xf32>,
        %gather3A_186 = tpu.vector_load_idx %arg10[%broadcast_in_dim3A_59, %get3A_181] : memref<4x10240xf32, #tpu.memory_space<vmem>>[vector<16xi32>, vector<16xi32>], vector<16xf32>,
        %mul3A_187 = arith.mulf %gather3A_186, %get3A_185 : vector<16xf32>
        tpu.vector_store_idx %arg11[%broadcast_in_dim3A_59, %get3A_183], %mul3A_187 {add = true} : memref<4x10240xf32, #tpu.memory_space<vmem>>[vector<16xi32>, vector<16xi32>], vector<16xf32>,
        %gather3A_188 = tpu.vector_load_idx %arg10[%broadcast_in_dim3A_61, %get3A_181] : memref<4x10240xf32, #tpu.memory_space<vmem>>[vector<16xi32>, vector<16xi32>], vector<16xf32>,
        %mul3A_189 = arith.mulf %gather3A_188, %get3A_185 : vector<16xf32>
        tpu.vector_store_idx %arg11[%broadcast_in_dim3A_61, %get3A_183], %mul3A_189 {add = true} : memref<4x10240xf32, #tpu.memory_space<vmem>>[vector<16xi32>, vector<16xi32>], vector<16xf32>,
        %gather3A_190 = tpu.vector_load_idx %arg10[%broadcast_in_dim3A_63, %get3A_181] : memref<4x10240xf32, #tpu.memory_space<vmem>>[vector<16xi32>, vector<16xi32>], vector<16xf32>,
        %mul3A_191 = arith.mulf %gather3A_190, %get3A_185 : vector<16xf32>
        tpu.vector_store_idx %arg11[%broadcast_in_dim3A_63, %get3A_183], %mul3A_191 {add = true} : memref<4x10240xf32, #tpu.memory_space<vmem>>[vector<16xi32>, vector<16xi32>], vector<16xf32>,
        %gather3A_192 = tpu.vector_load_idx %arg10[%broadcast_in_dim3A_65, %get3A_181] : memref<4x10240xf32, #tpu.memory_space<vmem>>[vector<16xi32>, vector<16xi32>], vector<16xf32>,
        %mul3A_193 = arith.mulf %gather3A_192, %get3A_185 : vector<16xf32>
        tpu.vector_store_idx %arg11[%broadcast_in_dim3A_65, %get3A_183], %mul3A_193 {add = true} : memref<4x10240xf32, #tpu.memory_space<vmem>>[vector<16xi32>, vector<16xi32>], vector<16xf32>,
        %scan3A_194 = arith.constant 6 : i32
        %scan3A_195 = arith.addi %scan3A_89, %scan3A_194 : i32
        %mul3A_196 = arith.constant 16 : i32
        %mul3A_197 = arith.muli %scan3A_195, %mul3A_196 : i32
        %get3A_198 = arith.index_cast %mul3A_197 : i32 to index
        %get3A_199 = tpu.vector_load %arg7[%get3A_198] {strides = array<i32>} : memref<2688xi32, #tpu.memory_space<vmem>>, vector<16xi32>,
        %get3A_200 = arith.index_cast %mul3A_197 : i32 to index
        %get3A_201 = tpu.vector_load %arg8[%get3A_200] {strides = array<i32>} : memref<2688xi32, #tpu.memory_space<vmem>>, vector<16xi32>,
        %get3A_202 = arith.index_cast %mul3A_197 : i32 to index
        %get3A_203 = tpu.vector_load %arg9[%get3A_202] {strides = array<i32>} : memref<2688xf32, #tpu.memory_space<vmem>>, vector<16xf32>,
        %gather3A_204 = tpu.vector_load_idx %arg10[%broadcast_in_dim3A_59, %get3A_199] : memref<4x10240xf32, #tpu.memory_space<vmem>>[vector<16xi32>, vector<16xi32>], vector<16xf32>,
        %mul3A_205 = arith.mulf %gather3A_204, %get3A_203 : vector<16xf32>
        tpu.vector_store_idx %arg11[%broadcast_in_dim3A_59, %get3A_201], %mul3A_205 {add = true} : memref<4x10240xf32, #tpu.memory_space<vmem>>[vector<16xi32>, vector<16xi32>], vector<16xf32>,
        %gather3A_206 = tpu.vector_load_idx %arg10[%broadcast_in_dim3A_61, %get3A_199] : memref<4x10240xf32, #tpu.memory_space<vmem>>[vector<16xi32>, vector<16xi32>], vector<16xf32>,
        %mul3A_207 = arith.mulf %gather3A_206, %get3A_203 : vector<16xf32>
        tpu.vector_store_idx %arg11[%broadcast_in_dim3A_61, %get3A_201], %mul3A_207 {add = true} : memref<4x10240xf32, #tpu.memory_space<vmem>>[vector<16xi32>, vector<16xi32>], vector<16xf32>,
        %gather3A_208 = tpu.vector_load_idx %arg10[%broadcast_in_dim3A_63, %get3A_199] : memref<4x10240xf32, #tpu.memory_space<vmem>>[vector<16xi32>, vector<16xi32>], vector<16xf32>,
        %mul3A_209 = arith.mulf %gather3A_208, %get3A_203 : vector<16xf32>
        tpu.vector_store_idx %arg11[%broadcast_in_dim3A_63, %get3A_201], %mul3A_209 {add = true} : memref<4x10240xf32, #tpu.memory_space<vmem>>[vector<16xi32>, vector<16xi32>], vector<16xf32>,
        %gather3A_210 = tpu.vector_load_idx %arg10[%broadcast_in_dim3A_65, %get3A_199] : memref<4x10240xf32, #tpu.memory_space<vmem>>[vector<16xi32>, vector<16xi32>], vector<16xf32>,
        %mul3A_211 = arith.mulf %gather3A_210, %get3A_203 : vector<16xf32>
        tpu.vector_store_idx %arg11[%broadcast_in_dim3A_65, %get3A_201], %mul3A_211 {add = true} : memref<4x10240xf32, #tpu.memory_space<vmem>>[vector<16xi32>, vector<16xi32>], vector<16xf32>,
        %scan3A_212 = arith.constant 7 : i32
        %scan3A_213 = arith.addi %scan3A_89, %scan3A_212 : i32
        %mul3A_214 = arith.constant 16 : i32
        %mul3A_215 = arith.muli %scan3A_213, %mul3A_214 : i32
        %get3A_216 = arith.index_cast %mul3A_215 : i32 to index
        %get3A_217 = tpu.vector_load %arg7[%get3A_216] {strides = array<i32>} : memref<2688xi32, #tpu.memory_space<vmem>>, vector<16xi32>,
        %get3A_218 = arith.index_cast %mul3A_215 : i32 to index
        %get3A_219 = tpu.vector_load %arg8[%get3A_218] {strides = array<i32>} : memref<2688xi32, #tpu.memory_space<vmem>>, vector<16xi32>,
        %get3A_220 = arith.index_cast %mul3A_215 : i32 to index
        %get3A_221 = tpu.vector_load %arg9[%get3A_220] {strides = array<i32>} : memref<2688xf32, #tpu.memory_space<vmem>>, vector<16xf32>,
        %gather3A_222 = tpu.vector_load_idx %arg10[%broadcast_in_dim3A_59, %get3A_217] : memref<4x10240xf32, #tpu.memory_space<vmem>>[vector<16xi32>, vector<16xi32>], vector<16xf32>,
        %mul3A_223 = arith.mulf %gather3A_222, %get3A_221 : vector<16xf32>
        tpu.vector_store_idx %arg11[%broadcast_in_dim3A_59, %get3A_219], %mul3A_223 {add = true} : memref<4x10240xf32, #tpu.memory_space<vmem>>[vector<16xi32>, vector<16xi32>], vector<16xf32>,
        %gather3A_224 = tpu.vector_load_idx %arg10[%broadcast_in_dim3A_61, %get3A_217] : memref<4x10240xf32, #tpu.memory_space<vmem>>[vector<16xi32>, vector<16xi32>], vector<16xf32>,
        %mul3A_225 = arith.mulf %gather3A_224, %get3A_221 : vector<16xf32>
        tpu.vector_store_idx %arg11[%broadcast_in_dim3A_61, %get3A_219], %mul3A_225 {add = true} : memref<4x10240xf32, #tpu.memory_space<vmem>>[vector<16xi32>, vector<16xi32>], vector<16xf32>,
        %gather3A_226 = tpu.vector_load_idx %arg10[%broadcast_in_dim3A_63, %get3A_217] : memref<4x10240xf32, #tpu.memory_space<vmem>>[vector<16xi32>, vector<16xi32>], vector<16xf32>,
        %mul3A_227 = arith.mulf %gather3A_226, %get3A_221 : vector<16xf32>
        tpu.vector_store_idx %arg11[%broadcast_in_dim3A_63, %get3A_219], %mul3A_227 {add = true} : memref<4x10240xf32, #tpu.memory_space<vmem>>[vector<16xi32>, vector<16xi32>], vector<16xf32>,
        %gather3A_228 = tpu.vector_load_idx %arg10[%broadcast_in_dim3A_65, %get3A_217] : memref<4x10240xf32, #tpu.memory_space<vmem>>[vector<16xi32>, vector<16xi32>], vector<16xf32>,
        %mul3A_229 = arith.mulf %gather3A_228, %get3A_221 : vector<16xf32>
        tpu.vector_store_idx %arg11[%broadcast_in_dim3A_65, %get3A_219], %mul3A_229 {add = true} : memref<4x10240xf32, #tpu.memory_space<vmem>>[vector<16xi32>, vector<16xi32>], vector<16xf32>,
      }
      %scan3A_88 = arith.constant 168 : i32
    }
    %scan3A_76 = arith.constant 4 : i32
    "tpu.region"() ({
      %run_scoped3A = tpu.sem_alloc : memref<!tpu.dma_semaphore, #tpu.memory_space<semaphore_mem>>
      %dma_start3A = arith.constant 0 : i32
      %dma_start3A_77 = arith.constant 0 : i32
      %dma_start3A_78 = tpu.memref_slice %arg6[%select_n3A_32, %dma_start3A, %dma_start3A_77] : memref<16x8x10240xf32, #tpu.memory_space<hbm>> -> memref<1x8x10240xf32, #tpu.memory_space<hbm>>
      %dma_start3A_79 = tpu.memref_squeeze %dma_start3A_78 : memref<1x8x10240xf32, #tpu.memory_space<hbm>> -> memref<8x10240xf32, #tpu.memory_space<hbm>>
      %dma_start3A_80 = arith.constant 0 : i32
      %dma_start3A_81 = tpu.memref_slice %dma_start3A_79[%mul3A_11, %dma_start3A_80] : memref<8x10240xf32, #tpu.memory_space<hbm>> -> memref<4x10240xf32, #tpu.memory_space<hbm>>
      %dma_start3A_82 = arith.constant 0 : i32
      %dma_start3A_83 = arith.constant 0 : i32
      %dma_start3A_84 = tpu.memref_slice %arg6[%select_n3A_32, %dma_start3A_82, %dma_start3A_83] : memref<16x8x10240xf32, #tpu.memory_space<hbm>> -> memref<1x8x10240xf32, #tpu.memory_space<hbm>>
      %dma_start3A_85 = tpu.memref_squeeze %dma_start3A_84 : memref<1x8x10240xf32, #tpu.memory_space<hbm>> -> memref<8x10240xf32, #tpu.memory_space<hbm>>
      %dma_start3A_86 = arith.constant 0 : i32
      %dma_start3A_87 = tpu.memref_slice %dma_start3A_85[%mul3A_11, %dma_start3A_86] : memref<8x10240xf32, #tpu.memory_space<hbm>> -> memref<4x10240xf32, #tpu.memory_space<hbm>>
      tpu.enqueue_dma source(%arg11 : memref<4x10240xf32, #tpu.memory_space<vmem>>) target(%dma_start3A_87 : memref<4x10240xf32, #tpu.memory_space<hbm>>) target_semaphore(%run_scoped3A : memref<!tpu.dma_semaphore, #tpu.memory_space<semaphore_mem>>)
      %dma_wait3A = arith.constant 0 : i32
      %dma_wait3A_88 = arith.constant 0 : i32
      %dma_wait3A_89 = tpu.memref_slice %arg6[%select_n3A_32, %dma_wait3A, %dma_wait3A_88] : memref<16x8x10240xf32, #tpu.memory_space<hbm>> -> memref<1x8x10240xf32, #tpu.memory_space<hbm>>
      %dma_wait3A_90 = tpu.memref_squeeze %dma_wait3A_89 : memref<1x8x10240xf32, #tpu.memory_space<hbm>> -> memref<8x10240xf32, #tpu.memory_space<hbm>>
      %dma_wait3A_91 = arith.constant 0 : i32
      %dma_wait3A_92 = tpu.memref_slice %dma_wait3A_90[%mul3A_11, %dma_wait3A_91] : memref<8x10240xf32, #tpu.memory_space<hbm>> -> memref<4x10240xf32, #tpu.memory_space<hbm>>
      %dma_wait3A_93 = arith.constant 0 : i32
      %dma_wait3A_94 = arith.constant 0 : i32
      %dma_wait3A_95 = tpu.memref_slice %arg6[%select_n3A_32, %dma_wait3A_93, %dma_wait3A_94] : memref<16x8x10240xf32, #tpu.memory_space<hbm>> -> memref<1x8x10240xf32, #tpu.memory_space<hbm>>
      %dma_wait3A_96 = tpu.memref_squeeze %dma_wait3A_95 : memref<1x8x10240xf32, #tpu.memory_space<hbm>> -> memref<8x10240xf32, #tpu.memory_space<hbm>>
      %dma_wait3A_97 = arith.constant 0 : i32
      %dma_wait3A_98 = tpu.memref_slice %dma_wait3A_96[%mul3A_11, %dma_wait3A_97] : memref<8x10240xf32, #tpu.memory_space<hbm>> -> memref<4x10240xf32, #tpu.memory_space<hbm>>
      tpu.wait_dma2 semaphore(%run_scoped3A : memref<!tpu.dma_semaphore, #tpu.memory_space<semaphore_mem>>) src(%arg11 : memref<4x10240xf32, #tpu.memory_space<vmem>>) dst(%dma_wait3A_98 : memref<4x10240xf32, #tpu.memory_space<hbm>>)
      tpu.yield
    }) : () -> ()
    return
  }
}

#map = affine_map<(d0, d1) -> (0)>
#map1 = affine_map<(d0, d1) -> (0, 0)>
module attributes {stable_mosaic.version = 14 : i64} {
  func.func @k(%arg0: i32, %arg1: i32, %arg2: memref<172032xi32, #tpu.memory_space<hbm>>, %arg3: memref<172032xi32, #tpu.memory_space<hbm>>, %arg4: memref<1x10240xf32, #tpu.memory_space<hbm>>, %arg5: memref<1x10240xf32, #tpu.memory_space<hbm>>, %arg6: memref<1x172032xf32, #tpu.memory_space<hbm>>, %arg7: memref<32x10240xf32, #tpu.memory_space<hbm>>, %arg8: memref<2688xi32, #tpu.memory_space<vmem>>, %arg9: memref<2688xi32, #tpu.memory_space<vmem>>, %arg10: memref<2688xf32, #tpu.memory_space<vmem>>, %arg11: memref<10240xf32, #tpu.memory_space<vmem>>, %arg12: memref<10240xf32, #tpu.memory_space<vmem>>, %arg13: memref<10240xf32, #tpu.memory_space<vmem>>) attributes {dimension_semantics = [#tpu.dimension_semantics<core_parallel>, #tpu.dimension_semantics<subcore_parallel>], iteration_bounds = array<i64: 2, 16>, scalar_prefetch = 0 : i64, scratch_operands = 6 : i64, tpu.core_type = #tpu.core_type<sc_vector_subcore>, window_params = [{transform_indices = #map}, {transform_indices = #map}, {transform_indices = #map1}, {transform_indices = #map1}, {transform_indices = #map1}, {transform_indices = #map1}]} {
    %mul3A = arith.constant 16 : i32
    %mul3A_0 = arith.muli %arg0, %mul3A : i32
    %add3A = arith.addi %mul3A_0, %arg1 : i32
    %jit3A = arith.constant 1 : i32
    %eq3A = arith.constant 0 : i32
    %eq3A_1 = arith.cmpi eq, %jit3A, %eq3A : i32
    %jit3A_2 = arith.constant 1 : i32
    %select_n3A = arith.select %eq3A_1, %jit3A_2, %jit3A : i32
    %rem3A = arith.remsi %add3A, %select_n3A : i32
    %ne3A = arith.constant 0 : i32
    %ne3A_3 = arith.cmpi ne, %rem3A, %ne3A : i32
    %lt3A = arith.constant 0 : i32
    %lt3A_4 = arith.cmpi slt, %rem3A, %lt3A : i32
    %lt3A_5 = arith.constant 0 : i32
    %lt3A_6 = arith.cmpi slt, %select_n3A, %lt3A_5 : i32
    %ne3A_7 = arith.xori %lt3A_4, %lt3A_6 : i1
    %and3A = arith.andi %ne3A_7, %ne3A_3 : i1
    %add3A_8 = arith.addi %rem3A, %select_n3A : i32
    %select_n3A_9 = arith.select %and3A, %add3A_8, %rem3A : i32
    %jit3A_10 = arith.constant 1 : i32
    %div3A = arith.divsi %add3A, %jit3A_10 : i32
    %sign3A = arith.constant 0 : i32
    %sign3A_11 = arith.cmpi sgt, %add3A, %sign3A : i32
    %sign3A_12 = arith.extui %sign3A_11 : i1 to i32
    %sign3A_13 = arith.constant 0 : i32
    %sign3A_14 = arith.cmpi slt, %add3A, %sign3A_13 : i32
    %sign3A_15 = arith.extui %sign3A_14 : i1 to i32
    %sign3A_16 = arith.subi %sign3A_12, %sign3A_15 : i32
    %sign3A_17 = arith.constant 0 : i32
    %sign3A_18 = arith.cmpi sgt, %jit3A_10, %sign3A_17 : i32
    %sign3A_19 = arith.extui %sign3A_18 : i1 to i32
    %sign3A_20 = arith.constant 0 : i32
    %sign3A_21 = arith.cmpi slt, %jit3A_10, %sign3A_20 : i32
    %sign3A_22 = arith.extui %sign3A_21 : i1 to i32
    %sign3A_23 = arith.subi %sign3A_19, %sign3A_22 : i32
    %ne3A_24 = arith.cmpi ne, %sign3A_16, %sign3A_23 : i32
    %rem3A_25 = arith.remsi %add3A, %jit3A_10 : i32
    %ne3A_26 = arith.constant 0 : i32
    %ne3A_27 = arith.cmpi ne, %rem3A_25, %ne3A_26 : i32
    %and3A_28 = arith.andi %ne3A_24, %ne3A_27 : i1
    %sub3A = arith.constant 1 : i32
    %sub3A_29 = arith.subi %div3A, %sub3A : i32
    %select_n3A_30 = arith.select %and3A_28, %sub3A_29, %div3A : i32
    "tpu.region"() ({
      %run_scoped3A = tpu.sem_alloc : memref<!tpu.dma_semaphore, #tpu.memory_space<semaphore_mem>>
      %dma_start3A = arith.constant 0 : i32
      %dma_start3A_43 = tpu.memref_slice %arg4[%select_n3A_9, %dma_start3A] : memref<1x10240xf32, #tpu.memory_space<hbm>> -> memref<1x10240xf32, #tpu.memory_space<hbm>>
      %dma_start3A_44 = tpu.memref_squeeze %dma_start3A_43 : memref<1x10240xf32, #tpu.memory_space<hbm>> -> memref<10240xf32, #tpu.memory_space<hbm>>
      %dma_start3A_45 = arith.constant 0 : i32
      %dma_start3A_46 = tpu.memref_slice %arg4[%select_n3A_9, %dma_start3A_45] : memref<1x10240xf32, #tpu.memory_space<hbm>> -> memref<1x10240xf32, #tpu.memory_space<hbm>>
      %dma_start3A_47 = tpu.memref_squeeze %dma_start3A_46 : memref<1x10240xf32, #tpu.memory_space<hbm>> -> memref<10240xf32, #tpu.memory_space<hbm>>
      tpu.enqueue_dma source(%dma_start3A_47 : memref<10240xf32, #tpu.memory_space<hbm>>) target(%arg11 : memref<10240xf32, #tpu.memory_space<vmem>>) target_semaphore(%run_scoped3A : memref<!tpu.dma_semaphore, #tpu.memory_space<semaphore_mem>>)
      %dma_wait3A = arith.constant 0 : i32
      %dma_wait3A_48 = tpu.memref_slice %arg4[%select_n3A_9, %dma_wait3A] : memref<1x10240xf32, #tpu.memory_space<hbm>> -> memref<1x10240xf32, #tpu.memory_space<hbm>>
      %dma_wait3A_49 = tpu.memref_squeeze %dma_wait3A_48 : memref<1x10240xf32, #tpu.memory_space<hbm>> -> memref<10240xf32, #tpu.memory_space<hbm>>
      %dma_wait3A_50 = arith.constant 0 : i32
      %dma_wait3A_51 = tpu.memref_slice %arg4[%select_n3A_9, %dma_wait3A_50] : memref<1x10240xf32, #tpu.memory_space<hbm>> -> memref<1x10240xf32, #tpu.memory_space<hbm>>
      %dma_wait3A_52 = tpu.memref_squeeze %dma_wait3A_51 : memref<1x10240xf32, #tpu.memory_space<hbm>> -> memref<10240xf32, #tpu.memory_space<hbm>>
      tpu.wait_dma2 semaphore(%run_scoped3A : memref<!tpu.dma_semaphore, #tpu.memory_space<semaphore_mem>>) src(%dma_wait3A_52 : memref<10240xf32, #tpu.memory_space<hbm>>) dst(%arg11 : memref<10240xf32, #tpu.memory_space<vmem>>)
      tpu.yield
    }) : () -> ()
    "tpu.region"() ({
      %run_scoped3A = tpu.sem_alloc : memref<!tpu.dma_semaphore, #tpu.memory_space<semaphore_mem>>
      %dma_start3A = arith.constant 0 : i32
      %dma_start3A_43 = tpu.memref_slice %arg5[%select_n3A_9, %dma_start3A] : memref<1x10240xf32, #tpu.memory_space<hbm>> -> memref<1x10240xf32, #tpu.memory_space<hbm>>
      %dma_start3A_44 = tpu.memref_squeeze %dma_start3A_43 : memref<1x10240xf32, #tpu.memory_space<hbm>> -> memref<10240xf32, #tpu.memory_space<hbm>>
      %dma_start3A_45 = arith.constant 0 : i32
      %dma_start3A_46 = tpu.memref_slice %arg5[%select_n3A_9, %dma_start3A_45] : memref<1x10240xf32, #tpu.memory_space<hbm>> -> memref<1x10240xf32, #tpu.memory_space<hbm>>
      %dma_start3A_47 = tpu.memref_squeeze %dma_start3A_46 : memref<1x10240xf32, #tpu.memory_space<hbm>> -> memref<10240xf32, #tpu.memory_space<hbm>>
      tpu.enqueue_dma source(%dma_start3A_47 : memref<10240xf32, #tpu.memory_space<hbm>>) target(%arg12 : memref<10240xf32, #tpu.memory_space<vmem>>) target_semaphore(%run_scoped3A : memref<!tpu.dma_semaphore, #tpu.memory_space<semaphore_mem>>)
      %dma_wait3A = arith.constant 0 : i32
      %dma_wait3A_48 = tpu.memref_slice %arg5[%select_n3A_9, %dma_wait3A] : memref<1x10240xf32, #tpu.memory_space<hbm>> -> memref<1x10240xf32, #tpu.memory_space<hbm>>
      %dma_wait3A_49 = tpu.memref_squeeze %dma_wait3A_48 : memref<1x10240xf32, #tpu.memory_space<hbm>> -> memref<10240xf32, #tpu.memory_space<hbm>>
      %dma_wait3A_50 = arith.constant 0 : i32
      %dma_wait3A_51 = tpu.memref_slice %arg5[%select_n3A_9, %dma_wait3A_50] : memref<1x10240xf32, #tpu.memory_space<hbm>> -> memref<1x10240xf32, #tpu.memory_space<hbm>>
      %dma_wait3A_52 = tpu.memref_squeeze %dma_wait3A_51 : memref<1x10240xf32, #tpu.memory_space<hbm>> -> memref<10240xf32, #tpu.memory_space<hbm>>
      tpu.wait_dma2 semaphore(%run_scoped3A : memref<!tpu.dma_semaphore, #tpu.memory_space<semaphore_mem>>) src(%dma_wait3A_52 : memref<10240xf32, #tpu.memory_space<hbm>>) dst(%arg12 : memref<10240xf32, #tpu.memory_space<vmem>>)
      tpu.yield
    }) : () -> ()
    %broadcast_in_dim3A = arith.constant 0.000000e+00 : f32
    %broadcast_in_dim3A_31 = vector.broadcast %broadcast_in_dim3A : f32 to vector<16xf32>
    %iota3A = tpu.iota {dimensions = array<i32: 0>} : vector<16xi32>
    %scan3A = arith.constant 0 : i32
    %scan3A_32 = arith.constant 0 : i32
    %scan3A_33 = arith.constant 640 : i32
    %scan3A_34 = arith.addi %scan3A_32, %scan3A_33 : i32
    %scan3A_35 = arith.constant 1 : i32
    scf.for %scan3A_43 = %scan3A_32 to %scan3A_34 step %scan3A_35  : i32 {
      %mul3A_44 = arith.constant 16 : i32
      %mul3A_45 = arith.muli %scan3A_43, %mul3A_44 : i32
      %add3A_46 = vector.broadcast %mul3A_45 : i32 to vector<16xi32>
      %add3A_47 = arith.addi %iota3A, %add3A_46 : vector<16xi32>
      tpu.vector_store_idx %arg13[%add3A_47], %broadcast_in_dim3A_31 : memref<10240xf32, #tpu.memory_space<vmem>>[vector<16xi32>], vector<16xf32>,
    }
    %scan3A_36 = arith.constant 640 : i32
    %scan3A_37 = arith.constant 0 : i32
    %scan3A_38 = arith.constant 0 : i32
    %scan3A_39 = arith.constant 2 : i32
    %scan3A_40 = arith.addi %scan3A_38, %scan3A_39 : i32
    %scan3A_41 = arith.constant 1 : i32
    scf.for %scan3A_43 = %scan3A_38 to %scan3A_40 step %scan3A_41  : i32 {
      %mul3A_44 = arith.constant 5376 : i32
      %mul3A_45 = arith.muli %select_n3A_30, %mul3A_44 : i32
      %mul3A_46 = arith.constant 2688 : i32
      %mul3A_47 = arith.muli %scan3A_43, %mul3A_46 : i32
      %add3A_48 = arith.addi %mul3A_45, %mul3A_47 : i32
      "tpu.region"() ({
        %run_scoped3A = tpu.sem_alloc : memref<!tpu.dma_semaphore, #tpu.memory_space<semaphore_mem>>
        %dma_start3A = tpu.memref_slice %arg2[%add3A_48] : memref<172032xi32, #tpu.memory_space<hbm>> -> memref<2688xi32, #tpu.memory_space<hbm>>
        %dma_start3A_218 = tpu.memref_slice %arg2[%add3A_48] : memref<172032xi32, #tpu.memory_space<hbm>> -> memref<2688xi32, #tpu.memory_space<hbm>>
        tpu.enqueue_dma source(%dma_start3A_218 : memref<2688xi32, #tpu.memory_space<hbm>>) target(%arg8 : memref<2688xi32, #tpu.memory_space<vmem>>) target_semaphore(%run_scoped3A : memref<!tpu.dma_semaphore, #tpu.memory_space<semaphore_mem>>)
        %dma_wait3A = tpu.memref_slice %arg2[%add3A_48] : memref<172032xi32, #tpu.memory_space<hbm>> -> memref<2688xi32, #tpu.memory_space<hbm>>
        %dma_wait3A_219 = tpu.memref_slice %arg2[%add3A_48] : memref<172032xi32, #tpu.memory_space<hbm>> -> memref<2688xi32, #tpu.memory_space<hbm>>
        tpu.wait_dma2 semaphore(%run_scoped3A : memref<!tpu.dma_semaphore, #tpu.memory_space<semaphore_mem>>) src(%dma_wait3A_219 : memref<2688xi32, #tpu.memory_space<hbm>>) dst(%arg8 : memref<2688xi32, #tpu.memory_space<vmem>>)
        tpu.yield
      }) : () -> ()
      "tpu.region"() ({
        %run_scoped3A = tpu.sem_alloc : memref<!tpu.dma_semaphore, #tpu.memory_space<semaphore_mem>>
        %dma_start3A = tpu.memref_slice %arg3[%add3A_48] : memref<172032xi32, #tpu.memory_space<hbm>> -> memref<2688xi32, #tpu.memory_space<hbm>>
        %dma_start3A_218 = tpu.memref_slice %arg3[%add3A_48] : memref<172032xi32, #tpu.memory_space<hbm>> -> memref<2688xi32, #tpu.memory_space<hbm>>
        tpu.enqueue_dma source(%dma_start3A_218 : memref<2688xi32, #tpu.memory_space<hbm>>) target(%arg9 : memref<2688xi32, #tpu.memory_space<vmem>>) target_semaphore(%run_scoped3A : memref<!tpu.dma_semaphore, #tpu.memory_space<semaphore_mem>>)
        %dma_wait3A = tpu.memref_slice %arg3[%add3A_48] : memref<172032xi32, #tpu.memory_space<hbm>> -> memref<2688xi32, #tpu.memory_space<hbm>>
        %dma_wait3A_219 = tpu.memref_slice %arg3[%add3A_48] : memref<172032xi32, #tpu.memory_space<hbm>> -> memref<2688xi32, #tpu.memory_space<hbm>>
        tpu.wait_dma2 semaphore(%run_scoped3A : memref<!tpu.dma_semaphore, #tpu.memory_space<semaphore_mem>>) src(%dma_wait3A_219 : memref<2688xi32, #tpu.memory_space<hbm>>) dst(%arg9 : memref<2688xi32, #tpu.memory_space<vmem>>)
        tpu.yield
      }) : () -> ()
      %scan3A_49 = arith.constant 0 : i32
      %scan3A_50 = arith.constant 0 : i32
      %scan3A_51 = arith.constant 160 : i32
      %scan3A_52 = arith.addi %scan3A_50, %scan3A_51 : i32
      %scan3A_53 = arith.constant 16 : i32
      scf.for %scan3A_218 = %scan3A_50 to %scan3A_52 step %scan3A_53  : i32 {
        %mul3A_219 = arith.constant 16 : i32
        %mul3A_220 = arith.muli %scan3A_218, %mul3A_219 : i32
        %get3A_221 = arith.index_cast %mul3A_220 : i32 to index
        %get3A_222 = tpu.vector_load %arg8[%get3A_221] {strides = array<i32>} : memref<2688xi32, #tpu.memory_space<vmem>>, vector<16xi32>,
        %get3A_223 = arith.index_cast %mul3A_220 : i32 to index
        %get3A_224 = tpu.vector_load %arg9[%get3A_223] {strides = array<i32>} : memref<2688xi32, #tpu.memory_space<vmem>>, vector<16xi32>,
        %gather3A_225 = tpu.vector_load_idx %arg11[%get3A_222] : memref<10240xf32, #tpu.memory_space<vmem>>[vector<16xi32>], vector<16xf32>,
        %gather3A_226 = tpu.vector_load_idx %arg12[%get3A_224] : memref<10240xf32, #tpu.memory_space<vmem>>[vector<16xi32>], vector<16xf32>,
        %add3A_227 = arith.addf %gather3A_225, %gather3A_226 : vector<16xf32>
        %gt3A_228 = arith.constant 0.000000e+00 : f32
        %gt3A_229 = vector.broadcast %gt3A_228 : f32 to vector<16xf32>
        %gt3A_230 = arith.cmpf ogt, %add3A_227, %gt3A_229 : vector<16xf32>
        %mul3A_231 = arith.constant 2.000000e-01 : f32
        %mul3A_232 = vector.broadcast %mul3A_231 : f32 to vector<16xf32>
        %mul3A_233 = arith.mulf %add3A_227, %mul3A_232 : vector<16xf32>
        %select_n3A_234 = arith.select %gt3A_230, %add3A_227, %mul3A_233 : vector<16xi1>, vector<16xf32>
        %exp3A_235 = math.exp %select_n3A_234 : vector<16xf32>
        %swap3A_236 = arith.index_cast %mul3A_220 : i32 to index
        %swap3A_237 = tpu.vector_load %arg10[%swap3A_236] {strides = array<i32>} : memref<2688xf32, #tpu.memory_space<vmem>>, vector<16xf32>,
        tpu.vector_store %arg10[%swap3A_236], %exp3A_235 {strides = array<i32>} : memref<2688xf32, #tpu.memory_space<vmem>>, vector<16xf32>,
        tpu.vector_store_idx %arg13[%get3A_224], %exp3A_235 {add = true} : memref<10240xf32, #tpu.memory_space<vmem>>[vector<16xi32>], vector<16xf32>,
        %scan3A_238 = arith.constant 1 : i32
        %scan3A_239 = arith.addi %scan3A_218, %scan3A_238 : i32
        %mul3A_240 = arith.constant 16 : i32
        %mul3A_241 = arith.muli %scan3A_239, %mul3A_240 : i32
        %get3A_242 = arith.index_cast %mul3A_241 : i32 to index
        %get3A_243 = tpu.vector_load %arg8[%get3A_242] {strides = array<i32>} : memref<2688xi32, #tpu.memory_space<vmem>>, vector<16xi32>,
        %get3A_244 = arith.index_cast %mul3A_241 : i32 to index
        %get3A_245 = tpu.vector_load %arg9[%get3A_244] {strides = array<i32>} : memref<2688xi32, #tpu.memory_space<vmem>>, vector<16xi32>,
        %gather3A_246 = tpu.vector_load_idx %arg11[%get3A_243] : memref<10240xf32, #tpu.memory_space<vmem>>[vector<16xi32>], vector<16xf32>,
        %gather3A_247 = tpu.vector_load_idx %arg12[%get3A_245] : memref<10240xf32, #tpu.memory_space<vmem>>[vector<16xi32>], vector<16xf32>,
        %add3A_248 = arith.addf %gather3A_246, %gather3A_247 : vector<16xf32>
        %gt3A_249 = arith.constant 0.000000e+00 : f32
        %gt3A_250 = vector.broadcast %gt3A_249 : f32 to vector<16xf32>
        %gt3A_251 = arith.cmpf ogt, %add3A_248, %gt3A_250 : vector<16xf32>
        %mul3A_252 = arith.constant 2.000000e-01 : f32
        %mul3A_253 = vector.broadcast %mul3A_252 : f32 to vector<16xf32>
        %mul3A_254 = arith.mulf %add3A_248, %mul3A_253 : vector<16xf32>
        %select_n3A_255 = arith.select %gt3A_251, %add3A_248, %mul3A_254 : vector<16xi1>, vector<16xf32>
        %exp3A_256 = math.exp %select_n3A_255 : vector<16xf32>
        %swap3A_257 = arith.index_cast %mul3A_241 : i32 to index
        %swap3A_258 = tpu.vector_load %arg10[%swap3A_257] {strides = array<i32>} : memref<2688xf32, #tpu.memory_space<vmem>>, vector<16xf32>,
        tpu.vector_store %arg10[%swap3A_257], %exp3A_256 {strides = array<i32>} : memref<2688xf32, #tpu.memory_space<vmem>>, vector<16xf32>,
        tpu.vector_store_idx %arg13[%get3A_245], %exp3A_256 {add = true} : memref<10240xf32, #tpu.memory_space<vmem>>[vector<16xi32>], vector<16xf32>,
        %scan3A_259 = arith.constant 2 : i32
        %scan3A_260 = arith.addi %scan3A_218, %scan3A_259 : i32
        %mul3A_261 = arith.constant 16 : i32
        %mul3A_262 = arith.muli %scan3A_260, %mul3A_261 : i32
        %get3A_263 = arith.index_cast %mul3A_262 : i32 to index
        %get3A_264 = tpu.vector_load %arg8[%get3A_263] {strides = array<i32>} : memref<2688xi32, #tpu.memory_space<vmem>>, vector<16xi32>,
        %get3A_265 = arith.index_cast %mul3A_262 : i32 to index
        %get3A_266 = tpu.vector_load %arg9[%get3A_265] {strides = array<i32>} : memref<2688xi32, #tpu.memory_space<vmem>>, vector<16xi32>,
        %gather3A_267 = tpu.vector_load_idx %arg11[%get3A_264] : memref<10240xf32, #tpu.memory_space<vmem>>[vector<16xi32>], vector<16xf32>,
        %gather3A_268 = tpu.vector_load_idx %arg12[%get3A_266] : memref<10240xf32, #tpu.memory_space<vmem>>[vector<16xi32>], vector<16xf32>,
        %add3A_269 = arith.addf %gather3A_267, %gather3A_268 : vector<16xf32>
        %gt3A_270 = arith.constant 0.000000e+00 : f32
        %gt3A_271 = vector.broadcast %gt3A_270 : f32 to vector<16xf32>
        %gt3A_272 = arith.cmpf ogt, %add3A_269, %gt3A_271 : vector<16xf32>
        %mul3A_273 = arith.constant 2.000000e-01 : f32
        %mul3A_274 = vector.broadcast %mul3A_273 : f32 to vector<16xf32>
        %mul3A_275 = arith.mulf %add3A_269, %mul3A_274 : vector<16xf32>
        %select_n3A_276 = arith.select %gt3A_272, %add3A_269, %mul3A_275 : vector<16xi1>, vector<16xf32>
        %exp3A_277 = math.exp %select_n3A_276 : vector<16xf32>
        %swap3A_278 = arith.index_cast %mul3A_262 : i32 to index
        %swap3A_279 = tpu.vector_load %arg10[%swap3A_278] {strides = array<i32>} : memref<2688xf32, #tpu.memory_space<vmem>>, vector<16xf32>,
        tpu.vector_store %arg10[%swap3A_278], %exp3A_277 {strides = array<i32>} : memref<2688xf32, #tpu.memory_space<vmem>>, vector<16xf32>,
        tpu.vector_store_idx %arg13[%get3A_266], %exp3A_277 {add = true} : memref<10240xf32, #tpu.memory_space<vmem>>[vector<16xi32>], vector<16xf32>,
        %scan3A_280 = arith.constant 3 : i32
        %scan3A_281 = arith.addi %scan3A_218, %scan3A_280 : i32
        %mul3A_282 = arith.constant 16 : i32
        %mul3A_283 = arith.muli %scan3A_281, %mul3A_282 : i32
        %get3A_284 = arith.index_cast %mul3A_283 : i32 to index
        %get3A_285 = tpu.vector_load %arg8[%get3A_284] {strides = array<i32>} : memref<2688xi32, #tpu.memory_space<vmem>>, vector<16xi32>,
        %get3A_286 = arith.index_cast %mul3A_283 : i32 to index
        %get3A_287 = tpu.vector_load %arg9[%get3A_286] {strides = array<i32>} : memref<2688xi32, #tpu.memory_space<vmem>>, vector<16xi32>,
        %gather3A_288 = tpu.vector_load_idx %arg11[%get3A_285] : memref<10240xf32, #tpu.memory_space<vmem>>[vector<16xi32>], vector<16xf32>,
        %gather3A_289 = tpu.vector_load_idx %arg12[%get3A_287] : memref<10240xf32, #tpu.memory_space<vmem>>[vector<16xi32>], vector<16xf32>,
        %add3A_290 = arith.addf %gather3A_288, %gather3A_289 : vector<16xf32>
        %gt3A_291 = arith.constant 0.000000e+00 : f32
        %gt3A_292 = vector.broadcast %gt3A_291 : f32 to vector<16xf32>
        %gt3A_293 = arith.cmpf ogt, %add3A_290, %gt3A_292 : vector<16xf32>
        %mul3A_294 = arith.constant 2.000000e-01 : f32
        %mul3A_295 = vector.broadcast %mul3A_294 : f32 to vector<16xf32>
        %mul3A_296 = arith.mulf %add3A_290, %mul3A_295 : vector<16xf32>
        %select_n3A_297 = arith.select %gt3A_293, %add3A_290, %mul3A_296 : vector<16xi1>, vector<16xf32>
        %exp3A_298 = math.exp %select_n3A_297 : vector<16xf32>
        %swap3A_299 = arith.index_cast %mul3A_283 : i32 to index
        %swap3A_300 = tpu.vector_load %arg10[%swap3A_299] {strides = array<i32>} : memref<2688xf32, #tpu.memory_space<vmem>>, vector<16xf32>,
        tpu.vector_store %arg10[%swap3A_299], %exp3A_298 {strides = array<i32>} : memref<2688xf32, #tpu.memory_space<vmem>>, vector<16xf32>,
        tpu.vector_store_idx %arg13[%get3A_287], %exp3A_298 {add = true} : memref<10240xf32, #tpu.memory_space<vmem>>[vector<16xi32>], vector<16xf32>,
        %scan3A_301 = arith.constant 4 : i32
        %scan3A_302 = arith.addi %scan3A_218, %scan3A_301 : i32
        %mul3A_303 = arith.constant 16 : i32
        %mul3A_304 = arith.muli %scan3A_302, %mul3A_303 : i32
        %get3A_305 = arith.index_cast %mul3A_304 : i32 to index
        %get3A_306 = tpu.vector_load %arg8[%get3A_305] {strides = array<i32>} : memref<2688xi32, #tpu.memory_space<vmem>>, vector<16xi32>,
        %get3A_307 = arith.index_cast %mul3A_304 : i32 to index
        %get3A_308 = tpu.vector_load %arg9[%get3A_307] {strides = array<i32>} : memref<2688xi32, #tpu.memory_space<vmem>>, vector<16xi32>,
        %gather3A_309 = tpu.vector_load_idx %arg11[%get3A_306] : memref<10240xf32, #tpu.memory_space<vmem>>[vector<16xi32>], vector<16xf32>,
        %gather3A_310 = tpu.vector_load_idx %arg12[%get3A_308] : memref<10240xf32, #tpu.memory_space<vmem>>[vector<16xi32>], vector<16xf32>,
        %add3A_311 = arith.addf %gather3A_309, %gather3A_310 : vector<16xf32>
        %gt3A_312 = arith.constant 0.000000e+00 : f32
        %gt3A_313 = vector.broadcast %gt3A_312 : f32 to vector<16xf32>
        %gt3A_314 = arith.cmpf ogt, %add3A_311, %gt3A_313 : vector<16xf32>
        %mul3A_315 = arith.constant 2.000000e-01 : f32
        %mul3A_316 = vector.broadcast %mul3A_315 : f32 to vector<16xf32>
        %mul3A_317 = arith.mulf %add3A_311, %mul3A_316 : vector<16xf32>
        %select_n3A_318 = arith.select %gt3A_314, %add3A_311, %mul3A_317 : vector<16xi1>, vector<16xf32>
        %exp3A_319 = math.exp %select_n3A_318 : vector<16xf32>
        %swap3A_320 = arith.index_cast %mul3A_304 : i32 to index
        %swap3A_321 = tpu.vector_load %arg10[%swap3A_320] {strides = array<i32>} : memref<2688xf32, #tpu.memory_space<vmem>>, vector<16xf32>,
        tpu.vector_store %arg10[%swap3A_320], %exp3A_319 {strides = array<i32>} : memref<2688xf32, #tpu.memory_space<vmem>>, vector<16xf32>,
        tpu.vector_store_idx %arg13[%get3A_308], %exp3A_319 {add = true} : memref<10240xf32, #tpu.memory_space<vmem>>[vector<16xi32>], vector<16xf32>,
        %scan3A_322 = arith.constant 5 : i32
        %scan3A_323 = arith.addi %scan3A_218, %scan3A_322 : i32
        %mul3A_324 = arith.constant 16 : i32
        %mul3A_325 = arith.muli %scan3A_323, %mul3A_324 : i32
        %get3A_326 = arith.index_cast %mul3A_325 : i32 to index
        %get3A_327 = tpu.vector_load %arg8[%get3A_326] {strides = array<i32>} : memref<2688xi32, #tpu.memory_space<vmem>>, vector<16xi32>,
        %get3A_328 = arith.index_cast %mul3A_325 : i32 to index
        %get3A_329 = tpu.vector_load %arg9[%get3A_328] {strides = array<i32>} : memref<2688xi32, #tpu.memory_space<vmem>>, vector<16xi32>,
        %gather3A_330 = tpu.vector_load_idx %arg11[%get3A_327] : memref<10240xf32, #tpu.memory_space<vmem>>[vector<16xi32>], vector<16xf32>,
        %gather3A_331 = tpu.vector_load_idx %arg12[%get3A_329] : memref<10240xf32, #tpu.memory_space<vmem>>[vector<16xi32>], vector<16xf32>,
        %add3A_332 = arith.addf %gather3A_330, %gather3A_331 : vector<16xf32>
        %gt3A_333 = arith.constant 0.000000e+00 : f32
        %gt3A_334 = vector.broadcast %gt3A_333 : f32 to vector<16xf32>
        %gt3A_335 = arith.cmpf ogt, %add3A_332, %gt3A_334 : vector<16xf32>
        %mul3A_336 = arith.constant 2.000000e-01 : f32
        %mul3A_337 = vector.broadcast %mul3A_336 : f32 to vector<16xf32>
        %mul3A_338 = arith.mulf %add3A_332, %mul3A_337 : vector<16xf32>
        %select_n3A_339 = arith.select %gt3A_335, %add3A_332, %mul3A_338 : vector<16xi1>, vector<16xf32>
        %exp3A_340 = math.exp %select_n3A_339 : vector<16xf32>
        %swap3A_341 = arith.index_cast %mul3A_325 : i32 to index
        %swap3A_342 = tpu.vector_load %arg10[%swap3A_341] {strides = array<i32>} : memref<2688xf32, #tpu.memory_space<vmem>>, vector<16xf32>,
        tpu.vector_store %arg10[%swap3A_341], %exp3A_340 {strides = array<i32>} : memref<2688xf32, #tpu.memory_space<vmem>>, vector<16xf32>,
        tpu.vector_store_idx %arg13[%get3A_329], %exp3A_340 {add = true} : memref<10240xf32, #tpu.memory_space<vmem>>[vector<16xi32>], vector<16xf32>,
        %scan3A_343 = arith.constant 6 : i32
        %scan3A_344 = arith.addi %scan3A_218, %scan3A_343 : i32
        %mul3A_345 = arith.constant 16 : i32
        %mul3A_346 = arith.muli %scan3A_344, %mul3A_345 : i32
        %get3A_347 = arith.index_cast %mul3A_346 : i32 to index
        %get3A_348 = tpu.vector_load %arg8[%get3A_347] {strides = array<i32>} : memref<2688xi32, #tpu.memory_space<vmem>>, vector<16xi32>,
        %get3A_349 = arith.index_cast %mul3A_346 : i32 to index
        %get3A_350 = tpu.vector_load %arg9[%get3A_349] {strides = array<i32>} : memref<2688xi32, #tpu.memory_space<vmem>>, vector<16xi32>,
        %gather3A_351 = tpu.vector_load_idx %arg11[%get3A_348] : memref<10240xf32, #tpu.memory_space<vmem>>[vector<16xi32>], vector<16xf32>,
        %gather3A_352 = tpu.vector_load_idx %arg12[%get3A_350] : memref<10240xf32, #tpu.memory_space<vmem>>[vector<16xi32>], vector<16xf32>,
        %add3A_353 = arith.addf %gather3A_351, %gather3A_352 : vector<16xf32>
        %gt3A_354 = arith.constant 0.000000e+00 : f32
        %gt3A_355 = vector.broadcast %gt3A_354 : f32 to vector<16xf32>
        %gt3A_356 = arith.cmpf ogt, %add3A_353, %gt3A_355 : vector<16xf32>
        %mul3A_357 = arith.constant 2.000000e-01 : f32
        %mul3A_358 = vector.broadcast %mul3A_357 : f32 to vector<16xf32>
        %mul3A_359 = arith.mulf %add3A_353, %mul3A_358 : vector<16xf32>
        %select_n3A_360 = arith.select %gt3A_356, %add3A_353, %mul3A_359 : vector<16xi1>, vector<16xf32>
        %exp3A_361 = math.exp %select_n3A_360 : vector<16xf32>
        %swap3A_362 = arith.index_cast %mul3A_346 : i32 to index
        %swap3A_363 = tpu.vector_load %arg10[%swap3A_362] {strides = array<i32>} : memref<2688xf32, #tpu.memory_space<vmem>>, vector<16xf32>,
        tpu.vector_store %arg10[%swap3A_362], %exp3A_361 {strides = array<i32>} : memref<2688xf32, #tpu.memory_space<vmem>>, vector<16xf32>,
        tpu.vector_store_idx %arg13[%get3A_350], %exp3A_361 {add = true} : memref<10240xf32, #tpu.memory_space<vmem>>[vector<16xi32>], vector<16xf32>,
        %scan3A_364 = arith.constant 7 : i32
        %scan3A_365 = arith.addi %scan3A_218, %scan3A_364 : i32
        %mul3A_366 = arith.constant 16 : i32
        %mul3A_367 = arith.muli %scan3A_365, %mul3A_366 : i32
        %get3A_368 = arith.index_cast %mul3A_367 : i32 to index
        %get3A_369 = tpu.vector_load %arg8[%get3A_368] {strides = array<i32>} : memref<2688xi32, #tpu.memory_space<vmem>>, vector<16xi32>,
        %get3A_370 = arith.index_cast %mul3A_367 : i32 to index
        %get3A_371 = tpu.vector_load %arg9[%get3A_370] {strides = array<i32>} : memref<2688xi32, #tpu.memory_space<vmem>>, vector<16xi32>,
        %gather3A_372 = tpu.vector_load_idx %arg11[%get3A_369] : memref<10240xf32, #tpu.memory_space<vmem>>[vector<16xi32>], vector<16xf32>,
        %gather3A_373 = tpu.vector_load_idx %arg12[%get3A_371] : memref<10240xf32, #tpu.memory_space<vmem>>[vector<16xi32>], vector<16xf32>,
        %add3A_374 = arith.addf %gather3A_372, %gather3A_373 : vector<16xf32>
        %gt3A_375 = arith.constant 0.000000e+00 : f32
        %gt3A_376 = vector.broadcast %gt3A_375 : f32 to vector<16xf32>
        %gt3A_377 = arith.cmpf ogt, %add3A_374, %gt3A_376 : vector<16xf32>
        %mul3A_378 = arith.constant 2.000000e-01 : f32
        %mul3A_379 = vector.broadcast %mul3A_378 : f32 to vector<16xf32>
        %mul3A_380 = arith.mulf %add3A_374, %mul3A_379 : vector<16xf32>
        %select_n3A_381 = arith.select %gt3A_377, %add3A_374, %mul3A_380 : vector<16xi1>, vector<16xf32>
        %exp3A_382 = math.exp %select_n3A_381 : vector<16xf32>
        %swap3A_383 = arith.index_cast %mul3A_367 : i32 to index
        %swap3A_384 = tpu.vector_load %arg10[%swap3A_383] {strides = array<i32>} : memref<2688xf32, #tpu.memory_space<vmem>>, vector<16xf32>,
        tpu.vector_store %arg10[%swap3A_383], %exp3A_382 {strides = array<i32>} : memref<2688xf32, #tpu.memory_space<vmem>>, vector<16xf32>,
        tpu.vector_store_idx %arg13[%get3A_371], %exp3A_382 {add = true} : memref<10240xf32, #tpu.memory_space<vmem>>[vector<16xi32>], vector<16xf32>,
        %scan3A_385 = arith.constant 8 : i32
        %scan3A_386 = arith.addi %scan3A_218, %scan3A_385 : i32
        %mul3A_387 = arith.constant 16 : i32
        %mul3A_388 = arith.muli %scan3A_386, %mul3A_387 : i32
        %get3A_389 = arith.index_cast %mul3A_388 : i32 to index
        %get3A_390 = tpu.vector_load %arg8[%get3A_389] {strides = array<i32>} : memref<2688xi32, #tpu.memory_space<vmem>>, vector<16xi32>,
        %get3A_391 = arith.index_cast %mul3A_388 : i32 to index
        %get3A_392 = tpu.vector_load %arg9[%get3A_391] {strides = array<i32>} : memref<2688xi32, #tpu.memory_space<vmem>>, vector<16xi32>,
        %gather3A_393 = tpu.vector_load_idx %arg11[%get3A_390] : memref<10240xf32, #tpu.memory_space<vmem>>[vector<16xi32>], vector<16xf32>,
        %gather3A_394 = tpu.vector_load_idx %arg12[%get3A_392] : memref<10240xf32, #tpu.memory_space<vmem>>[vector<16xi32>], vector<16xf32>,
        %add3A_395 = arith.addf %gather3A_393, %gather3A_394 : vector<16xf32>
        %gt3A_396 = arith.constant 0.000000e+00 : f32
        %gt3A_397 = vector.broadcast %gt3A_396 : f32 to vector<16xf32>
        %gt3A_398 = arith.cmpf ogt, %add3A_395, %gt3A_397 : vector<16xf32>
        %mul3A_399 = arith.constant 2.000000e-01 : f32
        %mul3A_400 = vector.broadcast %mul3A_399 : f32 to vector<16xf32>
        %mul3A_401 = arith.mulf %add3A_395, %mul3A_400 : vector<16xf32>
        %select_n3A_402 = arith.select %gt3A_398, %add3A_395, %mul3A_401 : vector<16xi1>, vector<16xf32>
        %exp3A_403 = math.exp %select_n3A_402 : vector<16xf32>
        %swap3A_404 = arith.index_cast %mul3A_388 : i32 to index
        %swap3A_405 = tpu.vector_load %arg10[%swap3A_404] {strides = array<i32>} : memref<2688xf32, #tpu.memory_space<vmem>>, vector<16xf32>,
        tpu.vector_store %arg10[%swap3A_404], %exp3A_403 {strides = array<i32>} : memref<2688xf32, #tpu.memory_space<vmem>>, vector<16xf32>,
        tpu.vector_store_idx %arg13[%get3A_392], %exp3A_403 {add = true} : memref<10240xf32, #tpu.memory_space<vmem>>[vector<16xi32>], vector<16xf32>,
        %scan3A_406 = arith.constant 9 : i32
        %scan3A_407 = arith.addi %scan3A_218, %scan3A_406 : i32
        %mul3A_408 = arith.constant 16 : i32
        %mul3A_409 = arith.muli %scan3A_407, %mul3A_408 : i32
        %get3A_410 = arith.index_cast %mul3A_409 : i32 to index
        %get3A_411 = tpu.vector_load %arg8[%get3A_410] {strides = array<i32>} : memref<2688xi32, #tpu.memory_space<vmem>>, vector<16xi32>,
        %get3A_412 = arith.index_cast %mul3A_409 : i32 to index
        %get3A_413 = tpu.vector_load %arg9[%get3A_412] {strides = array<i32>} : memref<2688xi32, #tpu.memory_space<vmem>>, vector<16xi32>,
        %gather3A_414 = tpu.vector_load_idx %arg11[%get3A_411] : memref<10240xf32, #tpu.memory_space<vmem>>[vector<16xi32>], vector<16xf32>,
        %gather3A_415 = tpu.vector_load_idx %arg12[%get3A_413] : memref<10240xf32, #tpu.memory_space<vmem>>[vector<16xi32>], vector<16xf32>,
        %add3A_416 = arith.addf %gather3A_414, %gather3A_415 : vector<16xf32>
        %gt3A_417 = arith.constant 0.000000e+00 : f32
        %gt3A_418 = vector.broadcast %gt3A_417 : f32 to vector<16xf32>
        %gt3A_419 = arith.cmpf ogt, %add3A_416, %gt3A_418 : vector<16xf32>
        %mul3A_420 = arith.constant 2.000000e-01 : f32
        %mul3A_421 = vector.broadcast %mul3A_420 : f32 to vector<16xf32>
        %mul3A_422 = arith.mulf %add3A_416, %mul3A_421 : vector<16xf32>
        %select_n3A_423 = arith.select %gt3A_419, %add3A_416, %mul3A_422 : vector<16xi1>, vector<16xf32>
        %exp3A_424 = math.exp %select_n3A_423 : vector<16xf32>
        %swap3A_425 = arith.index_cast %mul3A_409 : i32 to index
        %swap3A_426 = tpu.vector_load %arg10[%swap3A_425] {strides = array<i32>} : memref<2688xf32, #tpu.memory_space<vmem>>, vector<16xf32>,
        tpu.vector_store %arg10[%swap3A_425], %exp3A_424 {strides = array<i32>} : memref<2688xf32, #tpu.memory_space<vmem>>, vector<16xf32>,
        tpu.vector_store_idx %arg13[%get3A_413], %exp3A_424 {add = true} : memref<10240xf32, #tpu.memory_space<vmem>>[vector<16xi32>], vector<16xf32>,
        %scan3A_427 = arith.constant 10 : i32
        %scan3A_428 = arith.addi %scan3A_218, %scan3A_427 : i32
        %mul3A_429 = arith.constant 16 : i32
        %mul3A_430 = arith.muli %scan3A_428, %mul3A_429 : i32
        %get3A_431 = arith.index_cast %mul3A_430 : i32 to index
        %get3A_432 = tpu.vector_load %arg8[%get3A_431] {strides = array<i32>} : memref<2688xi32, #tpu.memory_space<vmem>>, vector<16xi32>,
        %get3A_433 = arith.index_cast %mul3A_430 : i32 to index
        %get3A_434 = tpu.vector_load %arg9[%get3A_433] {strides = array<i32>} : memref<2688xi32, #tpu.memory_space<vmem>>, vector<16xi32>,
        %gather3A_435 = tpu.vector_load_idx %arg11[%get3A_432] : memref<10240xf32, #tpu.memory_space<vmem>>[vector<16xi32>], vector<16xf32>,
        %gather3A_436 = tpu.vector_load_idx %arg12[%get3A_434] : memref<10240xf32, #tpu.memory_space<vmem>>[vector<16xi32>], vector<16xf32>,
        %add3A_437 = arith.addf %gather3A_435, %gather3A_436 : vector<16xf32>
        %gt3A_438 = arith.constant 0.000000e+00 : f32
        %gt3A_439 = vector.broadcast %gt3A_438 : f32 to vector<16xf32>
        %gt3A_440 = arith.cmpf ogt, %add3A_437, %gt3A_439 : vector<16xf32>
        %mul3A_441 = arith.constant 2.000000e-01 : f32
        %mul3A_442 = vector.broadcast %mul3A_441 : f32 to vector<16xf32>
        %mul3A_443 = arith.mulf %add3A_437, %mul3A_442 : vector<16xf32>
        %select_n3A_444 = arith.select %gt3A_440, %add3A_437, %mul3A_443 : vector<16xi1>, vector<16xf32>
        %exp3A_445 = math.exp %select_n3A_444 : vector<16xf32>
        %swap3A_446 = arith.index_cast %mul3A_430 : i32 to index
        %swap3A_447 = tpu.vector_load %arg10[%swap3A_446] {strides = array<i32>} : memref<2688xf32, #tpu.memory_space<vmem>>, vector<16xf32>,
        tpu.vector_store %arg10[%swap3A_446], %exp3A_445 {strides = array<i32>} : memref<2688xf32, #tpu.memory_space<vmem>>, vector<16xf32>,
        tpu.vector_store_idx %arg13[%get3A_434], %exp3A_445 {add = true} : memref<10240xf32, #tpu.memory_space<vmem>>[vector<16xi32>], vector<16xf32>,
        %scan3A_448 = arith.constant 11 : i32
        %scan3A_449 = arith.addi %scan3A_218, %scan3A_448 : i32
        %mul3A_450 = arith.constant 16 : i32
        %mul3A_451 = arith.muli %scan3A_449, %mul3A_450 : i32
        %get3A_452 = arith.index_cast %mul3A_451 : i32 to index
        %get3A_453 = tpu.vector_load %arg8[%get3A_452] {strides = array<i32>} : memref<2688xi32, #tpu.memory_space<vmem>>, vector<16xi32>,
        %get3A_454 = arith.index_cast %mul3A_451 : i32 to index
        %get3A_455 = tpu.vector_load %arg9[%get3A_454] {strides = array<i32>} : memref<2688xi32, #tpu.memory_space<vmem>>, vector<16xi32>,
        %gather3A_456 = tpu.vector_load_idx %arg11[%get3A_453] : memref<10240xf32, #tpu.memory_space<vmem>>[vector<16xi32>], vector<16xf32>,
        %gather3A_457 = tpu.vector_load_idx %arg12[%get3A_455] : memref<10240xf32, #tpu.memory_space<vmem>>[vector<16xi32>], vector<16xf32>,
        %add3A_458 = arith.addf %gather3A_456, %gather3A_457 : vector<16xf32>
        %gt3A_459 = arith.constant 0.000000e+00 : f32
        %gt3A_460 = vector.broadcast %gt3A_459 : f32 to vector<16xf32>
        %gt3A_461 = arith.cmpf ogt, %add3A_458, %gt3A_460 : vector<16xf32>
        %mul3A_462 = arith.constant 2.000000e-01 : f32
        %mul3A_463 = vector.broadcast %mul3A_462 : f32 to vector<16xf32>
        %mul3A_464 = arith.mulf %add3A_458, %mul3A_463 : vector<16xf32>
        %select_n3A_465 = arith.select %gt3A_461, %add3A_458, %mul3A_464 : vector<16xi1>, vector<16xf32>
        %exp3A_466 = math.exp %select_n3A_465 : vector<16xf32>
        %swap3A_467 = arith.index_cast %mul3A_451 : i32 to index
        %swap3A_468 = tpu.vector_load %arg10[%swap3A_467] {strides = array<i32>} : memref<2688xf32, #tpu.memory_space<vmem>>, vector<16xf32>,
        tpu.vector_store %arg10[%swap3A_467], %exp3A_466 {strides = array<i32>} : memref<2688xf32, #tpu.memory_space<vmem>>, vector<16xf32>,
        tpu.vector_store_idx %arg13[%get3A_455], %exp3A_466 {add = true} : memref<10240xf32, #tpu.memory_space<vmem>>[vector<16xi32>], vector<16xf32>,
        %scan3A_469 = arith.constant 12 : i32
        %scan3A_470 = arith.addi %scan3A_218, %scan3A_469 : i32
        %mul3A_471 = arith.constant 16 : i32
        %mul3A_472 = arith.muli %scan3A_470, %mul3A_471 : i32
        %get3A_473 = arith.index_cast %mul3A_472 : i32 to index
        %get3A_474 = tpu.vector_load %arg8[%get3A_473] {strides = array<i32>} : memref<2688xi32, #tpu.memory_space<vmem>>, vector<16xi32>,
        %get3A_475 = arith.index_cast %mul3A_472 : i32 to index
        %get3A_476 = tpu.vector_load %arg9[%get3A_475] {strides = array<i32>} : memref<2688xi32, #tpu.memory_space<vmem>>, vector<16xi32>,
        %gather3A_477 = tpu.vector_load_idx %arg11[%get3A_474] : memref<10240xf32, #tpu.memory_space<vmem>>[vector<16xi32>], vector<16xf32>,
        %gather3A_478 = tpu.vector_load_idx %arg12[%get3A_476] : memref<10240xf32, #tpu.memory_space<vmem>>[vector<16xi32>], vector<16xf32>,
        %add3A_479 = arith.addf %gather3A_477, %gather3A_478 : vector<16xf32>
        %gt3A_480 = arith.constant 0.000000e+00 : f32
        %gt3A_481 = vector.broadcast %gt3A_480 : f32 to vector<16xf32>
        %gt3A_482 = arith.cmpf ogt, %add3A_479, %gt3A_481 : vector<16xf32>
        %mul3A_483 = arith.constant 2.000000e-01 : f32
        %mul3A_484 = vector.broadcast %mul3A_483 : f32 to vector<16xf32>
        %mul3A_485 = arith.mulf %add3A_479, %mul3A_484 : vector<16xf32>
        %select_n3A_486 = arith.select %gt3A_482, %add3A_479, %mul3A_485 : vector<16xi1>, vector<16xf32>
        %exp3A_487 = math.exp %select_n3A_486 : vector<16xf32>
        %swap3A_488 = arith.index_cast %mul3A_472 : i32 to index
        %swap3A_489 = tpu.vector_load %arg10[%swap3A_488] {strides = array<i32>} : memref<2688xf32, #tpu.memory_space<vmem>>, vector<16xf32>,
        tpu.vector_store %arg10[%swap3A_488], %exp3A_487 {strides = array<i32>} : memref<2688xf32, #tpu.memory_space<vmem>>, vector<16xf32>,
        tpu.vector_store_idx %arg13[%get3A_476], %exp3A_487 {add = true} : memref<10240xf32, #tpu.memory_space<vmem>>[vector<16xi32>], vector<16xf32>,
        %scan3A_490 = arith.constant 13 : i32
        %scan3A_491 = arith.addi %scan3A_218, %scan3A_490 : i32
        %mul3A_492 = arith.constant 16 : i32
        %mul3A_493 = arith.muli %scan3A_491, %mul3A_492 : i32
        %get3A_494 = arith.index_cast %mul3A_493 : i32 to index
        %get3A_495 = tpu.vector_load %arg8[%get3A_494] {strides = array<i32>} : memref<2688xi32, #tpu.memory_space<vmem>>, vector<16xi32>,
        %get3A_496 = arith.index_cast %mul3A_493 : i32 to index
        %get3A_497 = tpu.vector_load %arg9[%get3A_496] {strides = array<i32>} : memref<2688xi32, #tpu.memory_space<vmem>>, vector<16xi32>,
        %gather3A_498 = tpu.vector_load_idx %arg11[%get3A_495] : memref<10240xf32, #tpu.memory_space<vmem>>[vector<16xi32>], vector<16xf32>,
        %gather3A_499 = tpu.vector_load_idx %arg12[%get3A_497] : memref<10240xf32, #tpu.memory_space<vmem>>[vector<16xi32>], vector<16xf32>,
        %add3A_500 = arith.addf %gather3A_498, %gather3A_499 : vector<16xf32>
        %gt3A_501 = arith.constant 0.000000e+00 : f32
        %gt3A_502 = vector.broadcast %gt3A_501 : f32 to vector<16xf32>
        %gt3A_503 = arith.cmpf ogt, %add3A_500, %gt3A_502 : vector<16xf32>
        %mul3A_504 = arith.constant 2.000000e-01 : f32
        %mul3A_505 = vector.broadcast %mul3A_504 : f32 to vector<16xf32>
        %mul3A_506 = arith.mulf %add3A_500, %mul3A_505 : vector<16xf32>
        %select_n3A_507 = arith.select %gt3A_503, %add3A_500, %mul3A_506 : vector<16xi1>, vector<16xf32>
        %exp3A_508 = math.exp %select_n3A_507 : vector<16xf32>
        %swap3A_509 = arith.index_cast %mul3A_493 : i32 to index
        %swap3A_510 = tpu.vector_load %arg10[%swap3A_509] {strides = array<i32>} : memref<2688xf32, #tpu.memory_space<vmem>>, vector<16xf32>,
        tpu.vector_store %arg10[%swap3A_509], %exp3A_508 {strides = array<i32>} : memref<2688xf32, #tpu.memory_space<vmem>>, vector<16xf32>,
        tpu.vector_store_idx %arg13[%get3A_497], %exp3A_508 {add = true} : memref<10240xf32, #tpu.memory_space<vmem>>[vector<16xi32>], vector<16xf32>,
        %scan3A_511 = arith.constant 14 : i32
        %scan3A_512 = arith.addi %scan3A_218, %scan3A_511 : i32
        %mul3A_513 = arith.constant 16 : i32
        %mul3A_514 = arith.muli %scan3A_512, %mul3A_513 : i32
        %get3A_515 = arith.index_cast %mul3A_514 : i32 to index
        %get3A_516 = tpu.vector_load %arg8[%get3A_515] {strides = array<i32>} : memref<2688xi32, #tpu.memory_space<vmem>>, vector<16xi32>,
        %get3A_517 = arith.index_cast %mul3A_514 : i32 to index
        %get3A_518 = tpu.vector_load %arg9[%get3A_517] {strides = array<i32>} : memref<2688xi32, #tpu.memory_space<vmem>>, vector<16xi32>,
        %gather3A_519 = tpu.vector_load_idx %arg11[%get3A_516] : memref<10240xf32, #tpu.memory_space<vmem>>[vector<16xi32>], vector<16xf32>,
        %gather3A_520 = tpu.vector_load_idx %arg12[%get3A_518] : memref<10240xf32, #tpu.memory_space<vmem>>[vector<16xi32>], vector<16xf32>,
        %add3A_521 = arith.addf %gather3A_519, %gather3A_520 : vector<16xf32>
        %gt3A_522 = arith.constant 0.000000e+00 : f32
        %gt3A_523 = vector.broadcast %gt3A_522 : f32 to vector<16xf32>
        %gt3A_524 = arith.cmpf ogt, %add3A_521, %gt3A_523 : vector<16xf32>
        %mul3A_525 = arith.constant 2.000000e-01 : f32
        %mul3A_526 = vector.broadcast %mul3A_525 : f32 to vector<16xf32>
        %mul3A_527 = arith.mulf %add3A_521, %mul3A_526 : vector<16xf32>
        %select_n3A_528 = arith.select %gt3A_524, %add3A_521, %mul3A_527 : vector<16xi1>, vector<16xf32>
        %exp3A_529 = math.exp %select_n3A_528 : vector<16xf32>
        %swap3A_530 = arith.index_cast %mul3A_514 : i32 to index
        %swap3A_531 = tpu.vector_load %arg10[%swap3A_530] {strides = array<i32>} : memref<2688xf32, #tpu.memory_space<vmem>>, vector<16xf32>,
        tpu.vector_store %arg10[%swap3A_530], %exp3A_529 {strides = array<i32>} : memref<2688xf32, #tpu.memory_space<vmem>>, vector<16xf32>,
        tpu.vector_store_idx %arg13[%get3A_518], %exp3A_529 {add = true} : memref<10240xf32, #tpu.memory_space<vmem>>[vector<16xi32>], vector<16xf32>,
        %scan3A_532 = arith.constant 15 : i32
        %scan3A_533 = arith.addi %scan3A_218, %scan3A_532 : i32
        %mul3A_534 = arith.constant 16 : i32
        %mul3A_535 = arith.muli %scan3A_533, %mul3A_534 : i32
        %get3A_536 = arith.index_cast %mul3A_535 : i32 to index
        %get3A_537 = tpu.vector_load %arg8[%get3A_536] {strides = array<i32>} : memref<2688xi32, #tpu.memory_space<vmem>>, vector<16xi32>,
        %get3A_538 = arith.index_cast %mul3A_535 : i32 to index
        %get3A_539 = tpu.vector_load %arg9[%get3A_538] {strides = array<i32>} : memref<2688xi32, #tpu.memory_space<vmem>>, vector<16xi32>,
        %gather3A_540 = tpu.vector_load_idx %arg11[%get3A_537] : memref<10240xf32, #tpu.memory_space<vmem>>[vector<16xi32>], vector<16xf32>,
        %gather3A_541 = tpu.vector_load_idx %arg12[%get3A_539] : memref<10240xf32, #tpu.memory_space<vmem>>[vector<16xi32>], vector<16xf32>,
        %add3A_542 = arith.addf %gather3A_540, %gather3A_541 : vector<16xf32>
        %gt3A_543 = arith.constant 0.000000e+00 : f32
        %gt3A_544 = vector.broadcast %gt3A_543 : f32 to vector<16xf32>
        %gt3A_545 = arith.cmpf ogt, %add3A_542, %gt3A_544 : vector<16xf32>
        %mul3A_546 = arith.constant 2.000000e-01 : f32
        %mul3A_547 = vector.broadcast %mul3A_546 : f32 to vector<16xf32>
        %mul3A_548 = arith.mulf %add3A_542, %mul3A_547 : vector<16xf32>
        %select_n3A_549 = arith.select %gt3A_545, %add3A_542, %mul3A_548 : vector<16xi1>, vector<16xf32>
        %exp3A_550 = math.exp %select_n3A_549 : vector<16xf32>
        %swap3A_551 = arith.index_cast %mul3A_535 : i32 to index
        %swap3A_552 = tpu.vector_load %arg10[%swap3A_551] {strides = array<i32>} : memref<2688xf32, #tpu.memory_space<vmem>>, vector<16xf32>,
        tpu.vector_store %arg10[%swap3A_551], %exp3A_550 {strides = array<i32>} : memref<2688xf32, #tpu.memory_space<vmem>>, vector<16xf32>,
        tpu.vector_store_idx %arg13[%get3A_539], %exp3A_550 {add = true} : memref<10240xf32, #tpu.memory_space<vmem>>[vector<16xi32>], vector<16xf32>,
      }
      %scan3A_54 = arith.constant 160 : i32
      %scan3A_55 = arith.addi %scan3A_50, %scan3A_54 : i32
      %mul3A_56 = arith.constant 16 : i32
      %mul3A_57 = arith.muli %scan3A_55, %mul3A_56 : i32
      %get3A = arith.index_cast %mul3A_57 : i32 to index
      %get3A_58 = tpu.vector_load %arg8[%get3A] {strides = array<i32>} : memref<2688xi32, #tpu.memory_space<vmem>>, vector<16xi32>,
      %get3A_59 = arith.index_cast %mul3A_57 : i32 to index
      %get3A_60 = tpu.vector_load %arg9[%get3A_59] {strides = array<i32>} : memref<2688xi32, #tpu.memory_space<vmem>>, vector<16xi32>,
      %gather3A = tpu.vector_load_idx %arg11[%get3A_58] : memref<10240xf32, #tpu.memory_space<vmem>>[vector<16xi32>], vector<16xf32>,
      %gather3A_61 = tpu.vector_load_idx %arg12[%get3A_60] : memref<10240xf32, #tpu.memory_space<vmem>>[vector<16xi32>], vector<16xf32>,
      %add3A_62 = arith.addf %gather3A, %gather3A_61 : vector<16xf32>
      %gt3A = arith.constant 0.000000e+00 : f32
      %gt3A_63 = vector.broadcast %gt3A : f32 to vector<16xf32>
      %gt3A_64 = arith.cmpf ogt, %add3A_62, %gt3A_63 : vector<16xf32>
      %mul3A_65 = arith.constant 2.000000e-01 : f32
      %mul3A_66 = vector.broadcast %mul3A_65 : f32 to vector<16xf32>
      %mul3A_67 = arith.mulf %add3A_62, %mul3A_66 : vector<16xf32>
      %select_n3A_68 = arith.select %gt3A_64, %add3A_62, %mul3A_67 : vector<16xi1>, vector<16xf32>
      %exp3A = math.exp %select_n3A_68 : vector<16xf32>
      %swap3A = arith.index_cast %mul3A_57 : i32 to index
      %swap3A_69 = tpu.vector_load %arg10[%swap3A] {strides = array<i32>} : memref<2688xf32, #tpu.memory_space<vmem>>, vector<16xf32>,
      tpu.vector_store %arg10[%swap3A], %exp3A {strides = array<i32>} : memref<2688xf32, #tpu.memory_space<vmem>>, vector<16xf32>,
      tpu.vector_store_idx %arg13[%get3A_60], %exp3A {add = true} : memref<10240xf32, #tpu.memory_space<vmem>>[vector<16xi32>], vector<16xf32>,
      %scan3A_70 = arith.constant 161 : i32
      %scan3A_71 = arith.addi %scan3A_50, %scan3A_70 : i32
      %mul3A_72 = arith.constant 16 : i32
      %mul3A_73 = arith.muli %scan3A_71, %mul3A_72 : i32
      %get3A_74 = arith.index_cast %mul3A_73 : i32 to index
      %get3A_75 = tpu.vector_load %arg8[%get3A_74] {strides = array<i32>} : memref<2688xi32, #tpu.memory_space<vmem>>, vector<16xi32>,
      %get3A_76 = arith.index_cast %mul3A_73 : i32 to index
      %get3A_77 = tpu.vector_load %arg9[%get3A_76] {strides = array<i32>} : memref<2688xi32, #tpu.memory_space<vmem>>, vector<16xi32>,
      %gather3A_78 = tpu.vector_load_idx %arg11[%get3A_75] : memref<10240xf32, #tpu.memory_space<vmem>>[vector<16xi32>], vector<16xf32>,
      %gather3A_79 = tpu.vector_load_idx %arg12[%get3A_77] : memref<10240xf32, #tpu.memory_space<vmem>>[vector<16xi32>], vector<16xf32>,
      %add3A_80 = arith.addf %gather3A_78, %gather3A_79 : vector<16xf32>
      %gt3A_81 = arith.constant 0.000000e+00 : f32
      %gt3A_82 = vector.broadcast %gt3A_81 : f32 to vector<16xf32>
      %gt3A_83 = arith.cmpf ogt, %add3A_80, %gt3A_82 : vector<16xf32>
      %mul3A_84 = arith.constant 2.000000e-01 : f32
      %mul3A_85 = vector.broadcast %mul3A_84 : f32 to vector<16xf32>
      %mul3A_86 = arith.mulf %add3A_80, %mul3A_85 : vector<16xf32>
      %select_n3A_87 = arith.select %gt3A_83, %add3A_80, %mul3A_86 : vector<16xi1>, vector<16xf32>
      %exp3A_88 = math.exp %select_n3A_87 : vector<16xf32>
      %swap3A_89 = arith.index_cast %mul3A_73 : i32 to index
      %swap3A_90 = tpu.vector_load %arg10[%swap3A_89] {strides = array<i32>} : memref<2688xf32, #tpu.memory_space<vmem>>, vector<16xf32>,
      tpu.vector_store %arg10[%swap3A_89], %exp3A_88 {strides = array<i32>} : memref<2688xf32, #tpu.memory_space<vmem>>, vector<16xf32>,
      tpu.vector_store_idx %arg13[%get3A_77], %exp3A_88 {add = true} : memref<10240xf32, #tpu.memory_space<vmem>>[vector<16xi32>], vector<16xf32>,
      %scan3A_91 = arith.constant 162 : i32
      %scan3A_92 = arith.addi %scan3A_50, %scan3A_91 : i32
      %mul3A_93 = arith.constant 16 : i32
      %mul3A_94 = arith.muli %scan3A_92, %mul3A_93 : i32
      %get3A_95 = arith.index_cast %mul3A_94 : i32 to index
      %get3A_96 = tpu.vector_load %arg8[%get3A_95] {strides = array<i32>} : memref<2688xi32, #tpu.memory_space<vmem>>, vector<16xi32>,
      %get3A_97 = arith.index_cast %mul3A_94 : i32 to index
      %get3A_98 = tpu.vector_load %arg9[%get3A_97] {strides = array<i32>} : memref<2688xi32, #tpu.memory_space<vmem>>, vector<16xi32>,
      %gather3A_99 = tpu.vector_load_idx %arg11[%get3A_96] : memref<10240xf32, #tpu.memory_space<vmem>>[vector<16xi32>], vector<16xf32>,
      %gather3A_100 = tpu.vector_load_idx %arg12[%get3A_98] : memref<10240xf32, #tpu.memory_space<vmem>>[vector<16xi32>], vector<16xf32>,
      %add3A_101 = arith.addf %gather3A_99, %gather3A_100 : vector<16xf32>
      %gt3A_102 = arith.constant 0.000000e+00 : f32
      %gt3A_103 = vector.broadcast %gt3A_102 : f32 to vector<16xf32>
      %gt3A_104 = arith.cmpf ogt, %add3A_101, %gt3A_103 : vector<16xf32>
      %mul3A_105 = arith.constant 2.000000e-01 : f32
      %mul3A_106 = vector.broadcast %mul3A_105 : f32 to vector<16xf32>
      %mul3A_107 = arith.mulf %add3A_101, %mul3A_106 : vector<16xf32>
      %select_n3A_108 = arith.select %gt3A_104, %add3A_101, %mul3A_107 : vector<16xi1>, vector<16xf32>
      %exp3A_109 = math.exp %select_n3A_108 : vector<16xf32>
      %swap3A_110 = arith.index_cast %mul3A_94 : i32 to index
      %swap3A_111 = tpu.vector_load %arg10[%swap3A_110] {strides = array<i32>} : memref<2688xf32, #tpu.memory_space<vmem>>, vector<16xf32>,
      tpu.vector_store %arg10[%swap3A_110], %exp3A_109 {strides = array<i32>} : memref<2688xf32, #tpu.memory_space<vmem>>, vector<16xf32>,
      tpu.vector_store_idx %arg13[%get3A_98], %exp3A_109 {add = true} : memref<10240xf32, #tpu.memory_space<vmem>>[vector<16xi32>], vector<16xf32>,
      %scan3A_112 = arith.constant 163 : i32
      %scan3A_113 = arith.addi %scan3A_50, %scan3A_112 : i32
      %mul3A_114 = arith.constant 16 : i32
      %mul3A_115 = arith.muli %scan3A_113, %mul3A_114 : i32
      %get3A_116 = arith.index_cast %mul3A_115 : i32 to index
      %get3A_117 = tpu.vector_load %arg8[%get3A_116] {strides = array<i32>} : memref<2688xi32, #tpu.memory_space<vmem>>, vector<16xi32>,
      %get3A_118 = arith.index_cast %mul3A_115 : i32 to index
      %get3A_119 = tpu.vector_load %arg9[%get3A_118] {strides = array<i32>} : memref<2688xi32, #tpu.memory_space<vmem>>, vector<16xi32>,
      %gather3A_120 = tpu.vector_load_idx %arg11[%get3A_117] : memref<10240xf32, #tpu.memory_space<vmem>>[vector<16xi32>], vector<16xf32>,
      %gather3A_121 = tpu.vector_load_idx %arg12[%get3A_119] : memref<10240xf32, #tpu.memory_space<vmem>>[vector<16xi32>], vector<16xf32>,
      %add3A_122 = arith.addf %gather3A_120, %gather3A_121 : vector<16xf32>
      %gt3A_123 = arith.constant 0.000000e+00 : f32
      %gt3A_124 = vector.broadcast %gt3A_123 : f32 to vector<16xf32>
      %gt3A_125 = arith.cmpf ogt, %add3A_122, %gt3A_124 : vector<16xf32>
      %mul3A_126 = arith.constant 2.000000e-01 : f32
      %mul3A_127 = vector.broadcast %mul3A_126 : f32 to vector<16xf32>
      %mul3A_128 = arith.mulf %add3A_122, %mul3A_127 : vector<16xf32>
      %select_n3A_129 = arith.select %gt3A_125, %add3A_122, %mul3A_128 : vector<16xi1>, vector<16xf32>
      %exp3A_130 = math.exp %select_n3A_129 : vector<16xf32>
      %swap3A_131 = arith.index_cast %mul3A_115 : i32 to index
      %swap3A_132 = tpu.vector_load %arg10[%swap3A_131] {strides = array<i32>} : memref<2688xf32, #tpu.memory_space<vmem>>, vector<16xf32>,
      tpu.vector_store %arg10[%swap3A_131], %exp3A_130 {strides = array<i32>} : memref<2688xf32, #tpu.memory_space<vmem>>, vector<16xf32>,
      tpu.vector_store_idx %arg13[%get3A_119], %exp3A_130 {add = true} : memref<10240xf32, #tpu.memory_space<vmem>>[vector<16xi32>], vector<16xf32>,
      %scan3A_133 = arith.constant 164 : i32
      %scan3A_134 = arith.addi %scan3A_50, %scan3A_133 : i32
      %mul3A_135 = arith.constant 16 : i32
      %mul3A_136 = arith.muli %scan3A_134, %mul3A_135 : i32
      %get3A_137 = arith.index_cast %mul3A_136 : i32 to index
      %get3A_138 = tpu.vector_load %arg8[%get3A_137] {strides = array<i32>} : memref<2688xi32, #tpu.memory_space<vmem>>, vector<16xi32>,
      %get3A_139 = arith.index_cast %mul3A_136 : i32 to index
      %get3A_140 = tpu.vector_load %arg9[%get3A_139] {strides = array<i32>} : memref<2688xi32, #tpu.memory_space<vmem>>, vector<16xi32>,
      %gather3A_141 = tpu.vector_load_idx %arg11[%get3A_138] : memref<10240xf32, #tpu.memory_space<vmem>>[vector<16xi32>], vector<16xf32>,
      %gather3A_142 = tpu.vector_load_idx %arg12[%get3A_140] : memref<10240xf32, #tpu.memory_space<vmem>>[vector<16xi32>], vector<16xf32>,
      %add3A_143 = arith.addf %gather3A_141, %gather3A_142 : vector<16xf32>
      %gt3A_144 = arith.constant 0.000000e+00 : f32
      %gt3A_145 = vector.broadcast %gt3A_144 : f32 to vector<16xf32>
      %gt3A_146 = arith.cmpf ogt, %add3A_143, %gt3A_145 : vector<16xf32>
      %mul3A_147 = arith.constant 2.000000e-01 : f32
      %mul3A_148 = vector.broadcast %mul3A_147 : f32 to vector<16xf32>
      %mul3A_149 = arith.mulf %add3A_143, %mul3A_148 : vector<16xf32>
      %select_n3A_150 = arith.select %gt3A_146, %add3A_143, %mul3A_149 : vector<16xi1>, vector<16xf32>
      %exp3A_151 = math.exp %select_n3A_150 : vector<16xf32>
      %swap3A_152 = arith.index_cast %mul3A_136 : i32 to index
      %swap3A_153 = tpu.vector_load %arg10[%swap3A_152] {strides = array<i32>} : memref<2688xf32, #tpu.memory_space<vmem>>, vector<16xf32>,
      tpu.vector_store %arg10[%swap3A_152], %exp3A_151 {strides = array<i32>} : memref<2688xf32, #tpu.memory_space<vmem>>, vector<16xf32>,
      tpu.vector_store_idx %arg13[%get3A_140], %exp3A_151 {add = true} : memref<10240xf32, #tpu.memory_space<vmem>>[vector<16xi32>], vector<16xf32>,
      %scan3A_154 = arith.constant 165 : i32
      %scan3A_155 = arith.addi %scan3A_50, %scan3A_154 : i32
      %mul3A_156 = arith.constant 16 : i32
      %mul3A_157 = arith.muli %scan3A_155, %mul3A_156 : i32
      %get3A_158 = arith.index_cast %mul3A_157 : i32 to index
      %get3A_159 = tpu.vector_load %arg8[%get3A_158] {strides = array<i32>} : memref<2688xi32, #tpu.memory_space<vmem>>, vector<16xi32>,
      %get3A_160 = arith.index_cast %mul3A_157 : i32 to index
      %get3A_161 = tpu.vector_load %arg9[%get3A_160] {strides = array<i32>} : memref<2688xi32, #tpu.memory_space<vmem>>, vector<16xi32>,
      %gather3A_162 = tpu.vector_load_idx %arg11[%get3A_159] : memref<10240xf32, #tpu.memory_space<vmem>>[vector<16xi32>], vector<16xf32>,
      %gather3A_163 = tpu.vector_load_idx %arg12[%get3A_161] : memref<10240xf32, #tpu.memory_space<vmem>>[vector<16xi32>], vector<16xf32>,
      %add3A_164 = arith.addf %gather3A_162, %gather3A_163 : vector<16xf32>
      %gt3A_165 = arith.constant 0.000000e+00 : f32
      %gt3A_166 = vector.broadcast %gt3A_165 : f32 to vector<16xf32>
      %gt3A_167 = arith.cmpf ogt, %add3A_164, %gt3A_166 : vector<16xf32>
      %mul3A_168 = arith.constant 2.000000e-01 : f32
      %mul3A_169 = vector.broadcast %mul3A_168 : f32 to vector<16xf32>
      %mul3A_170 = arith.mulf %add3A_164, %mul3A_169 : vector<16xf32>
      %select_n3A_171 = arith.select %gt3A_167, %add3A_164, %mul3A_170 : vector<16xi1>, vector<16xf32>
      %exp3A_172 = math.exp %select_n3A_171 : vector<16xf32>
      %swap3A_173 = arith.index_cast %mul3A_157 : i32 to index
      %swap3A_174 = tpu.vector_load %arg10[%swap3A_173] {strides = array<i32>} : memref<2688xf32, #tpu.memory_space<vmem>>, vector<16xf32>,
      tpu.vector_store %arg10[%swap3A_173], %exp3A_172 {strides = array<i32>} : memref<2688xf32, #tpu.memory_space<vmem>>, vector<16xf32>,
      tpu.vector_store_idx %arg13[%get3A_161], %exp3A_172 {add = true} : memref<10240xf32, #tpu.memory_space<vmem>>[vector<16xi32>], vector<16xf32>,
      %scan3A_175 = arith.constant 166 : i32
      %scan3A_176 = arith.addi %scan3A_50, %scan3A_175 : i32
      %mul3A_177 = arith.constant 16 : i32
      %mul3A_178 = arith.muli %scan3A_176, %mul3A_177 : i32
      %get3A_179 = arith.index_cast %mul3A_178 : i32 to index
      %get3A_180 = tpu.vector_load %arg8[%get3A_179] {strides = array<i32>} : memref<2688xi32, #tpu.memory_space<vmem>>, vector<16xi32>,
      %get3A_181 = arith.index_cast %mul3A_178 : i32 to index
      %get3A_182 = tpu.vector_load %arg9[%get3A_181] {strides = array<i32>} : memref<2688xi32, #tpu.memory_space<vmem>>, vector<16xi32>,
      %gather3A_183 = tpu.vector_load_idx %arg11[%get3A_180] : memref<10240xf32, #tpu.memory_space<vmem>>[vector<16xi32>], vector<16xf32>,
      %gather3A_184 = tpu.vector_load_idx %arg12[%get3A_182] : memref<10240xf32, #tpu.memory_space<vmem>>[vector<16xi32>], vector<16xf32>,
      %add3A_185 = arith.addf %gather3A_183, %gather3A_184 : vector<16xf32>
      %gt3A_186 = arith.constant 0.000000e+00 : f32
      %gt3A_187 = vector.broadcast %gt3A_186 : f32 to vector<16xf32>
      %gt3A_188 = arith.cmpf ogt, %add3A_185, %gt3A_187 : vector<16xf32>
      %mul3A_189 = arith.constant 2.000000e-01 : f32
      %mul3A_190 = vector.broadcast %mul3A_189 : f32 to vector<16xf32>
      %mul3A_191 = arith.mulf %add3A_185, %mul3A_190 : vector<16xf32>
      %select_n3A_192 = arith.select %gt3A_188, %add3A_185, %mul3A_191 : vector<16xi1>, vector<16xf32>
      %exp3A_193 = math.exp %select_n3A_192 : vector<16xf32>
      %swap3A_194 = arith.index_cast %mul3A_178 : i32 to index
      %swap3A_195 = tpu.vector_load %arg10[%swap3A_194] {strides = array<i32>} : memref<2688xf32, #tpu.memory_space<vmem>>, vector<16xf32>,
      tpu.vector_store %arg10[%swap3A_194], %exp3A_193 {strides = array<i32>} : memref<2688xf32, #tpu.memory_space<vmem>>, vector<16xf32>,
      tpu.vector_store_idx %arg13[%get3A_182], %exp3A_193 {add = true} : memref<10240xf32, #tpu.memory_space<vmem>>[vector<16xi32>], vector<16xf32>,
      %scan3A_196 = arith.constant 167 : i32
      %scan3A_197 = arith.addi %scan3A_50, %scan3A_196 : i32
      %mul3A_198 = arith.constant 16 : i32
      %mul3A_199 = arith.muli %scan3A_197, %mul3A_198 : i32
      %get3A_200 = arith.index_cast %mul3A_199 : i32 to index
      %get3A_201 = tpu.vector_load %arg8[%get3A_200] {strides = array<i32>} : memref<2688xi32, #tpu.memory_space<vmem>>, vector<16xi32>,
      %get3A_202 = arith.index_cast %mul3A_199 : i32 to index
      %get3A_203 = tpu.vector_load %arg9[%get3A_202] {strides = array<i32>} : memref<2688xi32, #tpu.memory_space<vmem>>, vector<16xi32>,
      %gather3A_204 = tpu.vector_load_idx %arg11[%get3A_201] : memref<10240xf32, #tpu.memory_space<vmem>>[vector<16xi32>], vector<16xf32>,
      %gather3A_205 = tpu.vector_load_idx %arg12[%get3A_203] : memref<10240xf32, #tpu.memory_space<vmem>>[vector<16xi32>], vector<16xf32>,
      %add3A_206 = arith.addf %gather3A_204, %gather3A_205 : vector<16xf32>
      %gt3A_207 = arith.constant 0.000000e+00 : f32
      %gt3A_208 = vector.broadcast %gt3A_207 : f32 to vector<16xf32>
      %gt3A_209 = arith.cmpf ogt, %add3A_206, %gt3A_208 : vector<16xf32>
      %mul3A_210 = arith.constant 2.000000e-01 : f32
      %mul3A_211 = vector.broadcast %mul3A_210 : f32 to vector<16xf32>
      %mul3A_212 = arith.mulf %add3A_206, %mul3A_211 : vector<16xf32>
      %select_n3A_213 = arith.select %gt3A_209, %add3A_206, %mul3A_212 : vector<16xi1>, vector<16xf32>
      %exp3A_214 = math.exp %select_n3A_213 : vector<16xf32>
      %swap3A_215 = arith.index_cast %mul3A_199 : i32 to index
      %swap3A_216 = tpu.vector_load %arg10[%swap3A_215] {strides = array<i32>} : memref<2688xf32, #tpu.memory_space<vmem>>, vector<16xf32>,
      tpu.vector_store %arg10[%swap3A_215], %exp3A_214 {strides = array<i32>} : memref<2688xf32, #tpu.memory_space<vmem>>, vector<16xf32>,
      tpu.vector_store_idx %arg13[%get3A_203], %exp3A_214 {add = true} : memref<10240xf32, #tpu.memory_space<vmem>>[vector<16xi32>], vector<16xf32>,
      %scan3A_217 = arith.constant 168 : i32
      "tpu.region"() ({
        %run_scoped3A = tpu.sem_alloc : memref<!tpu.dma_semaphore, #tpu.memory_space<semaphore_mem>>
        %dma_start3A = arith.constant 0 : i32
        %dma_start3A_218 = tpu.memref_slice %arg6[%select_n3A_9, %dma_start3A] : memref<1x172032xf32, #tpu.memory_space<hbm>> -> memref<1x172032xf32, #tpu.memory_space<hbm>>
        %dma_start3A_219 = tpu.memref_squeeze %dma_start3A_218 : memref<1x172032xf32, #tpu.memory_space<hbm>> -> memref<172032xf32, #tpu.memory_space<hbm>>
        %dma_start3A_220 = tpu.memref_slice %dma_start3A_219[%add3A_48] : memref<172032xf32, #tpu.memory_space<hbm>> -> memref<2688xf32, #tpu.memory_space<hbm>>
        %dma_start3A_221 = arith.constant 0 : i32
        %dma_start3A_222 = tpu.memref_slice %arg6[%select_n3A_9, %dma_start3A_221] : memref<1x172032xf32, #tpu.memory_space<hbm>> -> memref<1x172032xf32, #tpu.memory_space<hbm>>
        %dma_start3A_223 = tpu.memref_squeeze %dma_start3A_222 : memref<1x172032xf32, #tpu.memory_space<hbm>> -> memref<172032xf32, #tpu.memory_space<hbm>>
        %dma_start3A_224 = tpu.memref_slice %dma_start3A_223[%add3A_48] : memref<172032xf32, #tpu.memory_space<hbm>> -> memref<2688xf32, #tpu.memory_space<hbm>>
        tpu.enqueue_dma source(%arg10 : memref<2688xf32, #tpu.memory_space<vmem>>) target(%dma_start3A_224 : memref<2688xf32, #tpu.memory_space<hbm>>) target_semaphore(%run_scoped3A : memref<!tpu.dma_semaphore, #tpu.memory_space<semaphore_mem>>)
        %dma_wait3A = arith.constant 0 : i32
        %dma_wait3A_225 = tpu.memref_slice %arg6[%select_n3A_9, %dma_wait3A] : memref<1x172032xf32, #tpu.memory_space<hbm>> -> memref<1x172032xf32, #tpu.memory_space<hbm>>
        %dma_wait3A_226 = tpu.memref_squeeze %dma_wait3A_225 : memref<1x172032xf32, #tpu.memory_space<hbm>> -> memref<172032xf32, #tpu.memory_space<hbm>>
        %dma_wait3A_227 = tpu.memref_slice %dma_wait3A_226[%add3A_48] : memref<172032xf32, #tpu.memory_space<hbm>> -> memref<2688xf32, #tpu.memory_space<hbm>>
        %dma_wait3A_228 = arith.constant 0 : i32
        %dma_wait3A_229 = tpu.memref_slice %arg6[%select_n3A_9, %dma_wait3A_228] : memref<1x172032xf32, #tpu.memory_space<hbm>> -> memref<1x172032xf32, #tpu.memory_space<hbm>>
        %dma_wait3A_230 = tpu.memref_squeeze %dma_wait3A_229 : memref<1x172032xf32, #tpu.memory_space<hbm>> -> memref<172032xf32, #tpu.memory_space<hbm>>
        %dma_wait3A_231 = tpu.memref_slice %dma_wait3A_230[%add3A_48] : memref<172032xf32, #tpu.memory_space<hbm>> -> memref<2688xf32, #tpu.memory_space<hbm>>
        tpu.wait_dma2 semaphore(%run_scoped3A : memref<!tpu.dma_semaphore, #tpu.memory_space<semaphore_mem>>) src(%arg10 : memref<2688xf32, #tpu.memory_space<vmem>>) dst(%dma_wait3A_231 : memref<2688xf32, #tpu.memory_space<hbm>>)
        tpu.yield
      }) : () -> ()
    }
    %scan3A_42 = arith.constant 2 : i32
    "tpu.region"() ({
      %run_scoped3A = tpu.sem_alloc : memref<!tpu.dma_semaphore, #tpu.memory_space<semaphore_mem>>
      %dma_start3A = arith.constant 0 : i32
      %dma_start3A_43 = tpu.memref_slice %arg7[%add3A, %dma_start3A] : memref<32x10240xf32, #tpu.memory_space<hbm>> -> memref<1x10240xf32, #tpu.memory_space<hbm>>
      %dma_start3A_44 = tpu.memref_squeeze %dma_start3A_43 : memref<1x10240xf32, #tpu.memory_space<hbm>> -> memref<10240xf32, #tpu.memory_space<hbm>>
      %dma_start3A_45 = arith.constant 0 : i32
      %dma_start3A_46 = tpu.memref_slice %arg7[%add3A, %dma_start3A_45] : memref<32x10240xf32, #tpu.memory_space<hbm>> -> memref<1x10240xf32, #tpu.memory_space<hbm>>
      %dma_start3A_47 = tpu.memref_squeeze %dma_start3A_46 : memref<1x10240xf32, #tpu.memory_space<hbm>> -> memref<10240xf32, #tpu.memory_space<hbm>>
      tpu.enqueue_dma source(%arg13 : memref<10240xf32, #tpu.memory_space<vmem>>) target(%dma_start3A_47 : memref<10240xf32, #tpu.memory_space<hbm>>) target_semaphore(%run_scoped3A : memref<!tpu.dma_semaphore, #tpu.memory_space<semaphore_mem>>)
      %dma_wait3A = arith.constant 0 : i32
      %dma_wait3A_48 = tpu.memref_slice %arg7[%add3A, %dma_wait3A] : memref<32x10240xf32, #tpu.memory_space<hbm>> -> memref<1x10240xf32, #tpu.memory_space<hbm>>
      %dma_wait3A_49 = tpu.memref_squeeze %dma_wait3A_48 : memref<1x10240xf32, #tpu.memory_space<hbm>> -> memref<10240xf32, #tpu.memory_space<hbm>>
      %dma_wait3A_50 = arith.constant 0 : i32
      %dma_wait3A_51 = tpu.memref_slice %arg7[%add3A, %dma_wait3A_50] : memref<32x10240xf32, #tpu.memory_space<hbm>> -> memref<1x10240xf32, #tpu.memory_space<hbm>>
      %dma_wait3A_52 = tpu.memref_squeeze %dma_wait3A_51 : memref<1x10240xf32, #tpu.memory_space<hbm>> -> memref<10240xf32, #tpu.memory_space<hbm>>
      tpu.wait_dma2 semaphore(%run_scoped3A : memref<!tpu.dma_semaphore, #tpu.memory_space<semaphore_mem>>) src(%arg13 : memref<10240xf32, #tpu.memory_space<vmem>>) dst(%dma_wait3A_52 : memref<10240xf32, #tpu.memory_space<hbm>>)
      tpu.yield
    }) : () -> ()
    return
  }
}

module attributes {stable_mosaic.version = 14 : i64} {
  func.func @_tc1_body(%arg0: i32, %arg1: memref<500x640xf32, #tpu.memory_space<vmem>>, %arg2: memref<64x500xf32, #tpu.memory_space<vmem>>, %arg3: memref<8x64xf32, #tpu.memory_space<vmem>>, %arg4: memref<8x64xf32, #tpu.memory_space<vmem>>, %arg5: memref<64x640xf32, #tpu.memory_space<vmem>>, %arg6: memref<8x640xf32, #tpu.memory_space<vmem>>, %arg7: memref<8x640xf32, #tpu.memory_space<vmem>>) attributes {dimension_semantics = [#tpu.dimension_semantics<arbitrary>], iteration_bounds = array<i64: 16>, scalar_prefetch = 0 : i64, scratch_operands = 0 : i64, tpu.core_type = #tpu.core_type<tc>, window_params = [{transform_indices = @transform_0, window_bounds = array<i64: 500, 640>}, {pipeline_mode = #tpu.pipeline_mode<synchronous>, transform_indices = @transform_1, window_bounds = array<i64: 64, 500>}, {pipeline_mode = #tpu.pipeline_mode<synchronous>, transform_indices = @transform_2, window_bounds = array<i64: 8, 64>}, {pipeline_mode = #tpu.pipeline_mode<synchronous>, transform_indices = @transform_3, window_bounds = array<i64: 8, 64>}, {transform_indices = @transform_4, window_bounds = array<i64: 64, 640>}, {transform_indices = @transform_5, window_bounds = array<i64: 8, 640>}, {transform_indices = @transform_6, window_bounds = array<i64: 8, 640>}]} {
    %get3A = arith.constant 0 : index
    %get3A_0 = arith.constant 0 : index
    %get3A_1 = vector.load %arg2[%get3A, %get3A_0] : memref<64x500xf32, #tpu.memory_space<vmem>>, vector<64x500xf32>
    %get3A_2 = arith.constant 0 : index
    %get3A_3 = arith.constant 0 : index
    %get3A_4 = vector.load %arg1[%get3A_2, %get3A_3] : memref<500x640xf32, #tpu.memory_space<vmem>>, vector<500x640xf32>
    %dot_general3A = arith.constant dense<0.000000e+00> : vector<64x640xf32>
    %dot_general3A_5 = tpu.matmul %get3A_1, %get3A_4, %dot_general3A {dimension_numbers = #tpu.dot_dimension_numbers<[1], [0], [0], [1], [0, 0, 1, 1], [], []>, transpose_lhs_hint = false} : vector<64x500xf32>, vector<500x640xf32>, vector<64x640xf32> -> vector<64x640xf32>
    %swap3A = arith.constant 0 : index
    %swap3A_6 = arith.constant 0 : index
    %swap3A_7 = vector.load %arg5[%swap3A, %swap3A_6] : memref<64x640xf32, #tpu.memory_space<vmem>>, vector<64x640xf32>
    tpu.vector_store %arg5[%swap3A, %swap3A_6], %dot_general3A_5 {strides = array<i32>} : memref<64x640xf32, #tpu.memory_space<vmem>>, vector<64x640xf32>,
    %get3A_8 = arith.constant 0 : index
    %get3A_9 = arith.constant 0 : index
    %get3A_10 = vector.load %arg3[%get3A_8, %get3A_9] : memref<8x64xf32, #tpu.memory_space<vmem>>, vector<8x64xf32>
    %dot_general3A_11 = arith.constant dense<0.000000e+00> : vector<8x640xf32>
    %dot_general3A_12 = tpu.matmul %get3A_10, %dot_general3A_5, %dot_general3A_11 {dimension_numbers = #tpu.dot_dimension_numbers<[1], [0], [0], [1], [0, 0, 1, 1], [], []>, transpose_lhs_hint = false} : vector<8x64xf32>, vector<64x640xf32>, vector<8x640xf32> -> vector<8x640xf32>
    %swap3A_13 = arith.constant 0 : index
    %swap3A_14 = arith.constant 0 : index
    %swap3A_15 = vector.load %arg6[%swap3A_13, %swap3A_14] : memref<8x640xf32, #tpu.memory_space<vmem>>, vector<8x640xf32>
    tpu.vector_store %arg6[%swap3A_13, %swap3A_14], %dot_general3A_12 {strides = array<i32>} : memref<8x640xf32, #tpu.memory_space<vmem>>, vector<8x640xf32>,
    %get3A_16 = arith.constant 0 : index
    %get3A_17 = arith.constant 0 : index
    %get3A_18 = vector.load %arg4[%get3A_16, %get3A_17] : memref<8x64xf32, #tpu.memory_space<vmem>>, vector<8x64xf32>
    %dot_general3A_19 = arith.constant dense<0.000000e+00> : vector<8x640xf32>
    %dot_general3A_20 = tpu.matmul %get3A_18, %dot_general3A_5, %dot_general3A_19 {dimension_numbers = #tpu.dot_dimension_numbers<[1], [0], [0], [1], [0, 0, 1, 1], [], []>, transpose_lhs_hint = false} : vector<8x64xf32>, vector<64x640xf32>, vector<8x640xf32> -> vector<8x640xf32>
    %swap3A_21 = arith.constant 0 : index
    %swap3A_22 = arith.constant 0 : index
    %swap3A_23 = vector.load %arg7[%swap3A_21, %swap3A_22] : memref<8x640xf32, #tpu.memory_space<vmem>>, vector<8x640xf32>
    tpu.vector_store %arg7[%swap3A_21, %swap3A_22], %dot_general3A_20 {strides = array<i32>} : memref<8x640xf32, #tpu.memory_space<vmem>>, vector<8x640xf32>,
    return
  }
  func.func @transform_0(%arg0: i32) -> (i32, i32) {
    %c0_i32 = arith.constant 0 : i32
    %c0_i32_0 = arith.constant 0 : i32
    return %c0_i32, %arg0 : i32, i32
  }
  func.func @transform_1(%arg0: i32) -> (i32, i32) {
    %c0_i32 = arith.constant 0 : i32
    %c0_i32_0 = arith.constant 0 : i32
    %c0_i32_1 = arith.constant 0 : i32
    return %c0_i32, %c0_i32_0 : i32, i32
  }
  func.func @transform_2(%arg0: i32) -> (i32, i32) {
    %c0_i32 = arith.constant 0 : i32
    %c0_i32_0 = arith.constant 0 : i32
    %c0_i32_1 = arith.constant 0 : i32
    return %c0_i32, %c0_i32_0 : i32, i32
  }
  func.func @transform_3(%arg0: i32) -> (i32, i32) {
    %c0_i32 = arith.constant 0 : i32
    %c0_i32_0 = arith.constant 0 : i32
    %c0_i32_1 = arith.constant 0 : i32
    return %c0_i32, %c0_i32_0 : i32, i32
  }
  func.func @transform_4(%arg0: i32) -> (i32, i32) {
    %c0_i32 = arith.constant 0 : i32
    %c0_i32_0 = arith.constant 0 : i32
    return %c0_i32, %arg0 : i32, i32
  }
  func.func @transform_5(%arg0: i32) -> (i32, i32) {
    %c0_i32 = arith.constant 0 : i32
    %c0_i32_0 = arith.constant 0 : i32
    return %c0_i32, %arg0 : i32, i32
  }
  func.func @transform_6(%arg0: i32) -> (i32, i32) {
    %c0_i32 = arith.constant 0 : i32
    %c0_i32_0 = arith.constant 0 : i32
    return %c0_i32, %arg0 : i32, i32
  }
}

module attributes {stable_mosaic.version = 14 : i64} {
  func.func @_tc2_body(%arg0: i32, %arg1: memref<32x640xf32, #tpu.memory_space<vmem>>, %arg2: memref<64x640xf32, #tpu.memory_space<vmem>>, %arg3: memref<64x640xf32, #tpu.memory_space<vmem>>, %arg4: memref<8x32xf32, #tpu.memory_space<vmem>>, %arg5: memref<64x8xf32, #tpu.memory_space<vmem>>, %arg6: memref<64x1xf32, #tpu.memory_space<vmem>>, %arg7: memref<7x64xf32, #tpu.memory_space<vmem>>, %arg8: memref<1x7xf32, #tpu.memory_space<vmem>>, %arg9: memref<1x7xf32, #tpu.memory_space<vmem>>, %arg10: memref<8x7xf32, #tpu.memory_space<vmem>>, %arg11: memref<8x640xf32, #tpu.memory_space<vmem>>, %arg12: memref<1x640xf32, #tpu.memory_space<vmem>>, %arg13: memref<1x640xf32, #tpu.memory_space<vmem>>) attributes {dimension_semantics = [#tpu.dimension_semantics<arbitrary>], iteration_bounds = array<i64: 16>, scalar_prefetch = 0 : i64, scratch_operands = 0 : i64, tpu.core_type = #tpu.core_type<tc>, window_params = [{transform_indices = @transform_0, window_bounds = array<i64: 32, 640>}, {transform_indices = @transform_1, window_bounds = array<i64: 64, 640>}, {transform_indices = @transform_2, window_bounds = array<i64: 64, 640>}, {pipeline_mode = #tpu.pipeline_mode<synchronous>, transform_indices = @transform_3, window_bounds = array<i64: 8, 32>}, {pipeline_mode = #tpu.pipeline_mode<synchronous>, transform_indices = @transform_4, window_bounds = array<i64: 64, 8>}, {pipeline_mode = #tpu.pipeline_mode<synchronous>, transform_indices = @transform_5, window_bounds = array<i64: 64, 1>}, {pipeline_mode = #tpu.pipeline_mode<synchronous>, transform_indices = @transform_6, window_bounds = array<i64: 7, 64>}, {pipeline_mode = #tpu.pipeline_mode<synchronous>, transform_indices = @transform_7, window_bounds = array<i64: 1, 7>}, {pipeline_mode = #tpu.pipeline_mode<synchronous>, transform_indices = @transform_8, window_bounds = array<i64: 1, 7>}, {pipeline_mode = #tpu.pipeline_mode<synchronous>, transform_indices = @transform_9, window_bounds = array<i64: 8, 7>}, {transform_indices = @transform_10, window_bounds = array<i64: 8, 640>}, {transform_indices = @transform_11, window_bounds = array<i64: 1, 640>}, {transform_indices = @transform_12, window_bounds = array<i64: 1, 640>}]} {
    %get3A = arith.constant 0 : index
    %get3A_0 = arith.constant 0 : index
    %get3A_1 = vector.load %arg4[%get3A, %get3A_0] : memref<8x32xf32, #tpu.memory_space<vmem>>, vector<8x32xf32>
    %get3A_2 = arith.constant 0 : index
    %get3A_3 = arith.constant 0 : index
    %get3A_4 = vector.load %arg1[%get3A_2, %get3A_3] : memref<32x640xf32, #tpu.memory_space<vmem>>, vector<32x640xf32>
    %dot_general3A = arith.constant dense<0.000000e+00> : vector<8x640xf32>
    %dot_general3A_5 = tpu.matmul %get3A_1, %get3A_4, %dot_general3A {dimension_numbers = #tpu.dot_dimension_numbers<[1], [0], [0], [1], [0, 0, 1, 1], [], []>, transpose_lhs_hint = false} : vector<8x32xf32>, vector<32x640xf32>, vector<8x640xf32> -> vector<8x640xf32>
    %get3A_6 = arith.constant 0 : index
    %get3A_7 = arith.constant 0 : index
    %get3A_8 = vector.load %arg5[%get3A_6, %get3A_7] : memref<64x8xf32, #tpu.memory_space<vmem>>, vector<64x8xf32>
    %dot_general3A_9 = arith.constant dense<0.000000e+00> : vector<64x640xf32>
    %dot_general3A_10 = tpu.matmul %get3A_8, %dot_general3A_5, %dot_general3A_9 {dimension_numbers = #tpu.dot_dimension_numbers<[1], [0], [0], [1], [0, 0, 1, 1], [], []>, transpose_lhs_hint = false} : vector<64x8xf32>, vector<8x640xf32>, vector<64x640xf32> -> vector<64x640xf32>
    %get3A_11 = arith.constant 0 : index
    %get3A_12 = arith.constant 0 : index
    %get3A_13 = vector.load %arg2[%get3A_11, %get3A_12] : memref<64x640xf32, #tpu.memory_space<vmem>>, vector<64x640xf32>
    %get3A_14 = arith.constant 0 : index
    %get3A_15 = arith.constant 0 : index
    %get3A_16 = vector.load %arg3[%get3A_14, %get3A_15] : memref<64x640xf32, #tpu.memory_space<vmem>>, vector<64x640xf32>
    %add3A = arith.addf %get3A_13, %get3A_16 : vector<64x640xf32>
    %add3A_17 = arith.constant 1.000000e-16 : f32
    %add3A_18 = vector.broadcast %add3A_17 : f32 to vector<64x640xf32>
    %add3A_19 = arith.addf %dot_general3A_10, %add3A_18 : vector<64x640xf32>
    %div3A = arith.divf %add3A, %add3A_19 : vector<64x640xf32>
    %get3A_20 = arith.constant 0 : index
    %get3A_21 = arith.constant 0 : index
    %get3A_22 = vector.load %arg6[%get3A_20, %get3A_21] : memref<64x1xf32, #tpu.memory_space<vmem>>, vector<64x1xf32>
    %add3A_23 = vector.broadcast %get3A_22 : vector<64x1xf32> to vector<64x640xf32>
    %add3A_24 = arith.addf %div3A, %add3A_23 : vector<64x640xf32>
    %get3A_25 = arith.constant 0 : index
    %get3A_26 = arith.constant 0 : index
    %get3A_27 = vector.load %arg7[%get3A_25, %get3A_26] : memref<7x64xf32, #tpu.memory_space<vmem>>, vector<7x64xf32>
    %dot_general3A_28 = arith.constant dense<0.000000e+00> : vector<7x640xf32>
    %dot_general3A_29 = tpu.matmul %get3A_27, %add3A_24, %dot_general3A_28 {dimension_numbers = #tpu.dot_dimension_numbers<[1], [0], [0], [1], [0, 0, 1, 1], [], []>, transpose_lhs_hint = false} : vector<7x64xf32>, vector<64x640xf32>, vector<7x640xf32> -> vector<7x640xf32>
    %get3A_30 = arith.constant 0 : index
    %get3A_31 = arith.constant 0 : index
    %get3A_32 = vector.load %arg10[%get3A_30, %get3A_31] : memref<8x7xf32, #tpu.memory_space<vmem>>, vector<8x7xf32>
    %dot_general3A_33 = arith.constant dense<0.000000e+00> : vector<8x640xf32>
    %dot_general3A_34 = tpu.matmul %get3A_32, %dot_general3A_29, %dot_general3A_33 {dimension_numbers = #tpu.dot_dimension_numbers<[1], [0], [0], [1], [0, 0, 1, 1], [], []>, transpose_lhs_hint = false} : vector<8x7xf32>, vector<7x640xf32>, vector<8x640xf32> -> vector<8x640xf32>
    %swap3A = arith.constant 0 : index
    %swap3A_35 = arith.constant 0 : index
    %swap3A_36 = vector.load %arg11[%swap3A, %swap3A_35] : memref<8x640xf32, #tpu.memory_space<vmem>>, vector<8x640xf32>
    tpu.vector_store %arg11[%swap3A, %swap3A_35], %dot_general3A_34 {strides = array<i32>} : memref<8x640xf32, #tpu.memory_space<vmem>>, vector<8x640xf32>,
    %get3A_37 = arith.constant 0 : index
    %get3A_38 = arith.constant 0 : index
    %get3A_39 = vector.load %arg8[%get3A_37, %get3A_38] : memref<1x7xf32, #tpu.memory_space<vmem>>, vector<1x7xf32>
    %dot_general3A_40 = arith.constant dense<0.000000e+00> : vector<1x640xf32>
    %dot_general3A_41 = tpu.matmul %get3A_39, %dot_general3A_29, %dot_general3A_40 {dimension_numbers = #tpu.dot_dimension_numbers<[1], [0], [0], [1], [0, 0, 1, 1], [], []>, transpose_lhs_hint = false} : vector<1x7xf32>, vector<7x640xf32>, vector<1x640xf32> -> vector<1x640xf32>
    %swap3A_42 = arith.constant 0 : index
    %swap3A_43 = arith.constant 0 : index
    %swap3A_44 = vector.load %arg12[%swap3A_42, %swap3A_43] : memref<1x640xf32, #tpu.memory_space<vmem>>, vector<1x640xf32>
    tpu.vector_store %arg12[%swap3A_42, %swap3A_43], %dot_general3A_41 {strides = array<i32>} : memref<1x640xf32, #tpu.memory_space<vmem>>, vector<1x640xf32>,
    %get3A_45 = arith.constant 0 : index
    %get3A_46 = arith.constant 0 : index
    %get3A_47 = vector.load %arg9[%get3A_45, %get3A_46] : memref<1x7xf32, #tpu.memory_space<vmem>>, vector<1x7xf32>
    %dot_general3A_48 = arith.constant dense<0.000000e+00> : vector<1x640xf32>
    %dot_general3A_49 = tpu.matmul %get3A_47, %dot_general3A_29, %dot_general3A_48 {dimension_numbers = #tpu.dot_dimension_numbers<[1], [0], [0], [1], [0, 0, 1, 1], [], []>, transpose_lhs_hint = false} : vector<1x7xf32>, vector<7x640xf32>, vector<1x640xf32> -> vector<1x640xf32>
    %swap3A_50 = arith.constant 0 : index
    %swap3A_51 = arith.constant 0 : index
    %swap3A_52 = vector.load %arg13[%swap3A_50, %swap3A_51] : memref<1x640xf32, #tpu.memory_space<vmem>>, vector<1x640xf32>
    tpu.vector_store %arg13[%swap3A_50, %swap3A_51], %dot_general3A_49 {strides = array<i32>} : memref<1x640xf32, #tpu.memory_space<vmem>>, vector<1x640xf32>,
    return
  }
  func.func @transform_0(%arg0: i32) -> (i32, i32) {
    %c0_i32 = arith.constant 0 : i32
    %c0_i32_0 = arith.constant 0 : i32
    return %c0_i32, %arg0 : i32, i32
  }
  func.func @transform_1(%arg0: i32) -> (i32, i32) {
    %c0_i32 = arith.constant 0 : i32
    %c0_i32_0 = arith.constant 0 : i32
    return %c0_i32, %arg0 : i32, i32
  }
  func.func @transform_2(%arg0: i32) -> (i32, i32) {
    %c0_i32 = arith.constant 0 : i32
    %c0_i32_0 = arith.constant 0 : i32
    return %c0_i32, %arg0 : i32, i32
  }
  func.func @transform_3(%arg0: i32) -> (i32, i32) {
    %c0_i32 = arith.constant 0 : i32
    %c0_i32_0 = arith.constant 0 : i32
    %c0_i32_1 = arith.constant 0 : i32
    return %c0_i32, %c0_i32_0 : i32, i32
  }
  func.func @transform_4(%arg0: i32) -> (i32, i32) {
    %c0_i32 = arith.constant 0 : i32
    %c0_i32_0 = arith.constant 0 : i32
    %c0_i32_1 = arith.constant 0 : i32
    return %c0_i32, %c0_i32_0 : i32, i32
  }
  func.func @transform_5(%arg0: i32) -> (i32, i32) {
    %c0_i32 = arith.constant 0 : i32
    %c0_i32_0 = arith.constant 0 : i32
    %c0_i32_1 = arith.constant 0 : i32
    return %c0_i32, %c0_i32_0 : i32, i32
  }
  func.func @transform_6(%arg0: i32) -> (i32, i32) {
    %c0_i32 = arith.constant 0 : i32
    %c0_i32_0 = arith.constant 0 : i32
    %c0_i32_1 = arith.constant 0 : i32
    return %c0_i32, %c0_i32_0 : i32, i32
  }
  func.func @transform_7(%arg0: i32) -> (i32, i32) {
    %c0_i32 = arith.constant 0 : i32
    %c0_i32_0 = arith.constant 0 : i32
    %c0_i32_1 = arith.constant 0 : i32
    return %c0_i32, %c0_i32_0 : i32, i32
  }
  func.func @transform_8(%arg0: i32) -> (i32, i32) {
    %c0_i32 = arith.constant 0 : i32
    %c0_i32_0 = arith.constant 0 : i32
    %c0_i32_1 = arith.constant 0 : i32
    return %c0_i32, %c0_i32_0 : i32, i32
  }
  func.func @transform_9(%arg0: i32) -> (i32, i32) {
    %c0_i32 = arith.constant 0 : i32
    %c0_i32_0 = arith.constant 0 : i32
    %c0_i32_1 = arith.constant 0 : i32
    return %c0_i32, %c0_i32_0 : i32, i32
  }
  func.func @transform_10(%arg0: i32) -> (i32, i32) {
    %c0_i32 = arith.constant 0 : i32
    %c0_i32_0 = arith.constant 0 : i32
    return %c0_i32, %arg0 : i32, i32
  }
  func.func @transform_11(%arg0: i32) -> (i32, i32) {
    %c0_i32 = arith.constant 0 : i32
    %c0_i32_0 = arith.constant 0 : i32
    return %c0_i32, %arg0 : i32, i32
  }
  func.func @transform_12(%arg0: i32) -> (i32, i32) {
    %c0_i32 = arith.constant 0 : i32
    %c0_i32_0 = arith.constant 0 : i32
    return %c0_i32, %arg0 : i32, i32
  }
}

module attributes {stable_mosaic.version = 14 : i64} {
  func.func @_tc3_body(%arg0: i32, %arg1: memref<32x640xf32, #tpu.memory_space<vmem>>, %arg2: memref<16x8x640xf32, #tpu.memory_space<vmem>>, %arg3: memref<1x32xf32, #tpu.memory_space<vmem>>, %arg4: memref<7x1xf32, #tpu.memory_space<vmem>>, %arg5: memref<7x640xf32, #tpu.memory_space<vmem>>) attributes {dimension_semantics = [#tpu.dimension_semantics<arbitrary>], iteration_bounds = array<i64: 16>, scalar_prefetch = 0 : i64, scratch_operands = 0 : i64, tpu.core_type = #tpu.core_type<tc>, window_params = [{transform_indices = @transform_0, window_bounds = array<i64: 32, 640>}, {transform_indices = @transform_1, window_bounds = array<i64: 16, 8, 640>}, {pipeline_mode = #tpu.pipeline_mode<synchronous>, transform_indices = @transform_2, window_bounds = array<i64: 1, 32>}, {pipeline_mode = #tpu.pipeline_mode<synchronous>, transform_indices = @transform_3, window_bounds = array<i64: 7, 1>}, {transform_indices = @transform_4, window_bounds = array<i64: 7, 640>}]} {
    %get3A = arith.constant 0 : index
    %get3A_0 = arith.constant 0 : index
    %get3A_1 = vector.load %arg3[%get3A, %get3A_0] : memref<1x32xf32, #tpu.memory_space<vmem>>, vector<1x32xf32>
    %get3A_2 = arith.constant 0 : index
    %get3A_3 = arith.constant 0 : index
    %get3A_4 = vector.load %arg1[%get3A_2, %get3A_3] : memref<32x640xf32, #tpu.memory_space<vmem>>, vector<32x640xf32>
    %dot_general3A = arith.constant dense<0.000000e+00> : vector<1x640xf32>
    %dot_general3A_5 = tpu.matmul %get3A_1, %get3A_4, %dot_general3A {dimension_numbers = #tpu.dot_dimension_numbers<[1], [0], [0], [1], [0, 0, 1, 1], [], []>, transpose_lhs_hint = false} : vector<1x32xf32>, vector<32x640xf32>, vector<1x640xf32> -> vector<1x640xf32>
    %get3A_6 = arith.constant 0 : index
    %get3A_7 = arith.constant 0 : index
    %get3A_8 = arith.constant 0 : index
    %get3A_9 = vector.load %arg2[%get3A_6, %get3A_7, %get3A_8] : memref<16x8x640xf32, #tpu.memory_space<vmem>>, vector<1x8x640xf32>
    %get3A_10 = vector.shape_cast %get3A_9 : vector<1x8x640xf32> to vector<8x640xf32>
    %get3A_11 = arith.constant 1 : index
    %get3A_12 = arith.constant 0 : index
    %get3A_13 = arith.constant 0 : index
    %get3A_14 = vector.load %arg2[%get3A_11, %get3A_12, %get3A_13] : memref<16x8x640xf32, #tpu.memory_space<vmem>>, vector<1x8x640xf32>
    %get3A_15 = vector.shape_cast %get3A_14 : vector<1x8x640xf32> to vector<8x640xf32>
    %add3A = arith.addf %get3A_10, %get3A_15 : vector<8x640xf32>
    %get3A_16 = arith.constant 2 : index
    %get3A_17 = arith.constant 0 : index
    %get3A_18 = arith.constant 0 : index
    %get3A_19 = vector.load %arg2[%get3A_16, %get3A_17, %get3A_18] : memref<16x8x640xf32, #tpu.memory_space<vmem>>, vector<1x8x640xf32>
    %get3A_20 = vector.shape_cast %get3A_19 : vector<1x8x640xf32> to vector<8x640xf32>
    %add3A_21 = arith.addf %add3A, %get3A_20 : vector<8x640xf32>
    %get3A_22 = arith.constant 3 : index
    %get3A_23 = arith.constant 0 : index
    %get3A_24 = arith.constant 0 : index
    %get3A_25 = vector.load %arg2[%get3A_22, %get3A_23, %get3A_24] : memref<16x8x640xf32, #tpu.memory_space<vmem>>, vector<1x8x640xf32>
    %get3A_26 = vector.shape_cast %get3A_25 : vector<1x8x640xf32> to vector<8x640xf32>
    %add3A_27 = arith.addf %add3A_21, %get3A_26 : vector<8x640xf32>
    %get3A_28 = arith.constant 4 : index
    %get3A_29 = arith.constant 0 : index
    %get3A_30 = arith.constant 0 : index
    %get3A_31 = vector.load %arg2[%get3A_28, %get3A_29, %get3A_30] : memref<16x8x640xf32, #tpu.memory_space<vmem>>, vector<1x8x640xf32>
    %get3A_32 = vector.shape_cast %get3A_31 : vector<1x8x640xf32> to vector<8x640xf32>
    %add3A_33 = arith.addf %add3A_27, %get3A_32 : vector<8x640xf32>
    %get3A_34 = arith.constant 5 : index
    %get3A_35 = arith.constant 0 : index
    %get3A_36 = arith.constant 0 : index
    %get3A_37 = vector.load %arg2[%get3A_34, %get3A_35, %get3A_36] : memref<16x8x640xf32, #tpu.memory_space<vmem>>, vector<1x8x640xf32>
    %get3A_38 = vector.shape_cast %get3A_37 : vector<1x8x640xf32> to vector<8x640xf32>
    %add3A_39 = arith.addf %add3A_33, %get3A_38 : vector<8x640xf32>
    %get3A_40 = arith.constant 6 : index
    %get3A_41 = arith.constant 0 : index
    %get3A_42 = arith.constant 0 : index
    %get3A_43 = vector.load %arg2[%get3A_40, %get3A_41, %get3A_42] : memref<16x8x640xf32, #tpu.memory_space<vmem>>, vector<1x8x640xf32>
    %get3A_44 = vector.shape_cast %get3A_43 : vector<1x8x640xf32> to vector<8x640xf32>
    %add3A_45 = arith.addf %add3A_39, %get3A_44 : vector<8x640xf32>
    %get3A_46 = arith.constant 7 : index
    %get3A_47 = arith.constant 0 : index
    %get3A_48 = arith.constant 0 : index
    %get3A_49 = vector.load %arg2[%get3A_46, %get3A_47, %get3A_48] : memref<16x8x640xf32, #tpu.memory_space<vmem>>, vector<1x8x640xf32>
    %get3A_50 = vector.shape_cast %get3A_49 : vector<1x8x640xf32> to vector<8x640xf32>
    %add3A_51 = arith.addf %add3A_45, %get3A_50 : vector<8x640xf32>
    %get3A_52 = arith.constant 8 : index
    %get3A_53 = arith.constant 0 : index
    %get3A_54 = arith.constant 0 : index
    %get3A_55 = vector.load %arg2[%get3A_52, %get3A_53, %get3A_54] : memref<16x8x640xf32, #tpu.memory_space<vmem>>, vector<1x8x640xf32>
    %get3A_56 = vector.shape_cast %get3A_55 : vector<1x8x640xf32> to vector<8x640xf32>
    %add3A_57 = arith.addf %add3A_51, %get3A_56 : vector<8x640xf32>
    %get3A_58 = arith.constant 9 : index
    %get3A_59 = arith.constant 0 : index
    %get3A_60 = arith.constant 0 : index
    %get3A_61 = vector.load %arg2[%get3A_58, %get3A_59, %get3A_60] : memref<16x8x640xf32, #tpu.memory_space<vmem>>, vector<1x8x640xf32>
    %get3A_62 = vector.shape_cast %get3A_61 : vector<1x8x640xf32> to vector<8x640xf32>
    %add3A_63 = arith.addf %add3A_57, %get3A_62 : vector<8x640xf32>
    %get3A_64 = arith.constant 10 : index
    %get3A_65 = arith.constant 0 : index
    %get3A_66 = arith.constant 0 : index
    %get3A_67 = vector.load %arg2[%get3A_64, %get3A_65, %get3A_66] : memref<16x8x640xf32, #tpu.memory_space<vmem>>, vector<1x8x640xf32>
    %get3A_68 = vector.shape_cast %get3A_67 : vector<1x8x640xf32> to vector<8x640xf32>
    %add3A_69 = arith.addf %add3A_63, %get3A_68 : vector<8x640xf32>
    %get3A_70 = arith.constant 11 : index
    %get3A_71 = arith.constant 0 : index
    %get3A_72 = arith.constant 0 : index
    %get3A_73 = vector.load %arg2[%get3A_70, %get3A_71, %get3A_72] : memref<16x8x640xf32, #tpu.memory_space<vmem>>, vector<1x8x640xf32>
    %get3A_74 = vector.shape_cast %get3A_73 : vector<1x8x640xf32> to vector<8x640xf32>
    %add3A_75 = arith.addf %add3A_69, %get3A_74 : vector<8x640xf32>
    %get3A_76 = arith.constant 12 : index
    %get3A_77 = arith.constant 0 : index
    %get3A_78 = arith.constant 0 : index
    %get3A_79 = vector.load %arg2[%get3A_76, %get3A_77, %get3A_78] : memref<16x8x640xf32, #tpu.memory_space<vmem>>, vector<1x8x640xf32>
    %get3A_80 = vector.shape_cast %get3A_79 : vector<1x8x640xf32> to vector<8x640xf32>
    %add3A_81 = arith.addf %add3A_75, %get3A_80 : vector<8x640xf32>
    %get3A_82 = arith.constant 13 : index
    %get3A_83 = arith.constant 0 : index
    %get3A_84 = arith.constant 0 : index
    %get3A_85 = vector.load %arg2[%get3A_82, %get3A_83, %get3A_84] : memref<16x8x640xf32, #tpu.memory_space<vmem>>, vector<1x8x640xf32>
    %get3A_86 = vector.shape_cast %get3A_85 : vector<1x8x640xf32> to vector<8x640xf32>
    %add3A_87 = arith.addf %add3A_81, %get3A_86 : vector<8x640xf32>
    %get3A_88 = arith.constant 14 : index
    %get3A_89 = arith.constant 0 : index
    %get3A_90 = arith.constant 0 : index
    %get3A_91 = vector.load %arg2[%get3A_88, %get3A_89, %get3A_90] : memref<16x8x640xf32, #tpu.memory_space<vmem>>, vector<1x8x640xf32>
    %get3A_92 = vector.shape_cast %get3A_91 : vector<1x8x640xf32> to vector<8x640xf32>
    %add3A_93 = arith.addf %add3A_87, %get3A_92 : vector<8x640xf32>
    %get3A_94 = arith.constant 15 : index
    %get3A_95 = arith.constant 0 : index
    %get3A_96 = arith.constant 0 : index
    %get3A_97 = vector.load %arg2[%get3A_94, %get3A_95, %get3A_96] : memref<16x8x640xf32, #tpu.memory_space<vmem>>, vector<1x8x640xf32>
    %get3A_98 = vector.shape_cast %get3A_97 : vector<1x8x640xf32> to vector<8x640xf32>
    %add3A_99 = arith.addf %add3A_93, %get3A_98 : vector<8x640xf32>
    %slice3A = vector.extract_strided_slice %add3A_99 {offsets = [0, 0], sizes = [7, 640], strides = [1, 1]} : vector<8x640xf32> to vector<7x640xf32>
    %add3A_100 = arith.constant 1.000000e-16 : f32
    %add3A_101 = vector.broadcast %add3A_100 : f32 to vector<1x640xf32>
    %add3A_102 = arith.addf %dot_general3A_5, %add3A_101 : vector<1x640xf32>
    %div3A = vector.broadcast %add3A_102 : vector<1x640xf32> to vector<7x640xf32>
    %div3A_103 = arith.divf %slice3A, %div3A : vector<7x640xf32>
    %get3A_104 = arith.constant 0 : index
    %get3A_105 = arith.constant 0 : index
    %get3A_106 = vector.load %arg4[%get3A_104, %get3A_105] : memref<7x1xf32, #tpu.memory_space<vmem>>, vector<7x1xf32>
    %add3A_107 = vector.broadcast %get3A_106 : vector<7x1xf32> to vector<7x640xf32>
    %add3A_108 = arith.addf %div3A_103, %add3A_107 : vector<7x640xf32>
    %reduce_max3A = arith.constant dense<0xFF800000> : vector<640xf32>
    %reduce_max3A_109 = vector.multi_reduction <maximumf>, %add3A_108, %reduce_max3A [0] : vector<7x640xf32> to vector<640xf32>
    %broadcast_in_dim3A = vector.shape_cast %reduce_max3A_109 : vector<640xf32> to vector<1x640xf32>
    %sub3A = vector.broadcast %broadcast_in_dim3A : vector<1x640xf32> to vector<7x640xf32>
    %sub3A_110 = arith.subf %add3A_108, %sub3A : vector<7x640xf32>
    %exp3A = math.exp %sub3A_110 : vector<7x640xf32>
    %sub3A_111 = vector.broadcast %broadcast_in_dim3A : vector<1x640xf32> to vector<7x640xf32>
    %sub3A_112 = arith.subf %add3A_108, %sub3A_111 : vector<7x640xf32>
    %reduce_sum3A = arith.constant dense<0.000000e+00> : vector<640xf32>
    %reduce_sum3A_113 = vector.multi_reduction <add>, %exp3A, %reduce_sum3A [0] : vector<7x640xf32> to vector<640xf32>
    %broadcast_in_dim3A_114 = vector.shape_cast %reduce_sum3A_113 : vector<640xf32> to vector<1x640xf32>
    %log3A = math.log %broadcast_in_dim3A_114 : vector<1x640xf32>
    %sub3A_115 = vector.broadcast %log3A : vector<1x640xf32> to vector<7x640xf32>
    %sub3A_116 = arith.subf %sub3A_112, %sub3A_115 : vector<7x640xf32>
    %swap3A = arith.constant 0 : index
    %swap3A_117 = arith.constant 0 : index
    %swap3A_118 = vector.load %arg5[%swap3A, %swap3A_117] : memref<7x640xf32, #tpu.memory_space<vmem>>, vector<7x640xf32>
    tpu.vector_store %arg5[%swap3A, %swap3A_117], %sub3A_116 {strides = array<i32>} : memref<7x640xf32, #tpu.memory_space<vmem>>, vector<7x640xf32>,
    return
  }
  func.func @transform_0(%arg0: i32) -> (i32, i32) {
    %c0_i32 = arith.constant 0 : i32
    %c0_i32_0 = arith.constant 0 : i32
    return %c0_i32, %arg0 : i32, i32
  }
  func.func @transform_1(%arg0: i32) -> (i32, i32, i32) {
    %c0_i32 = arith.constant 0 : i32
    %c0_i32_0 = arith.constant 0 : i32
    %c0_i32_1 = arith.constant 0 : i32
    return %c0_i32, %c0_i32_0, %arg0 : i32, i32, i32
  }
  func.func @transform_2(%arg0: i32) -> (i32, i32) {
    %c0_i32 = arith.constant 0 : i32
    %c0_i32_0 = arith.constant 0 : i32
    %c0_i32_1 = arith.constant 0 : i32
    return %c0_i32, %c0_i32_0 : i32, i32
  }
  func.func @transform_3(%arg0: i32) -> (i32, i32) {
    %c0_i32 = arith.constant 0 : i32
    %c0_i32_0 = arith.constant 0 : i32
    %c0_i32_1 = arith.constant 0 : i32
    return %c0_i32, %c0_i32_0 : i32, i32
  }
  func.func @transform_4(%arg0: i32) -> (i32, i32) {
    %c0_i32 = arith.constant 0 : i32
    %c0_i32_0 = arith.constant 0 : i32
    return %c0_i32, %arg0 : i32, i32
  }
}

</mosaic_0001>

<sc_bundles>
// kernel: kernel.12.cloned.1.call-start
scs
__scs_entry_jumppad:
0x0: {  	(pc) =	sbr.rel $0x88, $3  }
0x1: {  	(tag) =	ssettag $0x0;
	lr =	simm.s32 $0x1  }
0x2: {  	[smem:$0x3F97] =	sst lr;
	_ =	strace $0xD0000000  }
0x3: {  	_ = 	snop  }
0x4: {  	_ = 	snop  }
0x5: {  	_ = 	snop  }
0x6: {  	_ = 	snop  }
0x7: {  	_ = 	snop  }
__scs_overlays_trampoline_lowered:
0x8: {  	[smem:$0x3FA6] =	sst s0  }
0x9: {  	[smem:$0x3FA7] =	sst s1  }
0xa: {  	[smem:$0x3FA8] =	sst s2  }
0xb: {  	[smem:$0x3FA9] =	sst s3  }
0xc: {  	[smem:$0x3FAA] =	sst s4  }
0xd: {  	[smem:$0x3FAB] =	sst s5  }
0xe: {  	[smem:$0x3FAC] =	sst s6  }
0xf: {  	[smem:$0x3FAD] =	sst s7  }
0x10: {  	[smem:$0x3FAE] =	sst s8  }
0x11: {  	[smem:$0x3FAF] =	sst s9;
	s0 =	simm.s32 @!p0 $0x0  }
0x12: {  	s1 =	sld [smem:$0x3F95];
	s0 =	simm.s32 @p0 $0x1  }
0x13: {  	[smem:$0x3FB0] =	sst s0;
	s0 =	simm.s32 @!p1 $0x0  }
0x14: {  	s2 =	sld [smem:$0x3F94];
	s0 =	simm.s32 @p1 $0x1  }
0x15: {  	[smem:$0x3FB1] =	sst s0;
	s0 =	simm.s32 @!p2 $0x0  }
0x16: {  	s3 =	sld [smem:$0x3FDB];
	s0 =	simm.s32 @p2 $0x1  }
0x17: {  	s4 =	simm.s32 $0x1BF5;
	[smem:$0x3FB3] =	sst s0  }
0x18: {  	s0 =	sld [smem:$0x3F96];
	_ =	swait.ge [sflag:s4], $0x0  }
0x19: {  	s7 =	sld [smem:$0x3F97]  }
0x1a: {  	s8 =	sadd.s32 $0xFFFFE003, lr  }
0x1b: {  	s9 =	sadd.s32 $0xFFFFFEF7, lr;
	s5 =	simm.s32 $0xFFFFFFFF;
	p2 =	slt.u32 s8, $0xFFFFF086  }
0x1c: {  	p1 =	slt.u32 s9, $0xF7A;
	s5 =	simm.s32 @!p2 $0x0  }
0x1d: {  	s5 =	simm.s32 @p1 $0x1;
	p0 =	seq.s32 s7, s2  }
0x1e: {  	s7 =	smul.u32 @!p0 $0xF7A, s2;
	p2 =	seq.s32 @!p0 s5, $0x0  }
0x1f: {  	s9 =	smul.u32 $0xF7A, s1;
	s8 =	simm.s32 @!p0 $0x1BF5;
	p2 =	por !p2, p0  }
0x20: {  	[sflag:s8] =	ssyncset.s32 @!p0 $0xFFFFF086;
	s6 =	sadd.s32 @!p0 s3, s7;
	s7 =	simm.s32 @!p0 $0x108  }
0x21: {  	s3 =	sadd.s32 s3, s9;
	s6 =	sadd.s32 @!p0 $0x88, s6;
	s7 =	simm.s32 @p2 $0x1082  }
0x22: {  	[simem:s7], [sflag:s8] =	dma.local @!p0 [hbm:s6], $0xF7A  }
0x23: {  	s9 =	sor.u32 $0xD0000000, s2;
	s6 =	simm.s32 $0x108;
	_ =	swait.ge @!p0 [sflag:s8], $0x0  }
0x24: {  	s3 =	sadd.s32 $0x88, s3;
	s6 =	simm.s32 @!p1 $0x1082;
	[sflag:s4] =	ssyncset.s32 $0xFFFFF086  }
0x25: {  	[simem:s6], [sflag:s4] =	dma.local [hbm:s3], $0xF7A  }
0x26: {  	[smem:$0x3F97] =	sst s1;
	(tag) =	ssettag s2;
	_ =	strace s9  }
0x27: {  	s1 =	sld [smem:$0x3FA7]  }
0x28: {  	s2 =	sld [smem:$0x3FA8]  }
0x29: {  	s4 =	sld [smem:$0x3FAA]  }
0x2a: {  	p0 =	seq.s32 s5, $0x0;
	s5 =	sld [smem:$0x3FAB]  }
0x2b: {  	s6 =	sld [smem:$0x3FAC]  }
0x2c: {  	s7 =	sld [smem:$0x3FAD]  }
0x2d: {  	s3 =	simm.s32 $0x108;
	s8 =	sld [smem:$0x3FAE]  }
0x2e: {  	s3 =	simm.s32 @!p0 $0x1082;
	s9 =	sld [smem:$0x3FAF]  }
0x2f: {  	lr =	sadd.s32 s0, s3;
	s0 =	sld [smem:$0x3FA6]  }
0x30: {  	s3 =	sld [smem:$0x3FA9]  }
0x31: {  	[smem:$0x3FB2] =	sst s10  }
0x32: {  	s10 =	sld [smem:$0x3FB0];
	_ =	sdelay $0x3  }
0x33: {  	p0 =	seq.s32 s10, $0x1;
	s10 =	sld [smem:$0x3FB2];
	_ =	sdelay $0x3  }
0x34: {  	[smem:$0x3FB2] =	sst s10  }
0x35: {  	s10 =	sld [smem:$0x3FB1];
	_ =	sdelay $0x3  }
0x36: {  	p1 =	seq.s32 s10, $0x1;
	s10 =	sld [smem:$0x3FB2];
	_ =	sdelay $0x3  }
0x37: {  	[smem:$0x3FB2] =	sst s10  }
0x38: {  	s10 =	sld [smem:$0x3FB3]  }
0x39: {  	_ = 	snop;
	(pc) =	sbr.ind lr, $3  }
0x3a: {  	_ = 	snop  }
0x3b: {  	_ = 	snop  }
0x3c: {  	p2 =	seq.s32 s10, $0x1;
	s10 =	sld [smem:$0x3FB2]  }
0x3d: {  	_ =	shalt  }
0x3e: {  	_ =	shalt  }
0x3f: {  	_ =	shalt  }
0x40: {  	_ =	shalt  }
0x41: {  	_ =	shalt  }
0x42: {  	_ =	shalt  }
0x43: {  	_ =	shalt  }
0x44: {  	_ =	shalt  }
0x45: {  	_ =	shalt  }
0x46: {  	_ =	shalt  }
0x47: {  	_ =	shalt  }
0x48: {  	_ =	shalt  }
0x49: {  	_ =	shalt  }
0x4a: {  	_ =	shalt  }
0x4b: {  	_ =	shalt  }
0x4c: {  	_ =	shalt  }
0x4d: {  	_ =	shalt  }
0x4e: {  	_ =	shalt  }
0x4f: {  	_ =	shalt  }
0x50: {  	_ =	shalt  }
0x51: {  	_ =	shalt  }
0x52: {  	_ =	shalt  }
0x53: {  	_ =	shalt  }
0x54: {  	_ =	shalt  }
0x55: {  	_ =	shalt  }
0x56: {  	_ =	shalt  }
0x57: {  	_ =	shalt  }
0x58: {  	_ =	shalt  }
0x59: {  	_ =	shalt  }
0x5a: {  	_ =	shalt  }
0x5b: {  	_ =	shalt  }
0x5c: {  	_ =	shalt  }
0x5d: {  	_ =	shalt  }
0x5e: {  	_ =	shalt  }
0x5f: {  	_ =	shalt  }
0x60: {  	_ =	shalt  }
0x61: {  	_ =	shalt  }
0x62: {  	_ =	shalt  }
0x63: {  	_ =	shalt  }
0x64: {  	_ =	shalt  }
0x65: {  	_ =	shalt  }
0x66: {  	_ =	shalt  }
0x67: {  	_ =	shalt  }
0x68: {  	_ =	shalt  }
0x69: {  	_ =	shalt  }
0x6a: {  	_ =	shalt  }
0x6b: {  	_ =	shalt  }
0x6c: {  	_ =	shalt  }
0x6d: {  	_ =	shalt  }
0x6e: {  	_ =	shalt  }
0x6f: {  	_ =	shalt  }
0x70: {  	_ =	shalt  }
0x71: {  	_ =	shalt  }
0x72: {  	_ =	shalt  }
0x73: {  	_ =	shalt  }
0x74: {  	_ =	shalt  }
0x75: {  	_ =	shalt  }
0x76: {  	_ =	shalt  }
0x77: {  	_ =	shalt  }
0x78: {  	_ =	shalt  }
0x79: {  	_ =	shalt  }
0x7a: {  	_ =	shalt  }
0x7b: {  	_ =	shalt  }
0x7c: {  	_ =	shalt  }
0x7d: {  	_ =	shalt  }
0x7e: {  	_ =	shalt  }
0x7f: {  	_ =	shalt  }
0x80: {  	_ =	shalt  }
0x81: {  	_ =	shalt  }
0x82: {  	_ =	shalt  }
0x83: {  	_ =	shalt  }
0x84: {  	_ =	shalt  }
0x85: {  	_ =	shalt  }
0x86: {  	_ =	shalt  }
0x87: {  	_ =	shalt  }
.Lfunc_end0:
.L_simem_size_0:
called_computation.1_lowered:
.L_overlay_start_0:
0x88: {  	s2 =	sld [smem:$0x3FD9]  }
0x89: {  	s3 =	sld [smem:$0x3FFE];
	_ =	sdelay $0x1  }
0x8a: {  	s1 =	srdreg.scid  }
0x8b: {  	s0 =	sand.u32 $0x1, s1  }
0x8c: {  	s16 =	sshll.u32 s0, $0xA;
	s2 =	sadd.s32 s3, s2  }
0x8d: {  	s2 =	sadd.s32 s2, s16  }
0x8e: {  	[smem:$0x3FBE] =	sst s2  }
0x8f: {  	_ = 	snop  }
0x90: {  	(tm) =	ssettm $0x1  }
0x91: {  	s17 =	sld [smem:$0x3FFB];
	_ =	sdelay $0x3  }
0x92: {  	_ =	strace s17  }
0x93: {  	s2 =	sld [smem:$0x3FFC];
	_ =	sdelay $0x3  }
0x94: {  	_ =	strace s2  }
0x95: {  	s2 =	sld [smem:$0x3FFD];
	_ =	sdelay $0x3  }
0x96: {  	_ =	strace s2  }
0x97: {  	_ =	strace $0x8FFFFFFF  }
0x98: {  	s18 =	sld [smem:$0x3FDB];
	_ =	sdelay $0x1  }
0x99: {  	s19 =	simm.s32 $_scs_section_size  }
0x9a: {  	s4 =	simm.s32 $_size__tile_overlayer_lowered;
	s5 =	simm.s32 $_tile_overlayer_lowered  }
0x9b: {  	s22 =	simm.s32 $0x1BFF;
	s21 =	sshll.u32 s5, $0x1;
	s2 =	sadd.s32 s19, s18  }
0x9c: {  	s6 =	simm.s32 $0x0;
	s20 =	sshll.u32 s4, $0x1;
	s4 =	sadd.s32 s21, s2  }
0x9d: {  	[timem:s6], [sflag:s22] =	dma.local [hbm:s4], s20  }
0x9e: {  	_ =	swait.ge [sflag:s22], s20  }
0x9f: {  	s3 =	ssub.s32 $0x0, s20;
	[sflag:s22] =	ssyncset.done $0x0  }
0xa0: {  	[sflag:s22] =	ssyncadd.s32 s3;
	_ =	sdelay $0x1  }
0xa1: {  	s23 =	simm.s32 $0x1B8B  }
0xa2: {  	_ =	swait.ge [sflag:s23], $0x1  }
0xa3: {  	[sflag:s23] =	ssyncset.done $0x0  }
0xa4: {  	s25 =	simm.s32 $0x1B8E;
	s24 =	sld [smem:$0x3FFE];
	[sflag:s23] =	ssyncadd.s32 $0xFFFFFFFF  }
0xa5: {  	s26 =	simm.s32 $execute0_lowered;
	[smem:$0x3FD2] =	sst s25  }
0xa6: {  	s4 =	sshll.u32 s26, $0x1;
	_ =	strace $0x80000049;
	[dreg:$0x1] =	wrdreg $0xFFFFFFFF  }
0xa7: {  	s28 =	simm.s32 $_size_execute0_lowered;
	s2 =	sadd.s32 s2, s4;
	[dreg:$0x0] =	wrdreg $0x0  }
0xa8: {  	s4 =	sshll.u32 s28, $0x1;
	[dreg:$0x2] =	wrdreg s2  }
0xa9: {  	[dreg:$0x3] =	wrdreg s4  }
0xaa: {  	[dreg:$0x4] =	wrdreg $0xC0  }
0xab: {  	_ =	task [dreg:s6], $0x5FFFF  }
0xac: {  	[dreg:$0x1] =	wrdreg $0xFFFFFFFF  }
0xad: {  	[dreg:$0x0] =	wrdreg $0x60  }
0xae: {  	[dreg:$0x2] =	wrdreg s24  }
0xaf: {  	[dreg:$0x3] =	wrdreg $0x9  }
0xb0: {  	_ =	task.clear_ibuf [dreg:s6], $0x4FFFF;
	_ =	strace $0x90000049  }
0xb1: {  	s29 =	simm.s32 $0x9;
	_ =	strace $0x8000004B  }
0xb2: {  	_ =	swait.ge [sflag:s29], $0x1  }
0xb3: {  	[sflag:s29] =	ssyncadd.s32 $0xFFFFFFFF  }
0xb4: {  	_ =	strace $0x9000004B  }
0xb5: {  	_ =	sfence  }
0xb6: {  	s30 =	sld [smem:$0x0];
	_ =	sdelay $0x2  }
0xb7: {  	s31 =	sshll.u32 s1, $0xD;
	s1 =	sshrl.u32 s1, $0x2  }
0xb8: {  	s3 =	sand.u32 $0x4000, s31;
	s1 =	sadd.s32 s1, s30  }
0xb9: {  	s0 =	sor.u32 s3, s0;
	s1 =	sshll.u32 s1, $0x11  }
0xba: {  	s0 =	sor.u32 s1, s0  }
0xbb: {  	s0 =	sadd.s32 $0x8F2B, s0  }
0xbc: {  	[sflag:s0] =	ssyncadd.remote.s32 $0x1  }
0xbd: {  	_ =	sfence.sel $0xFFFF  }
0xbe: {  	[dreg:$0x0] =	wrdreg $0xFFFFFFFF;
	(pc) =	sbr.abs _section_cstart, $3  }
0xbf: {  	[dreg:$0x1] =	wrdreg $0xFFFFFFFF  }
0xc0: {  	_ =	task.clear_ibuf [dreg:s6], $0x2FFFF;
	_ =	strace $0x9FFFFFFF  }
0xc1: {  	(tm) =	ssettm $0x7FFFFFFF  }
tec
execute0_lowered:
.L_overlay_start_1:
0x0: {  	(tag) =	ssettag $0x1  }
0x1: {  	s0 =	srdreg.scid  }
0x2: {  	s5 =	rddreg [dreg:$0x0];
	s3 =	stileid.u32;
	s1 =	simm.s32 $0x0  }
0x3: {  	s7 =	simm.s32 $0x1;
	s12 =	simm.s32 $0xBF80;
	s13 =	simm.s32 $0xA80  }
0x4: {  	s14 =	simm.s32 $0x80;
	s15 =	simm.s32 $0x1500;
	s4 =	sand.u32 $0x1, s0  }
0x5: {  	s0 =	rddreg [dreg:$0x1];
	s6 =	sshrl.u32 s3, $0x1;
	p0 =	sne.s32 s3, $0x0  }
0x6: {  	[smem:$0x7FF] =	sst s1;
	s25 =	sshll.u32 s3, $0x9;
	s2 =	sor.u32 s3, s4  }
0x7: {  	s26 =	sshll.u32 s3, $0x3;
	s6 =	smul.u32 $0x14000, s6;
	p1 =	seq.s32 s2, $0x0  }
0x8: {  	_ =	strace $0x8000004A;
	s8 =	sand.u32 $0x200, s25;
	p1 =	por !p0, !p1  }
0x9: {  	s3 =	sadd.s32 $0x8400, s5;
	s30 =	ssub.s32 $0x2, s4;
	p1 =	por !p1, !p1  }
0xa: {  	s2 =	sadd.s32 $0x3000, s5;
	s31 =	sshrl.u32 s30, $0x1;
	s7 =	simm.s32 @!p1 $0x0  }
0xb: {  	s6 =	sor.u32 s8, s6;
	s8 =	ssub.s32 s30, s31;
	s7 =	ssub.s32 s4, s7  }
0xc: {  	s16 =	sshrl.u32 s6, $0x3;
	s6 =	sand.u32 $0x70, s26;
	s28 =	smul.u32 $0xA0000, s7  }
0xd: {  	s8 =	smax.u32 s8, $0x1;
	s9 =	sadd.s32 s16, s5;
	s10 =	sadd.s32 s6, s5  }
0xe: {  	s4 =	simm.s32 $0x1;
	s6 =	smul.u32 $0x15000, s7;
	s29 =	sshrl.u32 s28, $0x3  }
0xf: {  	s7 =	sadd.s32 $0x26800, s10;
	s10 =	simm.s32 $0x400;
	s11 =	sadd.s32 s29, s5  }
0x10: {  	s5 =	sadd.s32 $0x12800, s9;
	s9 =	simm.s32 $0x200;
	s17 =	sadd.s32 $0x5A800, s11  }
0x11: {  	v0 =	vlaneseq.u32;
	v1 =	vimm.f32 $0.0e+00;
	s11 =	simm.s32 $0x1F80;
	s16 =	sadd.s32 s16, s17;
	s17 =	simm.s32 $0x0  }
.LBB2_1:
0x12: {  	v2 =	vmov s1  }
0x13: {  	v3 =	vor.u32 s1, v0;
	v2 =	vshll.u32 v2, $0x2  }
0x14: {  	s18 =	simm.s32 $0x10;
	v3 =	vand.u32 $0x7F, v3;
	v2 =	vand.u32 $0xFE00, v2  }
0x15: {  	v2 =	vor.u32 v3, v2;
	v3 =	vmov s18  }
0x16: {  	[tilespmem:s11], [sflag:$0x1] =	stream.strided.gather [hbm4b:s5+s9], $0xA000, s10, s9, $0x38;
	v5 =	vor.u32 $0x80, v2;
	v3 =	vshll.u32 v3, $0x2;
	[tilespmem:$0x15F80] =	vst v63  }
0x17: {  	_ =	swait.ge [sflag:s4], $0xA000;
	v4 =	vor.u32 s18, v0;
	v7 =	vand.u32 $0xFE00, v3;
	v3 =	vor.u32 $0x100, v2  }
0x18: {  	[sflag:s4] =	ssyncset.done $0x0;
	v6 =	vand.u32 $0x7F, v4;
	v4 =	vor.u32 $0x180, v2  }
0x19: {  	[sflag:s4] =	ssyncadd.s32 $0xFFFF6000  }
0x1a: {  	[tilespmem:v2+s12+$0x0] =	vst.idx.msk $0xffff, v1  }
0x1b: {  	s18 =	simm.s32 $0x20;
	v2 =	vor.u32 v6, v7;
	[tilespmem:v5+s12+$0x0] =	vst.idx.msk $0xffff, v1  }
.LBB2_2:
0x1c: {  	v5 =	vmov s18;
	v6 =	vor.u32 $0x80, v2;
	[tilespmem:v3+s12+$0x0] =	vst.idx.msk $0xffff, v1;
	p1 =	sne.s32 s18, $0x27F0  }
.Ltmp0:
0x1d: {  	v7 =	vor.u32 s18, v0;
	v3 =	vor.u32 $0x100, v2;
	v5 =	vshll.u32 v5, $0x2;
	[tilespmem:v4+s12+$0x0] =	vst.idx.msk $0xffff, v1;
	(pc) =	sbr.rel @p1 .LBB2_2-.Ltmp0, $4  }
0x1e: {  	v7 =	vand.u32 $0x7F, v7;
	v4 =	vor.u32 $0x180, v2;
	v5 =	vand.u32 $0xFE00, v5;
	[tilespmem:v2+s12+$0x0] =	vst.idx.msk $0xffff, v1  }
0x1f: {  	v2 =	vor.u32 v7, v5  }
0x20: {  	s18 =	sadd.s32 $0x10, s18  }
0x21: {  	[tilespmem:v6+s12+$0x0] =	vst.idx.msk $0xffff, v1  }
0x22: {  	_ =	sdelay $0x1  }
0x23: {  	v5 =	vor.u32 $0x80, v2  }
0x24: {  	v6 =	vor.u32 $0x100, v2  }
0x25: {  	[tilespmem:v3+s12+$0x0] =	vst.idx.msk $0xffff, v1;
	v3 =	vor.u32 $0x180, v2  }
0x26: {  	[tilespmem:v4+s12+$0x0] =	vst.idx.msk $0xffff, v1  }
0x27: {  	[tilespmem:v2+s12+$0x0] =	vst.idx.msk $0xffff, v1  }
0x28: {  	[tilespmem:v5+s12+$0x0] =	vst.idx.msk $0xffff, v1  }
0x29: {  	[tilespmem:v6+s12+$0x0] =	vst.idx.msk $0xffff, v1  }
0x2a: {  	s18 =	simm.s32 $0x0;
	[tilespmem:v3+s12+$0x0] =	vst.idx.msk $0xffff, v1  }
.LBB2_4:
0x2b: {  	s19 =	smul.u32 $0xA80, s18;
	_ =	sdelay $0x1  }
0x2c: {  	s19 =	sadd.s32 s6, s19  }
0x2d: {  	s20 =	sshrl.u32 s19, $0x3  }
0x2e: {  	s21 =	sadd.s32 s2, s20  }
0x2f: {  	[tilespmem:s1], [sflag:$0x1] =	stream.linear.gather [hbm4b:s21+s1], $0xA80, $0x38;
	[tilespmem:$0x15F80] =	vst v63  }
0x30: {  	_ =	swait.ge [sflag:s4], $0xA80  }
0x31: {  	[sflag:s4] =	ssyncset.done $0x0  }
0x32: {  	s20 =	sadd.s32 s3, s20;
	[sflag:s4] =	ssyncadd.s32 $0xFFFFF580  }
0x33: {  	[tilespmem:s13], [sflag:$0x1] =	stream.linear.gather [hbm4b:s20+s1], $0xA80, $0x38;
	[tilespmem:$0x15F80] =	vst v63  }
0x34: {  	_ =	swait.ge [sflag:s4], $0xA80  }
0x35: {  	[sflag:s4] =	ssyncset.done $0x0  }
0x36: {  	s19 =	sadd.s32 s19, s7;
	[sflag:s4] =	ssyncadd.s32 $0xFFFFF580  }
0x37: {  	[tilespmem:s15], [sflag:$0x1] =	stream.strided.gather [hbm4b:s19+s14], $0xA80, s10, s14, $0x38;
	[tilespmem:$0x15F80] =	vst v63  }
0x38: {  	_ =	swait.ge [sflag:s4], $0xA80  }
0x39: {  	s22 =	simm.s32 $0x1540;
	s21 =	simm.s32 $0xAC0;
	[sflag:s4] =	ssyncset.done $0x0  }
0x3a: {  	s20 =	simm.s32 $0x40;
	s19 =	simm.s32 $0xFFFFFFF8;
	[sflag:s4] =	ssyncadd.s32 $0xFFFFF580  }
.LBB2_5:
0x3b: {  	v2 =	vld [tilespmem:s20+$0xFFFFFFC0];
	_ =	sdelay $0x4  }
0x3c: {  	v3 =	vshll.u32 v2, $0x2  }
0x3d: {  	v2 =	vand.u32 $0x7F, v2;
	v3 =	vand.u32 $0xFFFFFE00, v3  }
0x3e: {  	v4 =	vld [tilespmem:s21+$0xFFFFFFC0];
	v2 =	vor.u32 v2, v3;
	_ =	sdelay $0x3  }
0x3f: {  	v3 =	vld [tilespmem:s22+$0xFFFFFFC0]  }
0x40: {  	v6 =	vshll.u32 v4, $0x2;
	v5 =	vld.idx.msk [tilespmem:v2+s11+$0x0], $0xffff  }
0x41: {  	v4 =	vand.u32 $0x7F, v4;
	v6 =	vand.u32 $0xFFFFFE00, v6  }
0x42: {  	v4 =	vor.u32 v4, v6  }
0x43: {  	v26 =	vor.u32 $0x80, v2;
	_ =	sdelay $0x1  }
0x44: {  	v5 =	vmul.f32 v5, v3;
	_ =	sdelay $0x1  }
0x45: {  	[tilespmem:v4+s12+$0x0] =	vst.idx.add.f32.msk $0xffff, v5  }
0x46: {  	v5 =	vld.idx.msk [tilespmem:v26+s11+$0x0], $0xffff;
	_ =	sdelay $0x1  }
0x47: {  	v27 =	vor.u32 $0x80, v4  }
0x48: {  	v7 =	vor.u32 $0x100, v2;
	_ =	sdelay $0x1  }
0x49: {  	v5 =	vmul.f32 v5, v3;
	_ =	sdelay $0x1  }
0x4a: {  	[tilespmem:v27+s12+$0x0] =	vst.idx.add.f32.msk $0xffff, v5  }
0x4b: {  	v5 =	vld.idx.msk [tilespmem:v7+s11+$0x0], $0xffff;
	_ =	sdelay $0x1  }
0x4c: {  	v28 =	vor.u32 $0x100, v4  }
0x4d: {  	v2 =	vor.u32 $0x180, v2;
	_ =	sdelay $0x1  }
0x4e: {  	v5 =	vmul.f32 v5, v3;
	_ =	sdelay $0x1  }
0x4f: {  	[tilespmem:v28+s12+$0x0] =	vst.idx.add.f32.msk $0xffff, v5  }
0x50: {  	v2 =	vld.idx.msk [tilespmem:v2+s11+$0x0], $0xffff;
	_ =	sdelay $0x1  }
0x51: {  	v4 =	vor.u32 $0x180, v4;
	_ =	sdelay $0x2  }
0x52: {  	v2 =	vmul.f32 v2, v3;
	_ =	sdelay $0x1  }
0x53: {  	[tilespmem:v4+s12+$0x0] =	vst.idx.add.f32.msk $0xffff, v2  }
0x54: {  	v2 =	vld [tilespmem:s20+$0xFFFFFFD0];
	_ =	sdelay $0x4  }
0x55: {  	v3 =	vshll.u32 v2, $0x2  }
0x56: {  	v2 =	vand.u32 $0x7F, v2;
	v3 =	vand.u32 $0xFFFFFE00, v3  }
0x57: {  	v4 =	vld [tilespmem:s21+$0xFFFFFFD0];
	v2 =	vor.u32 v2, v3;
	_ =	sdelay $0x3  }
0x58: {  	v3 =	vld [tilespmem:s22+$0xFFFFFFD0]  }
0x59: {  	v29 =	vshll.u32 v4, $0x2;
	v5 =	vld.idx.msk [tilespmem:v2+s11+$0x0], $0xffff  }
0x5a: {  	v4 =	vand.u32 $0x7F, v4;
	v6 =	vand.u32 $0xFFFFFE00, v29  }
0x5b: {  	v4 =	vor.u32 v4, v6  }
0x5c: {  	v30 =	vor.u32 $0x80, v2;
	_ =	sdelay $0x1  }
0x5d: {  	v5 =	vmul.f32 v5, v3;
	_ =	sdelay $0x1  }
0x5e: {  	[tilespmem:v4+s12+$0x0] =	vst.idx.add.f32.msk $0xffff, v5  }
0x5f: {  	v5 =	vld.idx.msk [tilespmem:v30+s11+$0x0], $0xffff;
	_ =	sdelay $0x1  }
0x60: {  	v31 =	vor.u32 $0x80, v4  }
0x61: {  	v32 =	vor.u32 $0x100, v2;
	_ =	sdelay $0x1  }
0x62: {  	v5 =	vmul.f32 v5, v3;
	_ =	sdelay $0x1  }
0x63: {  	[tilespmem:v31+s12+$0x0] =	vst.idx.add.f32.msk $0xffff, v5  }
0x64: {  	v5 =	vld.idx.msk [tilespmem:v32+s11+$0x0], $0xffff;
	_ =	sdelay $0x1  }
0x65: {  	v33 =	vor.u32 $0x100, v4  }
0x66: {  	v2 =	vor.u32 $0x180, v2;
	_ =	sdelay $0x1  }
0x67: {  	v5 =	vmul.f32 v5, v3;
	_ =	sdelay $0x1  }
0x68: {  	[tilespmem:v33+s12+$0x0] =	vst.idx.add.f32.msk $0xffff, v5  }
0x69: {  	v2 =	vld.idx.msk [tilespmem:v2+s11+$0x0], $0xffff;
	_ =	sdelay $0x1  }
0x6a: {  	v4 =	vor.u32 $0x180, v4;
	_ =	sdelay $0x2  }
0x6b: {  	v2 =	vmul.f32 v2, v3;
	_ =	sdelay $0x1  }
0x6c: {  	[tilespmem:v4+s12+$0x0] =	vst.idx.add.f32.msk $0xffff, v2  }
0x6d: {  	v2 =	vld [tilespmem:s20+$0xFFFFFFE0];
	_ =	sdelay $0x4  }
0x6e: {  	v3 =	vshll.u32 v2, $0x2  }
0x6f: {  	v2 =	vand.u32 $0x7F, v2;
	v3 =	vand.u32 $0xFFFFFE00, v3  }
0x70: {  	v4 =	vld [tilespmem:s21+$0xFFFFFFE0];
	v2 =	vor.u32 v2, v3;
	_ =	sdelay $0x3  }
0x71: {  	v3 =	vld [tilespmem:s22+$0xFFFFFFE0]  }
0x72: {  	v34 =	vshll.u32 v4, $0x2;
	v5 =	vld.idx.msk [tilespmem:v2+s11+$0x0], $0xffff  }
0x73: {  	v4 =	vand.u32 $0x7F, v4;
	v6 =	vand.u32 $0xFFFFFE00, v34  }
0x74: {  	v4 =	vor.u32 v4, v6  }
0x75: {  	v35 =	vor.u32 $0x80, v2;
	_ =	sdelay $0x1  }
0x76: {  	v5 =	vmul.f32 v5, v3;
	_ =	sdelay $0x1  }
0x77: {  	[tilespmem:v4+s12+$0x0] =	vst.idx.add.f32.msk $0xffff, v5  }
0x78: {  	v5 =	vld.idx.msk [tilespmem:v35+s11+$0x0], $0xffff;
	_ =	sdelay $0x1  }
0x79: {  	v36 =	vor.u32 $0x80, v4  }
0x7a: {  	v37 =	vor.u32 $0x100, v2;
	_ =	sdelay $0x1  }
0x7b: {  	v5 =	vmul.f32 v5, v3;
	_ =	sdelay $0x1  }
0x7c: {  	[tilespmem:v36+s12+$0x0] =	vst.idx.add.f32.msk $0xffff, v5  }
0x7d: {  	v5 =	vld.idx.msk [tilespmem:v37+s11+$0x0], $0xffff;
	_ =	sdelay $0x1  }
0x7e: {  	v38 =	vor.u32 $0x100, v4  }
0x7f: {  	v2 =	vor.u32 $0x180, v2;
	_ =	sdelay $0x1  }
0x80: {  	v5 =	vmul.f32 v5, v3;
	_ =	sdelay $0x1  }
0x81: {  	[tilespmem:v38+s12+$0x0] =	vst.idx.add.f32.msk $0xffff, v5  }
0x82: {  	v2 =	vld.idx.msk [tilespmem:v2+s11+$0x0], $0xffff;
	_ =	sdelay $0x1  }
0x83: {  	v4 =	vor.u32 $0x180, v4;
	_ =	sdelay $0x2  }
0x84: {  	v2 =	vmul.f32 v2, v3;
	_ =	sdelay $0x1  }
0x85: {  	[tilespmem:v4+s12+$0x0] =	vst.idx.add.f32.msk $0xffff, v2  }
0x86: {  	v2 =	vld [tilespmem:s20+$0xFFFFFFF0];
	_ =	sdelay $0x4  }
0x87: {  	v3 =	vshll.u32 v2, $0x2  }
0x88: {  	v2 =	vand.u32 $0x7F, v2;
	v3 =	vand.u32 $0xFFFFFE00, v3  }
0x89: {  	v4 =	vld [tilespmem:s21+$0xFFFFFFF0];
	v2 =	vor.u32 v2, v3;
	_ =	sdelay $0x3  }
0x8a: {  	v3 =	vld [tilespmem:s22+$0xFFFFFFF0]  }
0x8b: {  	v39 =	vshll.u32 v4, $0x2;
	v5 =	vld.idx.msk [tilespmem:v2+s11+$0x0], $0xffff  }
0x8c: {  	v4 =	vand.u32 $0x7F, v4;
	v6 =	vand.u32 $0xFFFFFE00, v39  }
0x8d: {  	v4 =	vor.u32 v4, v6  }
0x8e: {  	v40 =	vor.u32 $0x80, v2;
	_ =	sdelay $0x1  }
0x8f: {  	v5 =	vmul.f32 v5, v3;
	_ =	sdelay $0x1  }
0x90: {  	[tilespmem:v4+s12+$0x0] =	vst.idx.add.f32.msk $0xffff, v5  }
0x91: {  	v5 =	vld.idx.msk [tilespmem:v40+s11+$0x0], $0xffff;
	_ =	sdelay $0x1  }
0x92: {  	v41 =	vor.u32 $0x80, v4  }
0x93: {  	v42 =	vor.u32 $0x100, v2;
	_ =	sdelay $0x1  }
0x94: {  	v5 =	vmul.f32 v5, v3;
	_ =	sdelay $0x1  }
0x95: {  	[tilespmem:v41+s12+$0x0] =	vst.idx.add.f32.msk $0xffff, v5  }
0x96: {  	v5 =	vld.idx.msk [tilespmem:v42+s11+$0x0], $0xffff;
	_ =	sdelay $0x1  }
0x97: {  	v43 =	vor.u32 $0x100, v4  }
0x98: {  	v2 =	vor.u32 $0x180, v2;
	_ =	sdelay $0x1  }
0x99: {  	v5 =	vmul.f32 v5, v3;
	_ =	sdelay $0x1  }
0x9a: {  	[tilespmem:v43+s12+$0x0] =	vst.idx.add.f32.msk $0xffff, v5  }
0x9b: {  	v2 =	vld.idx.msk [tilespmem:v2+s11+$0x0], $0xffff;
	_ =	sdelay $0x1  }
0x9c: {  	v4 =	vor.u32 $0x180, v4;
	_ =	sdelay $0x2  }
0x9d: {  	v2 =	vmul.f32 v2, v3;
	_ =	sdelay $0x1  }
0x9e: {  	[tilespmem:v4+s12+$0x0] =	vst.idx.add.f32.msk $0xffff, v2  }
0x9f: {  	v2 =	vld [tilespmem:s20+$0x0];
	_ =	sdelay $0x4  }
0xa0: {  	v3 =	vshll.u32 v2, $0x2  }
0xa1: {  	v2 =	vand.u32 $0x7F, v2;
	v3 =	vand.u32 $0xFFFFFE00, v3  }
0xa2: {  	v4 =	vld [tilespmem:s21+$0x0];
	v2 =	vor.u32 v2, v3;
	_ =	sdelay $0x3  }
0xa3: {  	v3 =	vld [tilespmem:s22+$0x0]  }
0xa4: {  	v44 =	vshll.u32 v4, $0x2;
	v5 =	vld.idx.msk [tilespmem:v2+s11+$0x0], $0xffff  }
0xa5: {  	v4 =	vand.u32 $0x7F, v4;
	v6 =	vand.u32 $0xFFFFFE00, v44  }
0xa6: {  	v4 =	vor.u32 v4, v6  }
0xa7: {  	v45 =	vor.u32 $0x80, v2;
	_ =	sdelay $0x1  }
0xa8: {  	v5 =	vmul.f32 v5, v3;
	_ =	sdelay $0x1  }
0xa9: {  	[tilespmem:v4+s12+$0x0] =	vst.idx.add.f32.msk $0xffff, v5  }
0xaa: {  	v5 =	vld.idx.msk [tilespmem:v45+s11+$0x0], $0xffff;
	_ =	sdelay $0x1  }
0xab: {  	v46 =	vor.u32 $0x80, v4  }
0xac: {  	v47 =	vor.u32 $0x100, v2;
	_ =	sdelay $0x1  }
0xad: {  	v5 =	vmul.f32 v5, v3;
	_ =	sdelay $0x1  }
0xae: {  	[tilespmem:v46+s12+$0x0] =	vst.idx.add.f32.msk $0xffff, v5  }
0xaf: {  	v5 =	vld.idx.msk [tilespmem:v47+s11+$0x0], $0xffff;
	_ =	sdelay $0x1  }
0xb0: {  	v48 =	vor.u32 $0x100, v4  }
0xb1: {  	v2 =	vor.u32 $0x180, v2;
	_ =	sdelay $0x1  }
0xb2: {  	v5 =	vmul.f32 v5, v3;
	_ =	sdelay $0x1  }
0xb3: {  	[tilespmem:v48+s12+$0x0] =	vst.idx.add.f32.msk $0xffff, v5  }
0xb4: {  	v2 =	vld.idx.msk [tilespmem:v2+s11+$0x0], $0xffff;
	_ =	sdelay $0x1  }
0xb5: {  	v4 =	vor.u32 $0x180, v4;
	_ =	sdelay $0x2  }
0xb6: {  	v2 =	vmul.f32 v2, v3;
	_ =	sdelay $0x1  }
0xb7: {  	[tilespmem:v4+s12+$0x0] =	vst.idx.add.f32.msk $0xffff, v2  }
0xb8: {  	v2 =	vld [tilespmem:s20+$0x10];
	_ =	sdelay $0x4  }
0xb9: {  	v3 =	vshll.u32 v2, $0x2  }
0xba: {  	v2 =	vand.u32 $0x7F, v2;
	v3 =	vand.u32 $0xFFFFFE00, v3  }
0xbb: {  	v4 =	vld [tilespmem:s21+$0x10];
	v2 =	vor.u32 v2, v3;
	_ =	sdelay $0x3  }
0xbc: {  	v3 =	vld [tilespmem:s22+$0x10]  }
0xbd: {  	v49 =	vshll.u32 v4, $0x2;
	v5 =	vld.idx.msk [tilespmem:v2+s11+$0x0], $0xffff  }
0xbe: {  	v4 =	vand.u32 $0x7F, v4;
	v6 =	vand.u32 $0xFFFFFE00, v49  }
0xbf: {  	v4 =	vor.u32 v4, v6  }
0xc0: {  	v50 =	vor.u32 $0x80, v2;
	_ =	sdelay $0x1  }
0xc1: {  	v5 =	vmul.f32 v5, v3;
	_ =	sdelay $0x1  }
0xc2: {  	[tilespmem:v4+s12+$0x0] =	vst.idx.add.f32.msk $0xffff, v5  }
0xc3: {  	v5 =	vld.idx.msk [tilespmem:v50+s11+$0x0], $0xffff;
	_ =	sdelay $0x1  }
0xc4: {  	v51 =	vor.u32 $0x80, v4  }
0xc5: {  	v52 =	vor.u32 $0x100, v2;
	_ =	sdelay $0x1  }
0xc6: {  	v5 =	vmul.f32 v5, v3;
	_ =	sdelay $0x1  }
0xc7: {  	[tilespmem:v51+s12+$0x0] =	vst.idx.add.f32.msk $0xffff, v5  }
0xc8: {  	v5 =	vld.idx.msk [tilespmem:v52+s11+$0x0], $0xffff;
	_ =	sdelay $0x1  }
0xc9: {  	v53 =	vor.u32 $0x100, v4  }
0xca: {  	v2 =	vor.u32 $0x180, v2;
	_ =	sdelay $0x1  }
0xcb: {  	v5 =	vmul.f32 v5, v3;
	_ =	sdelay $0x1  }
0xcc: {  	[tilespmem:v53+s12+$0x0] =	vst.idx.add.f32.msk $0xffff, v5  }
0xcd: {  	v2 =	vld.idx.msk [tilespmem:v2+s11+$0x0], $0xffff;
	_ =	sdelay $0x1  }
0xce: {  	v4 =	vor.u32 $0x180, v4;
	_ =	sdelay $0x2  }
0xcf: {  	v2 =	vmul.f32 v2, v3;
	_ =	sdelay $0x1  }
0xd0: {  	[tilespmem:v4+s12+$0x0] =	vst.idx.add.f32.msk $0xffff, v2  }
0xd1: {  	v2 =	vld [tilespmem:s20+$0x20];
	_ =	sdelay $0x4  }
0xd2: {  	v3 =	vshll.u32 v2, $0x2  }
0xd3: {  	v2 =	vand.u32 $0x7F, v2;
	v3 =	vand.u32 $0xFFFFFE00, v3  }
0xd4: {  	v4 =	vld [tilespmem:s21+$0x20];
	v2 =	vor.u32 v2, v3;
	_ =	sdelay $0x3  }
0xd5: {  	v3 =	vld [tilespmem:s22+$0x20]  }
0xd6: {  	v54 =	vshll.u32 v4, $0x2;
	v5 =	vld.idx.msk [tilespmem:v2+s11+$0x0], $0xffff  }
0xd7: {  	v4 =	vand.u32 $0x7F, v4;
	v6 =	vand.u32 $0xFFFFFE00, v54  }
0xd8: {  	v4 =	vor.u32 v4, v6  }
0xd9: {  	v55 =	vor.u32 $0x80, v2;
	_ =	sdelay $0x1  }
0xda: {  	v5 =	vmul.f32 v5, v3;
	_ =	sdelay $0x1  }
0xdb: {  	[tilespmem:v4+s12+$0x0] =	vst.idx.add.f32.msk $0xffff, v5  }
0xdc: {  	v5 =	vld.idx.msk [tilespmem:v55+s11+$0x0], $0xffff;
	_ =	sdelay $0x1  }
0xdd: {  	v56 =	vor.u32 $0x80, v4  }
0xde: {  	v57 =	vor.u32 $0x100, v2;
	_ =	sdelay $0x1  }
0xdf: {  	v5 =	vmul.f32 v5, v3;
	_ =	sdelay $0x1  }
0xe0: {  	[tilespmem:v56+s12+$0x0] =	vst.idx.add.f32.msk $0xffff, v5  }
0xe1: {  	v5 =	vld.idx.msk [tilespmem:v57+s11+$0x0], $0xffff;
	_ =	sdelay $0x1  }
0xe2: {  	v58 =	vor.u32 $0x100, v4  }
0xe3: {  	v2 =	vor.u32 $0x180, v2;
	_ =	sdelay $0x1  }
0xe4: {  	v5 =	vmul.f32 v5, v3;
	_ =	sdelay $0x1  }
0xe5: {  	[tilespmem:v58+s12+$0x0] =	vst.idx.add.f32.msk $0xffff, v5  }
0xe6: {  	v2 =	vld.idx.msk [tilespmem:v2+s11+$0x0], $0xffff;
	_ =	sdelay $0x1  }
0xe7: {  	v4 =	vor.u32 $0x180, v4;
	_ =	sdelay $0x2  }
0xe8: {  	v2 =	vmul.f32 v2, v3;
	_ =	sdelay $0x1  }
0xe9: {  	[tilespmem:v4+s12+$0x0] =	vst.idx.add.f32.msk $0xffff, v2  }
0xea: {  	v2 =	vld [tilespmem:s20+$0x30];
	_ =	sdelay $0x4  }
0xeb: {  	v3 =	vshll.u32 v2, $0x2  }
0xec: {  	v2 =	vand.u32 $0x7F, v2;
	v3 =	vand.u32 $0xFFFFFE00, v3  }
0xed: {  	v4 =	vld [tilespmem:s21+$0x30];
	v2 =	vor.u32 v2, v3;
	_ =	sdelay $0x3  }
0xee: {  	v3 =	vld [tilespmem:s22+$0x30]  }
0xef: {  	v59 =	vshll.u32 v4, $0x2;
	v5 =	vld.idx.msk [tilespmem:v2+s11+$0x0], $0xffff  }
0xf0: {  	v4 =	vand.u32 $0x7F, v4;
	v6 =	vand.u32 $0xFFFFFE00, v59  }
0xf1: {  	v4 =	vor.u32 v4, v6  }
0xf2: {  	v60 =	vor.u32 $0x80, v2;
	_ =	sdelay $0x1  }
0xf3: {  	v5 =	vmul.f32 v5, v3;
	_ =	sdelay $0x1  }
0xf4: {  	[tilespmem:v4+s12+$0x0] =	vst.idx.add.f32.msk $0xffff, v5  }
0xf5: {  	v5 =	vld.idx.msk [tilespmem:v60+s11+$0x0], $0xffff;
	_ =	sdelay $0x1  }
0xf6: {  	v61 =	vor.u32 $0x80, v4  }
0xf7: {  	v62 =	vor.u32 $0x100, v2;
	_ =	sdelay $0x1  }
0xf8: {  	v5 =	vmul.f32 v5, v3;
	_ =	sdelay $0x1  }
0xf9: {  	[tilespmem:v61+s12+$0x0] =	vst.idx.add.f32.msk $0xffff, v5  }
0xfa: {  	v5 =	vld.idx.msk [tilespmem:v62+s11+$0x0], $0xffff;
	_ =	sdelay $0x1  }
0xfb: {  	v63 =	vor.u32 $0x100, v4  }
0xfc: {  	v2 =	vor.u32 $0x180, v2;
	_ =	sdelay $0x1  }
0xfd: {  	v5 =	vmul.f32 v5, v3;
	_ =	sdelay $0x1  }
0xfe: {  	[tilespmem:v63+s12+$0x0] =	vst.idx.add.f32.msk $0xffff, v5  }
0xff: {  	v2 =	vld.idx.msk [tilespmem:v2+s11+$0x0], $0xffff  }
0x100: {  	s19 =	sadd.s32 $0x8, s19  }
0x101: {  	p1 =	slt.u32 s19, $0xA0;
	v4 =	vor.u32 $0x180, v4  }
.Ltmp1:
0x102: {  	_ = 	snop;
	(pc) =	sbr.rel @p1 .LBB2_5-.Ltmp1, $3  }
0x103: {  	_ = 	snop  }
0x104: {  	v2 =	vmul.f32 v2, v3;
	_ =	sdelay $0x1  }
0x105: {  	s20 =	sadd.s32 $0x80, s20;
	s21 =	sadd.s32 $0x80, s21;
	s22 =	sadd.s32 $0x80, s22;
	[tilespmem:v4+s12+$0x0] =	vst.idx.add.f32.msk $0xffff, v2  }
0x106: {  	s18 =	sadd.s32 $0x1, s18  }
0x107: {  	p1 =	sne.s32 s18, $0x20  }
.Ltmp2:
0x108: {  	_ = 	snop;
	(pc) =	sbr.rel @p1 .LBB2_4-.Ltmp2, $1  }
0x109: {  	_ =	sdelay $0x3  }
0x10a: {  	s17 =	sadd.s32 $0x1, s17  }
0x10b: {  	p1 =	sne.s32 s17, s8  }
.Ltmp3:
0x10c: {  	_ = 	snop;
	(pc) =	sbr.rel @p1 .LBB2_1-.Ltmp3, $4  }
0x10d: {  	[hbm4b:s16+s9] =	stream.strided.scatter [tilespmem:s12], [sflag:$0x1], $0xA000, s10, s9, $0x38;
	[tilespmem:$0x15F80] =	vst v63  }
0x10e: {  	_ =	swait.ge [sflag:s4], $0xA000  }
0x10f: {  	[sflag:s4] =	ssyncset.done $0x0  }
0x110: {  	[sflag:s4] =	ssyncadd.s32 $0xFFFF6000  }
0x111: {  	_ =	sfence.sel $0x180000  }
0x112: {  	[bflag:$0x0] =	sbarrier.arrive $0xFFFF  }
0x113: {  	_ =	strace $0x9000004A  }
0x114: {  	s0 =	sadd.s32 @!p0 $0x100000, s0;
	[bflag:$0x2] =	sbarrier.arrive $0xFFFF  }
0x115: {  	[sflag:s0] =	ssyncadd.tile.s32 @!p0 $0x1;
	_ =	shalt  }
.Lfunc_end2:
_tile_overlayer_lowered:
.L_overlay_start_2:
0x116: {  	(tag) =	ssettag $0x2  }
0x117: {  	s0 =	rddreg [dreg:$0x0];
	s2 =	stileid.u32  }
0x118: {  	s1 =	rddreg [dreg:$0x1];
	p0 =	sne.s32 s2, $0x0  }
0x119: {  	s3 =	rddreg [dreg:$0x2];
	[bflag:$0x3] =	sbarrier.arrive $0xFFFF;
	s2 =	simm.s32 @!p0 $0x1C01  }
0x11a: {  	[timem:s3], [sflag:s2] =	dma.local @!p0 [hbm:s0], s1  }
0x11b: {  	s0 =	simm.s32 @!p0 $0x1  }
0x11c: {  	_ =	swait.ge @!p0 [sflag:s0], s1  }
0x11d: {  	s1 =	ssub.s32 @!p0 $0x0, s1;
	[sflag:s0] =	ssyncset.done @!p0 $0x0  }
0x11e: {  	[sflag:s0] =	ssyncadd.s32 @!p0 s1  }
0x11f: {  	[bflag:$0x3] =	sbarrier.arrive $0xFFFF  }
0x120: {  	_ =	shalt  }

// kernel: kernel.15.cloned.1.call-start
scs
__scs_entry_jumppad:
0x0: {  	(pc) =	sbr.rel $0x88, $3  }
0x1: {  	(tag) =	ssettag $0x0;
	lr =	simm.s32 $0x1  }
0x2: {  	[smem:$0x3F97] =	sst lr;
	_ =	strace $0xD0000000  }
0x3: {  	_ = 	snop  }
0x4: {  	_ = 	snop  }
0x5: {  	_ = 	snop  }
0x6: {  	_ = 	snop  }
0x7: {  	_ = 	snop  }
__scs_overlays_trampoline_lowered:
0x8: {  	[smem:$0x3FA6] =	sst s0  }
0x9: {  	[smem:$0x3FA7] =	sst s1  }
0xa: {  	[smem:$0x3FA8] =	sst s2  }
0xb: {  	[smem:$0x3FA9] =	sst s3  }
0xc: {  	[smem:$0x3FAA] =	sst s4  }
0xd: {  	[smem:$0x3FAB] =	sst s5  }
0xe: {  	[smem:$0x3FAC] =	sst s6  }
0xf: {  	[smem:$0x3FAD] =	sst s7  }
0x10: {  	[smem:$0x3FAE] =	sst s8  }
0x11: {  	[smem:$0x3FAF] =	sst s9;
	s0 =	simm.s32 @!p0 $0x0  }
0x12: {  	s1 =	sld [smem:$0x3F95];
	s0 =	simm.s32 @p0 $0x1  }
0x13: {  	[smem:$0x3FB0] =	sst s0;
	s0 =	simm.s32 @!p1 $0x0  }
0x14: {  	s2 =	sld [smem:$0x3F94];
	s0 =	simm.s32 @p1 $0x1  }
0x15: {  	[smem:$0x3FB1] =	sst s0;
	s0 =	simm.s32 @!p2 $0x0  }
0x16: {  	s3 =	sld [smem:$0x3FDB];
	s0 =	simm.s32 @p2 $0x1  }
0x17: {  	s4 =	simm.s32 $0x1BF5;
	[smem:$0x3FB3] =	sst s0  }
0x18: {  	s0 =	sld [smem:$0x3F96];
	_ =	swait.ge [sflag:s4], $0x0  }
0x19: {  	s7 =	sld [smem:$0x3F97]  }
0x1a: {  	s8 =	sadd.s32 $0xFFFFE003, lr  }
0x1b: {  	s9 =	sadd.s32 $0xFFFFFEF7, lr;
	s5 =	simm.s32 $0xFFFFFFFF;
	p2 =	slt.u32 s8, $0xFFFFF086  }
0x1c: {  	p1 =	slt.u32 s9, $0xF7A;
	s5 =	simm.s32 @!p2 $0x0  }
0x1d: {  	s5 =	simm.s32 @p1 $0x1;
	p0 =	seq.s32 s7, s2  }
0x1e: {  	s7 =	smul.u32 @!p0 $0xF7A, s2;
	p2 =	seq.s32 @!p0 s5, $0x0  }
0x1f: {  	s9 =	smul.u32 $0xF7A, s1;
	s8 =	simm.s32 @!p0 $0x1BF5;
	p2 =	por !p2, p0  }
0x20: {  	[sflag:s8] =	ssyncset.s32 @!p0 $0xFFFFF086;
	s6 =	sadd.s32 @!p0 s3, s7;
	s7 =	simm.s32 @!p0 $0x108  }
0x21: {  	s3 =	sadd.s32 s3, s9;
	s6 =	sadd.s32 @!p0 $0x88, s6;
	s7 =	simm.s32 @p2 $0x1082  }
0x22: {  	[simem:s7], [sflag:s8] =	dma.local @!p0 [hbm:s6], $0xF7A  }
0x23: {  	s9 =	sor.u32 $0xD0000000, s2;
	s6 =	simm.s32 $0x108;
	_ =	swait.ge @!p0 [sflag:s8], $0x0  }
0x24: {  	s3 =	sadd.s32 $0x88, s3;
	s6 =	simm.s32 @!p1 $0x1082;
	[sflag:s4] =	ssyncset.s32 $0xFFFFF086  }
0x25: {  	[simem:s6], [sflag:s4] =	dma.local [hbm:s3], $0xF7A  }
0x26: {  	[smem:$0x3F97] =	sst s1;
	(tag) =	ssettag s2;
	_ =	strace s9  }
0x27: {  	s1 =	sld [smem:$0x3FA7]  }
0x28: {  	s2 =	sld [smem:$0x3FA8]  }
0x29: {  	s4 =	sld [smem:$0x3FAA]  }
0x2a: {  	p0 =	seq.s32 s5, $0x0;
	s5 =	sld [smem:$0x3FAB]  }
0x2b: {  	s6 =	sld [smem:$0x3FAC]  }
0x2c: {  	s7 =	sld [smem:$0x3FAD]  }
0x2d: {  	s3 =	simm.s32 $0x108;
	s8 =	sld [smem:$0x3FAE]  }
0x2e: {  	s3 =	simm.s32 @!p0 $0x1082;
	s9 =	sld [smem:$0x3FAF]  }
0x2f: {  	lr =	sadd.s32 s0, s3;
	s0 =	sld [smem:$0x3FA6]  }
0x30: {  	s3 =	sld [smem:$0x3FA9]  }
0x31: {  	[smem:$0x3FB2] =	sst s10  }
0x32: {  	s10 =	sld [smem:$0x3FB0];
	_ =	sdelay $0x3  }
0x33: {  	p0 =	seq.s32 s10, $0x1;
	s10 =	sld [smem:$0x3FB2];
	_ =	sdelay $0x3  }
0x34: {  	[smem:$0x3FB2] =	sst s10  }
0x35: {  	s10 =	sld [smem:$0x3FB1];
	_ =	sdelay $0x3  }
0x36: {  	p1 =	seq.s32 s10, $0x1;
	s10 =	sld [smem:$0x3FB2];
	_ =	sdelay $0x3  }
0x37: {  	[smem:$0x3FB2] =	sst s10  }
0x38: {  	s10 =	sld [smem:$0x3FB3]  }
0x39: {  	_ = 	snop;
	(pc) =	sbr.ind lr, $3  }
0x3a: {  	_ = 	snop  }
0x3b: {  	_ = 	snop  }
0x3c: {  	p2 =	seq.s32 s10, $0x1;
	s10 =	sld [smem:$0x3FB2]  }
0x3d: {  	_ =	shalt  }
0x3e: {  	_ =	shalt  }
0x3f: {  	_ =	shalt  }
0x40: {  	_ =	shalt  }
0x41: {  	_ =	shalt  }
0x42: {  	_ =	shalt  }
0x43: {  	_ =	shalt  }
0x44: {  	_ =	shalt  }
0x45: {  	_ =	shalt  }
0x46: {  	_ =	shalt  }
0x47: {  	_ =	shalt  }
0x48: {  	_ =	shalt  }
0x49: {  	_ =	shalt  }
0x4a: {  	_ =	shalt  }
0x4b: {  	_ =	shalt  }
0x4c: {  	_ =	shalt  }
0x4d: {  	_ =	shalt  }
0x4e: {  	_ =	shalt  }
0x4f: {  	_ =	shalt  }
0x50: {  	_ =	shalt  }
0x51: {  	_ =	shalt  }
0x52: {  	_ =	shalt  }
0x53: {  	_ =	shalt  }
0x54: {  	_ =	shalt  }
0x55: {  	_ =	shalt  }
0x56: {  	_ =	shalt  }
0x57: {  	_ =	shalt  }
0x58: {  	_ =	shalt  }
0x59: {  	_ =	shalt  }
0x5a: {  	_ =	shalt  }
0x5b: {  	_ =	shalt  }
0x5c: {  	_ =	shalt  }
0x5d: {  	_ =	shalt  }
0x5e: {  	_ =	shalt  }
0x5f: {  	_ =	shalt  }
0x60: {  	_ =	shalt  }
0x61: {  	_ =	shalt  }
0x62: {  	_ =	shalt  }
0x63: {  	_ =	shalt  }
0x64: {  	_ =	shalt  }
0x65: {  	_ =	shalt  }
0x66: {  	_ =	shalt  }
0x67: {  	_ =	shalt  }
0x68: {  	_ =	shalt  }
0x69: {  	_ =	shalt  }
0x6a: {  	_ =	shalt  }
0x6b: {  	_ =	shalt  }
0x6c: {  	_ =	shalt  }
0x6d: {  	_ =	shalt  }
0x6e: {  	_ =	shalt  }
0x6f: {  	_ =	shalt  }
0x70: {  	_ =	shalt  }
0x71: {  	_ =	shalt  }
0x72: {  	_ =	shalt  }
0x73: {  	_ =	shalt  }
0x74: {  	_ =	shalt  }
0x75: {  	_ =	shalt  }
0x76: {  	_ =	shalt  }
0x77: {  	_ =	shalt  }
0x78: {  	_ =	shalt  }
0x79: {  	_ =	shalt  }
0x7a: {  	_ =	shalt  }
0x7b: {  	_ =	shalt  }
0x7c: {  	_ =	shalt  }
0x7d: {  	_ =	shalt  }
0x7e: {  	_ =	shalt  }
0x7f: {  	_ =	shalt  }
0x80: {  	_ =	shalt  }
0x81: {  	_ =	shalt  }
0x82: {  	_ =	shalt  }
0x83: {  	_ =	shalt  }
0x84: {  	_ =	shalt  }
0x85: {  	_ =	shalt  }
0x86: {  	_ =	shalt  }
0x87: {  	_ =	shalt  }
.Lfunc_end0:
.L_simem_size_0:
called_computation.2_lowered:
.L_overlay_start_0:
0x88: {  	s2 =	sld [smem:$0x3FD9]  }
0x89: {  	s3 =	sld [smem:$0x3FFE];
	_ =	sdelay $0x1  }
0x8a: {  	s1 =	srdreg.scid  }
0x8b: {  	s0 =	sand.u32 $0x1, s1  }
0x8c: {  	s17 =	sshll.u32 s0, $0xA;
	s2 =	sadd.s32 s3, s2  }
0x8d: {  	s2 =	sadd.s32 s2, s17  }
0x8e: {  	[smem:$0x3FBE] =	sst s2  }
0x8f: {  	_ = 	snop  }
0x90: {  	s2 =	sld [smem:$0x3FD0];
	(tm) =	ssettm $0x1  }
0x91: {  	s18 =	sld [smem:$0x3FFB];
	_ =	sdelay $0x3  }
0x92: {  	_ =	strace s18  }
0x93: {  	s3 =	sld [smem:$0x3FFC];
	_ =	sdelay $0x3  }
0x94: {  	_ =	strace s3  }
0x95: {  	s3 =	sld [smem:$0x3FFD];
	_ =	sdelay $0x3  }
0x96: {  	_ =	strace s3  }
0x97: {  	_ =	strace $0x8FFFFFFF  }
0x98: {  	s19 =	sld [smem:$0x3FDB];
	_ =	sdelay $0x1  }
0x99: {  	s4 =	simm.s32 $_scs_section_size  }
0x9a: {  	s5 =	simm.s32 $_size__tile_overlayer_lowered;
	s6 =	simm.s32 $_tile_overlayer_lowered  }
0x9b: {  	s22 =	simm.s32 $0x1BFF;
	s21 =	sshll.u32 s6, $0x1;
	s3 =	sadd.s32 s4, s19  }
0x9c: {  	s7 =	simm.s32 $0x0;
	s20 =	sshll.u32 s5, $0x1;
	s5 =	sadd.s32 s21, s3  }
0x9d: {  	[timem:s7], [sflag:s22] =	dma.local [hbm:s5], s20  }
0x9e: {  	_ =	swait.ge [sflag:s22], s20  }
0x9f: {  	s4 =	ssub.s32 $0x0, s20;
	[sflag:s22] =	ssyncset.done $0x0  }
0xa0: {  	[sflag:s22] =	ssyncadd.s32 s4;
	_ =	sdelay $0x1  }
0xa1: {  	s23 =	simm.s32 $0x1B8B  }
0xa2: {  	_ =	swait.ge [sflag:s23], $0x1  }
0xa3: {  	[sflag:s23] =	ssyncset.done $0x0  }
0xa4: {  	s25 =	simm.s32 $0x1B8E;
	s24 =	sld [smem:$0x3FFE];
	[sflag:s23] =	ssyncadd.s32 $0xFFFFFFFF  }
0xa5: {  	s26 =	simm.s32 $execute0_lowered;
	[smem:$0x3FD2] =	sst s25  }
0xa6: {  	s5 =	sshll.u32 s26, $0x1;
	_ =	strace $0x8000004C;
	[dreg:$0x1] =	wrdreg $0xFFFFFFFF  }
0xa7: {  	s28 =	simm.s32 $_size_execute0_lowered;
	s3 =	sadd.s32 s3, s5;
	[dreg:$0x0] =	wrdreg $0x0  }
0xa8: {  	s5 =	sshll.u32 s28, $0x1;
	[dreg:$0x2] =	wrdreg s3  }
0xa9: {  	[dreg:$0x3] =	wrdreg s5  }
0xaa: {  	[dreg:$0x4] =	wrdreg $0xC0  }
0xab: {  	_ =	task [dreg:s7], $0x5FFFF  }
0xac: {  	[dreg:$0x1] =	wrdreg $0xFFFFFFFF  }
0xad: {  	[dreg:$0x0] =	wrdreg $0x60  }
0xae: {  	[dreg:$0x2] =	wrdreg s24  }
0xaf: {  	[dreg:$0x3] =	wrdreg s2  }
0xb0: {  	[dreg:$0x4] =	wrdreg $0x9  }
0xb1: {  	_ =	task.clear_ibuf [dreg:s7], $0x5FFFF;
	_ =	strace $0x9000004C  }
0xb2: {  	s29 =	simm.s32 $0x9;
	_ =	strace $0x8000004E  }
0xb3: {  	_ =	swait.ge [sflag:s29], $0x1  }
0xb4: {  	[sflag:s29] =	ssyncadd.s32 $0xFFFFFFFF  }
0xb5: {  	_ =	strace $0x9000004E  }
0xb6: {  	_ =	sfence  }
0xb7: {  	s30 =	sld [smem:$0x0];
	_ =	sdelay $0x2  }
0xb8: {  	s31 =	sshll.u32 s1, $0xD;
	s1 =	sshrl.u32 s1, $0x2  }
0xb9: {  	s3 =	sand.u32 $0x4000, s31;
	s1 =	sadd.s32 s1, s30  }
0xba: {  	s0 =	sor.u32 s3, s0;
	s1 =	sshll.u32 s1, $0x11  }
0xbb: {  	s0 =	sor.u32 s1, s0  }
0xbc: {  	s0 =	sadd.s32 $0x8F2B, s0  }
0xbd: {  	[sflag:s0] =	ssyncadd.remote.s32 $0x1  }
0xbe: {  	_ =	sfence.sel $0xFFFF  }
0xbf: {  	[dreg:$0x0] =	wrdreg $0xFFFFFFFF;
	(pc) =	sbr.abs _section_cstart, $3  }
0xc0: {  	[dreg:$0x1] =	wrdreg $0xFFFFFFFF  }
0xc1: {  	_ =	task.clear_ibuf [dreg:s7], $0x2FFFF;
	_ =	strace $0x9FFFFFFF  }
0xc2: {  	(tm) =	ssettm $0x7FFFFFFF  }
0xc3: {  	_ =	shalt  }
tec
execute0_lowered:
.L_overlay_start_1:
0x0: {  	(tag) =	ssettag $0x1  }
0x1: {  	s8 =	rddreg [dreg:$0x0]  }
0x2: {  	s0 =	srdreg.scid;
	s2 =	rddreg [dreg:$0x1];
	s3 =	simm.s32 $0x0  }
0x3: {  	s13 =	simm.s32 $0x4780;
	s14 =	simm.s32 $0x6F80;
	s15 =	simm.s32 $0xA80  }
0x4: {  	s16 =	simm.s32 $0x1500;
	s17 =	simm.s32 $0x80;
	s6 =	sand.u32 $0x1, s0  }
0x5: {  	s18 =	simm.s32 $0x400;
	s0 =	stileid.u32;
	s1 =	sshll.u32 s6, $0x4  }
0x6: {  	s19 =	simm.s32 $0x0;
	[smem:$0x7FF] =	sst s3;
	s9 =	sor.u32 s0, s1  }
0x7: {  	s5 =	sshll.u32 s0, $0x7;
	s31 =	ssub.s32 $0x2, s6;
	s4 =	sshrl.u32 s9, $0x3  }
0x8: {  	s6 =	sadd.s32 $0xD800, s8;
	s1 =	rddreg [dreg:$0x2];
	s7 =	smul.u32 $0x14000, s4  }
0x9: {  	_ =	strace $0x8000004D;
	s10 =	sand.u32 $0x380, s5;
	s5 =	sadd.s32 $0x8400, s8  }
0xa: {  	s12 =	sshrl.u32 s31, $0x1;
	s4 =	sadd.s32 $0x3000, s8;
	s7 =	sor.u32 s10, s7  }
0xb: {  	s10 =	ssub.s32 s31, s12;
	s12 =	simm.s32 $0x1;
	s11 =	sshrl.u32 s7, $0x3  }
0xc: {  	s7 =	sadd.s32 $0x10600, s8;
	s10 =	smax.u32 s10, $0x1;
	s11 =	sadd.s32 s11, s8  }
0xd: {  	v0 =	vlaneseq.u32;
	v1 =	vimm.f32 $0.0e+00;
	s8 =	smul.u32 $0x1500, s9;
	s9 =	sadd.s32 $0x15A00, s11;
	s11 =	simm.s32 $0x1F80  }
.LBB2_1:
0xe: {  	[tilespmem:s11], [sflag:$0x1] =	stream.linear.gather [hbm4b:s2+s3], $0x2800, $0x38;
	[tilespmem:$0x9780] =	vst v63  }
0xf: {  	_ =	swait.ge [sflag:s12], $0x2800  }
0x10: {  	[sflag:s12] =	ssyncset.done $0x0  }
0x11: {  	[sflag:s12] =	ssyncadd.s32 $0xFFFFD800  }
0x12: {  	[tilespmem:s13], [sflag:$0x1] =	stream.linear.gather [hbm4b:s6+s3], $0x2800, $0x38;
	[tilespmem:$0x9780] =	vst v63  }
0x13: {  	_ =	swait.ge [sflag:s12], $0x2800  }
0x14: {  	[sflag:s12] =	ssyncset.done $0x0  }
0x15: {  	s20 =	simm.s32 $0x0;
	[sflag:s12] =	ssyncadd.s32 $0xFFFFD800  }
.LBB2_2:
0x16: {  	v2 =	vor.u32 s20, v0;
	p0 =	sne.s32 s20, $0x27F0  }
.Ltmp0:
0x17: {  	_ = 	snop;
	(pc) =	sbr.rel @p0 .LBB2_2-.Ltmp0, $2  }
0x18: {  	_ =	sdelay $0x2  }
0x19: {  	s20 =	sadd.s32 $0x10, s20;
	[tilespmem:v2+s14+$0x0] =	vst.idx.msk $0xffff, v1  }
0x1a: {  	s20 =	simm.s32 $0x0;
	p1 =	por $0x1, $0x1  }
.LBB2_4:
0x1b: {  	s20 =	sadd.s32 s8, s20  }
0x1c: {  	s20 =	sshrl.u32 s20, $0x3  }
0x1d: {  	s21 =	sadd.s32 s4, s20  }
0x1e: {  	[tilespmem:s3], [sflag:$0x1] =	stream.linear.gather [hbm4b:s21+s3], $0xA80, $0x38;
	[tilespmem:$0x9780] =	vst v63  }
0x1f: {  	_ =	swait.ge [sflag:s12], $0xA80  }
0x20: {  	[sflag:s12] =	ssyncset.done $0x0  }
0x21: {  	s31 =	sadd.s32 s5, s20;
	[sflag:s12] =	ssyncadd.s32 $0xFFFFF580  }
0x22: {  	[tilespmem:s15], [sflag:$0x1] =	stream.linear.gather [hbm4b:s31+s3], $0xA80, $0x38;
	[tilespmem:$0x9780] =	vst v63  }
0x23: {  	p0 =	por p1, p1;
	_ =	swait.ge [sflag:s12], $0xA80  }
0x24: {  	s22 =	simm.s32 $0x1580;
	s23 =	simm.s32 $0xB00;
	[sflag:s12] =	ssyncset.done $0x0  }
0x25: {  	s24 =	simm.s32 $0x80;
	s21 =	simm.s32 $0xFFFFFFF0;
	[sflag:s12] =	ssyncadd.s32 $0xFFFFF580  }
.LBB2_5:
0x26: {  	v2 =	vld [tilespmem:s24+$0xFFFFFF80]  }
0x27: {  	v3 =	vld [tilespmem:s23+$0xFFFFFF80];
	_ =	sdelay $0x6  }
0x28: {  	v2 =	vld.idx.msk [tilespmem:v2+s11+$0x0], $0xffff  }
0x29: {  	v4 =	vld.idx.msk [tilespmem:v3+s13+$0x0], $0xffff;
	_ =	sdelay $0x4  }
0x2a: {  	v2 =	vadd.f32 v4, v2;
	_ =	sdelay $0x1  }
0x2b: {  	v4 =	vmul.f32 $2.000000030e-01, v2  }
0x2c: {  	vm0 =	vgt.f32 v2, $0.0e+00  }
0x2d: {  	v2 =	vsel vm0, v2, v4  }
0x2e: {  	v2 =	vmul.f32 $1.442695020e+00, v2;
	_ =	sdelay $0x1  }
0x2f: {  	(erf) = vpow2.f32 v2;
	_ =	sdelay $0x8  }
0x30: {  	v2 =	vpop (erf)  }
0x31: {  	[tilespmem:s22+$0xFFFFFF80] =	vst v2  }
0x32: {  	[tilespmem:v3+s14+$0x0] =	vst.idx.add.f32.msk $0xffff, v2  }
0x33: {  	v2 =	vld [tilespmem:s24+$0xFFFFFF90]  }
0x34: {  	v3 =	vld [tilespmem:s23+$0xFFFFFF90];
	_ =	sdelay $0x6  }
0x35: {  	v2 =	vld.idx.msk [tilespmem:v2+s11+$0x0], $0xffff  }
0x36: {  	v49 =	vld.idx.msk [tilespmem:v3+s13+$0x0], $0xffff;
	_ =	sdelay $0x4  }
0x37: {  	v2 =	vadd.f32 v49, v2;
	_ =	sdelay $0x1  }
0x38: {  	v4 =	vmul.f32 $2.000000030e-01, v2  }
0x39: {  	vm13 =	vgt.f32 v2, $0.0e+00  }
0x3a: {  	v2 =	vsel vm13, v2, v4  }
0x3b: {  	v2 =	vmul.f32 $1.442695020e+00, v2;
	_ =	sdelay $0x1  }
0x3c: {  	(erf) = vpow2.f32 v2;
	_ =	sdelay $0x8  }
0x3d: {  	v2 =	vpop (erf)  }
0x3e: {  	[tilespmem:s22+$0xFFFFFF90] =	vst v2  }
0x3f: {  	[tilespmem:v3+s14+$0x0] =	vst.idx.add.f32.msk $0xffff, v2  }
0x40: {  	v2 =	vld [tilespmem:s24+$0xFFFFFFA0]  }
0x41: {  	v3 =	vld [tilespmem:s23+$0xFFFFFFA0];
	_ =	sdelay $0x6  }
0x42: {  	v2 =	vld.idx.msk [tilespmem:v2+s11+$0x0], $0xffff  }
0x43: {  	v50 =	vld.idx.msk [tilespmem:v3+s13+$0x0], $0xffff;
	_ =	sdelay $0x4  }
0x44: {  	v2 =	vadd.f32 v50, v2;
	_ =	sdelay $0x1  }
0x45: {  	v4 =	vmul.f32 $2.000000030e-01, v2  }
0x46: {  	vm14 =	vgt.f32 v2, $0.0e+00  }
0x47: {  	v2 =	vsel vm14, v2, v4  }
0x48: {  	v2 =	vmul.f32 $1.442695020e+00, v2;
	_ =	sdelay $0x1  }
0x49: {  	(erf) = vpow2.f32 v2;
	_ =	sdelay $0x8  }
0x4a: {  	v2 =	vpop (erf)  }
0x4b: {  	[tilespmem:s22+$0xFFFFFFA0] =	vst v2  }
0x4c: {  	[tilespmem:v3+s14+$0x0] =	vst.idx.add.f32.msk $0xffff, v2  }
0x4d: {  	v2 =	vld [tilespmem:s24+$0xFFFFFFB0]  }
0x4e: {  	v3 =	vld [tilespmem:s23+$0xFFFFFFB0];
	_ =	sdelay $0x6  }
0x4f: {  	v2 =	vld.idx.msk [tilespmem:v2+s11+$0x0], $0xffff  }
0x50: {  	v51 =	vld.idx.msk [tilespmem:v3+s13+$0x0], $0xffff;
	_ =	sdelay $0x4  }
0x51: {  	v2 =	vadd.f32 v51, v2;
	_ =	sdelay $0x1  }
0x52: {  	v4 =	vmul.f32 $2.000000030e-01, v2  }
0x53: {  	vm15 =	vgt.f32 v2, $0.0e+00  }
0x54: {  	v2 =	vsel vm15, v2, v4  }
0x55: {  	v2 =	vmul.f32 $1.442695020e+00, v2;
	_ =	sdelay $0x1  }
0x56: {  	(erf) = vpow2.f32 v2;
	_ =	sdelay $0x8  }
0x57: {  	v2 =	vpop (erf)  }
0x58: {  	[tilespmem:s22+$0xFFFFFFB0] =	vst v2  }
0x59: {  	[tilespmem:v3+s14+$0x0] =	vst.idx.add.f32.msk $0xffff, v2  }
0x5a: {  	v2 =	vld [tilespmem:s24+$0xFFFFFFC0]  }
0x5b: {  	v3 =	vld [tilespmem:s23+$0xFFFFFFC0];
	_ =	sdelay $0x6  }
0x5c: {  	v2 =	vld.idx.msk [tilespmem:v2+s11+$0x0], $0xffff  }
0x5d: {  	v52 =	vld.idx.msk [tilespmem:v3+s13+$0x0], $0xffff;
	_ =	sdelay $0x4  }
0x5e: {  	v2 =	vadd.f32 v52, v2;
	_ =	sdelay $0x1  }
0x5f: {  	v4 =	vmul.f32 $2.000000030e-01, v2  }
0x60: {  	vm4 =	vgt.f32 v2, $0.0e+00  }
0x61: {  	v2 =	vsel vm4, v2, v4  }
0x62: {  	v2 =	vmul.f32 $1.442695020e+00, v2;
	_ =	sdelay $0x1  }
0x63: {  	(erf) = vpow2.f32 v2;
	_ =	sdelay $0x8  }
0x64: {  	v2 =	vpop (erf)  }
0x65: {  	[tilespmem:s22+$0xFFFFFFC0] =	vst v2  }
0x66: {  	[tilespmem:v3+s14+$0x0] =	vst.idx.add.f32.msk $0xffff, v2  }
0x67: {  	v2 =	vld [tilespmem:s24+$0xFFFFFFD0]  }
0x68: {  	v3 =	vld [tilespmem:s23+$0xFFFFFFD0];
	_ =	sdelay $0x6  }
0x69: {  	v2 =	vld.idx.msk [tilespmem:v2+s11+$0x0], $0xffff  }
0x6a: {  	v53 =	vld.idx.msk [tilespmem:v3+s13+$0x0], $0xffff;
	_ =	sdelay $0x4  }
0x6b: {  	v2 =	vadd.f32 v53, v2;
	_ =	sdelay $0x1  }
0x6c: {  	v4 =	vmul.f32 $2.000000030e-01, v2  }
0x6d: {  	vm5 =	vgt.f32 v2, $0.0e+00  }
0x6e: {  	v2 =	vsel vm5, v2, v4  }
0x6f: {  	v2 =	vmul.f32 $1.442695020e+00, v2;
	_ =	sdelay $0x1  }
0x70: {  	(erf) = vpow2.f32 v2;
	_ =	sdelay $0x8  }
0x71: {  	v2 =	vpop (erf)  }
0x72: {  	[tilespmem:s22+$0xFFFFFFD0] =	vst v2  }
0x73: {  	[tilespmem:v3+s14+$0x0] =	vst.idx.add.f32.msk $0xffff, v2  }
0x74: {  	v2 =	vld [tilespmem:s24+$0xFFFFFFE0]  }
0x75: {  	v3 =	vld [tilespmem:s23+$0xFFFFFFE0];
	_ =	sdelay $0x6  }
0x76: {  	v2 =	vld.idx.msk [tilespmem:v2+s11+$0x0], $0xffff  }
0x77: {  	v54 =	vld.idx.msk [tilespmem:v3+s13+$0x0], $0xffff;
	_ =	sdelay $0x4  }
0x78: {  	v2 =	vadd.f32 v54, v2;
	_ =	sdelay $0x1  }
0x79: {  	v4 =	vmul.f32 $2.000000030e-01, v2  }
0x7a: {  	vm6 =	vgt.f32 v2, $0.0e+00  }
0x7b: {  	v2 =	vsel vm6, v2, v4  }
0x7c: {  	v2 =	vmul.f32 $1.442695020e+00, v2;
	_ =	sdelay $0x1  }
0x7d: {  	(erf) = vpow2.f32 v2;
	_ =	sdelay $0x8  }
0x7e: {  	v2 =	vpop (erf)  }
0x7f: {  	[tilespmem:s22+$0xFFFFFFE0] =	vst v2  }
0x80: {  	[tilespmem:v3+s14+$0x0] =	vst.idx.add.f32.msk $0xffff, v2  }
0x81: {  	v2 =	vld [tilespmem:s24+$0xFFFFFFF0]  }
0x82: {  	v3 =	vld [tilespmem:s23+$0xFFFFFFF0];
	_ =	sdelay $0x6  }
0x83: {  	v2 =	vld.idx.msk [tilespmem:v2+s11+$0x0], $0xffff  }
0x84: {  	v55 =	vld.idx.msk [tilespmem:v3+s13+$0x0], $0xffff;
	_ =	sdelay $0x4  }
0x85: {  	v2 =	vadd.f32 v55, v2;
	_ =	sdelay $0x1  }
0x86: {  	v4 =	vmul.f32 $2.000000030e-01, v2  }
0x87: {  	vm7 =	vgt.f32 v2, $0.0e+00  }
0x88: {  	v2 =	vsel vm7, v2, v4  }
0x89: {  	v2 =	vmul.f32 $1.442695020e+00, v2;
	_ =	sdelay $0x1  }
0x8a: {  	(erf) = vpow2.f32 v2;
	_ =	sdelay $0x8  }
0x8b: {  	v2 =	vpop (erf)  }
0x8c: {  	[tilespmem:s22+$0xFFFFFFF0] =	vst v2  }
0x8d: {  	[tilespmem:v3+s14+$0x0] =	vst.idx.add.f32.msk $0xffff, v2  }
0x8e: {  	v2 =	vld [tilespmem:s24+$0x0]  }
0x8f: {  	v3 =	vld [tilespmem:s23+$0x0];
	_ =	sdelay $0x6  }
0x90: {  	v2 =	vld.idx.msk [tilespmem:v2+s11+$0x0], $0xffff  }
0x91: {  	v56 =	vld.idx.msk [tilespmem:v3+s13+$0x0], $0xffff;
	_ =	sdelay $0x4  }
0x92: {  	v2 =	vadd.f32 v56, v2;
	_ =	sdelay $0x1  }
0x93: {  	v4 =	vmul.f32 $2.000000030e-01, v2  }
0x94: {  	vm8 =	vgt.f32 v2, $0.0e+00  }
0x95: {  	v2 =	vsel vm8, v2, v4  }
0x96: {  	v2 =	vmul.f32 $1.442695020e+00, v2;
	_ =	sdelay $0x1  }
0x97: {  	(erf) = vpow2.f32 v2;
	_ =	sdelay $0x8  }
0x98: {  	v2 =	vpop (erf)  }
0x99: {  	[tilespmem:s22+$0x0] =	vst v2  }
0x9a: {  	[tilespmem:v3+s14+$0x0] =	vst.idx.add.f32.msk $0xffff, v2  }
0x9b: {  	v2 =	vld [tilespmem:s24+$0x10]  }
0x9c: {  	v3 =	vld [tilespmem:s23+$0x10];
	_ =	sdelay $0x6  }
0x9d: {  	v2 =	vld.idx.msk [tilespmem:v2+s11+$0x0], $0xffff  }
0x9e: {  	v57 =	vld.idx.msk [tilespmem:v3+s13+$0x0], $0xffff;
	_ =	sdelay $0x4  }
0x9f: {  	v2 =	vadd.f32 v57, v2;
	_ =	sdelay $0x1  }
0xa0: {  	v4 =	vmul.f32 $2.000000030e-01, v2  }
0xa1: {  	vm9 =	vgt.f32 v2, $0.0e+00  }
0xa2: {  	v2 =	vsel vm9, v2, v4  }
0xa3: {  	v2 =	vmul.f32 $1.442695020e+00, v2;
	_ =	sdelay $0x1  }
0xa4: {  	(erf) = vpow2.f32 v2;
	_ =	sdelay $0x8  }
0xa5: {  	v2 =	vpop (erf)  }
0xa6: {  	[tilespmem:s22+$0x10] =	vst v2  }
0xa7: {  	[tilespmem:v3+s14+$0x0] =	vst.idx.add.f32.msk $0xffff, v2  }
0xa8: {  	v2 =	vld [tilespmem:s24+$0x20]  }
0xa9: {  	v3 =	vld [tilespmem:s23+$0x20];
	_ =	sdelay $0x6  }
0xaa: {  	v2 =	vld.idx.msk [tilespmem:v2+s11+$0x0], $0xffff  }
0xab: {  	v58 =	vld.idx.msk [tilespmem:v3+s13+$0x0], $0xffff;
	_ =	sdelay $0x4  }
0xac: {  	v2 =	vadd.f32 v58, v2;
	_ =	sdelay $0x1  }
0xad: {  	v4 =	vmul.f32 $2.000000030e-01, v2  }
0xae: {  	vm10 =	vgt.f32 v2, $0.0e+00  }
0xaf: {  	v2 =	vsel vm10, v2, v4  }
0xb0: {  	v2 =	vmul.f32 $1.442695020e+00, v2;
	_ =	sdelay $0x1  }
0xb1: {  	(erf) = vpow2.f32 v2;
	_ =	sdelay $0x8  }
0xb2: {  	v2 =	vpop (erf)  }
0xb3: {  	[tilespmem:s22+$0x20] =	vst v2  }
0xb4: {  	[tilespmem:v3+s14+$0x0] =	vst.idx.add.f32.msk $0xffff, v2  }
0xb5: {  	v2 =	vld [tilespmem:s24+$0x30]  }
0xb6: {  	v3 =	vld [tilespmem:s23+$0x30];
	_ =	sdelay $0x6  }
0xb7: {  	v2 =	vld.idx.msk [tilespmem:v2+s11+$0x0], $0xffff  }
0xb8: {  	v59 =	vld.idx.msk [tilespmem:v3+s13+$0x0], $0xffff;
	_ =	sdelay $0x4  }
0xb9: {  	v2 =	vadd.f32 v59, v2;
	_ =	sdelay $0x1  }
0xba: {  	v4 =	vmul.f32 $2.000000030e-01, v2  }
0xbb: {  	vm11 =	vgt.f32 v2, $0.0e+00  }
0xbc: {  	v2 =	vsel vm11, v2, v4  }
0xbd: {  	v2 =	vmul.f32 $1.442695020e+00, v2;
	_ =	sdelay $0x1  }
0xbe: {  	(erf) = vpow2.f32 v2;
	_ =	sdelay $0x8  }
0xbf: {  	v2 =	vpop (erf)  }
0xc0: {  	[tilespmem:s22+$0x30] =	vst v2  }
0xc1: {  	[tilespmem:v3+s14+$0x0] =	vst.idx.add.f32.msk $0xffff, v2  }
0xc2: {  	v2 =	vld [tilespmem:s24+$0x40]  }
0xc3: {  	v3 =	vld [tilespmem:s23+$0x40];
	_ =	sdelay $0x6  }
0xc4: {  	v2 =	vld.idx.msk [tilespmem:v2+s11+$0x0], $0xffff  }
0xc5: {  	v60 =	vld.idx.msk [tilespmem:v3+s13+$0x0], $0xffff;
	_ =	sdelay $0x4  }
0xc6: {  	v2 =	vadd.f32 v60, v2;
	_ =	sdelay $0x1  }
0xc7: {  	v4 =	vmul.f32 $2.000000030e-01, v2  }
0xc8: {  	vm12 =	vgt.f32 v2, $0.0e+00  }
0xc9: {  	v2 =	vsel vm12, v2, v4  }
0xca: {  	v2 =	vmul.f32 $1.442695020e+00, v2;
	_ =	sdelay $0x1  }
0xcb: {  	(erf) = vpow2.f32 v2;
	_ =	sdelay $0x8  }
0xcc: {  	v2 =	vpop (erf)  }
0xcd: {  	[tilespmem:s22+$0x40] =	vst v2  }
0xce: {  	[tilespmem:v3+s14+$0x0] =	vst.idx.add.f32.msk $0xffff, v2  }
0xcf: {  	v2 =	vld [tilespmem:s24+$0x50]  }
0xd0: {  	v3 =	vld [tilespmem:s23+$0x50];
	_ =	sdelay $0x6  }
0xd1: {  	v2 =	vld.idx.msk [tilespmem:v2+s11+$0x0], $0xffff  }
0xd2: {  	v61 =	vld.idx.msk [tilespmem:v3+s13+$0x0], $0xffff;
	_ =	sdelay $0x4  }
0xd3: {  	v2 =	vadd.f32 v61, v2;
	_ =	sdelay $0x1  }
0xd4: {  	v4 =	vmul.f32 $2.000000030e-01, v2  }
0xd5: {  	vm13 =	vgt.f32 v2, $0.0e+00  }
0xd6: {  	v2 =	vsel vm13, v2, v4  }
0xd7: {  	v2 =	vmul.f32 $1.442695020e+00, v2;
	_ =	sdelay $0x1  }
0xd8: {  	(erf) = vpow2.f32 v2;
	_ =	sdelay $0x8  }
0xd9: {  	v2 =	vpop (erf)  }
0xda: {  	[tilespmem:s22+$0x50] =	vst v2  }
0xdb: {  	[tilespmem:v3+s14+$0x0] =	vst.idx.add.f32.msk $0xffff, v2  }
0xdc: {  	v2 =	vld [tilespmem:s24+$0x60]  }
0xdd: {  	v3 =	vld [tilespmem:s23+$0x60];
	_ =	sdelay $0x6  }
0xde: {  	v2 =	vld.idx.msk [tilespmem:v2+s11+$0x0], $0xffff  }
0xdf: {  	v62 =	vld.idx.msk [tilespmem:v3+s13+$0x0], $0xffff;
	_ =	sdelay $0x4  }
0xe0: {  	v2 =	vadd.f32 v62, v2;
	_ =	sdelay $0x1  }
0xe1: {  	v4 =	vmul.f32 $2.000000030e-01, v2  }
0xe2: {  	vm14 =	vgt.f32 v2, $0.0e+00  }
0xe3: {  	v2 =	vsel vm14, v2, v4  }
0xe4: {  	v2 =	vmul.f32 $1.442695020e+00, v2;
	_ =	sdelay $0x1  }
0xe5: {  	(erf) = vpow2.f32 v2;
	_ =	sdelay $0x8  }
0xe6: {  	v2 =	vpop (erf)  }
0xe7: {  	[tilespmem:s22+$0x60] =	vst v2  }
0xe8: {  	[tilespmem:v3+s14+$0x0] =	vst.idx.add.f32.msk $0xffff, v2  }
0xe9: {  	v2 =	vld [tilespmem:s24+$0x70]  }
0xea: {  	v3 =	vld [tilespmem:s23+$0x70];
	_ =	sdelay $0x6  }
0xeb: {  	v2 =	vld.idx.msk [tilespmem:v2+s11+$0x0], $0xffff  }
0xec: {  	v63 =	vld.idx.msk [tilespmem:v3+s13+$0x0], $0xffff;
	_ =	sdelay $0x4  }
0xed: {  	v2 =	vadd.f32 v63, v2;
	_ =	sdelay $0x1  }
0xee: {  	v4 =	vmul.f32 $2.000000030e-01, v2  }
0xef: {  	vm15 =	vgt.f32 v2, $0.0e+00  }
0xf0: {  	v2 =	vsel vm15, v2, v4  }
0xf1: {  	v2 =	vmul.f32 $1.442695020e+00, v2;
	_ =	sdelay $0x1  }
0xf2: {  	(erf) = vpow2.f32 v2;
	_ =	sdelay $0x4  }
0xf3: {  	s21 =	sadd.s32 $0x10, s21  }
0xf4: {  	p1 =	slt.u32 s21, $0x90  }
.Ltmp1:
0xf5: {  	_ = 	snop;
	(pc) =	sbr.rel @p1 .LBB2_5-.Ltmp1, $4  }
0xf6: {  	_ = 	snop  }
0xf7: {  	v2 =	vpop (erf)  }
0xf8: {  	[tilespmem:s22+$0x70] =	vst v2  }
0xf9: {  	s23 =	sadd.s32 $0x100, s23;
	s24 =	sadd.s32 $0x100, s24;
	s22 =	sadd.s32 $0x100, s22;
	[tilespmem:v3+s14+$0x0] =	vst.idx.add.f32.msk $0xffff, v2  }
0xfa: {  	v2 =	vld [tilespmem:$0xA00]  }
0xfb: {  	v3 =	vld [tilespmem:$0x1480];
	_ =	sdelay $0x6  }
0xfc: {  	v2 =	vld.idx.msk [tilespmem:v2+s11+$0x0], $0xffff  }
0xfd: {  	v4 =	vld.idx.msk [tilespmem:v3+s13+$0x0], $0xffff;
	_ =	sdelay $0x4  }
0xfe: {  	v2 =	vadd.f32 v4, v2;
	_ =	sdelay $0x1  }
0xff: {  	v4 =	vmul.f32 $2.000000030e-01, v2  }
0x100: {  	vm0 =	vgt.f32 v2, $0.0e+00  }
0x101: {  	v2 =	vsel vm0, v2, v4  }
0x102: {  	v2 =	vmul.f32 $1.442695020e+00, v2;
	_ =	sdelay $0x1  }
0x103: {  	(erf) = vpow2.f32 v2;
	_ =	sdelay $0x8  }
0x104: {  	v2 =	vpop (erf)  }
0x105: {  	[tilespmem:$0x1F00] =	vst v2  }
0x106: {  	[tilespmem:v3+s14+$0x0] =	vst.idx.add.f32.msk $0xffff, v2  }
0x107: {  	v2 =	vld [tilespmem:$0xA10]  }
0x108: {  	v3 =	vld [tilespmem:$0x1490];
	_ =	sdelay $0x6  }
0x109: {  	v2 =	vld.idx.msk [tilespmem:v2+s11+$0x0], $0xffff  }
0x10a: {  	v57 =	vld.idx.msk [tilespmem:v3+s13+$0x0], $0xffff;
	_ =	sdelay $0x4  }
0x10b: {  	v2 =	vadd.f32 v57, v2;
	_ =	sdelay $0x1  }
0x10c: {  	v4 =	vmul.f32 $2.000000030e-01, v2  }
0x10d: {  	vm9 =	vgt.f32 v2, $0.0e+00  }
0x10e: {  	v2 =	vsel vm9, v2, v4  }
0x10f: {  	v2 =	vmul.f32 $1.442695020e+00, v2;
	_ =	sdelay $0x1  }
0x110: {  	(erf) = vpow2.f32 v2;
	_ =	sdelay $0x8  }
0x111: {  	v2 =	vpop (erf)  }
0x112: {  	[tilespmem:$0x1F10] =	vst v2  }
0x113: {  	[tilespmem:v3+s14+$0x0] =	vst.idx.add.f32.msk $0xffff, v2  }
0x114: {  	v2 =	vld [tilespmem:$0xA20]  }
0x115: {  	v3 =	vld [tilespmem:$0x14A0];
	_ =	sdelay $0x6  }
0x116: {  	v2 =	vld.idx.msk [tilespmem:v2+s11+$0x0], $0xffff  }
0x117: {  	v58 =	vld.idx.msk [tilespmem:v3+s13+$0x0], $0xffff;
	_ =	sdelay $0x4  }
0x118: {  	v2 =	vadd.f32 v58, v2;
	_ =	sdelay $0x1  }
0x119: {  	v4 =	vmul.f32 $2.000000030e-01, v2  }
0x11a: {  	vm10 =	vgt.f32 v2, $0.0e+00  }
0x11b: {  	v2 =	vsel vm10, v2, v4  }
0x11c: {  	v2 =	vmul.f32 $1.442695020e+00, v2;
	_ =	sdelay $0x1  }
0x11d: {  	(erf) = vpow2.f32 v2;
	_ =	sdelay $0x8  }
0x11e: {  	v2 =	vpop (erf)  }
0x11f: {  	[tilespmem:$0x1F20] =	vst v2  }
0x120: {  	[tilespmem:v3+s14+$0x0] =	vst.idx.add.f32.msk $0xffff, v2  }
0x121: {  	v2 =	vld [tilespmem:$0xA30]  }
0x122: {  	v3 =	vld [tilespmem:$0x14B0];
	_ =	sdelay $0x6  }
0x123: {  	v2 =	vld.idx.msk [tilespmem:v2+s11+$0x0], $0xffff  }
0x124: {  	v59 =	vld.idx.msk [tilespmem:v3+s13+$0x0], $0xffff;
	_ =	sdelay $0x4  }
0x125: {  	v2 =	vadd.f32 v59, v2;
	_ =	sdelay $0x1  }
0x126: {  	v4 =	vmul.f32 $2.000000030e-01, v2  }
0x127: {  	vm11 =	vgt.f32 v2, $0.0e+00  }
0x128: {  	v2 =	vsel vm11, v2, v4  }
0x129: {  	v2 =	vmul.f32 $1.442695020e+00, v2;
	_ =	sdelay $0x1  }
0x12a: {  	(erf) = vpow2.f32 v2;
	_ =	sdelay $0x8  }
0x12b: {  	v2 =	vpop (erf)  }
0x12c: {  	[tilespmem:$0x1F30] =	vst v2  }
0x12d: {  	[tilespmem:v3+s14+$0x0] =	vst.idx.add.f32.msk $0xffff, v2  }
0x12e: {  	v2 =	vld [tilespmem:$0xA40]  }
0x12f: {  	v3 =	vld [tilespmem:$0x14C0];
	_ =	sdelay $0x6  }
0x130: {  	v2 =	vld.idx.msk [tilespmem:v2+s11+$0x0], $0xffff  }
0x131: {  	v60 =	vld.idx.msk [tilespmem:v3+s13+$0x0], $0xffff;
	_ =	sdelay $0x4  }
0x132: {  	v2 =	vadd.f32 v60, v2;
	_ =	sdelay $0x1  }
0x133: {  	v4 =	vmul.f32 $2.000000030e-01, v2  }
0x134: {  	vm12 =	vgt.f32 v2, $0.0e+00  }
0x135: {  	v2 =	vsel vm12, v2, v4  }
0x136: {  	v2 =	vmul.f32 $1.442695020e+00, v2;
	_ =	sdelay $0x1  }
0x137: {  	(erf) = vpow2.f32 v2;
	_ =	sdelay $0x8  }
0x138: {  	v2 =	vpop (erf)  }
0x139: {  	[tilespmem:$0x1F40] =	vst v2  }
0x13a: {  	[tilespmem:v3+s14+$0x0] =	vst.idx.add.f32.msk $0xffff, v2  }
0x13b: {  	v2 =	vld [tilespmem:$0xA50]  }
0x13c: {  	v3 =	vld [tilespmem:$0x14D0];
	_ =	sdelay $0x6  }
0x13d: {  	v2 =	vld.idx.msk [tilespmem:v2+s11+$0x0], $0xffff  }
0x13e: {  	v61 =	vld.idx.msk [tilespmem:v3+s13+$0x0], $0xffff;
	_ =	sdelay $0x4  }
0x13f: {  	v2 =	vadd.f32 v61, v2;
	_ =	sdelay $0x1  }
0x140: {  	v4 =	vmul.f32 $2.000000030e-01, v2  }
0x141: {  	vm13 =	vgt.f32 v2, $0.0e+00  }
0x142: {  	v2 =	vsel vm13, v2, v4  }
0x143: {  	v2 =	vmul.f32 $1.442695020e+00, v2;
	_ =	sdelay $0x1  }
0x144: {  	(erf) = vpow2.f32 v2;
	_ =	sdelay $0x8  }
0x145: {  	v2 =	vpop (erf)  }
0x146: {  	[tilespmem:$0x1F50] =	vst v2  }
0x147: {  	[tilespmem:v3+s14+$0x0] =	vst.idx.add.f32.msk $0xffff, v2  }
0x148: {  	v2 =	vld [tilespmem:$0xA60]  }
0x149: {  	v3 =	vld [tilespmem:$0x14E0];
	_ =	sdelay $0x6  }
0x14a: {  	v2 =	vld.idx.msk [tilespmem:v2+s11+$0x0], $0xffff  }
0x14b: {  	v62 =	vld.idx.msk [tilespmem:v3+s13+$0x0], $0xffff;
	_ =	sdelay $0x4  }
0x14c: {  	v2 =	vadd.f32 v62, v2;
	_ =	sdelay $0x1  }
0x14d: {  	v4 =	vmul.f32 $2.000000030e-01, v2  }
0x14e: {  	vm14 =	vgt.f32 v2, $0.0e+00  }
0x14f: {  	v2 =	vsel vm14, v2, v4  }
0x150: {  	v2 =	vmul.f32 $1.442695020e+00, v2;
	_ =	sdelay $0x1  }
0x151: {  	(erf) = vpow2.f32 v2;
	_ =	sdelay $0x8  }
0x152: {  	v2 =	vpop (erf)  }
0x153: {  	[tilespmem:$0x1F60] =	vst v2  }
0x154: {  	[tilespmem:v3+s14+$0x0] =	vst.idx.add.f32.msk $0xffff, v2  }
0x155: {  	v2 =	vld [tilespmem:$0xA70]  }
0x156: {  	v3 =	vld [tilespmem:$0x14F0];
	_ =	sdelay $0x6  }
0x157: {  	v2 =	vld.idx.msk [tilespmem:v2+s11+$0x0], $0xffff  }
0x158: {  	v63 =	vld.idx.msk [tilespmem:v3+s13+$0x0], $0xffff;
	_ =	sdelay $0x4  }
0x159: {  	v2 =	vadd.f32 v63, v2;
	_ =	sdelay $0x1  }
0x15a: {  	v4 =	vmul.f32 $2.000000030e-01, v2  }
0x15b: {  	vm15 =	vgt.f32 v2, $0.0e+00  }
0x15c: {  	v2 =	vsel vm15, v2, v4  }
0x15d: {  	v2 =	vmul.f32 $1.442695020e+00, v2;
	_ =	sdelay $0x1  }
0x15e: {  	(erf) = vpow2.f32 v2;
	_ =	sdelay $0x8  }
0x15f: {  	v2 =	vpop (erf)  }
0x160: {  	[tilespmem:$0x1F70] =	vst v2  }
.Ltmp2:
0x161: {  	s20 =	sadd.s32 s7, s20;
	[tilespmem:v3+s14+$0x0] =	vst.idx.add.f32.msk $0xffff, v2;
	(pc) =	sbr.rel @p0 .LBB2_4-.Ltmp2, $4  }
0x162: {  	[hbm4b:s20+s3] =	stream.linear.scatter [tilespmem:s16], [sflag:$0x1], $0xA80, $0x38;
	[tilespmem:$0x9780] =	vst v63  }
0x163: {  	_ =	swait.ge [sflag:s12], $0xA80  }
0x164: {  	[sflag:s12] =	ssyncset.done $0x0  }
0x165: {  	p1 =	por $0x0, $0x0;
	s20 =	simm.s32 $0xA80;
	[sflag:s12] =	ssyncadd.s32 $0xFFFFF580  }
0x166: {  	s19 =	sadd.s32 $0x1, s19  }
0x167: {  	p0 =	sne.s32 s19, s10  }
.Ltmp3:
0x168: {  	_ = 	snop;
	(pc) =	sbr.rel @p0 .LBB2_1-.Ltmp3, $4  }
0x169: {  	[hbm4b:s9+s17] =	stream.strided.scatter [tilespmem:s14], [sflag:$0x1], $0x2800, s18, s17, $0x38;
	[tilespmem:$0x9780] =	vst v63  }
0x16a: {  	_ =	swait.ge [sflag:s12], $0x2800  }
0x16b: {  	[sflag:s12] =	ssyncset.done $0x0  }
0x16c: {  	[sflag:s12] =	ssyncadd.s32 $0xFFFFD800  }
0x16d: {  	_ =	sfence.sel $0x180000  }
0x16e: {  	[bflag:$0x0] =	sbarrier.arrive $0xFFFF  }
0x16f: {  	p0 =	sne.s32 s0, $0x0;
	_ =	strace $0x9000004D  }
0x170: {  	s0 =	sadd.s32 @!p0 $0x100000, s1;
	[bflag:$0x2] =	sbarrier.arrive $0xFFFF  }
0x171: {  	[sflag:s0] =	ssyncadd.tile.s32 @!p0 $0x1;
	_ =	shalt  }
.Lfunc_end2:
_tile_overlayer_lowered:
.L_overlay_start_2:
0x172: {  	(tag) =	ssettag $0x2  }
0x173: {  	s0 =	rddreg [dreg:$0x0];
	s2 =	stileid.u32  }
0x174: {  	s1 =	rddreg [dreg:$0x1];
	p0 =	sne.s32 s2, $0x0  }
0x175: {  	s3 =	rddreg [dreg:$0x2];
	[bflag:$0x3] =	sbarrier.arrive $0xFFFF;
	s2 =	simm.s32 @!p0 $0x1C01  }
0x176: {  	[timem:s3], [sflag:s2] =	dma.local @!p0 [hbm:s0], s1  }
0x177: {  	s0 =	simm.s32 @!p0 $0x1  }
0x178: {  	_ =	swait.ge @!p0 [sflag:s0], s1  }
0x179: {  	s1 =	ssub.s32 @!p0 $0x0, s1;
	[sflag:s0] =	ssyncset.done @!p0 $0x0  }
0x17a: {  	[sflag:s0] =	ssyncadd.s32 @!p0 s1  }
0x17b: {  	[bflag:$0x3] =	sbarrier.arrive $0xFFFF  }
0x17c: {  	_ =	shalt  }

// kernel: kernel.18.cloned.1.call-start
scs
__scs_entry_jumppad:
0x0: {  	(pc) =	sbr.rel $0x88, $3  }
0x1: {  	(tag) =	ssettag $0x0;
	lr =	simm.s32 $0x1  }
0x2: {  	[smem:$0x3F97] =	sst lr;
	_ =	strace $0xD0000000  }
0x3: {  	_ = 	snop  }
0x4: {  	_ = 	snop  }
0x5: {  	_ = 	snop  }
0x6: {  	_ = 	snop  }
0x7: {  	_ = 	snop  }
__scs_overlays_trampoline_lowered:
0x8: {  	[smem:$0x3FA6] =	sst s0  }
0x9: {  	[smem:$0x3FA7] =	sst s1  }
0xa: {  	[smem:$0x3FA8] =	sst s2  }
0xb: {  	[smem:$0x3FA9] =	sst s3  }
0xc: {  	[smem:$0x3FAA] =	sst s4  }
0xd: {  	[smem:$0x3FAB] =	sst s5  }
0xe: {  	[smem:$0x3FAC] =	sst s6  }
0xf: {  	[smem:$0x3FAD] =	sst s7  }
0x10: {  	[smem:$0x3FAE] =	sst s8  }
0x11: {  	[smem:$0x3FAF] =	sst s9;
	s0 =	simm.s32 @!p0 $0x0  }
0x12: {  	s1 =	sld [smem:$0x3F95];
	s0 =	simm.s32 @p0 $0x1  }
0x13: {  	[smem:$0x3FB0] =	sst s0;
	s0 =	simm.s32 @!p1 $0x0  }
0x14: {  	s2 =	sld [smem:$0x3F94];
	s0 =	simm.s32 @p1 $0x1  }
0x15: {  	[smem:$0x3FB1] =	sst s0;
	s0 =	simm.s32 @!p2 $0x0  }
0x16: {  	s3 =	sld [smem:$0x3FDB];
	s0 =	simm.s32 @p2 $0x1  }
0x17: {  	s4 =	simm.s32 $0x1BF5;
	[smem:$0x3FB3] =	sst s0  }
0x18: {  	s0 =	sld [smem:$0x3F96];
	_ =	swait.ge [sflag:s4], $0x0  }
0x19: {  	s7 =	sld [smem:$0x3F97]  }
0x1a: {  	s8 =	sadd.s32 $0xFFFFE003, lr  }
0x1b: {  	s9 =	sadd.s32 $0xFFFFFEF7, lr;
	s5 =	simm.s32 $0xFFFFFFFF;
	p2 =	slt.u32 s8, $0xFFFFF086  }
0x1c: {  	p1 =	slt.u32 s9, $0xF7A;
	s5 =	simm.s32 @!p2 $0x0  }
0x1d: {  	s5 =	simm.s32 @p1 $0x1;
	p0 =	seq.s32 s7, s2  }
0x1e: {  	s7 =	smul.u32 @!p0 $0xF7A, s2;
	p2 =	seq.s32 @!p0 s5, $0x0  }
0x1f: {  	s9 =	smul.u32 $0xF7A, s1;
	s8 =	simm.s32 @!p0 $0x1BF5;
	p2 =	por !p2, p0  }
0x20: {  	[sflag:s8] =	ssyncset.s32 @!p0 $0xFFFFF086;
	s6 =	sadd.s32 @!p0 s3, s7;
	s7 =	simm.s32 @!p0 $0x108  }
0x21: {  	s3 =	sadd.s32 s3, s9;
	s6 =	sadd.s32 @!p0 $0x88, s6;
	s7 =	simm.s32 @p2 $0x1082  }
0x22: {  	[simem:s7], [sflag:s8] =	dma.local @!p0 [hbm:s6], $0xF7A  }
0x23: {  	s9 =	sor.u32 $0xD0000000, s2;
	s6 =	simm.s32 $0x108;
	_ =	swait.ge @!p0 [sflag:s8], $0x0  }
0x24: {  	s3 =	sadd.s32 $0x88, s3;
	s6 =	simm.s32 @!p1 $0x1082;
	[sflag:s4] =	ssyncset.s32 $0xFFFFF086  }
0x25: {  	[simem:s6], [sflag:s4] =	dma.local [hbm:s3], $0xF7A  }
0x26: {  	[smem:$0x3F97] =	sst s1;
	(tag) =	ssettag s2;
	_ =	strace s9  }
0x27: {  	s1 =	sld [smem:$0x3FA7]  }
0x28: {  	s2 =	sld [smem:$0x3FA8]  }
0x29: {  	s4 =	sld [smem:$0x3FAA]  }
0x2a: {  	p0 =	seq.s32 s5, $0x0;
	s5 =	sld [smem:$0x3FAB]  }
0x2b: {  	s6 =	sld [smem:$0x3FAC]  }
0x2c: {  	s7 =	sld [smem:$0x3FAD]  }
0x2d: {  	s3 =	simm.s32 $0x108;
	s8 =	sld [smem:$0x3FAE]  }
0x2e: {  	s3 =	simm.s32 @!p0 $0x1082;
	s9 =	sld [smem:$0x3FAF]  }
0x2f: {  	lr =	sadd.s32 s0, s3;
	s0 =	sld [smem:$0x3FA6]  }
0x30: {  	s3 =	sld [smem:$0x3FA9]  }
0x31: {  	[smem:$0x3FB2] =	sst s10  }
0x32: {  	s10 =	sld [smem:$0x3FB0];
	_ =	sdelay $0x3  }
0x33: {  	p0 =	seq.s32 s10, $0x1;
	s10 =	sld [smem:$0x3FB2];
	_ =	sdelay $0x3  }
0x34: {  	[smem:$0x3FB2] =	sst s10  }
0x35: {  	s10 =	sld [smem:$0x3FB1];
	_ =	sdelay $0x3  }
0x36: {  	p1 =	seq.s32 s10, $0x1;
	s10 =	sld [smem:$0x3FB2];
	_ =	sdelay $0x3  }
0x37: {  	[smem:$0x3FB2] =	sst s10  }
0x38: {  	s10 =	sld [smem:$0x3FB3]  }
0x39: {  	_ = 	snop;
	(pc) =	sbr.ind lr, $3  }
0x3a: {  	_ = 	snop  }
0x3b: {  	_ = 	snop  }
0x3c: {  	p2 =	seq.s32 s10, $0x1;
	s10 =	sld [smem:$0x3FB2]  }
0x3d: {  	_ =	shalt  }
0x3e: {  	_ =	shalt  }
0x3f: {  	_ =	shalt  }
0x40: {  	_ =	shalt  }
0x41: {  	_ =	shalt  }
0x42: {  	_ =	shalt  }
0x43: {  	_ =	shalt  }
0x44: {  	_ =	shalt  }
0x45: {  	_ =	shalt  }
0x46: {  	_ =	shalt  }
0x47: {  	_ =	shalt  }
0x48: {  	_ =	shalt  }
0x49: {  	_ =	shalt  }
0x4a: {  	_ =	shalt  }
0x4b: {  	_ =	shalt  }
0x4c: {  	_ =	shalt  }
0x4d: {  	_ =	shalt  }
0x4e: {  	_ =	shalt  }
0x4f: {  	_ =	shalt  }
0x50: {  	_ =	shalt  }
0x51: {  	_ =	shalt  }
0x52: {  	_ =	shalt  }
0x53: {  	_ =	shalt  }
0x54: {  	_ =	shalt  }
0x55: {  	_ =	shalt  }
0x56: {  	_ =	shalt  }
0x57: {  	_ =	shalt  }
0x58: {  	_ =	shalt  }
0x59: {  	_ =	shalt  }
0x5a: {  	_ =	shalt  }
0x5b: {  	_ =	shalt  }
0x5c: {  	_ =	shalt  }
0x5d: {  	_ =	shalt  }
0x5e: {  	_ =	shalt  }
0x5f: {  	_ =	shalt  }
0x60: {  	_ =	shalt  }
0x61: {  	_ =	shalt  }
0x62: {  	_ =	shalt  }
0x63: {  	_ =	shalt  }
0x64: {  	_ =	shalt  }
0x65: {  	_ =	shalt  }
0x66: {  	_ =	shalt  }
0x67: {  	_ =	shalt  }
0x68: {  	_ =	shalt  }
0x69: {  	_ =	shalt  }
0x6a: {  	_ =	shalt  }
0x6b: {  	_ =	shalt  }
0x6c: {  	_ =	shalt  }
0x6d: {  	_ =	shalt  }
0x6e: {  	_ =	shalt  }
0x6f: {  	_ =	shalt  }
0x70: {  	_ =	shalt  }
0x71: {  	_ =	shalt  }
0x72: {  	_ =	shalt  }
0x73: {  	_ =	shalt  }
0x74: {  	_ =	shalt  }
0x75: {  	_ =	shalt  }
0x76: {  	_ =	shalt  }
0x77: {  	_ =	shalt  }
0x78: {  	_ =	shalt  }
0x79: {  	_ =	shalt  }
0x7a: {  	_ =	shalt  }
0x7b: {  	_ =	shalt  }
0x7c: {  	_ =	shalt  }
0x7d: {  	_ =	shalt  }
0x7e: {  	_ =	shalt  }
0x7f: {  	_ =	shalt  }
0x80: {  	_ =	shalt  }
0x81: {  	_ =	shalt  }
0x82: {  	_ =	shalt  }
0x83: {  	_ =	shalt  }
0x84: {  	_ =	shalt  }
0x85: {  	_ =	shalt  }
0x86: {  	_ =	shalt  }
0x87: {  	_ =	shalt  }
.Lfunc_end0:
.L_simem_size_0:
called_computation.3_lowered:
.L_overlay_start_0:
0x88: {  	s2 =	sld [smem:$0x3FD9]  }
0x89: {  	s3 =	sld [smem:$0x3FFE];
	_ =	sdelay $0x1  }
0x8a: {  	s1 =	srdreg.scid  }
0x8b: {  	s0 =	sand.u32 $0x1, s1  }
0x8c: {  	s16 =	sshll.u32 s0, $0xA;
	s2 =	sadd.s32 s3, s2  }
0x8d: {  	s2 =	sadd.s32 s2, s16  }
0x8e: {  	[smem:$0x3FBE] =	sst s2  }
0x8f: {  	_ = 	snop  }
0x90: {  	(tm) =	ssettm $0x1  }
0x91: {  	s17 =	sld [smem:$0x3FFB];
	_ =	sdelay $0x3  }
0x92: {  	_ =	strace s17  }
0x93: {  	s2 =	sld [smem:$0x3FFC];
	_ =	sdelay $0x3  }
0x94: {  	_ =	strace s2  }
0x95: {  	s2 =	sld [smem:$0x3FFD];
	_ =	sdelay $0x3  }
0x96: {  	_ =	strace s2  }
0x97: {  	_ =	strace $0x8FFFFFFF  }
0x98: {  	s18 =	sld [smem:$0x3FDB];
	_ =	sdelay $0x1  }
0x99: {  	s19 =	simm.s32 $_scs_section_size  }
0x9a: {  	s4 =	simm.s32 $_size__tile_overlayer_lowered;
	s5 =	simm.s32 $_tile_overlayer_lowered  }
0x9b: {  	s22 =	simm.s32 $0x1BFF;
	s21 =	sshll.u32 s5, $0x1;
	s2 =	sadd.s32 s19, s18  }
0x9c: {  	s6 =	simm.s32 $0x0;
	s20 =	sshll.u32 s4, $0x1;
	s4 =	sadd.s32 s21, s2  }
0x9d: {  	[timem:s6], [sflag:s22] =	dma.local [hbm:s4], s20  }
0x9e: {  	_ =	swait.ge [sflag:s22], s20  }
0x9f: {  	s3 =	ssub.s32 $0x0, s20;
	[sflag:s22] =	ssyncset.done $0x0  }
0xa0: {  	[sflag:s22] =	ssyncadd.s32 s3;
	_ =	sdelay $0x1  }
0xa1: {  	s23 =	simm.s32 $0x1B8B  }
0xa2: {  	_ =	swait.ge [sflag:s23], $0x1  }
0xa3: {  	[sflag:s23] =	ssyncset.done $0x0  }
0xa4: {  	s25 =	simm.s32 $0x1B8E;
	s24 =	sld [smem:$0x3FFE];
	[sflag:s23] =	ssyncadd.s32 $0xFFFFFFFF  }
0xa5: {  	s26 =	simm.s32 $execute0_lowered;
	[smem:$0x3FD2] =	sst s25  }
0xa6: {  	s4 =	sshll.u32 s26, $0x1;
	_ =	strace $0x8000004F;
	[dreg:$0x1] =	wrdreg $0xFFFFFFFF  }
0xa7: {  	s28 =	simm.s32 $_size_execute0_lowered;
	s2 =	sadd.s32 s2, s4;
	[dreg:$0x0] =	wrdreg $0x0  }
0xa8: {  	s4 =	sshll.u32 s28, $0x1;
	[dreg:$0x2] =	wrdreg s2  }
0xa9: {  	[dreg:$0x3] =	wrdreg s4  }
0xaa: {  	[dreg:$0x4] =	wrdreg $0xC0  }
0xab: {  	_ =	task [dreg:s6], $0x5FFFF  }
0xac: {  	[dreg:$0x1] =	wrdreg $0xFFFFFFFF  }
0xad: {  	[dreg:$0x0] =	wrdreg $0x60  }
0xae: {  	[dreg:$0x2] =	wrdreg s24  }
0xaf: {  	[dreg:$0x3] =	wrdreg $0x9  }
0xb0: {  	_ =	task.clear_ibuf [dreg:s6], $0x4FFFF;
	_ =	strace $0x9000004F  }
0xb1: {  	s29 =	simm.s32 $0x9;
	_ =	strace $0x80000051  }
0xb2: {  	_ =	swait.ge [sflag:s29], $0x1  }
0xb3: {  	[sflag:s29] =	ssyncadd.s32 $0xFFFFFFFF  }
0xb4: {  	_ =	strace $0x90000051  }
0xb5: {  	_ =	sfence  }
0xb6: {  	s30 =	sld [smem:$0x0];
	_ =	sdelay $0x2  }
0xb7: {  	s31 =	sshll.u32 s1, $0xD;
	s1 =	sshrl.u32 s1, $0x2  }
0xb8: {  	s3 =	sand.u32 $0x4000, s31;
	s1 =	sadd.s32 s1, s30  }
0xb9: {  	s0 =	sor.u32 s3, s0;
	s1 =	sshll.u32 s1, $0x11  }
0xba: {  	s0 =	sor.u32 s1, s0  }
0xbb: {  	s0 =	sadd.s32 $0x8F2B, s0  }
0xbc: {  	[sflag:s0] =	ssyncadd.remote.s32 $0x1  }
0xbd: {  	_ =	sfence.sel $0xFFFF  }
0xbe: {  	[dreg:$0x0] =	wrdreg $0xFFFFFFFF;
	(pc) =	sbr.abs _section_cstart, $3  }
0xbf: {  	[dreg:$0x1] =	wrdreg $0xFFFFFFFF  }
0xc0: {  	_ =	task.clear_ibuf [dreg:s6], $0x2FFFF;
	_ =	strace $0x9FFFFFFF  }
0xc1: {  	(tm) =	ssettm $0x7FFFFFFF  }
tec
execute0_lowered:
.L_overlay_start_1:
0x0: {  	(tag) =	ssettag $0x1  }
0x1: {  	s0 =	srdreg.scid;
	s7 =	rddreg [dreg:$0x0]  }
0x2: {  	s2 =	simm.s32 $0x0;
	s4 =	simm.s32 $0x1;
	s5 =	sand.u32 $0x1, s0  }
0x3: {  	s13 =	simm.s32 $0xBF80;
	s0 =	stileid.u32;
	s1 =	sshll.u32 s5, $0x4  }
0x4: {  	s14 =	simm.s32 $0xA80;
	s30 =	sand.u32 $0x1, s0;
	s3 =	sor.u32 s0, s1  }
0x5: {  	s15 =	simm.s32 $0x1500;
	p0 =	seq.s32 s30, $0x1;
	p1 =	seq.s32 s3, $0x0  }
0x6: {  	[smem:$0x7FF] =	sst s2;
	s6 =	sshll.u32 s0, $0x6;
	p0 =	por !p1, !p0  }
0x7: {  	s10 =	ssub.s32 $0x2, s5;
	s5 =	sadd.s32 $0x10600, s7;
	p0 =	por !p0, !p0  }
0x8: {  	s1 =	rddreg [dreg:$0x1];
	s3 =	sshrl.u32 s3, $0x1;
	s4 =	simm.s32 @!p0 $0x0  }
0x9: {  	_ =	strace $0x80000050;
	s16 =	sand.u32 $0x40, s6;
	s8 =	ssub.s32 s3, s4  }
0xa: {  	s12 =	sshrl.u32 s10, $0x1;
	s6 =	simm.s32 $0x1;
	s31 =	smul.u32 $0x14000, s8  }
0xb: {  	s9 =	sadd.s32 s16, s7;
	s10 =	ssub.s32 s10, s12;
	s12 =	simm.s32 $0x1F80  }
0xc: {  	s3 =	sadd.s32 $0x3000, s7;
	s4 =	sadd.s32 $0x8400, s7;
	s11 =	sshrl.u32 s31, $0x3  }
0xd: {  	s8 =	smul.u32 $0x2A00, s8;
	s11 =	sadd.s32 s11, s7;
	s7 =	sadd.s32 $0xDE00, s9  }
0xe: {  	s9 =	smax.u32 s10, $0x1;
	s10 =	simm.s32 $0x200;
	s17 =	sadd.s32 $0x1FA00, s11  }
0xf: {  	v0 =	vlaneseq.u32;
	v1 =	vimm.f32 $0.0e+00;
	s11 =	simm.s32 $0x400;
	s16 =	sadd.s32 s16, s17;
	s17 =	simm.s32 $0x0  }
.LBB2_1:
0x10: {  	v2 =	vmov s2  }
0x11: {  	v3 =	vor.u32 s2, v0;
	v2 =	vshll.u32 v2, $0x2  }
0x12: {  	s18 =	simm.s32 $0x10;
	v3 =	vand.u32 $0x7F, v3;
	v2 =	vand.u32 $0xFE00, v2  }
0x13: {  	v2 =	vor.u32 v3, v2;
	v3 =	vmov s18  }
0x14: {  	[tilespmem:s12], [sflag:$0x1] =	stream.strided.gather [hbm4b:s7+s10], $0xA000, s11, s10, $0x38;
	v5 =	vor.u32 $0x80, v2;
	v3 =	vshll.u32 v3, $0x2;
	[tilespmem:$0x15F80] =	vst v63  }
0x15: {  	_ =	swait.ge [sflag:s6], $0xA000;
	v4 =	vor.u32 s18, v0;
	v7 =	vand.u32 $0xFE00, v3;
	v3 =	vor.u32 $0x100, v2  }
0x16: {  	[sflag:s6] =	ssyncset.done $0x0;
	v6 =	vand.u32 $0x7F, v4;
	v4 =	vor.u32 $0x180, v2  }
0x17: {  	[sflag:s6] =	ssyncadd.s32 $0xFFFF6000  }
0x18: {  	[tilespmem:v2+s13+$0x0] =	vst.idx.msk $0xffff, v1  }
0x19: {  	s18 =	simm.s32 $0x20;
	v2 =	vor.u32 v6, v7;
	[tilespmem:v5+s13+$0x0] =	vst.idx.msk $0xffff, v1  }
.LBB2_2:
0x1a: {  	v5 =	vmov s18;
	v6 =	vor.u32 $0x80, v2;
	[tilespmem:v3+s13+$0x0] =	vst.idx.msk $0xffff, v1;
	p0 =	sne.s32 s18, $0x27F0  }
.Ltmp0:
0x1b: {  	v7 =	vor.u32 s18, v0;
	v3 =	vor.u32 $0x100, v2;
	v5 =	vshll.u32 v5, $0x2;
	[tilespmem:v4+s13+$0x0] =	vst.idx.msk $0xffff, v1;
	(pc) =	sbr.rel @p0 .LBB2_2-.Ltmp0, $4  }
0x1c: {  	v7 =	vand.u32 $0x7F, v7;
	v4 =	vor.u32 $0x180, v2;
	v5 =	vand.u32 $0xFE00, v5;
	[tilespmem:v2+s13+$0x0] =	vst.idx.msk $0xffff, v1  }
0x1d: {  	v2 =	vor.u32 v7, v5  }
0x1e: {  	s18 =	sadd.s32 $0x10, s18  }
0x1f: {  	[tilespmem:v6+s13+$0x0] =	vst.idx.msk $0xffff, v1  }
0x20: {  	_ =	sdelay $0x1  }
0x21: {  	v5 =	vor.u32 $0x80, v2  }
0x22: {  	v6 =	vor.u32 $0x100, v2  }
0x23: {  	[tilespmem:v3+s13+$0x0] =	vst.idx.msk $0xffff, v1;
	v3 =	vor.u32 $0x180, v2  }
0x24: {  	[tilespmem:v4+s13+$0x0] =	vst.idx.msk $0xffff, v1  }
0x25: {  	[tilespmem:v2+s13+$0x0] =	vst.idx.msk $0xffff, v1  }
0x26: {  	[tilespmem:v5+s13+$0x0] =	vst.idx.msk $0xffff, v1  }
0x27: {  	[tilespmem:v6+s13+$0x0] =	vst.idx.msk $0xffff, v1  }
0x28: {  	s18 =	simm.s32 $0x0;
	[tilespmem:v3+s13+$0x0] =	vst.idx.msk $0xffff, v1  }
.LBB2_4:
0x29: {  	s19 =	smul.u32 $0xA80, s18;
	_ =	sdelay $0x1  }
0x2a: {  	s19 =	sadd.s32 s8, s19  }
0x2b: {  	s19 =	sshrl.u32 s19, $0x3  }
0x2c: {  	s20 =	sadd.s32 s3, s19  }
0x2d: {  	[tilespmem:s2], [sflag:$0x1] =	stream.linear.gather [hbm4b:s20+s2], $0xA80, $0x38;
	[tilespmem:$0x15F80] =	vst v63  }
0x2e: {  	_ =	swait.ge [sflag:s6], $0xA80  }
0x2f: {  	[sflag:s6] =	ssyncset.done $0x0  }
0x30: {  	s31 =	sadd.s32 s4, s19;
	[sflag:s6] =	ssyncadd.s32 $0xFFFFF580  }
0x31: {  	[tilespmem:s14], [sflag:$0x1] =	stream.linear.gather [hbm4b:s31+s2], $0xA80, $0x38;
	[tilespmem:$0x15F80] =	vst v63  }
0x32: {  	_ =	swait.ge [sflag:s6], $0xA80  }
0x33: {  	[sflag:s6] =	ssyncset.done $0x0  }
0x34: {  	s19 =	sadd.s32 s5, s19;
	[sflag:s6] =	ssyncadd.s32 $0xFFFFF580  }
0x35: {  	[tilespmem:s15], [sflag:$0x1] =	stream.linear.gather [hbm4b:s19+s2], $0xA80, $0x38;
	[tilespmem:$0x15F80] =	vst v63  }
0x36: {  	_ =	swait.ge [sflag:s6], $0xA80  }
0x37: {  	s21 =	simm.s32 $0xAC0;
	s22 =	simm.s32 $0x1540;
	[sflag:s6] =	ssyncset.done $0x0  }
0x38: {  	s20 =	simm.s32 $0x40;
	s19 =	simm.s32 $0xFFFFFFF8;
	[sflag:s6] =	ssyncadd.s32 $0xFFFFF580  }
.LBB2_5:
0x39: {  	v2 =	vld [tilespmem:s20+$0xFFFFFFC0];
	_ =	sdelay $0x4  }
0x3a: {  	v3 =	vshll.u32 v2, $0x2  }
0x3b: {  	v2 =	vand.u32 $0x7F, v2;
	v3 =	vand.u32 $0xFFFFFE00, v3  }
0x3c: {  	v4 =	vld [tilespmem:s21+$0xFFFFFFC0];
	v2 =	vor.u32 v2, v3;
	_ =	sdelay $0x3  }
0x3d: {  	v3 =	vld [tilespmem:s22+$0xFFFFFFC0]  }
0x3e: {  	v6 =	vshll.u32 v4, $0x2;
	v5 =	vld.idx.msk [tilespmem:v2+s12+$0x0], $0xffff  }
0x3f: {  	v4 =	vand.u32 $0x7F, v4;
	v6 =	vand.u32 $0xFFFFFE00, v6  }
0x40: {  	v4 =	vor.u32 v4, v6  }
0x41: {  	v26 =	vor.u32 $0x80, v2;
	_ =	sdelay $0x1  }
0x42: {  	v5 =	vmul.f32 v5, v3;
	_ =	sdelay $0x1  }
0x43: {  	[tilespmem:v4+s13+$0x0] =	vst.idx.add.f32.msk $0xffff, v5  }
0x44: {  	v5 =	vld.idx.msk [tilespmem:v26+s12+$0x0], $0xffff;
	_ =	sdelay $0x1  }
0x45: {  	v27 =	vor.u32 $0x80, v4  }
0x46: {  	v7 =	vor.u32 $0x100, v2;
	_ =	sdelay $0x1  }
0x47: {  	v5 =	vmul.f32 v5, v3;
	_ =	sdelay $0x1  }
0x48: {  	[tilespmem:v27+s13+$0x0] =	vst.idx.add.f32.msk $0xffff, v5  }
0x49: {  	v5 =	vld.idx.msk [tilespmem:v7+s12+$0x0], $0xffff;
	_ =	sdelay $0x1  }
0x4a: {  	v28 =	vor.u32 $0x100, v4  }
0x4b: {  	v2 =	vor.u32 $0x180, v2;
	_ =	sdelay $0x1  }
0x4c: {  	v5 =	vmul.f32 v5, v3;
	_ =	sdelay $0x1  }
0x4d: {  	[tilespmem:v28+s13+$0x0] =	vst.idx.add.f32.msk $0xffff, v5  }
0x4e: {  	v2 =	vld.idx.msk [tilespmem:v2+s12+$0x0], $0xffff;
	_ =	sdelay $0x1  }
0x4f: {  	v4 =	vor.u32 $0x180, v4;
	_ =	sdelay $0x2  }
0x50: {  	v2 =	vmul.f32 v2, v3;
	_ =	sdelay $0x1  }
0x51: {  	[tilespmem:v4+s13+$0x0] =	vst.idx.add.f32.msk $0xffff, v2  }
0x52: {  	v2 =	vld [tilespmem:s20+$0xFFFFFFD0];
	_ =	sdelay $0x4  }
0x53: {  	v3 =	vshll.u32 v2, $0x2  }
0x54: {  	v2 =	vand.u32 $0x7F, v2;
	v3 =	vand.u32 $0xFFFFFE00, v3  }
0x55: {  	v4 =	vld [tilespmem:s21+$0xFFFFFFD0];
	v2 =	vor.u32 v2, v3;
	_ =	sdelay $0x3  }
0x56: {  	v3 =	vld [tilespmem:s22+$0xFFFFFFD0]  }
0x57: {  	v29 =	vshll.u32 v4, $0x2;
	v5 =	vld.idx.msk [tilespmem:v2+s12+$0x0], $0xffff  }
0x58: {  	v4 =	vand.u32 $0x7F, v4;
	v6 =	vand.u32 $0xFFFFFE00, v29  }
0x59: {  	v4 =	vor.u32 v4, v6  }
0x5a: {  	v30 =	vor.u32 $0x80, v2;
	_ =	sdelay $0x1  }
0x5b: {  	v5 =	vmul.f32 v5, v3;
	_ =	sdelay $0x1  }
0x5c: {  	[tilespmem:v4+s13+$0x0] =	vst.idx.add.f32.msk $0xffff, v5  }
0x5d: {  	v5 =	vld.idx.msk [tilespmem:v30+s12+$0x0], $0xffff;
	_ =	sdelay $0x1  }
0x5e: {  	v31 =	vor.u32 $0x80, v4  }
0x5f: {  	v32 =	vor.u32 $0x100, v2;
	_ =	sdelay $0x1  }
0x60: {  	v5 =	vmul.f32 v5, v3;
	_ =	sdelay $0x1  }
0x61: {  	[tilespmem:v31+s13+$0x0] =	vst.idx.add.f32.msk $0xffff, v5  }
0x62: {  	v5 =	vld.idx.msk [tilespmem:v32+s12+$0x0], $0xffff;
	_ =	sdelay $0x1  }
0x63: {  	v33 =	vor.u32 $0x100, v4  }
0x64: {  	v2 =	vor.u32 $0x180, v2;
	_ =	sdelay $0x1  }
0x65: {  	v5 =	vmul.f32 v5, v3;
	_ =	sdelay $0x1  }
0x66: {  	[tilespmem:v33+s13+$0x0] =	vst.idx.add.f32.msk $0xffff, v5  }
0x67: {  	v2 =	vld.idx.msk [tilespmem:v2+s12+$0x0], $0xffff;
	_ =	sdelay $0x1  }
0x68: {  	v4 =	vor.u32 $0x180, v4;
	_ =	sdelay $0x2  }
0x69: {  	v2 =	vmul.f32 v2, v3;
	_ =	sdelay $0x1  }
0x6a: {  	[tilespmem:v4+s13+$0x0] =	vst.idx.add.f32.msk $0xffff, v2  }
0x6b: {  	v2 =	vld [tilespmem:s20+$0xFFFFFFE0];
	_ =	sdelay $0x4  }
0x6c: {  	v3 =	vshll.u32 v2, $0x2  }
0x6d: {  	v2 =	vand.u32 $0x7F, v2;
	v3 =	vand.u32 $0xFFFFFE00, v3  }
0x6e: {  	v4 =	vld [tilespmem:s21+$0xFFFFFFE0];
	v2 =	vor.u32 v2, v3;
	_ =	sdelay $0x3  }
0x6f: {  	v3 =	vld [tilespmem:s22+$0xFFFFFFE0]  }
0x70: {  	v34 =	vshll.u32 v4, $0x2;
	v5 =	vld.idx.msk [tilespmem:v2+s12+$0x0], $0xffff  }
0x71: {  	v4 =	vand.u32 $0x7F, v4;
	v6 =	vand.u32 $0xFFFFFE00, v34  }
0x72: {  	v4 =	vor.u32 v4, v6  }
0x73: {  	v35 =	vor.u32 $0x80, v2;
	_ =	sdelay $0x1  }
0x74: {  	v5 =	vmul.f32 v5, v3;
	_ =	sdelay $0x1  }
0x75: {  	[tilespmem:v4+s13+$0x0] =	vst.idx.add.f32.msk $0xffff, v5  }
0x76: {  	v5 =	vld.idx.msk [tilespmem:v35+s12+$0x0], $0xffff;
	_ =	sdelay $0x1  }
0x77: {  	v36 =	vor.u32 $0x80, v4  }
0x78: {  	v37 =	vor.u32 $0x100, v2;
	_ =	sdelay $0x1  }
0x79: {  	v5 =	vmul.f32 v5, v3;
	_ =	sdelay $0x1  }
0x7a: {  	[tilespmem:v36+s13+$0x0] =	vst.idx.add.f32.msk $0xffff, v5  }
0x7b: {  	v5 =	vld.idx.msk [tilespmem:v37+s12+$0x0], $0xffff;
	_ =	sdelay $0x1  }
0x7c: {  	v38 =	vor.u32 $0x100, v4  }
0x7d: {  	v2 =	vor.u32 $0x180, v2;
	_ =	sdelay $0x1  }
0x7e: {  	v5 =	vmul.f32 v5, v3;
	_ =	sdelay $0x1  }
0x7f: {  	[tilespmem:v38+s13+$0x0] =	vst.idx.add.f32.msk $0xffff, v5  }
0x80: {  	v2 =	vld.idx.msk [tilespmem:v2+s12+$0x0], $0xffff;
	_ =	sdelay $0x1  }
0x81: {  	v4 =	vor.u32 $0x180, v4;
	_ =	sdelay $0x2  }
0x82: {  	v2 =	vmul.f32 v2, v3;
	_ =	sdelay $0x1  }
0x83: {  	[tilespmem:v4+s13+$0x0] =	vst.idx.add.f32.msk $0xffff, v2  }
0x84: {  	v2 =	vld [tilespmem:s20+$0xFFFFFFF0];
	_ =	sdelay $0x4  }
0x85: {  	v3 =	vshll.u32 v2, $0x2  }
0x86: {  	v2 =	vand.u32 $0x7F, v2;
	v3 =	vand.u32 $0xFFFFFE00, v3  }
0x87: {  	v4 =	vld [tilespmem:s21+$0xFFFFFFF0];
	v2 =	vor.u32 v2, v3;
	_ =	sdelay $0x3  }
0x88: {  	v3 =	vld [tilespmem:s22+$0xFFFFFFF0]  }
0x89: {  	v39 =	vshll.u32 v4, $0x2;
	v5 =	vld.idx.msk [tilespmem:v2+s12+$0x0], $0xffff  }
0x8a: {  	v4 =	vand.u32 $0x7F, v4;
	v6 =	vand.u32 $0xFFFFFE00, v39  }
0x8b: {  	v4 =	vor.u32 v4, v6  }
0x8c: {  	v40 =	vor.u32 $0x80, v2;
	_ =	sdelay $0x1  }
0x8d: {  	v5 =	vmul.f32 v5, v3;
	_ =	sdelay $0x1  }
0x8e: {  	[tilespmem:v4+s13+$0x0] =	vst.idx.add.f32.msk $0xffff, v5  }
0x8f: {  	v5 =	vld.idx.msk [tilespmem:v40+s12+$0x0], $0xffff;
	_ =	sdelay $0x1  }
0x90: {  	v41 =	vor.u32 $0x80, v4  }
0x91: {  	v42 =	vor.u32 $0x100, v2;
	_ =	sdelay $0x1  }
0x92: {  	v5 =	vmul.f32 v5, v3;
	_ =	sdelay $0x1  }
0x93: {  	[tilespmem:v41+s13+$0x0] =	vst.idx.add.f32.msk $0xffff, v5  }
0x94: {  	v5 =	vld.idx.msk [tilespmem:v42+s12+$0x0], $0xffff;
	_ =	sdelay $0x1  }
0x95: {  	v43 =	vor.u32 $0x100, v4  }
0x96: {  	v2 =	vor.u32 $0x180, v2;
	_ =	sdelay $0x1  }
0x97: {  	v5 =	vmul.f32 v5, v3;
	_ =	sdelay $0x1  }
0x98: {  	[tilespmem:v43+s13+$0x0] =	vst.idx.add.f32.msk $0xffff, v5  }
0x99: {  	v2 =	vld.idx.msk [tilespmem:v2+s12+$0x0], $0xffff;
	_ =	sdelay $0x1  }
0x9a: {  	v4 =	vor.u32 $0x180, v4;
	_ =	sdelay $0x2  }
0x9b: {  	v2 =	vmul.f32 v2, v3;
	_ =	sdelay $0x1  }
0x9c: {  	[tilespmem:v4+s13+$0x0] =	vst.idx.add.f32.msk $0xffff, v2  }
0x9d: {  	v2 =	vld [tilespmem:s20+$0x0];
	_ =	sdelay $0x4  }
0x9e: {  	v3 =	vshll.u32 v2, $0x2  }
0x9f: {  	v2 =	vand.u32 $0x7F, v2;
	v3 =	vand.u32 $0xFFFFFE00, v3  }
0xa0: {  	v4 =	vld [tilespmem:s21+$0x0];
	v2 =	vor.u32 v2, v3;
	_ =	sdelay $0x3  }
0xa1: {  	v3 =	vld [tilespmem:s22+$0x0]  }
0xa2: {  	v44 =	vshll.u32 v4, $0x2;
	v5 =	vld.idx.msk [tilespmem:v2+s12+$0x0], $0xffff  }
0xa3: {  	v4 =	vand.u32 $0x7F, v4;
	v6 =	vand.u32 $0xFFFFFE00, v44  }
0xa4: {  	v4 =	vor.u32 v4, v6  }
0xa5: {  	v45 =	vor.u32 $0x80, v2;
	_ =	sdelay $0x1  }
0xa6: {  	v5 =	vmul.f32 v5, v3;
	_ =	sdelay $0x1  }
0xa7: {  	[tilespmem:v4+s13+$0x0] =	vst.idx.add.f32.msk $0xffff, v5  }
0xa8: {  	v5 =	vld.idx.msk [tilespmem:v45+s12+$0x0], $0xffff;
	_ =	sdelay $0x1  }
0xa9: {  	v46 =	vor.u32 $0x80, v4  }
0xaa: {  	v47 =	vor.u32 $0x100, v2;
	_ =	sdelay $0x1  }
0xab: {  	v5 =	vmul.f32 v5, v3;
	_ =	sdelay $0x1  }
0xac: {  	[tilespmem:v46+s13+$0x0] =	vst.idx.add.f32.msk $0xffff, v5  }
0xad: {  	v5 =	vld.idx.msk [tilespmem:v47+s12+$0x0], $0xffff;
	_ =	sdelay $0x1  }
0xae: {  	v48 =	vor.u32 $0x100, v4  }
0xaf: {  	v2 =	vor.u32 $0x180, v2;
	_ =	sdelay $0x1  }
0xb0: {  	v5 =	vmul.f32 v5, v3;
	_ =	sdelay $0x1  }
0xb1: {  	[tilespmem:v48+s13+$0x0] =	vst.idx.add.f32.msk $0xffff, v5  }
0xb2: {  	v2 =	vld.idx.msk [tilespmem:v2+s12+$0x0], $0xffff;
	_ =	sdelay $0x1  }
0xb3: {  	v4 =	vor.u32 $0x180, v4;
	_ =	sdelay $0x2  }
0xb4: {  	v2 =	vmul.f32 v2, v3;
	_ =	sdelay $0x1  }
0xb5: {  	[tilespmem:v4+s13+$0x0] =	vst.idx.add.f32.msk $0xffff, v2  }
0xb6: {  	v2 =	vld [tilespmem:s20+$0x10];
	_ =	sdelay $0x4  }
0xb7: {  	v3 =	vshll.u32 v2, $0x2  }
0xb8: {  	v2 =	vand.u32 $0x7F, v2;
	v3 =	vand.u32 $0xFFFFFE00, v3  }
0xb9: {  	v4 =	vld [tilespmem:s21+$0x10];
	v2 =	vor.u32 v2, v3;
	_ =	sdelay $0x3  }
0xba: {  	v3 =	vld [tilespmem:s22+$0x10]  }
0xbb: {  	v49 =	vshll.u32 v4, $0x2;
	v5 =	vld.idx.msk [tilespmem:v2+s12+$0x0], $0xffff  }
0xbc: {  	v4 =	vand.u32 $0x7F, v4;
	v6 =	vand.u32 $0xFFFFFE00, v49  }
0xbd: {  	v4 =	vor.u32 v4, v6  }
0xbe: {  	v50 =	vor.u32 $0x80, v2;
	_ =	sdelay $0x1  }
0xbf: {  	v5 =	vmul.f32 v5, v3;
	_ =	sdelay $0x1  }
0xc0: {  	[tilespmem:v4+s13+$0x0] =	vst.idx.add.f32.msk $0xffff, v5  }
0xc1: {  	v5 =	vld.idx.msk [tilespmem:v50+s12+$0x0], $0xffff;
	_ =	sdelay $0x1  }
0xc2: {  	v51 =	vor.u32 $0x80, v4  }
0xc3: {  	v52 =	vor.u32 $0x100, v2;
	_ =	sdelay $0x1  }
0xc4: {  	v5 =	vmul.f32 v5, v3;
	_ =	sdelay $0x1  }
0xc5: {  	[tilespmem:v51+s13+$0x0] =	vst.idx.add.f32.msk $0xffff, v5  }
0xc6: {  	v5 =	vld.idx.msk [tilespmem:v52+s12+$0x0], $0xffff;
	_ =	sdelay $0x1  }
0xc7: {  	v53 =	vor.u32 $0x100, v4  }
0xc8: {  	v2 =	vor.u32 $0x180, v2;
	_ =	sdelay $0x1  }
0xc9: {  	v5 =	vmul.f32 v5, v3;
	_ =	sdelay $0x1  }
0xca: {  	[tilespmem:v53+s13+$0x0] =	vst.idx.add.f32.msk $0xffff, v5  }
0xcb: {  	v2 =	vld.idx.msk [tilespmem:v2+s12+$0x0], $0xffff;
	_ =	sdelay $0x1  }
0xcc: {  	v4 =	vor.u32 $0x180, v4;
	_ =	sdelay $0x2  }
0xcd: {  	v2 =	vmul.f32 v2, v3;
	_ =	sdelay $0x1  }
0xce: {  	[tilespmem:v4+s13+$0x0] =	vst.idx.add.f32.msk $0xffff, v2  }
0xcf: {  	v2 =	vld [tilespmem:s20+$0x20];
	_ =	sdelay $0x4  }
0xd0: {  	v3 =	vshll.u32 v2, $0x2  }
0xd1: {  	v2 =	vand.u32 $0x7F, v2;
	v3 =	vand.u32 $0xFFFFFE00, v3  }
0xd2: {  	v4 =	vld [tilespmem:s21+$0x20];
	v2 =	vor.u32 v2, v3;
	_ =	sdelay $0x3  }
0xd3: {  	v3 =	vld [tilespmem:s22+$0x20]  }
0xd4: {  	v54 =	vshll.u32 v4, $0x2;
	v5 =	vld.idx.msk [tilespmem:v2+s12+$0x0], $0xffff  }
0xd5: {  	v4 =	vand.u32 $0x7F, v4;
	v6 =	vand.u32 $0xFFFFFE00, v54  }
0xd6: {  	v4 =	vor.u32 v4, v6  }
0xd7: {  	v55 =	vor.u32 $0x80, v2;
	_ =	sdelay $0x1  }
0xd8: {  	v5 =	vmul.f32 v5, v3;
	_ =	sdelay $0x1  }
0xd9: {  	[tilespmem:v4+s13+$0x0] =	vst.idx.add.f32.msk $0xffff, v5  }
0xda: {  	v5 =	vld.idx.msk [tilespmem:v55+s12+$0x0], $0xffff;
	_ =	sdelay $0x1  }
0xdb: {  	v56 =	vor.u32 $0x80, v4  }
0xdc: {  	v57 =	vor.u32 $0x100, v2;
	_ =	sdelay $0x1  }
0xdd: {  	v5 =	vmul.f32 v5, v3;
	_ =	sdelay $0x1  }
0xde: {  	[tilespmem:v56+s13+$0x0] =	vst.idx.add.f32.msk $0xffff, v5  }
0xdf: {  	v5 =	vld.idx.msk [tilespmem:v57+s12+$0x0], $0xffff;
	_ =	sdelay $0x1  }
0xe0: {  	v58 =	vor.u32 $0x100, v4  }
0xe1: {  	v2 =	vor.u32 $0x180, v2;
	_ =	sdelay $0x1  }
0xe2: {  	v5 =	vmul.f32 v5, v3;
	_ =	sdelay $0x1  }
0xe3: {  	[tilespmem:v58+s13+$0x0] =	vst.idx.add.f32.msk $0xffff, v5  }
0xe4: {  	v2 =	vld.idx.msk [tilespmem:v2+s12+$0x0], $0xffff;
	_ =	sdelay $0x1  }
0xe5: {  	v4 =	vor.u32 $0x180, v4;
	_ =	sdelay $0x2  }
0xe6: {  	v2 =	vmul.f32 v2, v3;
	_ =	sdelay $0x1  }
0xe7: {  	[tilespmem:v4+s13+$0x0] =	vst.idx.add.f32.msk $0xffff, v2  }
0xe8: {  	v2 =	vld [tilespmem:s20+$0x30];
	_ =	sdelay $0x4  }
0xe9: {  	v3 =	vshll.u32 v2, $0x2  }
0xea: {  	v2 =	vand.u32 $0x7F, v2;
	v3 =	vand.u32 $0xFFFFFE00, v3  }
0xeb: {  	v4 =	vld [tilespmem:s21+$0x30];
	v2 =	vor.u32 v2, v3;
	_ =	sdelay $0x3  }
0xec: {  	v3 =	vld [tilespmem:s22+$0x30]  }
0xed: {  	v59 =	vshll.u32 v4, $0x2;
	v5 =	vld.idx.msk [tilespmem:v2+s12+$0x0], $0xffff  }
0xee: {  	v4 =	vand.u32 $0x7F, v4;
	v6 =	vand.u32 $0xFFFFFE00, v59  }
0xef: {  	v4 =	vor.u32 v4, v6  }
0xf0: {  	v60 =	vor.u32 $0x80, v2;
	_ =	sdelay $0x1  }
0xf1: {  	v5 =	vmul.f32 v5, v3;
	_ =	sdelay $0x1  }
0xf2: {  	[tilespmem:v4+s13+$0x0] =	vst.idx.add.f32.msk $0xffff, v5  }
0xf3: {  	v5 =	vld.idx.msk [tilespmem:v60+s12+$0x0], $0xffff;
	_ =	sdelay $0x1  }
0xf4: {  	v61 =	vor.u32 $0x80, v4  }
0xf5: {  	v62 =	vor.u32 $0x100, v2;
	_ =	sdelay $0x1  }
0xf6: {  	v5 =	vmul.f32 v5, v3;
	_ =	sdelay $0x1  }
0xf7: {  	[tilespmem:v61+s13+$0x0] =	vst.idx.add.f32.msk $0xffff, v5  }
0xf8: {  	v5 =	vld.idx.msk [tilespmem:v62+s12+$0x0], $0xffff;
	_ =	sdelay $0x1  }
0xf9: {  	v63 =	vor.u32 $0x100, v4  }
0xfa: {  	v2 =	vor.u32 $0x180, v2;
	_ =	sdelay $0x1  }
0xfb: {  	v5 =	vmul.f32 v5, v3;
	_ =	sdelay $0x1  }
0xfc: {  	[tilespmem:v63+s13+$0x0] =	vst.idx.add.f32.msk $0xffff, v5  }
0xfd: {  	v2 =	vld.idx.msk [tilespmem:v2+s12+$0x0], $0xffff  }
0xfe: {  	s19 =	sadd.s32 $0x8, s19  }
0xff: {  	p0 =	slt.u32 s19, $0xA0;
	v4 =	vor.u32 $0x180, v4  }
.Ltmp1:
0x100: {  	_ = 	snop;
	(pc) =	sbr.rel @p0 .LBB2_5-.Ltmp1, $3  }
0x101: {  	_ = 	snop  }
0x102: {  	v2 =	vmul.f32 v2, v3;
	_ =	sdelay $0x1  }
0x103: {  	s20 =	sadd.s32 $0x80, s20;
	s21 =	sadd.s32 $0x80, s21;
	s22 =	sadd.s32 $0x80, s22;
	[tilespmem:v4+s13+$0x0] =	vst.idx.add.f32.msk $0xffff, v2  }
0x104: {  	s18 =	sadd.s32 $0x1, s18  }
0x105: {  	p0 =	sne.s32 s18, $0x4  }
.Ltmp2:
0x106: {  	_ = 	snop;
	(pc) =	sbr.rel @p0 .LBB2_4-.Ltmp2, $1  }
0x107: {  	_ =	sdelay $0x3  }
0x108: {  	s17 =	sadd.s32 $0x1, s17  }
0x109: {  	p0 =	sne.s32 s17, s9  }
.Ltmp3:
0x10a: {  	_ = 	snop;
	(pc) =	sbr.rel @p0 .LBB2_1-.Ltmp3, $4  }
0x10b: {  	[hbm4b:s16+s10] =	stream.strided.scatter [tilespmem:s13], [sflag:$0x1], $0xA000, s11, s10, $0x38;
	[tilespmem:$0x15F80] =	vst v63  }
0x10c: {  	_ =	swait.ge [sflag:s6], $0xA000  }
0x10d: {  	[sflag:s6] =	ssyncset.done $0x0  }
0x10e: {  	[sflag:s6] =	ssyncadd.s32 $0xFFFF6000  }
0x10f: {  	_ =	sfence.sel $0x180000  }
0x110: {  	[bflag:$0x0] =	sbarrier.arrive $0xFFFF  }
0x111: {  	p0 =	sne.s32 s0, $0x0;
	_ =	strace $0x90000050  }
0x112: {  	s0 =	sadd.s32 @!p0 $0x100000, s1;
	[bflag:$0x2] =	sbarrier.arrive $0xFFFF  }
0x113: {  	[sflag:s0] =	ssyncadd.tile.s32 @!p0 $0x1;
	_ =	shalt  }
.Lfunc_end2:
_tile_overlayer_lowered:
.L_overlay_start_2:
0x114: {  	(tag) =	ssettag $0x2  }
0x115: {  	s0 =	rddreg [dreg:$0x0];
	s2 =	stileid.u32  }
0x116: {  	s1 =	rddreg [dreg:$0x1];
	p0 =	sne.s32 s2, $0x0  }
0x117: {  	s3 =	rddreg [dreg:$0x2];
	[bflag:$0x3] =	sbarrier.arrive $0xFFFF;
	s2 =	simm.s32 @!p0 $0x1C01  }
0x118: {  	[timem:s3], [sflag:s2] =	dma.local @!p0 [hbm:s0], s1  }
0x119: {  	s0 =	simm.s32 @!p0 $0x1  }
0x11a: {  	_ =	swait.ge @!p0 [sflag:s0], s1  }
0x11b: {  	s1 =	ssub.s32 @!p0 $0x0, s1;
	[sflag:s0] =	ssyncset.done @!p0 $0x0  }
0x11c: {  	[sflag:s0] =	ssyncadd.s32 @!p0 s1  }
0x11d: {  	[bflag:$0x3] =	sbarrier.arrive $0xFFFF  }
0x11e: {  	_ =	shalt  }

// kernel: kernel.9.cloned.1.call-start
scs
__scs_entry_jumppad:
0x0: {  	(pc) =	sbr.rel $0x88, $3  }
0x1: {  	(tag) =	ssettag $0x0;
	lr =	simm.s32 $0x1  }
0x2: {  	[smem:$0x3F97] =	sst lr;
	_ =	strace $0xD0000000  }
0x3: {  	_ = 	snop  }
0x4: {  	_ = 	snop  }
0x5: {  	_ = 	snop  }
0x6: {  	_ = 	snop  }
0x7: {  	_ = 	snop  }
__scs_overlays_trampoline_lowered:
0x8: {  	[smem:$0x3FA6] =	sst s0  }
0x9: {  	[smem:$0x3FA7] =	sst s1  }
0xa: {  	[smem:$0x3FA8] =	sst s2  }
0xb: {  	[smem:$0x3FA9] =	sst s3  }
0xc: {  	[smem:$0x3FAA] =	sst s4  }
0xd: {  	[smem:$0x3FAB] =	sst s5  }
0xe: {  	[smem:$0x3FAC] =	sst s6  }
0xf: {  	[smem:$0x3FAD] =	sst s7  }
0x10: {  	[smem:$0x3FAE] =	sst s8  }
0x11: {  	[smem:$0x3FAF] =	sst s9;
	s0 =	simm.s32 @!p0 $0x0  }
0x12: {  	s1 =	sld [smem:$0x3F95];
	s0 =	simm.s32 @p0 $0x1  }
0x13: {  	[smem:$0x3FB0] =	sst s0;
	s0 =	simm.s32 @!p1 $0x0  }
0x14: {  	s2 =	sld [smem:$0x3F94];
	s0 =	simm.s32 @p1 $0x1  }
0x15: {  	[smem:$0x3FB1] =	sst s0;
	s0 =	simm.s32 @!p2 $0x0  }
0x16: {  	s3 =	sld [smem:$0x3FDB];
	s0 =	simm.s32 @p2 $0x1  }
0x17: {  	s4 =	simm.s32 $0x1BF5;
	[smem:$0x3FB3] =	sst s0  }
0x18: {  	s0 =	sld [smem:$0x3F96];
	_ =	swait.ge [sflag:s4], $0x0  }
0x19: {  	s7 =	sld [smem:$0x3F97]  }
0x1a: {  	s8 =	sadd.s32 $0xFFFFE003, lr  }
0x1b: {  	s9 =	sadd.s32 $0xFFFFFEF7, lr;
	s5 =	simm.s32 $0xFFFFFFFF;
	p2 =	slt.u32 s8, $0xFFFFF086  }
0x1c: {  	p1 =	slt.u32 s9, $0xF7A;
	s5 =	simm.s32 @!p2 $0x0  }
0x1d: {  	s5 =	simm.s32 @p1 $0x1;
	p0 =	seq.s32 s7, s2  }
0x1e: {  	s7 =	smul.u32 @!p0 $0xF7A, s2;
	p2 =	seq.s32 @!p0 s5, $0x0  }
0x1f: {  	s9 =	smul.u32 $0xF7A, s1;
	s8 =	simm.s32 @!p0 $0x1BF5;
	p2 =	por !p2, p0  }
0x20: {  	[sflag:s8] =	ssyncset.s32 @!p0 $0xFFFFF086;
	s6 =	sadd.s32 @!p0 s3, s7;
	s7 =	simm.s32 @!p0 $0x108  }
0x21: {  	s3 =	sadd.s32 s3, s9;
	s6 =	sadd.s32 @!p0 $0x88, s6;
	s7 =	simm.s32 @p2 $0x1082  }
0x22: {  	[simem:s7], [sflag:s8] =	dma.local @!p0 [hbm:s6], $0xF7A  }
0x23: {  	s9 =	sor.u32 $0xD0000000, s2;
	s6 =	simm.s32 $0x108;
	_ =	swait.ge @!p0 [sflag:s8], $0x0  }
0x24: {  	s3 =	sadd.s32 $0x88, s3;
	s6 =	simm.s32 @!p1 $0x1082;
	[sflag:s4] =	ssyncset.s32 $0xFFFFF086  }
0x25: {  	[simem:s6], [sflag:s4] =	dma.local [hbm:s3], $0xF7A  }
0x26: {  	[smem:$0x3F97] =	sst s1;
	(tag) =	ssettag s2;
	_ =	strace s9  }
0x27: {  	s1 =	sld [smem:$0x3FA7]  }
0x28: {  	s2 =	sld [smem:$0x3FA8]  }
0x29: {  	s4 =	sld [smem:$0x3FAA]  }
0x2a: {  	p0 =	seq.s32 s5, $0x0;
	s5 =	sld [smem:$0x3FAB]  }
0x2b: {  	s6 =	sld [smem:$0x3FAC]  }
0x2c: {  	s7 =	sld [smem:$0x3FAD]  }
0x2d: {  	s3 =	simm.s32 $0x108;
	s8 =	sld [smem:$0x3FAE]  }
0x2e: {  	s3 =	simm.s32 @!p0 $0x1082;
	s9 =	sld [smem:$0x3FAF]  }
0x2f: {  	lr =	sadd.s32 s0, s3;
	s0 =	sld [smem:$0x3FA6]  }
0x30: {  	s3 =	sld [smem:$0x3FA9]  }
0x31: {  	[smem:$0x3FB2] =	sst s10  }
0x32: {  	s10 =	sld [smem:$0x3FB0];
	_ =	sdelay $0x3  }
0x33: {  	p0 =	seq.s32 s10, $0x1;
	s10 =	sld [smem:$0x3FB2];
	_ =	sdelay $0x3  }
0x34: {  	[smem:$0x3FB2] =	sst s10  }
0x35: {  	s10 =	sld [smem:$0x3FB1];
	_ =	sdelay $0x3  }
0x36: {  	p1 =	seq.s32 s10, $0x1;
	s10 =	sld [smem:$0x3FB2];
	_ =	sdelay $0x3  }
0x37: {  	[smem:$0x3FB2] =	sst s10  }
0x38: {  	s10 =	sld [smem:$0x3FB3]  }
0x39: {  	_ = 	snop;
	(pc) =	sbr.ind lr, $3  }
0x3a: {  	_ = 	snop  }
0x3b: {  	_ = 	snop  }
0x3c: {  	p2 =	seq.s32 s10, $0x1;
	s10 =	sld [smem:$0x3FB2]  }
0x3d: {  	_ =	shalt  }
0x3e: {  	_ =	shalt  }
0x3f: {  	_ =	shalt  }
0x40: {  	_ =	shalt  }
0x41: {  	_ =	shalt  }
0x42: {  	_ =	shalt  }
0x43: {  	_ =	shalt  }
0x44: {  	_ =	shalt  }
0x45: {  	_ =	shalt  }
0x46: {  	_ =	shalt  }
0x47: {  	_ =	shalt  }
0x48: {  	_ =	shalt  }
0x49: {  	_ =	shalt  }
0x4a: {  	_ =	shalt  }
0x4b: {  	_ =	shalt  }
0x4c: {  	_ =	shalt  }
0x4d: {  	_ =	shalt  }
0x4e: {  	_ =	shalt  }
0x4f: {  	_ =	shalt  }
0x50: {  	_ =	shalt  }
0x51: {  	_ =	shalt  }
0x52: {  	_ =	shalt  }
0x53: {  	_ =	shalt  }
0x54: {  	_ =	shalt  }
0x55: {  	_ =	shalt  }
0x56: {  	_ =	shalt  }
0x57: {  	_ =	shalt  }
0x58: {  	_ =	shalt  }
0x59: {  	_ =	shalt  }
0x5a: {  	_ =	shalt  }
0x5b: {  	_ =	shalt  }
0x5c: {  	_ =	shalt  }
0x5d: {  	_ =	shalt  }
0x5e: {  	_ =	shalt  }
0x5f: {  	_ =	shalt  }
0x60: {  	_ =	shalt  }
0x61: {  	_ =	shalt  }
0x62: {  	_ =	shalt  }
0x63: {  	_ =	shalt  }
0x64: {  	_ =	shalt  }
0x65: {  	_ =	shalt  }
0x66: {  	_ =	shalt  }
0x67: {  	_ =	shalt  }
0x68: {  	_ =	shalt  }
0x69: {  	_ =	shalt  }
0x6a: {  	_ =	shalt  }
0x6b: {  	_ =	shalt  }
0x6c: {  	_ =	shalt  }
0x6d: {  	_ =	shalt  }
0x6e: {  	_ =	shalt  }
0x6f: {  	_ =	shalt  }
0x70: {  	_ =	shalt  }
0x71: {  	_ =	shalt  }
0x72: {  	_ =	shalt  }
0x73: {  	_ =	shalt  }
0x74: {  	_ =	shalt  }
0x75: {  	_ =	shalt  }
0x76: {  	_ =	shalt  }
0x77: {  	_ =	shalt  }
0x78: {  	_ =	shalt  }
0x79: {  	_ =	shalt  }
0x7a: {  	_ =	shalt  }
0x7b: {  	_ =	shalt  }
0x7c: {  	_ =	shalt  }
0x7d: {  	_ =	shalt  }
0x7e: {  	_ =	shalt  }
0x7f: {  	_ =	shalt  }
0x80: {  	_ =	shalt  }
0x81: {  	_ =	shalt  }
0x82: {  	_ =	shalt  }
0x83: {  	_ =	shalt  }
0x84: {  	_ =	shalt  }
0x85: {  	_ =	shalt  }
0x86: {  	_ =	shalt  }
0x87: {  	_ =	shalt  }
.Lfunc_end0:
.L_simem_size_0:
called_computation_lowered:
.L_overlay_start_0:
0x88: {  	s2 =	sld [smem:$0x3FD9]  }
0x89: {  	s3 =	sld [smem:$0x3FFE];
	_ =	sdelay $0x1  }
0x8a: {  	s1 =	srdreg.scid  }
0x8b: {  	s0 =	sand.u32 $0x1, s1  }
0x8c: {  	s16 =	sshll.u32 s0, $0xA;
	s2 =	sadd.s32 s3, s2  }
0x8d: {  	s2 =	sadd.s32 s2, s16  }
0x8e: {  	[smem:$0x3FBE] =	sst s2  }
0x8f: {  	_ = 	snop  }
0x90: {  	(tm) =	ssettm $0x1  }
0x91: {  	s17 =	sld [smem:$0x3FFB];
	_ =	sdelay $0x3  }
0x92: {  	_ =	strace s17  }
0x93: {  	s2 =	sld [smem:$0x3FFC];
	_ =	sdelay $0x3  }
0x94: {  	_ =	strace s2  }
0x95: {  	s2 =	sld [smem:$0x3FFD];
	_ =	sdelay $0x3  }
0x96: {  	_ =	strace s2  }
0x97: {  	_ =	strace $0x8FFFFFFF  }
0x98: {  	s18 =	sld [smem:$0x3FDB];
	_ =	sdelay $0x1  }
0x99: {  	s19 =	simm.s32 $_scs_section_size  }
0x9a: {  	s4 =	simm.s32 $_size__tile_overlayer_lowered;
	s5 =	simm.s32 $_tile_overlayer_lowered  }
0x9b: {  	s22 =	simm.s32 $0x1BFF;
	s21 =	sshll.u32 s5, $0x1;
	s2 =	sadd.s32 s19, s18  }
0x9c: {  	s6 =	simm.s32 $0x0;
	s20 =	sshll.u32 s4, $0x1;
	s4 =	sadd.s32 s21, s2  }
0x9d: {  	[timem:s6], [sflag:s22] =	dma.local [hbm:s4], s20  }
0x9e: {  	_ =	swait.ge [sflag:s22], s20  }
0x9f: {  	s3 =	ssub.s32 $0x0, s20;
	[sflag:s22] =	ssyncset.done $0x0  }
0xa0: {  	[sflag:s22] =	ssyncadd.s32 s3;
	_ =	sdelay $0x1  }
0xa1: {  	s23 =	simm.s32 $0x1B8B  }
0xa2: {  	_ =	swait.ge [sflag:s23], $0x1  }
0xa3: {  	[sflag:s23] =	ssyncset.done $0x0  }
0xa4: {  	s25 =	simm.s32 $0x1B8E;
	s24 =	sld [smem:$0x3FFE];
	[sflag:s23] =	ssyncadd.s32 $0xFFFFFFFF  }
0xa5: {  	s26 =	simm.s32 $execute0_lowered;
	[smem:$0x3FD2] =	sst s25  }
0xa6: {  	s4 =	sshll.u32 s26, $0x1;
	_ =	strace $0x80000046;
	[dreg:$0x1] =	wrdreg $0xFFFFFFFF  }
0xa7: {  	s28 =	simm.s32 $_size_execute0_lowered;
	s2 =	sadd.s32 s2, s4;
	[dreg:$0x0] =	wrdreg $0x0  }
0xa8: {  	s4 =	sshll.u32 s28, $0x1;
	[dreg:$0x2] =	wrdreg s2  }
0xa9: {  	[dreg:$0x3] =	wrdreg s4  }
0xaa: {  	[dreg:$0x4] =	wrdreg $0xC0  }
0xab: {  	_ =	task [dreg:s6], $0x5FFFF  }
0xac: {  	[dreg:$0x1] =	wrdreg $0xFFFFFFFF  }
0xad: {  	[dreg:$0x0] =	wrdreg $0x60  }
0xae: {  	[dreg:$0x2] =	wrdreg s24  }
0xaf: {  	[dreg:$0x3] =	wrdreg $0x9  }
0xb0: {  	_ =	task.clear_ibuf [dreg:s6], $0x4FFFF;
	_ =	strace $0x90000046  }
0xb1: {  	s29 =	simm.s32 $0x9;
	_ =	strace $0x80000048  }
0xb2: {  	_ =	swait.ge [sflag:s29], $0x1  }
0xb3: {  	[sflag:s29] =	ssyncadd.s32 $0xFFFFFFFF  }
0xb4: {  	_ =	strace $0x90000048  }
0xb5: {  	_ =	sfence  }
0xb6: {  	s30 =	sld [smem:$0x0];
	_ =	sdelay $0x2  }
0xb7: {  	s31 =	sshll.u32 s1, $0xD;
	s1 =	sshrl.u32 s1, $0x2  }
0xb8: {  	s3 =	sand.u32 $0x4000, s31;
	s1 =	sadd.s32 s1, s30  }
0xb9: {  	s0 =	sor.u32 s3, s0;
	s1 =	sshll.u32 s1, $0x11  }
0xba: {  	s0 =	sor.u32 s1, s0  }
0xbb: {  	s0 =	sadd.s32 $0x8F2B, s0  }
0xbc: {  	[sflag:s0] =	ssyncadd.remote.s32 $0x1  }
0xbd: {  	_ =	sfence.sel $0xFFFF  }
0xbe: {  	[dreg:$0x0] =	wrdreg $0xFFFFFFFF;
	(pc) =	sbr.abs _section_cstart, $3  }
0xbf: {  	[dreg:$0x1] =	wrdreg $0xFFFFFFFF  }
0xc0: {  	_ =	task.clear_ibuf [dreg:s6], $0x2FFFF;
	_ =	strace $0x9FFFFFFF  }
0xc1: {  	(tm) =	ssettm $0x7FFFFFFF  }
tec
execute0_lowered:
.L_overlay_start_1:
0x0: {  	(tag) =	ssettag $0x1  }
0x1: {  	s5 =	rddreg [dreg:$0x0];
	s1 =	srdreg.scid  }
0x2: {  	s0 =	rddreg [dreg:$0x1];
	s2 =	simm.s32 $0x0;
	s13 =	simm.s32 $0x400  }
0x3: {  	s14 =	simm.s32 $0x1F80;
	s15 =	simm.s32 $0x4780;
	s16 =	simm.s32 $0x6F80  }
0x4: {  	s17 =	simm.s32 $0xA80;
	s18 =	simm.s32 $0x1500;
	s19 =	simm.s32 $0x0  }
0x5: {  	s6 =	sand.u32 $0x1, s1;
	s1 =	stileid.u32;
	[smem:$0x7FF] =	sst s2  }
0x6: {  	s3 =	sshll.u32 s6, $0x4;
	_ =	strace $0x80000047;
	s9 =	sand.u32 $0x7, s1  }
0x7: {  	s4 =	sshll.u32 s1, $0x7;
	s30 =	ssub.s32 $0x2, s6;
	s7 =	sor.u32 s1, s3  }
0x8: {  	s3 =	sadd.s32 $0x3000, s5;
	s11 =	sshll.u32 s9, $0x4;
	s12 =	sand.u32 $0x380, s4  }
0x9: {  	s4 =	sadd.s32 $0x8400, s5;
	p0 =	sne.s32 s9, $0x0;
	s6 =	sshrl.u32 s30, $0x1  }
0xa: {  	s8 =	sshrl.u32 s7, $0x3;
	s11 =	sadd.s32 s11, s5;
	p1 =	seq.s32 s7, $0x0  }
0xb: {  	s7 =	simm.s32 $0x1;
	s10 =	smul.u32 $0x14000, s8;
	p0 =	por !p0, !p1  }
0xc: {  	s31 =	ssub.s32 s30, s6;
	s6 =	sadd.s32 $0xD800, s11;
	p0 =	por !p0, !p0  }
0xd: {  	s9 =	sadd.s32 $0x26800, s11;
	s10 =	sor.u32 s12, s10;
	s7 =	simm.s32 @!p0 $0x0  }
0xe: {  	s12 =	simm.s32 $0x80;
	s10 =	sshrl.u32 s10, $0x3;
	s8 =	ssub.s32 s8, s7  }
0xf: {  	s7 =	sadd.s32 $0x10000, s11;
	s11 =	smax.u32 s31, $0x1;
	s10 =	sadd.s32 s10, s5  }
0x10: {  	v0 =	vlaneseq.u32;
	v1 =	vimm.f32 $0.0e+00;
	s5 =	simm.s32 $0x1;
	s8 =	smul.u32 $0xA800, s8;
	s10 =	sadd.s32 $0x50800, s10  }
.LBB2_1:
0x11: {  	[tilespmem:s14], [sflag:$0x1] =	stream.strided.gather [hbm4b:s6+s12], $0x2800, s13, s12, $0x38;
	[tilespmem:$0x9780] =	vst v63  }
0x12: {  	_ =	swait.ge [sflag:s5], $0x2800  }
0x13: {  	[sflag:s5] =	ssyncset.done $0x0  }
0x14: {  	[sflag:s5] =	ssyncadd.s32 $0xFFFFD800  }
0x15: {  	[tilespmem:s15], [sflag:$0x1] =	stream.strided.gather [hbm4b:s7+s12], $0x2800, s13, s12, $0x38;
	[tilespmem:$0x9780] =	vst v63  }
0x16: {  	_ =	swait.ge [sflag:s5], $0x2800  }
0x17: {  	[sflag:s5] =	ssyncset.done $0x0  }
0x18: {  	s20 =	simm.s32 $0x0;
	[sflag:s5] =	ssyncadd.s32 $0xFFFFD800  }
.LBB2_2:
0x19: {  	v2 =	vor.u32 s20, v0;
	p0 =	sne.s32 s20, $0x27F0  }
.Ltmp0:
0x1a: {  	_ = 	snop;
	(pc) =	sbr.rel @p0 .LBB2_2-.Ltmp0, $2  }
0x1b: {  	_ =	sdelay $0x2  }
0x1c: {  	s20 =	sadd.s32 $0x10, s20;
	[tilespmem:v2+s16+$0x0] =	vst.idx.msk $0xffff, v1  }
0x1d: {  	s20 =	simm.s32 $0x0  }
.LBB2_4:
0x1e: {  	s21 =	smul.u32 $0xA80, s20;
	_ =	sdelay $0x1  }
0x1f: {  	s21 =	sadd.s32 s8, s21  }
0x20: {  	s22 =	sshrl.u32 s21, $0x3  }
0x21: {  	s23 =	sadd.s32 s3, s22  }
0x22: {  	[tilespmem:s2], [sflag:$0x1] =	stream.linear.gather [hbm4b:s23+s2], $0xA80, $0x38;
	[tilespmem:$0x9780] =	vst v63  }
0x23: {  	_ =	swait.ge [sflag:s5], $0xA80  }
0x24: {  	[sflag:s5] =	ssyncset.done $0x0  }
0x25: {  	s22 =	sadd.s32 s4, s22;
	[sflag:s5] =	ssyncadd.s32 $0xFFFFF580  }
0x26: {  	[tilespmem:s17], [sflag:$0x1] =	stream.linear.gather [hbm4b:s22+s2], $0xA80, $0x38;
	[tilespmem:$0x9780] =	vst v63  }
0x27: {  	_ =	swait.ge [sflag:s5], $0xA80  }
0x28: {  	s24 =	simm.s32 $0xB00;
	s25 =	simm.s32 $0x80;
	[sflag:s5] =	ssyncset.done $0x0  }
0x29: {  	s23 =	simm.s32 $0x1580;
	s22 =	simm.s32 $0xFFFFFFF0;
	[sflag:s5] =	ssyncadd.s32 $0xFFFFF580  }
.LBB2_5:
0x2a: {  	v2 =	vld [tilespmem:s25+$0xFFFFFF80]  }
0x2b: {  	v3 =	vld [tilespmem:s24+$0xFFFFFF80];
	_ =	sdelay $0x6  }
0x2c: {  	v2 =	vld.idx.msk [tilespmem:v2+s14+$0x0], $0xffff  }
0x2d: {  	v4 =	vld.idx.msk [tilespmem:v3+s15+$0x0], $0xffff;
	_ =	sdelay $0x4  }
0x2e: {  	v2 =	vadd.f32 v4, v2;
	_ =	sdelay $0x1  }
0x2f: {  	v4 =	vmul.f32 $2.000000030e-01, v2  }
0x30: {  	vm0 =	vgt.f32 v2, $0.0e+00  }
0x31: {  	v2 =	vsel vm0, v2, v4  }
0x32: {  	v2 =	vmul.f32 $1.442695020e+00, v2;
	_ =	sdelay $0x1  }
0x33: {  	(erf) = vpow2.f32 v2;
	_ =	sdelay $0x8  }
0x34: {  	v2 =	vpop (erf)  }
0x35: {  	[tilespmem:s23+$0xFFFFFF80] =	vst v2  }
0x36: {  	[tilespmem:v3+s16+$0x0] =	vst.idx.add.f32.msk $0xffff, v2  }
0x37: {  	v2 =	vld [tilespmem:s25+$0xFFFFFF90]  }
0x38: {  	v3 =	vld [tilespmem:s24+$0xFFFFFF90];
	_ =	sdelay $0x6  }
0x39: {  	v2 =	vld.idx.msk [tilespmem:v2+s14+$0x0], $0xffff  }
0x3a: {  	v49 =	vld.idx.msk [tilespmem:v3+s15+$0x0], $0xffff;
	_ =	sdelay $0x4  }
0x3b: {  	v2 =	vadd.f32 v49, v2;
	_ =	sdelay $0x1  }
0x3c: {  	v4 =	vmul.f32 $2.000000030e-01, v2  }
0x3d: {  	vm13 =	vgt.f32 v2, $0.0e+00  }
0x3e: {  	v2 =	vsel vm13, v2, v4  }
0x3f: {  	v2 =	vmul.f32 $1.442695020e+00, v2;
	_ =	sdelay $0x1  }
0x40: {  	(erf) = vpow2.f32 v2;
	_ =	sdelay $0x8  }
0x41: {  	v2 =	vpop (erf)  }
0x42: {  	[tilespmem:s23+$0xFFFFFF90] =	vst v2  }
0x43: {  	[tilespmem:v3+s16+$0x0] =	vst.idx.add.f32.msk $0xffff, v2  }
0x44: {  	v2 =	vld [tilespmem:s25+$0xFFFFFFA0]  }
0x45: {  	v3 =	vld [tilespmem:s24+$0xFFFFFFA0];
	_ =	sdelay $0x6  }
0x46: {  	v2 =	vld.idx.msk [tilespmem:v2+s14+$0x0], $0xffff  }
0x47: {  	v50 =	vld.idx.msk [tilespmem:v3+s15+$0x0], $0xffff;
	_ =	sdelay $0x4  }
0x48: {  	v2 =	vadd.f32 v50, v2;
	_ =	sdelay $0x1  }
0x49: {  	v4 =	vmul.f32 $2.000000030e-01, v2  }
0x4a: {  	vm14 =	vgt.f32 v2, $0.0e+00  }
0x4b: {  	v2 =	vsel vm14, v2, v4  }
0x4c: {  	v2 =	vmul.f32 $1.442695020e+00, v2;
	_ =	sdelay $0x1  }
0x4d: {  	(erf) = vpow2.f32 v2;
	_ =	sdelay $0x8  }
0x4e: {  	v2 =	vpop (erf)  }
0x4f: {  	[tilespmem:s23+$0xFFFFFFA0] =	vst v2  }
0x50: {  	[tilespmem:v3+s16+$0x0] =	vst.idx.add.f32.msk $0xffff, v2  }
0x51: {  	v2 =	vld [tilespmem:s25+$0xFFFFFFB0]  }
0x52: {  	v3 =	vld [tilespmem:s24+$0xFFFFFFB0];
	_ =	sdelay $0x6  }
0x53: {  	v2 =	vld.idx.msk [tilespmem:v2+s14+$0x0], $0xffff  }
0x54: {  	v51 =	vld.idx.msk [tilespmem:v3+s15+$0x0], $0xffff;
	_ =	sdelay $0x4  }
0x55: {  	v2 =	vadd.f32 v51, v2;
	_ =	sdelay $0x1  }
0x56: {  	v4 =	vmul.f32 $2.000000030e-01, v2  }
0x57: {  	vm15 =	vgt.f32 v2, $0.0e+00  }
0x58: {  	v2 =	vsel vm15, v2, v4  }
0x59: {  	v2 =	vmul.f32 $1.442695020e+00, v2;
	_ =	sdelay $0x1  }
0x5a: {  	(erf) = vpow2.f32 v2;
	_ =	sdelay $0x8  }
0x5b: {  	v2 =	vpop (erf)  }
0x5c: {  	[tilespmem:s23+$0xFFFFFFB0] =	vst v2  }
0x5d: {  	[tilespmem:v3+s16+$0x0] =	vst.idx.add.f32.msk $0xffff, v2  }
0x5e: {  	v2 =	vld [tilespmem:s25+$0xFFFFFFC0]  }
0x5f: {  	v3 =	vld [tilespmem:s24+$0xFFFFFFC0];
	_ =	sdelay $0x6  }
0x60: {  	v2 =	vld.idx.msk [tilespmem:v2+s14+$0x0], $0xffff  }
0x61: {  	v52 =	vld.idx.msk [tilespmem:v3+s15+$0x0], $0xffff;
	_ =	sdelay $0x4  }
0x62: {  	v2 =	vadd.f32 v52, v2;
	_ =	sdelay $0x1  }
0x63: {  	v4 =	vmul.f32 $2.000000030e-01, v2  }
0x64: {  	vm4 =	vgt.f32 v2, $0.0e+00  }
0x65: {  	v2 =	vsel vm4, v2, v4  }
0x66: {  	v2 =	vmul.f32 $1.442695020e+00, v2;
	_ =	sdelay $0x1  }
0x67: {  	(erf) = vpow2.f32 v2;
	_ =	sdelay $0x8  }
0x68: {  	v2 =	vpop (erf)  }
0x69: {  	[tilespmem:s23+$0xFFFFFFC0] =	vst v2  }
0x6a: {  	[tilespmem:v3+s16+$0x0] =	vst.idx.add.f32.msk $0xffff, v2  }
0x6b: {  	v2 =	vld [tilespmem:s25+$0xFFFFFFD0]  }
0x6c: {  	v3 =	vld [tilespmem:s24+$0xFFFFFFD0];
	_ =	sdelay $0x6  }
0x6d: {  	v2 =	vld.idx.msk [tilespmem:v2+s14+$0x0], $0xffff  }
0x6e: {  	v53 =	vld.idx.msk [tilespmem:v3+s15+$0x0], $0xffff;
	_ =	sdelay $0x4  }
0x6f: {  	v2 =	vadd.f32 v53, v2;
	_ =	sdelay $0x1  }
0x70: {  	v4 =	vmul.f32 $2.000000030e-01, v2  }
0x71: {  	vm5 =	vgt.f32 v2, $0.0e+00  }
0x72: {  	v2 =	vsel vm5, v2, v4  }
0x73: {  	v2 =	vmul.f32 $1.442695020e+00, v2;
	_ =	sdelay $0x1  }
0x74: {  	(erf) = vpow2.f32 v2;
	_ =	sdelay $0x8  }
0x75: {  	v2 =	vpop (erf)  }
0x76: {  	[tilespmem:s23+$0xFFFFFFD0] =	vst v2  }
0x77: {  	[tilespmem:v3+s16+$0x0] =	vst.idx.add.f32.msk $0xffff, v2  }
0x78: {  	v2 =	vld [tilespmem:s25+$0xFFFFFFE0]  }
0x79: {  	v3 =	vld [tilespmem:s24+$0xFFFFFFE0];
	_ =	sdelay $0x6  }
0x7a: {  	v2 =	vld.idx.msk [tilespmem:v2+s14+$0x0], $0xffff  }
0x7b: {  	v54 =	vld.idx.msk [tilespmem:v3+s15+$0x0], $0xffff;
	_ =	sdelay $0x4  }
0x7c: {  	v2 =	vadd.f32 v54, v2;
	_ =	sdelay $0x1  }
0x7d: {  	v4 =	vmul.f32 $2.000000030e-01, v2  }
0x7e: {  	vm6 =	vgt.f32 v2, $0.0e+00  }
0x7f: {  	v2 =	vsel vm6, v2, v4  }
0x80: {  	v2 =	vmul.f32 $1.442695020e+00, v2;
	_ =	sdelay $0x1  }
0x81: {  	(erf) = vpow2.f32 v2;
	_ =	sdelay $0x8  }
0x82: {  	v2 =	vpop (erf)  }
0x83: {  	[tilespmem:s23+$0xFFFFFFE0] =	vst v2  }
0x84: {  	[tilespmem:v3+s16+$0x0] =	vst.idx.add.f32.msk $0xffff, v2  }
0x85: {  	v2 =	vld [tilespmem:s25+$0xFFFFFFF0]  }
0x86: {  	v3 =	vld [tilespmem:s24+$0xFFFFFFF0];
	_ =	sdelay $0x6  }
0x87: {  	v2 =	vld.idx.msk [tilespmem:v2+s14+$0x0], $0xffff  }
0x88: {  	v55 =	vld.idx.msk [tilespmem:v3+s15+$0x0], $0xffff;
	_ =	sdelay $0x4  }
0x89: {  	v2 =	vadd.f32 v55, v2;
	_ =	sdelay $0x1  }
0x8a: {  	v4 =	vmul.f32 $2.000000030e-01, v2  }
0x8b: {  	vm7 =	vgt.f32 v2, $0.0e+00  }
0x8c: {  	v2 =	vsel vm7, v2, v4  }
0x8d: {  	v2 =	vmul.f32 $1.442695020e+00, v2;
	_ =	sdelay $0x1  }
0x8e: {  	(erf) = vpow2.f32 v2;
	_ =	sdelay $0x8  }
0x8f: {  	v2 =	vpop (erf)  }
0x90: {  	[tilespmem:s23+$0xFFFFFFF0] =	vst v2  }
0x91: {  	[tilespmem:v3+s16+$0x0] =	vst.idx.add.f32.msk $0xffff, v2  }
0x92: {  	v2 =	vld [tilespmem:s25+$0x0]  }
0x93: {  	v3 =	vld [tilespmem:s24+$0x0];
	_ =	sdelay $0x6  }
0x94: {  	v2 =	vld.idx.msk [tilespmem:v2+s14+$0x0], $0xffff  }
0x95: {  	v56 =	vld.idx.msk [tilespmem:v3+s15+$0x0], $0xffff;
	_ =	sdelay $0x4  }
0x96: {  	v2 =	vadd.f32 v56, v2;
	_ =	sdelay $0x1  }
0x97: {  	v4 =	vmul.f32 $2.000000030e-01, v2  }
0x98: {  	vm8 =	vgt.f32 v2, $0.0e+00  }
0x99: {  	v2 =	vsel vm8, v2, v4  }
0x9a: {  	v2 =	vmul.f32 $1.442695020e+00, v2;
	_ =	sdelay $0x1  }
0x9b: {  	(erf) = vpow2.f32 v2;
	_ =	sdelay $0x8  }
0x9c: {  	v2 =	vpop (erf)  }
0x9d: {  	[tilespmem:s23+$0x0] =	vst v2  }
0x9e: {  	[tilespmem:v3+s16+$0x0] =	vst.idx.add.f32.msk $0xffff, v2  }
0x9f: {  	v2 =	vld [tilespmem:s25+$0x10]  }
0xa0: {  	v3 =	vld [tilespmem:s24+$0x10];
	_ =	sdelay $0x6  }
0xa1: {  	v2 =	vld.idx.msk [tilespmem:v2+s14+$0x0], $0xffff  }
0xa2: {  	v57 =	vld.idx.msk [tilespmem:v3+s15+$0x0], $0xffff;
	_ =	sdelay $0x4  }
0xa3: {  	v2 =	vadd.f32 v57, v2;
	_ =	sdelay $0x1  }
0xa4: {  	v4 =	vmul.f32 $2.000000030e-01, v2  }
0xa5: {  	vm9 =	vgt.f32 v2, $0.0e+00  }
0xa6: {  	v2 =	vsel vm9, v2, v4  }
0xa7: {  	v2 =	vmul.f32 $1.442695020e+00, v2;
	_ =	sdelay $0x1  }
0xa8: {  	(erf) = vpow2.f32 v2;
	_ =	sdelay $0x8  }
0xa9: {  	v2 =	vpop (erf)  }
0xaa: {  	[tilespmem:s23+$0x10] =	vst v2  }
0xab: {  	[tilespmem:v3+s16+$0x0] =	vst.idx.add.f32.msk $0xffff, v2  }
0xac: {  	v2 =	vld [tilespmem:s25+$0x20]  }
0xad: {  	v3 =	vld [tilespmem:s24+$0x20];
	_ =	sdelay $0x6  }
0xae: {  	v2 =	vld.idx.msk [tilespmem:v2+s14+$0x0], $0xffff  }
0xaf: {  	v58 =	vld.idx.msk [tilespmem:v3+s15+$0x0], $0xffff;
	_ =	sdelay $0x4  }
0xb0: {  	v2 =	vadd.f32 v58, v2;
	_ =	sdelay $0x1  }
0xb1: {  	v4 =	vmul.f32 $2.000000030e-01, v2  }
0xb2: {  	vm10 =	vgt.f32 v2, $0.0e+00  }
0xb3: {  	v2 =	vsel vm10, v2, v4  }
0xb4: {  	v2 =	vmul.f32 $1.442695020e+00, v2;
	_ =	sdelay $0x1  }
0xb5: {  	(erf) = vpow2.f32 v2;
	_ =	sdelay $0x8  }
0xb6: {  	v2 =	vpop (erf)  }
0xb7: {  	[tilespmem:s23+$0x20] =	vst v2  }
0xb8: {  	[tilespmem:v3+s16+$0x0] =	vst.idx.add.f32.msk $0xffff, v2  }
0xb9: {  	v2 =	vld [tilespmem:s25+$0x30]  }
0xba: {  	v3 =	vld [tilespmem:s24+$0x30];
	_ =	sdelay $0x6  }
0xbb: {  	v2 =	vld.idx.msk [tilespmem:v2+s14+$0x0], $0xffff  }
0xbc: {  	v59 =	vld.idx.msk [tilespmem:v3+s15+$0x0], $0xffff;
	_ =	sdelay $0x4  }
0xbd: {  	v2 =	vadd.f32 v59, v2;
	_ =	sdelay $0x1  }
0xbe: {  	v4 =	vmul.f32 $2.000000030e-01, v2  }
0xbf: {  	vm11 =	vgt.f32 v2, $0.0e+00  }
0xc0: {  	v2 =	vsel vm11, v2, v4  }
0xc1: {  	v2 =	vmul.f32 $1.442695020e+00, v2;
	_ =	sdelay $0x1  }
0xc2: {  	(erf) = vpow2.f32 v2;
	_ =	sdelay $0x8  }
0xc3: {  	v2 =	vpop (erf)  }
0xc4: {  	[tilespmem:s23+$0x30] =	vst v2  }
0xc5: {  	[tilespmem:v3+s16+$0x0] =	vst.idx.add.f32.msk $0xffff, v2  }
0xc6: {  	v2 =	vld [tilespmem:s25+$0x40]  }
0xc7: {  	v3 =	vld [tilespmem:s24+$0x40];
	_ =	sdelay $0x6  }
0xc8: {  	v2 =	vld.idx.msk [tilespmem:v2+s14+$0x0], $0xffff  }
0xc9: {  	v60 =	vld.idx.msk [tilespmem:v3+s15+$0x0], $0xffff;
	_ =	sdelay $0x4  }
0xca: {  	v2 =	vadd.f32 v60, v2;
	_ =	sdelay $0x1  }
0xcb: {  	v4 =	vmul.f32 $2.000000030e-01, v2  }
0xcc: {  	vm12 =	vgt.f32 v2, $0.0e+00  }
0xcd: {  	v2 =	vsel vm12, v2, v4  }
0xce: {  	v2 =	vmul.f32 $1.442695020e+00, v2;
	_ =	sdelay $0x1  }
0xcf: {  	(erf) = vpow2.f32 v2;
	_ =	sdelay $0x8  }
0xd0: {  	v2 =	vpop (erf)  }
0xd1: {  	[tilespmem:s23+$0x40] =	vst v2  }
0xd2: {  	[tilespmem:v3+s16+$0x0] =	vst.idx.add.f32.msk $0xffff, v2  }
0xd3: {  	v2 =	vld [tilespmem:s25+$0x50]  }
0xd4: {  	v3 =	vld [tilespmem:s24+$0x50];
	_ =	sdelay $0x6  }
0xd5: {  	v2 =	vld.idx.msk [tilespmem:v2+s14+$0x0], $0xffff  }
0xd6: {  	v61 =	vld.idx.msk [tilespmem:v3+s15+$0x0], $0xffff;
	_ =	sdelay $0x4  }
0xd7: {  	v2 =	vadd.f32 v61, v2;
	_ =	sdelay $0x1  }
0xd8: {  	v4 =	vmul.f32 $2.000000030e-01, v2  }
0xd9: {  	vm13 =	vgt.f32 v2, $0.0e+00  }
0xda: {  	v2 =	vsel vm13, v2, v4  }
0xdb: {  	v2 =	vmul.f32 $1.442695020e+00, v2;
	_ =	sdelay $0x1  }
0xdc: {  	(erf) = vpow2.f32 v2;
	_ =	sdelay $0x8  }
0xdd: {  	v2 =	vpop (erf)  }
0xde: {  	[tilespmem:s23+$0x50] =	vst v2  }
0xdf: {  	[tilespmem:v3+s16+$0x0] =	vst.idx.add.f32.msk $0xffff, v2  }
0xe0: {  	v2 =	vld [tilespmem:s25+$0x60]  }
0xe1: {  	v3 =	vld [tilespmem:s24+$0x60];
	_ =	sdelay $0x6  }
0xe2: {  	v2 =	vld.idx.msk [tilespmem:v2+s14+$0x0], $0xffff  }
0xe3: {  	v62 =	vld.idx.msk [tilespmem:v3+s15+$0x0], $0xffff;
	_ =	sdelay $0x4  }
0xe4: {  	v2 =	vadd.f32 v62, v2;
	_ =	sdelay $0x1  }
0xe5: {  	v4 =	vmul.f32 $2.000000030e-01, v2  }
0xe6: {  	vm14 =	vgt.f32 v2, $0.0e+00  }
0xe7: {  	v2 =	vsel vm14, v2, v4  }
0xe8: {  	v2 =	vmul.f32 $1.442695020e+00, v2;
	_ =	sdelay $0x1  }
0xe9: {  	(erf) = vpow2.f32 v2;
	_ =	sdelay $0x8  }
0xea: {  	v2 =	vpop (erf)  }
0xeb: {  	[tilespmem:s23+$0x60] =	vst v2  }
0xec: {  	[tilespmem:v3+s16+$0x0] =	vst.idx.add.f32.msk $0xffff, v2  }
0xed: {  	v2 =	vld [tilespmem:s25+$0x70]  }
0xee: {  	v3 =	vld [tilespmem:s24+$0x70];
	_ =	sdelay $0x6  }
0xef: {  	v2 =	vld.idx.msk [tilespmem:v2+s14+$0x0], $0xffff  }
0xf0: {  	v63 =	vld.idx.msk [tilespmem:v3+s15+$0x0], $0xffff;
	_ =	sdelay $0x4  }
0xf1: {  	v2 =	vadd.f32 v63, v2;
	_ =	sdelay $0x1  }
0xf2: {  	v4 =	vmul.f32 $2.000000030e-01, v2  }
0xf3: {  	vm15 =	vgt.f32 v2, $0.0e+00  }
0xf4: {  	v2 =	vsel vm15, v2, v4  }
0xf5: {  	v2 =	vmul.f32 $1.442695020e+00, v2;
	_ =	sdelay $0x1  }
0xf6: {  	(erf) = vpow2.f32 v2;
	_ =	sdelay $0x4  }
0xf7: {  	s22 =	sadd.s32 $0x10, s22  }
0xf8: {  	p0 =	slt.u32 s22, $0x90  }
.Ltmp1:
0xf9: {  	_ = 	snop;
	(pc) =	sbr.rel @p0 .LBB2_5-.Ltmp1, $4  }
0xfa: {  	_ = 	snop  }
0xfb: {  	v2 =	vpop (erf)  }
0xfc: {  	[tilespmem:s23+$0x70] =	vst v2  }
0xfd: {  	s24 =	sadd.s32 $0x100, s24;
	s25 =	sadd.s32 $0x100, s25;
	s23 =	sadd.s32 $0x100, s23;
	[tilespmem:v3+s16+$0x0] =	vst.idx.add.f32.msk $0xffff, v2  }
0xfe: {  	v2 =	vld [tilespmem:$0xA00]  }
0xff: {  	v3 =	vld [tilespmem:$0x1480];
	_ =	sdelay $0x6  }
0x100: {  	v2 =	vld.idx.msk [tilespmem:v2+s14+$0x0], $0xffff  }
0x101: {  	v4 =	vld.idx.msk [tilespmem:v3+s15+$0x0], $0xffff;
	_ =	sdelay $0x4  }
0x102: {  	v2 =	vadd.f32 v4, v2;
	_ =	sdelay $0x1  }
0x103: {  	v4 =	vmul.f32 $2.000000030e-01, v2  }
0x104: {  	vm0 =	vgt.f32 v2, $0.0e+00  }
0x105: {  	v2 =	vsel vm0, v2, v4  }
0x106: {  	v2 =	vmul.f32 $1.442695020e+00, v2;
	_ =	sdelay $0x1  }
0x107: {  	(erf) = vpow2.f32 v2;
	_ =	sdelay $0x8  }
0x108: {  	v2 =	vpop (erf)  }
0x109: {  	[tilespmem:$0x1F00] =	vst v2  }
0x10a: {  	[tilespmem:v3+s16+$0x0] =	vst.idx.add.f32.msk $0xffff, v2  }
0x10b: {  	v2 =	vld [tilespmem:$0xA10]  }
0x10c: {  	v3 =	vld [tilespmem:$0x1490];
	_ =	sdelay $0x6  }
0x10d: {  	v2 =	vld.idx.msk [tilespmem:v2+s14+$0x0], $0xffff  }
0x10e: {  	v57 =	vld.idx.msk [tilespmem:v3+s15+$0x0], $0xffff;
	_ =	sdelay $0x4  }
0x10f: {  	v2 =	vadd.f32 v57, v2;
	_ =	sdelay $0x1  }
0x110: {  	v4 =	vmul.f32 $2.000000030e-01, v2  }
0x111: {  	vm9 =	vgt.f32 v2, $0.0e+00  }
0x112: {  	v2 =	vsel vm9, v2, v4  }
0x113: {  	v2 =	vmul.f32 $1.442695020e+00, v2;
	_ =	sdelay $0x1  }
0x114: {  	(erf) = vpow2.f32 v2;
	_ =	sdelay $0x8  }
0x115: {  	v2 =	vpop (erf)  }
0x116: {  	[tilespmem:$0x1F10] =	vst v2  }
0x117: {  	[tilespmem:v3+s16+$0x0] =	vst.idx.add.f32.msk $0xffff, v2  }
0x118: {  	v2 =	vld [tilespmem:$0xA20]  }
0x119: {  	v3 =	vld [tilespmem:$0x14A0];
	_ =	sdelay $0x6  }
0x11a: {  	v2 =	vld.idx.msk [tilespmem:v2+s14+$0x0], $0xffff  }
0x11b: {  	v58 =	vld.idx.msk [tilespmem:v3+s15+$0x0], $0xffff;
	_ =	sdelay $0x4  }
0x11c: {  	v2 =	vadd.f32 v58, v2;
	_ =	sdelay $0x1  }
0x11d: {  	v4 =	vmul.f32 $2.000000030e-01, v2  }
0x11e: {  	vm10 =	vgt.f32 v2, $0.0e+00  }
0x11f: {  	v2 =	vsel vm10, v2, v4  }
0x120: {  	v2 =	vmul.f32 $1.442695020e+00, v2;
	_ =	sdelay $0x1  }
0x121: {  	(erf) = vpow2.f32 v2;
	_ =	sdelay $0x8  }
0x122: {  	v2 =	vpop (erf)  }
0x123: {  	[tilespmem:$0x1F20] =	vst v2  }
0x124: {  	[tilespmem:v3+s16+$0x0] =	vst.idx.add.f32.msk $0xffff, v2  }
0x125: {  	v2 =	vld [tilespmem:$0xA30]  }
0x126: {  	v3 =	vld [tilespmem:$0x14B0];
	_ =	sdelay $0x6  }
0x127: {  	v2 =	vld.idx.msk [tilespmem:v2+s14+$0x0], $0xffff  }
0x128: {  	v59 =	vld.idx.msk [tilespmem:v3+s15+$0x0], $0xffff;
	_ =	sdelay $0x4  }
0x129: {  	v2 =	vadd.f32 v59, v2;
	_ =	sdelay $0x1  }
0x12a: {  	v4 =	vmul.f32 $2.000000030e-01, v2  }
0x12b: {  	vm11 =	vgt.f32 v2, $0.0e+00  }
0x12c: {  	v2 =	vsel vm11, v2, v4  }
0x12d: {  	v2 =	vmul.f32 $1.442695020e+00, v2;
	_ =	sdelay $0x1  }
0x12e: {  	(erf) = vpow2.f32 v2;
	_ =	sdelay $0x8  }
0x12f: {  	v2 =	vpop (erf)  }
0x130: {  	[tilespmem:$0x1F30] =	vst v2  }
0x131: {  	[tilespmem:v3+s16+$0x0] =	vst.idx.add.f32.msk $0xffff, v2  }
0x132: {  	v2 =	vld [tilespmem:$0xA40]  }
0x133: {  	v3 =	vld [tilespmem:$0x14C0];
	_ =	sdelay $0x6  }
0x134: {  	v2 =	vld.idx.msk [tilespmem:v2+s14+$0x0], $0xffff  }
0x135: {  	v60 =	vld.idx.msk [tilespmem:v3+s15+$0x0], $0xffff;
	_ =	sdelay $0x4  }
0x136: {  	v2 =	vadd.f32 v60, v2;
	_ =	sdelay $0x1  }
0x137: {  	v4 =	vmul.f32 $2.000000030e-01, v2  }
0x138: {  	vm12 =	vgt.f32 v2, $0.0e+00  }
0x139: {  	v2 =	vsel vm12, v2, v4  }
0x13a: {  	v2 =	vmul.f32 $1.442695020e+00, v2;
	_ =	sdelay $0x1  }
0x13b: {  	(erf) = vpow2.f32 v2;
	_ =	sdelay $0x8  }
0x13c: {  	v2 =	vpop (erf)  }
0x13d: {  	[tilespmem:$0x1F40] =	vst v2  }
0x13e: {  	[tilespmem:v3+s16+$0x0] =	vst.idx.add.f32.msk $0xffff, v2  }
0x13f: {  	v2 =	vld [tilespmem:$0xA50]  }
0x140: {  	v3 =	vld [tilespmem:$0x14D0];
	_ =	sdelay $0x6  }
0x141: {  	v2 =	vld.idx.msk [tilespmem:v2+s14+$0x0], $0xffff  }
0x142: {  	v61 =	vld.idx.msk [tilespmem:v3+s15+$0x0], $0xffff;
	_ =	sdelay $0x4  }
0x143: {  	v2 =	vadd.f32 v61, v2;
	_ =	sdelay $0x1  }
0x144: {  	v4 =	vmul.f32 $2.000000030e-01, v2  }
0x145: {  	vm13 =	vgt.f32 v2, $0.0e+00  }
0x146: {  	v2 =	vsel vm13, v2, v4  }
0x147: {  	v2 =	vmul.f32 $1.442695020e+00, v2;
	_ =	sdelay $0x1  }
0x148: {  	(erf) = vpow2.f32 v2;
	_ =	sdelay $0x8  }
0x149: {  	v2 =	vpop (erf)  }
0x14a: {  	[tilespmem:$0x1F50] =	vst v2  }
0x14b: {  	[tilespmem:v3+s16+$0x0] =	vst.idx.add.f32.msk $0xffff, v2  }
0x14c: {  	v2 =	vld [tilespmem:$0xA60]  }
0x14d: {  	v3 =	vld [tilespmem:$0x14E0];
	_ =	sdelay $0x6  }
0x14e: {  	v2 =	vld.idx.msk [tilespmem:v2+s14+$0x0], $0xffff  }
0x14f: {  	v62 =	vld.idx.msk [tilespmem:v3+s15+$0x0], $0xffff;
	_ =	sdelay $0x4  }
0x150: {  	v2 =	vadd.f32 v62, v2;
	_ =	sdelay $0x1  }
0x151: {  	v4 =	vmul.f32 $2.000000030e-01, v2  }
0x152: {  	vm14 =	vgt.f32 v2, $0.0e+00  }
0x153: {  	v2 =	vsel vm14, v2, v4  }
0x154: {  	v2 =	vmul.f32 $1.442695020e+00, v2;
	_ =	sdelay $0x1  }
0x155: {  	(erf) = vpow2.f32 v2;
	_ =	sdelay $0x8  }
0x156: {  	v2 =	vpop (erf)  }
0x157: {  	[tilespmem:$0x1F60] =	vst v2  }
0x158: {  	[tilespmem:v3+s16+$0x0] =	vst.idx.add.f32.msk $0xffff, v2  }
0x159: {  	v2 =	vld [tilespmem:$0xA70]  }
0x15a: {  	v3 =	vld [tilespmem:$0x14F0];
	_ =	sdelay $0x6  }
0x15b: {  	v2 =	vld.idx.msk [tilespmem:v2+s14+$0x0], $0xffff  }
0x15c: {  	v63 =	vld.idx.msk [tilespmem:v3+s15+$0x0], $0xffff;
	_ =	sdelay $0x4  }
0x15d: {  	v2 =	vadd.f32 v63, v2;
	_ =	sdelay $0x1  }
0x15e: {  	v4 =	vmul.f32 $2.000000030e-01, v2  }
0x15f: {  	vm15 =	vgt.f32 v2, $0.0e+00  }
0x160: {  	v2 =	vsel vm15, v2, v4  }
0x161: {  	v2 =	vmul.f32 $1.442695020e+00, v2;
	_ =	sdelay $0x1  }
0x162: {  	(erf) = vpow2.f32 v2;
	_ =	sdelay $0x8  }
0x163: {  	s20 =	sadd.s32 $0x1, s20;
	v2 =	vpop (erf)  }
0x164: {  	p0 =	sne.s32 s20, $0x10;
	[tilespmem:$0x1F70] =	vst v2  }
.Ltmp2:
0x165: {  	s21 =	sadd.s32 s21, s9;
	[tilespmem:v3+s16+$0x0] =	vst.idx.add.f32.msk $0xffff, v2;
	(pc) =	sbr.rel @p0 .LBB2_4-.Ltmp2, $4  }
0x166: {  	[hbm4b:s21+s12] =	stream.strided.scatter [tilespmem:s18], [sflag:$0x1], $0xA80, s13, s12, $0x38;
	[tilespmem:$0x9780] =	vst v63  }
0x167: {  	_ =	swait.ge [sflag:s5], $0xA80  }
0x168: {  	[sflag:s5] =	ssyncset.done $0x0  }
0x169: {  	[sflag:s5] =	ssyncadd.s32 $0xFFFFF580  }
0x16a: {  	s19 =	sadd.s32 $0x1, s19  }
0x16b: {  	p0 =	sne.s32 s19, s11  }
.Ltmp3:
0x16c: {  	_ = 	snop;
	(pc) =	sbr.rel @p0 .LBB2_1-.Ltmp3, $4  }
0x16d: {  	[hbm4b:s10+s12] =	stream.strided.scatter [tilespmem:s16], [sflag:$0x1], $0x2800, s13, s12, $0x38;
	[tilespmem:$0x9780] =	vst v63  }
0x16e: {  	_ =	swait.ge [sflag:s5], $0x2800  }
0x16f: {  	[sflag:s5] =	ssyncset.done $0x0  }
0x170: {  	[sflag:s5] =	ssyncadd.s32 $0xFFFFD800  }
0x171: {  	_ =	sfence.sel $0x180000  }
0x172: {  	[bflag:$0x0] =	sbarrier.arrive $0xFFFF  }
0x173: {  	p0 =	sne.s32 s1, $0x0;
	_ =	strace $0x90000047  }
0x174: {  	s0 =	sadd.s32 @!p0 $0x100000, s0;
	[bflag:$0x2] =	sbarrier.arrive $0xFFFF  }
0x175: {  	[sflag:s0] =	ssyncadd.tile.s32 @!p0 $0x1;
	_ =	shalt  }
.Lfunc_end2:
_tile_overlayer_lowered:
.L_overlay_start_2:
0x176: {  	(tag) =	ssettag $0x2  }
0x177: {  	s0 =	rddreg [dreg:$0x0];
	s2 =	stileid.u32  }
0x178: {  	s1 =	rddreg [dreg:$0x1];
	p0 =	sne.s32 s2, $0x0  }
0x179: {  	s3 =	rddreg [dreg:$0x2];
	[bflag:$0x3] =	sbarrier.arrive $0xFFFF;
	s2 =	simm.s32 @!p0 $0x1C01  }
0x17a: {  	[timem:s3], [sflag:s2] =	dma.local @!p0 [hbm:s0], s1  }
0x17b: {  	s0 =	simm.s32 @!p0 $0x1  }
0x17c: {  	_ =	swait.ge @!p0 [sflag:s0], s1  }
0x17d: {  	s1 =	ssub.s32 @!p0 $0x0, s1;
	[sflag:s0] =	ssyncset.done @!p0 $0x0  }
0x17e: {  	[sflag:s0] =	ssyncadd.s32 @!p0 s1  }
0x17f: {  	[bflag:$0x3] =	sbarrier.arrive $0xFFFF  }
0x180: {  	_ =	shalt  }

</sc_bundles>
